<compile_context>
chip_gen: v7x
topology: tpu7x:2x2x1
jax: 0.10.2.dev20260603
libtpu: 0.0.44.dev20260713+nightly
codegen_flags: <defaults>
</compile_context>

<pallas_src>
import functools

import jax
import jax.numpy as jnp
from jax import lax
from jax.experimental import pallas as pl
from jax.experimental.pallas import tpu as pltpu
from jax.experimental.pallas import tpu_sc as plsc

_D = 128
_MX = 256
_MY = 256
_B = 4096
_L = 50
_N = _B * _L
_WIN = 128
_NWIN = _N // _WIN
_NROW = _N // _D
_LANES = 16


def _tc_prep(xr, yr, exh, eyh, e00, W, b):

    def body(xr_ref, yr_ref, exh_ref, eyh_ref, e00_ref, w_ref, b_ref,
             axb_ref, ay_ref, ix_ref, iy_ref):
        wm = w_ref[...]
        dn = (((1,), (1,)), ((), ()))
        axb_ref[...] = lax.dot_general(
            exh_ref[...], wm, dn, preferred_element_type=jnp.float32
        ) + b_ref[...]
        ay_ref[...] = lax.dot_general(
            eyh_ref[...] - e00_ref[...], wm, dn,
            preferred_element_type=jnp.float32)
        ix_ref[...] = (xr_ref[...] * (_MX - 1.0)).astype(jnp.int32) * _D
        iy_ref[...] = (yr_ref[...] * (_MY - 1.0)).astype(jnp.int32) * _D

    return pl.pallas_call(
        body,
        out_shape=(
            jax.ShapeDtypeStruct((_MX, _D), jnp.float32),
            jax.ShapeDtypeStruct((_MY, _D), jnp.float32),
            jax.ShapeDtypeStruct((_NROW, _D), jnp.int32),
            jax.ShapeDtypeStruct((_NROW, _D), jnp.int32),
        ),
    )(xr, yr, exh, eyh, e00, W, b)


def _sc_lookup(axbf, ayf, ix2, iy2):
    mesh = plsc.VectorSubcoreMesh(core_axis_name="core",
                                  subcore_axis_name="subcore")

    @functools.partial(
        pl.kernel,
        out_type=jax.ShapeDtypeStruct((_N * _D,), jnp.float32),
        mesh=mesh,
        scratch_types=[pltpu.VMEM((_MX * _D,), jnp.float32),
                       pltpu.VMEM((_MY * _D,), jnp.float32)],
        compiler_params=pltpu.CompilerParams(needs_layout_passes=False),
    )
    def kern(axb_hbm, ay_hbm, ix_hbm, iy_hbm, o_hbm, ta_vmem, tb_vmem):
        pltpu.sync_copy(axb_hbm, ta_vmem)
        pltpu.sync_copy(ay_hbm, tb_vmem)

        def body(ix_vmem, iy_vmem, o_vmem):
            @plsc.parallel_loop(0, _WIN // _LANES)
            def _grp(g):
                rx = ix_vmem[0, pl.ds(g * _LANES, _LANES)]
                ry = iy_vmem[0, pl.ds(g * _LANES, _LANES)]
                ob = (g * _LANES) * _D
                nk = _D // _LANES
                pend = None
                for l in range(_LANES):
                    ixp = rx[l]
                    iyp = ry[l]
                    a = []
                    bv = []
                    for k in range(nk):
                        a.append(ta_vmem[pl.ds(ixp + k * _LANES, _LANES)])
                        if pend is not None:
                            o_vmem[pl.ds(pend[1] + k * _LANES, _LANES)] = (
                                pend[0][k])
                        bv.append(tb_vmem[pl.ds(iyp + k * _LANES, _LANES)])
                    s = [jnp.maximum(a[k] + bv[k], 0.0) for k in range(nk)]
                    pend = (s, ob + l * _D)
                for k in range(nk):
                    o_vmem[pl.ds(pend[1] + k * _LANES, _LANES)] = pend[0][k]

        pltpu.emit_pipeline(
            body,
            grid=(_NWIN,),
            in_specs=[pl.BlockSpec((1, _WIN), lambda i: (i, 0)),
                      pl.BlockSpec((1, _WIN), lambda i: (i, 0))],
            out_specs=[pl.BlockSpec((_WIN * _D,), lambda i: (i,))],
            core_axis_name=("core", "subcore"),
            dimension_semantics=(pltpu.PARALLEL,),
        )(ix_hbm, iy_hbm, o_hbm)

    return kern(axbf, ayf, ix2, iy2)


def kernel(x, y, W, b, encoding):
    exh = encoding[:, 0, :]
    eyh = encoding[0, :, :]
    e00 = encoding[0:1, 0, :]
    xr = x.T.reshape(_NROW, _D)
    yr = y.T.reshape(_NROW, _D)
    axb, ay, ix, iy = _tc_prep(xr, yr, exh, eyh, e00, W, b.reshape(1, _D))
    out = _sc_lookup(axb.reshape(-1), ay.reshape(-1), ix, iy)
    return out.reshape(_L, _B, _D).transpose(1, 0, 2)

# --- scband reference (transcript-rebuilt; emitter-appended) ---
"""Pipeline reference for scband-positional-encoding2-d-12378095747340 (READ-ONLY COPY).

The authoritative reference and input builder live on the scoring server;
editing this copy changes nothing except your own understanding.
"""

import jax, jax.numpy as jnp
import numpy as np

D = 128
MX = 256
MY = 256
B = 4096
L = 50


def _build_encoding():
    pos_x = jnp.arange(MX, dtype=jnp.float32)[:, None]
    pos_y = jnp.arange(MY, dtype=jnp.float32)[:, None]
    _2i = jnp.arange(0, D, 2, dtype=jnp.float32)
    div = 10000.0 ** (_2i / D)
    ex = jnp.zeros((MX, D), dtype=jnp.float32)
    ex = ex.at[:, 0::2].set(jnp.sin(pos_x / div))
    ex = ex.at[:, 1::2].set(jnp.cos(pos_x / div))
    ey = jnp.zeros((MY, D), dtype=jnp.float32)
    ey = ey.at[:, 0::2].set(jnp.sin(pos_y / div))
    ey = ey.at[:, 1::2].set(jnp.cos(pos_y / div))
    ey_flipped = ey[:, ::-1]  # torch.flip over encoding dim
    # encoding[i, j, :] = ex[i, :] + flip(ey[j, :])
    return ex[:, None, :] + ey_flipped[None, :, :]


def setup_inputs(seed: int = 0) -> dict:
    key = jax.random.key(seed)
    k1, k2, k3, k4 = jax.random.split(key, 4)
    x = jax.random.uniform(k1, (B, L), dtype=jnp.float32)
    y = jax.random.uniform(k2, (B, L), dtype=jnp.float32)
    bound = 1.0 / np.sqrt(D)
    W = jax.random.uniform(k3, (D, D), dtype=jnp.float32, minval=-bound, maxval=bound)
    b = jax.random.uniform(k4, (D,), dtype=jnp.float32, minval=-bound, maxval=bound)
    encoding = _build_encoding()
    return {"x": x, "y": y, "W": W, "b": b, "encoding": encoding}


def reference(x, y, W, b, encoding):
    xs = x * (MX - 1)
    ys = y * (MY - 1)
    ix = xs.astype(jnp.int32)
    iy = ys.astype(jnp.int32)
    enc = encoding[ix, iy, :]  # gather: [B, L, D]
    out = enc @ W.T + b       # nn.Linear
    return jnp.maximum(out, 0.0)  # ReLU

if __name__ == "__main__":
    import jax
    _d = setup_inputs()
    print(jax.jit(kernel)(*tuple(_d.values())))

</pallas_src>

<mosaic_0001>
#map = affine_map<(d0, d1) -> (0)>
#map1 = affine_map<(d0, d1) -> (0, 0)>
module attributes {stable_mosaic.version = 14 : i64} {
  func.func @kern(%arg0: i32, %arg1: i32, %arg2: memref<32768xf32, #tpu.memory_space<hbm>>, %arg3: memref<32768xf32, #tpu.memory_space<hbm>>, %arg4: memref<1600x128xi32, #tpu.memory_space<hbm>>, %arg5: memref<1600x128xi32, #tpu.memory_space<hbm>>, %arg6: memref<26214400xf32, #tpu.memory_space<hbm>>, %arg7: memref<32768xf32, #tpu.memory_space<vmem>>, %arg8: memref<32768xf32, #tpu.memory_space<vmem>>) attributes {dimension_semantics = [#tpu.dimension_semantics<core_parallel>, #tpu.dimension_semantics<subcore_parallel>], iteration_bounds = array<i64: 2, 16>, scalar_prefetch = 0 : i64, scratch_operands = 2 : i64, tpu.core_type = #tpu.core_type<sc_vector_subcore>, window_params = [{transform_indices = #map}, {transform_indices = #map}, {transform_indices = #map1}, {transform_indices = #map1}, {transform_indices = #map}]} {
    "tpu.region"() ({
      %run_scoped3A = tpu.sem_alloc : memref<!tpu.dma_semaphore, #tpu.memory_space<semaphore_mem>>
      tpu.enqueue_dma source(%arg2 : memref<32768xf32, #tpu.memory_space<hbm>>) target(%arg7 : memref<32768xf32, #tpu.memory_space<vmem>>) target_semaphore(%run_scoped3A : memref<!tpu.dma_semaphore, #tpu.memory_space<semaphore_mem>>)
      tpu.wait_dma2 semaphore(%run_scoped3A : memref<!tpu.dma_semaphore, #tpu.memory_space<semaphore_mem>>) src(%arg2 : memref<32768xf32, #tpu.memory_space<hbm>>) dst(%arg7 : memref<32768xf32, #tpu.memory_space<vmem>>)
      tpu.yield
    }) : () -> ()
    "tpu.region"() ({
      %run_scoped3A = tpu.sem_alloc : memref<!tpu.dma_semaphore, #tpu.memory_space<semaphore_mem>>
      tpu.enqueue_dma source(%arg3 : memref<32768xf32, #tpu.memory_space<hbm>>) target(%arg8 : memref<32768xf32, #tpu.memory_space<vmem>>) target_semaphore(%run_scoped3A : memref<!tpu.dma_semaphore, #tpu.memory_space<semaphore_mem>>)
      tpu.wait_dma2 semaphore(%run_scoped3A : memref<!tpu.dma_semaphore, #tpu.memory_space<semaphore_mem>>) src(%arg3 : memref<32768xf32, #tpu.memory_space<hbm>>) dst(%arg8 : memref<32768xf32, #tpu.memory_space<vmem>>)
      tpu.yield
    }) : () -> ()
    %mul3A = arith.constant 1 : i32
    %mul3A_0 = arith.muli %arg1, %mul3A : i32
    %add3A = arith.constant 0 : i32
    %add3A_1 = arith.addi %add3A, %mul3A_0 : i32
    %mul3A_2 = arith.constant 16 : i32
    %mul3A_3 = arith.muli %arg0, %mul3A_2 : i32
    %add3A_4 = arith.addi %add3A_1, %mul3A_3 : i32
    %mul3A_5 = arith.constant 50 : i32
    %mul3A_6 = arith.muli %add3A_4, %mul3A_5 : i32
    "tpu.region"() ({
      %run_scoped3A = memref.alloca() : memref<2x1x128xi32, #tpu.memory_space<vmem>>
      %run_scoped3A_7 = tpu.sem_alloc : memref<2x!tpu.dma_semaphore, #tpu.memory_space<semaphore_mem>>
      %run_scoped3A_8 = memref.alloca() : memref<2x1x128xi32, #tpu.memory_space<vmem>>
      %run_scoped3A_9 = tpu.sem_alloc : memref<2x!tpu.dma_semaphore, #tpu.memory_space<semaphore_mem>>
      %run_scoped3A_10 = memref.alloca() : memref<32768xf32, #tpu.memory_space<vmem>>
      %run_scoped3A_11 = tpu.sem_alloc : memref<2x!tpu.dma_semaphore, #tpu.memory_space<semaphore_mem>>
      %add3A_12 = arith.constant 0 : i32
      %add3A_13 = arith.addi %add3A_12, %mul3A_6 : i32
      %select_n3A = arith.constant true
      %select_n3A_14 = arith.constant 0 : i32
      %select_n3A_15 = arith.constant -1 : i32
      %select_n3A_16 = arith.select %select_n3A, %select_n3A_15, %select_n3A_14 : i32
      %eq3A = arith.constant -1 : i32
      %eq3A_17 = arith.cmpi eq, %select_n3A_16, %eq3A : i32
      %select_n3A_18 = arith.constant 49 : i32
      %select_n3A_19 = arith.select %eq3A_17, %select_n3A_18, %select_n3A_16 : i32
      %add3A_20 = arith.addi %select_n3A_19, %mul3A_6 : i32
      %select_n3A_21 = arith.constant true
      %select_n3A_22 = arith.constant 0 : i32
      %select_n3A_23 = arith.constant 1 : i32
      %select_n3A_24 = arith.select %select_n3A_21, %select_n3A_23, %select_n3A_22 : i32
      %eq3A_25 = arith.constant 50 : i32
      %eq3A_26 = arith.cmpi eq, %select_n3A_24, %eq3A_25 : i32
      %select_n3A_27 = arith.constant 0 : i32
      %select_n3A_28 = arith.select %eq3A_26, %select_n3A_27, %select_n3A_24 : i32
      %add3A_29 = arith.addi %select_n3A_28, %mul3A_6 : i32
      %add3A_30 = arith.constant 1 : i32
      %add3A_31 = arith.addi %select_n3A_28, %add3A_30 : i32
      %select_n3A_32 = arith.constant true
      %select_n3A_33 = arith.select %select_n3A_32, %add3A_31, %select_n3A_28 : i32
      %eq3A_34 = arith.constant 50 : i32
      %eq3A_35 = arith.cmpi eq, %select_n3A_33, %eq3A_34 : i32
      %select_n3A_36 = arith.constant 0 : i32
      %select_n3A_37 = arith.select %eq3A_35, %select_n3A_36, %select_n3A_33 : i32
      %add3A_38 = arith.addi %select_n3A_37, %mul3A_6 : i32
      "tpu.trace_start"() <{level = 10 : i32, message = "ep_initialize_0"}> : () -> ()
      %rem3A = arith.constant 0 : i32
      %rem3A_39 = arith.constant 2 : i32
      %rem3A_40 = arith.remui %rem3A, %rem3A_39 : i32
      %mul3A_41 = arith.constant 1 : i32
      %mul3A_42 = arith.muli %mul3A_41, %add3A_13 : i32
      %dma_start3A = arith.constant 0 : i32
      %dma_start3A_43 = arith.constant 0 : i32
      %dma_start3A_44 = tpu.memref_slice %run_scoped3A[%rem3A_40, %dma_start3A, %dma_start3A_43] : memref<2x1x128xi32, #tpu.memory_space<vmem>> -> memref<1x1x128xi32, #tpu.memory_space<vmem>>
      %dma_start3A_45 = tpu.memref_squeeze %dma_start3A_44 : memref<1x1x128xi32, #tpu.memory_space<vmem>> -> memref<1x128xi32, #tpu.memory_space<vmem>>
      %dma_start3A_46 = arith.constant 0 : i32
      %dma_start3A_47 = tpu.memref_slice %arg4[%mul3A_42, %dma_start3A_46] : memref<1600x128xi32, #tpu.memory_space<hbm>> -> memref<1x128xi32, #tpu.memory_space<hbm>>
      %dma_start3A_48 = tpu.memref_slice %run_scoped3A_7[%rem3A_40] : memref<2x!tpu.dma_semaphore, #tpu.memory_space<semaphore_mem>> -> memref<1x!tpu.dma_semaphore, #tpu.memory_space<semaphore_mem>>
      %dma_start3A_49 = tpu.memref_squeeze %dma_start3A_48 : memref<1x!tpu.dma_semaphore, #tpu.memory_space<semaphore_mem>> -> memref<!tpu.dma_semaphore, #tpu.memory_space<semaphore_mem>>
      %dma_start3A_50 = arith.constant 0 : i32
      %dma_start3A_51 = arith.constant 0 : i32
      %dma_start3A_52 = tpu.memref_slice %run_scoped3A[%rem3A_40, %dma_start3A_50, %dma_start3A_51] : memref<2x1x128xi32, #tpu.memory_space<vmem>> -> memref<1x1x128xi32, #tpu.memory_space<vmem>>
      %dma_start3A_53 = tpu.memref_squeeze %dma_start3A_52 : memref<1x1x128xi32, #tpu.memory_space<vmem>> -> memref<1x128xi32, #tpu.memory_space<vmem>>
      %dma_start3A_54 = arith.constant 0 : i32
      %dma_start3A_55 = tpu.memref_slice %arg4[%mul3A_42, %dma_start3A_54] : memref<1600x128xi32, #tpu.memory_space<hbm>> -> memref<1x128xi32, #tpu.memory_space<hbm>>
      tpu.enqueue_dma source(%dma_start3A_55 : memref<1x128xi32, #tpu.memory_space<hbm>>) target(%dma_start3A_53 : memref<1x128xi32, #tpu.memory_space<vmem>>) target_semaphore(%dma_start3A_49 : memref<!tpu.dma_semaphore, #tpu.memory_space<semaphore_mem>>)
      %add3A_56 = arith.constant 0 : i32
      %add3A_57 = arith.constant 1 : i32
      %add3A_58 = arith.addi %add3A_56, %add3A_57 : i32
      %select_n3A_59 = arith.constant true
      %select_n3A_60 = arith.constant 0 : i32
      %select_n3A_61 = arith.select %select_n3A_59, %add3A_58, %select_n3A_60 : i32
      %rem3A_62 = arith.constant 0 : i32
      %rem3A_63 = arith.constant 2 : i32
      %rem3A_64 = arith.remui %rem3A_62, %rem3A_63 : i32
      %mul3A_65 = arith.constant 1 : i32
      %mul3A_66 = arith.muli %mul3A_65, %add3A_13 : i32
      %dma_start3A_67 = arith.constant 0 : i32
      %dma_start3A_68 = arith.constant 0 : i32
      %dma_start3A_69 = tpu.memref_slice %run_scoped3A_8[%rem3A_64, %dma_start3A_67, %dma_start3A_68] : memref<2x1x128xi32, #tpu.memory_space<vmem>> -> memref<1x1x128xi32, #tpu.memory_space<vmem>>
      %dma_start3A_70 = tpu.memref_squeeze %dma_start3A_69 : memref<1x1x128xi32, #tpu.memory_space<vmem>> -> memref<1x128xi32, #tpu.memory_space<vmem>>
      %dma_start3A_71 = arith.constant 0 : i32
      %dma_start3A_72 = tpu.memref_slice %arg5[%mul3A_66, %dma_start3A_71] : memref<1600x128xi32, #tpu.memory_space<hbm>> -> memref<1x128xi32, #tpu.memory_space<hbm>>
      %dma_start3A_73 = tpu.memref_slice %run_scoped3A_9[%rem3A_64] : memref<2x!tpu.dma_semaphore, #tpu.memory_space<semaphore_mem>> -> memref<1x!tpu.dma_semaphore, #tpu.memory_space<semaphore_mem>>
      %dma_start3A_74 = tpu.memref_squeeze %dma_start3A_73 : memref<1x!tpu.dma_semaphore, #tpu.memory_space<semaphore_mem>> -> memref<!tpu.dma_semaphore, #tpu.memory_space<semaphore_mem>>
      %dma_start3A_75 = arith.constant 0 : i32
      %dma_start3A_76 = arith.constant 0 : i32
      %dma_start3A_77 = tpu.memref_slice %run_scoped3A_8[%rem3A_64, %dma_start3A_75, %dma_start3A_76] : memref<2x1x128xi32, #tpu.memory_space<vmem>> -> memref<1x1x128xi32, #tpu.memory_space<vmem>>
      %dma_start3A_78 = tpu.memref_squeeze %dma_start3A_77 : memref<1x1x128xi32, #tpu.memory_space<vmem>> -> memref<1x128xi32, #tpu.memory_space<vmem>>
      %dma_start3A_79 = arith.constant 0 : i32
      %dma_start3A_80 = tpu.memref_slice %arg5[%mul3A_66, %dma_start3A_79] : memref<1600x128xi32, #tpu.memory_space<hbm>> -> memref<1x128xi32, #tpu.memory_space<hbm>>
      tpu.enqueue_dma source(%dma_start3A_80 : memref<1x128xi32, #tpu.memory_space<hbm>>) target(%dma_start3A_78 : memref<1x128xi32, #tpu.memory_space<vmem>>) target_semaphore(%dma_start3A_74 : memref<!tpu.dma_semaphore, #tpu.memory_space<semaphore_mem>>)
      %add3A_81 = arith.constant 0 : i32
      %add3A_82 = arith.constant 1 : i32
      %add3A_83 = arith.addi %add3A_81, %add3A_82 : i32
      %select_n3A_84 = arith.constant true
      %select_n3A_85 = arith.constant 0 : i32
      %select_n3A_86 = arith.select %select_n3A_84, %add3A_83, %select_n3A_85 : i32
      "tpu.trace_stop"() : () -> ()
      %scan3A = arith.constant 0 : i32
      %scan3A_87 = arith.constant 0 : i32
      %scan3A_88 = arith.constant 0 : i32
      %scan3A_89 = arith.constant 0 : i32
      %scan3A_90 = arith.constant 0 : i32
      %scan3A_91 = arith.constant 0 : i32
      %scan3A_92 = arith.constant 50 : i32
      %scan3A_93 = arith.addi %scan3A_91, %scan3A_92 : i32
      %scan3A_94 = arith.constant 1 : i32
      %scan3A_95:7 = scf.for %scan3A_145 = %scan3A_91 to %scan3A_93 step %scan3A_94 iter_args(%scan3A_146 = %select_n3A_61, %scan3A_147 = %scan3A, %scan3A_148 = %select_n3A_86, %scan3A_149 = %scan3A_87, %scan3A_150 = %scan3A_88, %scan3A_151 = %scan3A_89, %scan3A_152 = %scan3A_90) -> (i32, i32, i32, i32, i32, i32, i32)  : i32 {
        %eq3A_153 = arith.constant 0 : i32
        %eq3A_154 = arith.cmpi eq, %scan3A_145, %eq3A_153 : i32
        %eq3A_155 = arith.constant 49 : i32
        %eq3A_156 = arith.cmpi eq, %scan3A_145, %eq3A_155 : i32
        %add3A_157 = arith.addi %scan3A_152, %mul3A_6 : i32
        %sub3A_158 = arith.constant 1 : i32
        %sub3A_159 = arith.subi %scan3A_152, %sub3A_158 : i32
        %select_n3A_160 = arith.constant true
        %select_n3A_161 = arith.select %select_n3A_160, %sub3A_159, %scan3A_152 : i32
        %eq3A_162 = arith.constant -1 : i32
        %eq3A_163 = arith.cmpi eq, %select_n3A_161, %eq3A_162 : i32
        %select_n3A_164 = arith.constant 49 : i32
        %select_n3A_165 = arith.select %eq3A_163, %select_n3A_164, %select_n3A_161 : i32
        %add3A_166 = arith.addi %select_n3A_165, %mul3A_6 : i32
        %add3A_167 = arith.constant 1 : i32
        %add3A_168 = arith.addi %scan3A_152, %add3A_167 : i32
        %select_n3A_169 = arith.constant true
        %select_n3A_170 = arith.select %select_n3A_169, %add3A_168, %scan3A_152 : i32
        %eq3A_171 = arith.constant 50 : i32
        %eq3A_172 = arith.cmpi eq, %select_n3A_170, %eq3A_171 : i32
        %select_n3A_173 = arith.constant 0 : i32
        %select_n3A_174 = arith.select %eq3A_172, %select_n3A_173, %select_n3A_170 : i32
        %add3A_175 = arith.addi %select_n3A_174, %mul3A_6 : i32
        %add3A_176 = arith.constant 1 : i32
        %add3A_177 = arith.addi %select_n3A_174, %add3A_176 : i32
        %select_n3A_178 = arith.constant true
        %select_n3A_179 = arith.select %select_n3A_178, %add3A_177, %select_n3A_174 : i32
        %eq3A_180 = arith.constant 50 : i32
        %eq3A_181 = arith.cmpi eq, %select_n3A_179, %eq3A_180 : i32
        %select_n3A_182 = arith.constant 0 : i32
        %select_n3A_183 = arith.select %eq3A_181, %select_n3A_182, %select_n3A_179 : i32
        %add3A_184 = arith.addi %select_n3A_183, %mul3A_6 : i32
        %ne3A = arith.cmpi ne, %add3A_157, %add3A_175 : i32
        %or3A = arith.constant false
        %or3A_185 = arith.ori %or3A, %ne3A : i1
        %or3A_186 = arith.constant false
        %or3A_187 = arith.ori %or3A_185, %or3A_186 : i1
        %ge3A = arith.constant 49 : i32
        %ge3A_188 = arith.cmpi sge, %scan3A_145, %ge3A : i32
        %not3A = arith.constant true
        %not3A_189 = arith.xori %ge3A_188, %not3A : i1
        %and3A = arith.andi %or3A_187, %not3A_189 : i1
        %convert_element_type3A = arith.extui %and3A : i1 to i32
        %cond3A = arith.constant 0 : i32
        %cond3A_190 = arith.cmpi ne, %convert_element_type3A, %cond3A : i32
        scf.if %cond3A_190 {
          "tpu.trace_start"() <{level = 10 : i32, message = "ep_copy_in"}> : () -> ()
          %rem3A_357 = arith.constant 2 : i32
          %rem3A_358 = arith.remui %scan3A_146, %rem3A_357 : i32
          %mul3A_359 = arith.constant 1 : i32
          %mul3A_360 = arith.muli %mul3A_359, %add3A_175 : i32
          %dma_start3A_361 = arith.constant 0 : i32
          %dma_start3A_362 = arith.constant 0 : i32
          %dma_start3A_363 = tpu.memref_slice %run_scoped3A[%rem3A_358, %dma_start3A_361, %dma_start3A_362] : memref<2x1x128xi32, #tpu.memory_space<vmem>> -> memref<1x1x128xi32, #tpu.memory_space<vmem>>
          %dma_start3A_364 = tpu.memref_squeeze %dma_start3A_363 : memref<1x1x128xi32, #tpu.memory_space<vmem>> -> memref<1x128xi32, #tpu.memory_space<vmem>>
          %dma_start3A_365 = arith.constant 0 : i32
          %dma_start3A_366 = tpu.memref_slice %arg4[%mul3A_360, %dma_start3A_365] : memref<1600x128xi32, #tpu.memory_space<hbm>> -> memref<1x128xi32, #tpu.memory_space<hbm>>
          %dma_start3A_367 = tpu.memref_slice %run_scoped3A_7[%rem3A_358] : memref<2x!tpu.dma_semaphore, #tpu.memory_space<semaphore_mem>> -> memref<1x!tpu.dma_semaphore, #tpu.memory_space<semaphore_mem>>
          %dma_start3A_368 = tpu.memref_squeeze %dma_start3A_367 : memref<1x!tpu.dma_semaphore, #tpu.memory_space<semaphore_mem>> -> memref<!tpu.dma_semaphore, #tpu.memory_space<semaphore_mem>>
          %dma_start3A_369 = arith.constant 0 : i32
          %dma_start3A_370 = arith.constant 0 : i32
          %dma_start3A_371 = tpu.memref_slice %run_scoped3A[%rem3A_358, %dma_start3A_369, %dma_start3A_370] : memref<2x1x128xi32, #tpu.memory_space<vmem>> -> memref<1x1x128xi32, #tpu.memory_space<vmem>>
          %dma_start3A_372 = tpu.memref_squeeze %dma_start3A_371 : memref<1x1x128xi32, #tpu.memory_space<vmem>> -> memref<1x128xi32, #tpu.memory_space<vmem>>
          %dma_start3A_373 = arith.constant 0 : i32
          %dma_start3A_374 = tpu.memref_slice %arg4[%mul3A_360, %dma_start3A_373] : memref<1600x128xi32, #tpu.memory_space<hbm>> -> memref<1x128xi32, #tpu.memory_space<hbm>>
          tpu.enqueue_dma source(%dma_start3A_374 : memref<1x128xi32, #tpu.memory_space<hbm>>) target(%dma_start3A_372 : memref<1x128xi32, #tpu.memory_space<vmem>>) target_semaphore(%dma_start3A_368 : memref<!tpu.dma_semaphore, #tpu.memory_space<semaphore_mem>>)
          "tpu.trace_stop"() : () -> ()
        } else {
        }
        %and3A_191 = arith.constant true
        %and3A_192 = arith.andi %and3A, %and3A_191 : i1
        %add3A_193 = arith.constant 1 : i32
        %add3A_194 = arith.addi %scan3A_146, %add3A_193 : i32
        %select_n3A_195 = arith.select %and3A_192, %add3A_194, %scan3A_146 : i32
        %ne3A_196 = arith.cmpi ne, %add3A_157, %add3A_175 : i32
        %or3A_197 = arith.constant false
        %or3A_198 = arith.ori %or3A_197, %ne3A_196 : i1
        %or3A_199 = arith.constant false
        %or3A_200 = arith.ori %or3A_198, %or3A_199 : i1
        %ge3A_201 = arith.constant 49 : i32
        %ge3A_202 = arith.cmpi sge, %scan3A_145, %ge3A_201 : i32
        %not3A_203 = arith.constant true
        %not3A_204 = arith.xori %ge3A_202, %not3A_203 : i1
        %and3A_205 = arith.andi %or3A_200, %not3A_204 : i1
        %convert_element_type3A_206 = arith.extui %and3A_205 : i1 to i32
        %cond3A_207 = arith.constant 0 : i32
        %cond3A_208 = arith.cmpi ne, %convert_element_type3A_206, %cond3A_207 : i32
        scf.if %cond3A_208 {
          "tpu.trace_start"() <{level = 10 : i32, message = "ep_copy_in"}> : () -> ()
          %rem3A_357 = arith.constant 2 : i32
          %rem3A_358 = arith.remui %scan3A_148, %rem3A_357 : i32
          %mul3A_359 = arith.constant 1 : i32
          %mul3A_360 = arith.muli %mul3A_359, %add3A_175 : i32
          %dma_start3A_361 = arith.constant 0 : i32
          %dma_start3A_362 = arith.constant 0 : i32
          %dma_start3A_363 = tpu.memref_slice %run_scoped3A_8[%rem3A_358, %dma_start3A_361, %dma_start3A_362] : memref<2x1x128xi32, #tpu.memory_space<vmem>> -> memref<1x1x128xi32, #tpu.memory_space<vmem>>
          %dma_start3A_364 = tpu.memref_squeeze %dma_start3A_363 : memref<1x1x128xi32, #tpu.memory_space<vmem>> -> memref<1x128xi32, #tpu.memory_space<vmem>>
          %dma_start3A_365 = arith.constant 0 : i32
          %dma_start3A_366 = tpu.memref_slice %arg5[%mul3A_360, %dma_start3A_365] : memref<1600x128xi32, #tpu.memory_space<hbm>> -> memref<1x128xi32, #tpu.memory_space<hbm>>
          %dma_start3A_367 = tpu.memref_slice %run_scoped3A_9[%rem3A_358] : memref<2x!tpu.dma_semaphore, #tpu.memory_space<semaphore_mem>> -> memref<1x!tpu.dma_semaphore, #tpu.memory_space<semaphore_mem>>
          %dma_start3A_368 = tpu.memref_squeeze %dma_start3A_367 : memref<1x!tpu.dma_semaphore, #tpu.memory_space<semaphore_mem>> -> memref<!tpu.dma_semaphore, #tpu.memory_space<semaphore_mem>>
          %dma_start3A_369 = arith.constant 0 : i32
          %dma_start3A_370 = arith.constant 0 : i32
          %dma_start3A_371 = tpu.memref_slice %run_scoped3A_8[%rem3A_358, %dma_start3A_369, %dma_start3A_370] : memref<2x1x128xi32, #tpu.memory_space<vmem>> -> memref<1x1x128xi32, #tpu.memory_space<vmem>>
          %dma_start3A_372 = tpu.memref_squeeze %dma_start3A_371 : memref<1x1x128xi32, #tpu.memory_space<vmem>> -> memref<1x128xi32, #tpu.memory_space<vmem>>
          %dma_start3A_373 = arith.constant 0 : i32
          %dma_start3A_374 = tpu.memref_slice %arg5[%mul3A_360, %dma_start3A_373] : memref<1600x128xi32, #tpu.memory_space<hbm>> -> memref<1x128xi32, #tpu.memory_space<hbm>>
          tpu.enqueue_dma source(%dma_start3A_374 : memref<1x128xi32, #tpu.memory_space<hbm>>) target(%dma_start3A_372 : memref<1x128xi32, #tpu.memory_space<vmem>>) target_semaphore(%dma_start3A_368 : memref<!tpu.dma_semaphore, #tpu.memory_space<semaphore_mem>>)
          "tpu.trace_stop"() : () -> ()
        } else {
        }
        %and3A_209 = arith.constant true
        %and3A_210 = arith.andi %and3A_205, %and3A_209 : i1
        %add3A_211 = arith.constant 1 : i32
        %add3A_212 = arith.addi %scan3A_148, %add3A_211 : i32
        %select_n3A_213 = arith.select %and3A_210, %add3A_212, %scan3A_148 : i32
        %ne3A_214 = arith.cmpi ne, %add3A_157, %add3A_175 : i32
        %or3A_215 = arith.constant false
        %or3A_216 = arith.ori %or3A_215, %ne3A_214 : i1
        %ge3A_217 = arith.constant 49 : i32
        %ge3A_218 = arith.cmpi sge, %scan3A_145, %ge3A_217 : i32
        %not3A_219 = arith.constant true
        %not3A_220 = arith.xori %ge3A_218, %not3A_219 : i1
        %and3A_221 = arith.andi %or3A_216, %not3A_220 : i1
        %ne3A_222 = arith.cmpi ne, %add3A_157, %add3A_166 : i32
        %or3A_223 = arith.constant false
        %or3A_224 = arith.ori %or3A_223, %ne3A_222 : i1
        %or3A_225 = arith.constant false
        %or3A_226 = arith.ori %or3A_224, %or3A_225 : i1
        %or3A_227 = arith.ori %or3A_226, %eq3A_154 : i1
        %convert_element_type3A_228 = arith.extui %or3A_227 : i1 to i32
        %cond3A_229 = arith.constant 0 : i32
        %cond3A_230 = arith.cmpi ne, %convert_element_type3A_228, %cond3A_229 : i32
        scf.if %cond3A_230 {
          "tpu.trace_start"() <{level = 10 : i32, message = "ep_wait_in"}> : () -> ()
          %mul3A_357 = arith.constant 1 : i32
          %mul3A_358 = arith.muli %mul3A_357, %add3A_157 : i32
          %rem3A_359 = arith.constant 2 : i32
          %rem3A_360 = arith.remui %scan3A_147, %rem3A_359 : i32
          %dma_wait3A_361 = arith.constant 0 : i32
          %dma_wait3A_362 = arith.constant 0 : i32
          %dma_wait3A_363 = tpu.memref_slice %run_scoped3A[%rem3A_360, %dma_wait3A_361, %dma_wait3A_362] : memref<2x1x128xi32, #tpu.memory_space<vmem>> -> memref<1x1x128xi32, #tpu.memory_space<vmem>>
          %dma_wait3A_364 = tpu.memref_squeeze %dma_wait3A_363 : memref<1x1x128xi32, #tpu.memory_space<vmem>> -> memref<1x128xi32, #tpu.memory_space<vmem>>
          %dma_wait3A_365 = arith.constant 0 : i32
          %dma_wait3A_366 = tpu.memref_slice %arg4[%mul3A_358, %dma_wait3A_365] : memref<1600x128xi32, #tpu.memory_space<hbm>> -> memref<1x128xi32, #tpu.memory_space<hbm>>
          %dma_wait3A_367 = tpu.memref_slice %run_scoped3A_7[%rem3A_360] : memref<2x!tpu.dma_semaphore, #tpu.memory_space<semaphore_mem>> -> memref<1x!tpu.dma_semaphore, #tpu.memory_space<semaphore_mem>>
          %dma_wait3A_368 = tpu.memref_squeeze %dma_wait3A_367 : memref<1x!tpu.dma_semaphore, #tpu.memory_space<semaphore_mem>> -> memref<!tpu.dma_semaphore, #tpu.memory_space<semaphore_mem>>
          %dma_wait3A_369 = arith.constant 0 : i32
          %dma_wait3A_370 = arith.constant 0 : i32
          %dma_wait3A_371 = tpu.memref_slice %run_scoped3A[%rem3A_360, %dma_wait3A_369, %dma_wait3A_370] : memref<2x1x128xi32, #tpu.memory_space<vmem>> -> memref<1x1x128xi32, #tpu.memory_space<vmem>>
          %dma_wait3A_372 = tpu.memref_squeeze %dma_wait3A_371 : memref<1x1x128xi32, #tpu.memory_space<vmem>> -> memref<1x128xi32, #tpu.memory_space<vmem>>
          %dma_wait3A_373 = arith.constant 0 : i32
          %dma_wait3A_374 = tpu.memref_slice %arg4[%mul3A_358, %dma_wait3A_373] : memref<1600x128xi32, #tpu.memory_space<hbm>> -> memref<1x128xi32, #tpu.memory_space<hbm>>
          tpu.wait_dma2 semaphore(%dma_wait3A_368 : memref<!tpu.dma_semaphore, #tpu.memory_space<semaphore_mem>>) src(%dma_wait3A_374 : memref<1x128xi32, #tpu.memory_space<hbm>>) dst(%dma_wait3A_372 : memref<1x128xi32, #tpu.memory_space<vmem>>)
          "tpu.trace_stop"() : () -> ()
        } else {
        }
        %ne3A_231 = arith.cmpi ne, %add3A_157, %add3A_166 : i32
        %or3A_232 = arith.constant false
        %or3A_233 = arith.ori %or3A_232, %ne3A_231 : i1
        %or3A_234 = arith.constant false
        %or3A_235 = arith.ori %or3A_233, %or3A_234 : i1
        %or3A_236 = arith.ori %or3A_235, %eq3A_154 : i1
        %convert_element_type3A_237 = arith.extui %or3A_236 : i1 to i32
        %cond3A_238 = arith.constant 0 : i32
        %cond3A_239 = arith.cmpi ne, %convert_element_type3A_237, %cond3A_238 : i32
        scf.if %cond3A_239 {
          "tpu.trace_start"() <{level = 10 : i32, message = "ep_wait_in"}> : () -> ()
          %mul3A_357 = arith.constant 1 : i32
          %mul3A_358 = arith.muli %mul3A_357, %add3A_157 : i32
          %rem3A_359 = arith.constant 2 : i32
          %rem3A_360 = arith.remui %scan3A_149, %rem3A_359 : i32
          %dma_wait3A_361 = arith.constant 0 : i32
          %dma_wait3A_362 = arith.constant 0 : i32
          %dma_wait3A_363 = tpu.memref_slice %run_scoped3A_8[%rem3A_360, %dma_wait3A_361, %dma_wait3A_362] : memref<2x1x128xi32, #tpu.memory_space<vmem>> -> memref<1x1x128xi32, #tpu.memory_space<vmem>>
          %dma_wait3A_364 = tpu.memref_squeeze %dma_wait3A_363 : memref<1x1x128xi32, #tpu.memory_space<vmem>> -> memref<1x128xi32, #tpu.memory_space<vmem>>
          %dma_wait3A_365 = arith.constant 0 : i32
          %dma_wait3A_366 = tpu.memref_slice %arg5[%mul3A_358, %dma_wait3A_365] : memref<1600x128xi32, #tpu.memory_space<hbm>> -> memref<1x128xi32, #tpu.memory_space<hbm>>
          %dma_wait3A_367 = tpu.memref_slice %run_scoped3A_9[%rem3A_360] : memref<2x!tpu.dma_semaphore, #tpu.memory_space<semaphore_mem>> -> memref<1x!tpu.dma_semaphore, #tpu.memory_space<semaphore_mem>>
          %dma_wait3A_368 = tpu.memref_squeeze %dma_wait3A_367 : memref<1x!tpu.dma_semaphore, #tpu.memory_space<semaphore_mem>> -> memref<!tpu.dma_semaphore, #tpu.memory_space<semaphore_mem>>
          %dma_wait3A_369 = arith.constant 0 : i32
          %dma_wait3A_370 = arith.constant 0 : i32
          %dma_wait3A_371 = tpu.memref_slice %run_scoped3A_8[%rem3A_360, %dma_wait3A_369, %dma_wait3A_370] : memref<2x1x128xi32, #tpu.memory_space<vmem>> -> memref<1x1x128xi32, #tpu.memory_space<vmem>>
          %dma_wait3A_372 = tpu.memref_squeeze %dma_wait3A_371 : memref<1x1x128xi32, #tpu.memory_space<vmem>> -> memref<1x128xi32, #tpu.memory_space<vmem>>
          %dma_wait3A_373 = arith.constant 0 : i32
          %dma_wait3A_374 = tpu.memref_slice %arg5[%mul3A_358, %dma_wait3A_373] : memref<1600x128xi32, #tpu.memory_space<hbm>> -> memref<1x128xi32, #tpu.memory_space<hbm>>
          tpu.wait_dma2 semaphore(%dma_wait3A_368 : memref<!tpu.dma_semaphore, #tpu.memory_space<semaphore_mem>>) src(%dma_wait3A_374 : memref<1x128xi32, #tpu.memory_space<hbm>>) dst(%dma_wait3A_372 : memref<1x128xi32, #tpu.memory_space<vmem>>)
          "tpu.trace_stop"() : () -> ()
        } else {
        }
        %ne3A_240 = arith.cmpi ne, %add3A_157, %add3A_166 : i32
        %or3A_241 = arith.constant false
        %or3A_242 = arith.ori %or3A_241, %ne3A_240 : i1
        %or3A_243 = arith.ori %or3A_242, %eq3A_154 : i1
        %convert_element_type3A_244 = arith.extui %or3A_243 : i1 to i32
        %cond3A_245 = arith.constant 0 : i32
        %cond3A_246 = arith.cmpi ne, %convert_element_type3A_244, %cond3A_245 : i32
        scf.if %cond3A_246 {
        } else {
        }
        %rem3A_247 = arith.constant 2 : i32
        %rem3A_248 = arith.remui %scan3A_147, %rem3A_247 : i32
        %rem3A_249 = arith.constant 2 : i32
        %rem3A_250 = arith.remui %scan3A_149, %rem3A_249 : i32
        %rem3A_251 = arith.constant 2 : i32
        %rem3A_252 = arith.remui %scan3A_150, %rem3A_251 : i32
        %mul3A_253 = arith.constant 16384 : i32
        %mul3A_254 = arith.muli %rem3A_252, %mul3A_253 : i32
        %parallel_loop3A = arith.constant 0 : i32
        %parallel_loop3A_255 = arith.constant 8 : i32
        %parallel_loop3A_256 = arith.constant 1 : i32
        "tpu.trace_start"() <{level = 10 : i32, message = "ep_run_kernel"}> : () -> ()
        scf.for %parallel_loop3A_357 = %parallel_loop3A to %parallel_loop3A_255 step %parallel_loop3A_256  : i32 {
          %parallel_loop3A_358 = arith.constant 16 : i32
          %parallel_loop3A_359 = arith.muli %parallel_loop3A_357, %parallel_loop3A_358 : i32
          %parallel_loop3A_360 = arith.constant 0 : i32
          %parallel_loop3A_361 = arith.constant 0 : i32
          %parallel_loop3A_362 = arith.constant 0 : i32
          %parallel_loop3A_363 = tpu.memref_slice %run_scoped3A[%rem3A_248, %parallel_loop3A_361, %parallel_loop3A_362] : memref<2x1x128xi32, #tpu.memory_space<vmem>> -> memref<1x1x128xi32, #tpu.memory_space<vmem>>
          %parallel_loop3A_364 = tpu.memref_squeeze %parallel_loop3A_363 : memref<1x1x128xi32, #tpu.memory_space<vmem>> -> memref<1x128xi32, #tpu.memory_space<vmem>>
          %parallel_loop3A_365 = arith.index_cast %parallel_loop3A_360 : i32 to index
          %parallel_loop3A_366 = arith.index_cast %parallel_loop3A_359 : i32 to index
          %parallel_loop3A_367 = tpu.vector_load %parallel_loop3A_364[%parallel_loop3A_365, %parallel_loop3A_366] {strides = array<i32>} : memref<1x128xi32, #tpu.memory_space<vmem>>, vector<16xi32>,
          %parallel_loop3A_368 = arith.constant 16 : i32
          %parallel_loop3A_369 = arith.muli %parallel_loop3A_357, %parallel_loop3A_368 : i32
          %parallel_loop3A_370 = arith.constant 0 : i32
          %parallel_loop3A_371 = arith.constant 0 : i32
          %parallel_loop3A_372 = arith.constant 0 : i32
          %parallel_loop3A_373 = tpu.memref_slice %run_scoped3A_8[%rem3A_250, %parallel_loop3A_371, %parallel_loop3A_372] : memref<2x1x128xi32, #tpu.memory_space<vmem>> -> memref<1x1x128xi32, #tpu.memory_space<vmem>>
          %parallel_loop3A_374 = tpu.memref_squeeze %parallel_loop3A_373 : memref<1x1x128xi32, #tpu.memory_space<vmem>> -> memref<1x128xi32, #tpu.memory_space<vmem>>
          %parallel_loop3A_375 = arith.index_cast %parallel_loop3A_370 : i32 to index
          %parallel_loop3A_376 = arith.index_cast %parallel_loop3A_369 : i32 to index
          %parallel_loop3A_377 = tpu.vector_load %parallel_loop3A_374[%parallel_loop3A_375, %parallel_loop3A_376] {strides = array<i32>} : memref<1x128xi32, #tpu.memory_space<vmem>>, vector<16xi32>,
          %parallel_loop3A_378 = arith.constant 16 : i32
          %parallel_loop3A_379 = arith.muli %parallel_loop3A_357, %parallel_loop3A_378 : i32
          %parallel_loop3A_380 = arith.constant 128 : i32
          %parallel_loop3A_381 = arith.muli %parallel_loop3A_379, %parallel_loop3A_380 : i32
          %parallel_loop3A_382 = vector.extract_strided_slice %parallel_loop3A_367 {offsets = [0], sizes = [1], strides = [1]} : vector<16xi32> to vector<1xi32>
          %parallel_loop3A_383 = vector.extract %parallel_loop3A_382[0] : i32 from vector<1xi32>
          %parallel_loop3A_384 = vector.extract_strided_slice %parallel_loop3A_377 {offsets = [0], sizes = [1], strides = [1]} : vector<16xi32> to vector<1xi32>
          %parallel_loop3A_385 = vector.extract %parallel_loop3A_384[0] : i32 from vector<1xi32>
          %parallel_loop3A_386 = arith.constant 0 : i32
          %parallel_loop3A_387 = arith.addi %parallel_loop3A_383, %parallel_loop3A_386 : i32
          %parallel_loop3A_388 = arith.index_cast %parallel_loop3A_387 : i32 to index
          %parallel_loop3A_389 = tpu.vector_load %arg7[%parallel_loop3A_388] {strides = array<i32>} : memref<32768xf32, #tpu.memory_space<vmem>>, vector<16xf32>,
          %parallel_loop3A_390 = arith.constant 0 : i32
          %parallel_loop3A_391 = arith.addi %parallel_loop3A_385, %parallel_loop3A_390 : i32
          %parallel_loop3A_392 = arith.index_cast %parallel_loop3A_391 : i32 to index
          %parallel_loop3A_393 = tpu.vector_load %arg8[%parallel_loop3A_392] {strides = array<i32>} : memref<32768xf32, #tpu.memory_space<vmem>>, vector<16xf32>,
          %parallel_loop3A_394 = arith.constant 16 : i32
          %parallel_loop3A_395 = arith.addi %parallel_loop3A_383, %parallel_loop3A_394 : i32
          %parallel_loop3A_396 = arith.index_cast %parallel_loop3A_395 : i32 to index
          %parallel_loop3A_397 = tpu.vector_load %arg7[%parallel_loop3A_396] {strides = array<i32>} : memref<32768xf32, #tpu.memory_space<vmem>>, vector<16xf32>,
          %parallel_loop3A_398 = arith.constant 16 : i32
          %parallel_loop3A_399 = arith.addi %parallel_loop3A_385, %parallel_loop3A_398 : i32
          %parallel_loop3A_400 = arith.index_cast %parallel_loop3A_399 : i32 to index
          %parallel_loop3A_401 = tpu.vector_load %arg8[%parallel_loop3A_400] {strides = array<i32>} : memref<32768xf32, #tpu.memory_space<vmem>>, vector<16xf32>,
          %parallel_loop3A_402 = arith.constant 32 : i32
          %parallel_loop3A_403 = arith.addi %parallel_loop3A_383, %parallel_loop3A_402 : i32
          %parallel_loop3A_404 = arith.index_cast %parallel_loop3A_403 : i32 to index
          %parallel_loop3A_405 = tpu.vector_load %arg7[%parallel_loop3A_404] {strides = array<i32>} : memref<32768xf32, #tpu.memory_space<vmem>>, vector<16xf32>,
          %parallel_loop3A_406 = arith.constant 32 : i32
          %parallel_loop3A_407 = arith.addi %parallel_loop3A_385, %parallel_loop3A_406 : i32
          %parallel_loop3A_408 = arith.index_cast %parallel_loop3A_407 : i32 to index
          %parallel_loop3A_409 = tpu.vector_load %arg8[%parallel_loop3A_408] {strides = array<i32>} : memref<32768xf32, #tpu.memory_space<vmem>>, vector<16xf32>,
          %parallel_loop3A_410 = arith.constant 48 : i32
          %parallel_loop3A_411 = arith.addi %parallel_loop3A_383, %parallel_loop3A_410 : i32
          %parallel_loop3A_412 = arith.index_cast %parallel_loop3A_411 : i32 to index
          %parallel_loop3A_413 = tpu.vector_load %arg7[%parallel_loop3A_412] {strides = array<i32>} : memref<32768xf32, #tpu.memory_space<vmem>>, vector<16xf32>,
          %parallel_loop3A_414 = arith.constant 48 : i32
          %parallel_loop3A_415 = arith.addi %parallel_loop3A_385, %parallel_loop3A_414 : i32
          %parallel_loop3A_416 = arith.index_cast %parallel_loop3A_415 : i32 to index
          %parallel_loop3A_417 = tpu.vector_load %arg8[%parallel_loop3A_416] {strides = array<i32>} : memref<32768xf32, #tpu.memory_space<vmem>>, vector<16xf32>,
          %parallel_loop3A_418 = arith.constant 64 : i32
          %parallel_loop3A_419 = arith.addi %parallel_loop3A_383, %parallel_loop3A_418 : i32
          %parallel_loop3A_420 = arith.index_cast %parallel_loop3A_419 : i32 to index
          %parallel_loop3A_421 = tpu.vector_load %arg7[%parallel_loop3A_420] {strides = array<i32>} : memref<32768xf32, #tpu.memory_space<vmem>>, vector<16xf32>,
          %parallel_loop3A_422 = arith.constant 64 : i32
          %parallel_loop3A_423 = arith.addi %parallel_loop3A_385, %parallel_loop3A_422 : i32
          %parallel_loop3A_424 = arith.index_cast %parallel_loop3A_423 : i32 to index
          %parallel_loop3A_425 = tpu.vector_load %arg8[%parallel_loop3A_424] {strides = array<i32>} : memref<32768xf32, #tpu.memory_space<vmem>>, vector<16xf32>,
          %parallel_loop3A_426 = arith.constant 80 : i32
          %parallel_loop3A_427 = arith.addi %parallel_loop3A_383, %parallel_loop3A_426 : i32
          %parallel_loop3A_428 = arith.index_cast %parallel_loop3A_427 : i32 to index
          %parallel_loop3A_429 = tpu.vector_load %arg7[%parallel_loop3A_428] {strides = array<i32>} : memref<32768xf32, #tpu.memory_space<vmem>>, vector<16xf32>,
          %parallel_loop3A_430 = arith.constant 80 : i32
          %parallel_loop3A_431 = arith.addi %parallel_loop3A_385, %parallel_loop3A_430 : i32
          %parallel_loop3A_432 = arith.index_cast %parallel_loop3A_431 : i32 to index
          %parallel_loop3A_433 = tpu.vector_load %arg8[%parallel_loop3A_432] {strides = array<i32>} : memref<32768xf32, #tpu.memory_space<vmem>>, vector<16xf32>,
          %parallel_loop3A_434 = arith.constant 96 : i32
          %parallel_loop3A_435 = arith.addi %parallel_loop3A_383, %parallel_loop3A_434 : i32
          %parallel_loop3A_436 = arith.index_cast %parallel_loop3A_435 : i32 to index
          %parallel_loop3A_437 = tpu.vector_load %arg7[%parallel_loop3A_436] {strides = array<i32>} : memref<32768xf32, #tpu.memory_space<vmem>>, vector<16xf32>,
          %parallel_loop3A_438 = arith.constant 96 : i32
          %parallel_loop3A_439 = arith.addi %parallel_loop3A_385, %parallel_loop3A_438 : i32
          %parallel_loop3A_440 = arith.index_cast %parallel_loop3A_439 : i32 to index
          %parallel_loop3A_441 = tpu.vector_load %arg8[%parallel_loop3A_440] {strides = array<i32>} : memref<32768xf32, #tpu.memory_space<vmem>>, vector<16xf32>,
          %parallel_loop3A_442 = arith.constant 112 : i32
          %parallel_loop3A_443 = arith.addi %parallel_loop3A_383, %parallel_loop3A_442 : i32
          %parallel_loop3A_444 = arith.index_cast %parallel_loop3A_443 : i32 to index
          %parallel_loop3A_445 = tpu.vector_load %arg7[%parallel_loop3A_444] {strides = array<i32>} : memref<32768xf32, #tpu.memory_space<vmem>>, vector<16xf32>,
          %parallel_loop3A_446 = arith.constant 112 : i32
          %parallel_loop3A_447 = arith.addi %parallel_loop3A_385, %parallel_loop3A_446 : i32
          %parallel_loop3A_448 = arith.index_cast %parallel_loop3A_447 : i32 to index
          %parallel_loop3A_449 = tpu.vector_load %arg8[%parallel_loop3A_448] {strides = array<i32>} : memref<32768xf32, #tpu.memory_space<vmem>>, vector<16xf32>,
          %parallel_loop3A_450 = arith.addf %parallel_loop3A_389, %parallel_loop3A_393 : vector<16xf32>
          %parallel_loop3A_451 = arith.constant 0.000000e+00 : f32
          %parallel_loop3A_452 = vector.broadcast %parallel_loop3A_451 : f32 to vector<16xf32>
          %parallel_loop3A_453 = arith.maximumf %parallel_loop3A_450, %parallel_loop3A_452 : vector<16xf32>
          %parallel_loop3A_454 = arith.addf %parallel_loop3A_397, %parallel_loop3A_401 : vector<16xf32>
          %parallel_loop3A_455 = arith.constant 0.000000e+00 : f32
          %parallel_loop3A_456 = vector.broadcast %parallel_loop3A_455 : f32 to vector<16xf32>
          %parallel_loop3A_457 = arith.maximumf %parallel_loop3A_454, %parallel_loop3A_456 : vector<16xf32>
          %parallel_loop3A_458 = arith.addf %parallel_loop3A_405, %parallel_loop3A_409 : vector<16xf32>
          %parallel_loop3A_459 = arith.constant 0.000000e+00 : f32
          %parallel_loop3A_460 = vector.broadcast %parallel_loop3A_459 : f32 to vector<16xf32>
          %parallel_loop3A_461 = arith.maximumf %parallel_loop3A_458, %parallel_loop3A_460 : vector<16xf32>
          %parallel_loop3A_462 = arith.addf %parallel_loop3A_413, %parallel_loop3A_417 : vector<16xf32>
          %parallel_loop3A_463 = arith.constant 0.000000e+00 : f32
          %parallel_loop3A_464 = vector.broadcast %parallel_loop3A_463 : f32 to vector<16xf32>
          %parallel_loop3A_465 = arith.maximumf %parallel_loop3A_462, %parallel_loop3A_464 : vector<16xf32>
          %parallel_loop3A_466 = arith.addf %parallel_loop3A_421, %parallel_loop3A_425 : vector<16xf32>
          %parallel_loop3A_467 = arith.constant 0.000000e+00 : f32
          %parallel_loop3A_468 = vector.broadcast %parallel_loop3A_467 : f32 to vector<16xf32>
          %parallel_loop3A_469 = arith.maximumf %parallel_loop3A_466, %parallel_loop3A_468 : vector<16xf32>
          %parallel_loop3A_470 = arith.addf %parallel_loop3A_429, %parallel_loop3A_433 : vector<16xf32>
          %parallel_loop3A_471 = arith.constant 0.000000e+00 : f32
          %parallel_loop3A_472 = vector.broadcast %parallel_loop3A_471 : f32 to vector<16xf32>
          %parallel_loop3A_473 = arith.maximumf %parallel_loop3A_470, %parallel_loop3A_472 : vector<16xf32>
          %parallel_loop3A_474 = arith.addf %parallel_loop3A_437, %parallel_loop3A_441 : vector<16xf32>
          %parallel_loop3A_475 = arith.constant 0.000000e+00 : f32
          %parallel_loop3A_476 = vector.broadcast %parallel_loop3A_475 : f32 to vector<16xf32>
          %parallel_loop3A_477 = arith.maximumf %parallel_loop3A_474, %parallel_loop3A_476 : vector<16xf32>
          %parallel_loop3A_478 = arith.addf %parallel_loop3A_445, %parallel_loop3A_449 : vector<16xf32>
          %parallel_loop3A_479 = arith.constant 0.000000e+00 : f32
          %parallel_loop3A_480 = vector.broadcast %parallel_loop3A_479 : f32 to vector<16xf32>
          %parallel_loop3A_481 = arith.maximumf %parallel_loop3A_478, %parallel_loop3A_480 : vector<16xf32>
          %parallel_loop3A_482 = arith.constant 0 : i32
          %parallel_loop3A_483 = arith.addi %parallel_loop3A_381, %parallel_loop3A_482 : i32
          %parallel_loop3A_484 = vector.extract_strided_slice %parallel_loop3A_367 {offsets = [1], sizes = [1], strides = [1]} : vector<16xi32> to vector<1xi32>
          %parallel_loop3A_485 = vector.extract %parallel_loop3A_484[0] : i32 from vector<1xi32>
          %parallel_loop3A_486 = vector.extract_strided_slice %parallel_loop3A_377 {offsets = [1], sizes = [1], strides = [1]} : vector<16xi32> to vector<1xi32>
          %parallel_loop3A_487 = vector.extract %parallel_loop3A_486[0] : i32 from vector<1xi32>
          %parallel_loop3A_488 = arith.constant 0 : i32
          %parallel_loop3A_489 = arith.addi %parallel_loop3A_485, %parallel_loop3A_488 : i32
          %parallel_loop3A_490 = arith.index_cast %parallel_loop3A_489 : i32 to index
          %parallel_loop3A_491 = tpu.vector_load %arg7[%parallel_loop3A_490] {strides = array<i32>} : memref<32768xf32, #tpu.memory_space<vmem>>, vector<16xf32>,
          %parallel_loop3A_492 = arith.constant 0 : i32
          %parallel_loop3A_493 = arith.addi %parallel_loop3A_483, %parallel_loop3A_492 : i32
          %parallel_loop3A_494 = tpu.memref_slice %run_scoped3A_10[%mul3A_254] : memref<32768xf32, #tpu.memory_space<vmem>> -> memref<16384xf32, #tpu.memory_space<vmem>>
          %parallel_loop3A_495 = arith.index_cast %parallel_loop3A_493 : i32 to index
          %parallel_loop3A_496 = tpu.vector_load %parallel_loop3A_494[%parallel_loop3A_495] {strides = array<i32>} : memref<16384xf32, #tpu.memory_space<vmem>>, vector<16xf32>,
          tpu.vector_store %parallel_loop3A_494[%parallel_loop3A_495], %parallel_loop3A_453 {strides = array<i32>} : memref<16384xf32, #tpu.memory_space<vmem>>, vector<16xf32>,
          %parallel_loop3A_497 = arith.constant 0 : i32
          %parallel_loop3A_498 = arith.addi %parallel_loop3A_487, %parallel_loop3A_497 : i32
          %parallel_loop3A_499 = arith.index_cast %parallel_loop3A_498 : i32 to index
          %parallel_loop3A_500 = tpu.vector_load %arg8[%parallel_loop3A_499] {strides = array<i32>} : memref<32768xf32, #tpu.memory_space<vmem>>, vector<16xf32>,
          %parallel_loop3A_501 = arith.constant 16 : i32
          %parallel_loop3A_502 = arith.addi %parallel_loop3A_485, %parallel_loop3A_501 : i32
          %parallel_loop3A_503 = arith.index_cast %parallel_loop3A_502 : i32 to index
          %parallel_loop3A_504 = tpu.vector_load %arg7[%parallel_loop3A_503] {strides = array<i32>} : memref<32768xf32, #tpu.memory_space<vmem>>, vector<16xf32>,
          %parallel_loop3A_505 = arith.constant 16 : i32
          %parallel_loop3A_506 = arith.addi %parallel_loop3A_483, %parallel_loop3A_505 : i32
          %parallel_loop3A_507 = tpu.memref_slice %run_scoped3A_10[%mul3A_254] : memref<32768xf32, #tpu.memory_space<vmem>> -> memref<16384xf32, #tpu.memory_space<vmem>>
          %parallel_loop3A_508 = arith.index_cast %parallel_loop3A_506 : i32 to index
          %parallel_loop3A_509 = tpu.vector_load %parallel_loop3A_507[%parallel_loop3A_508] {strides = array<i32>} : memref<16384xf32, #tpu.memory_space<vmem>>, vector<16xf32>,
          tpu.vector_store %parallel_loop3A_507[%parallel_loop3A_508], %parallel_loop3A_457 {strides = array<i32>} : memref<16384xf32, #tpu.memory_space<vmem>>, vector<16xf32>,
          %parallel_loop3A_510 = arith.constant 16 : i32
          %parallel_loop3A_511 = arith.addi %parallel_loop3A_487, %parallel_loop3A_510 : i32
          %parallel_loop3A_512 = arith.index_cast %parallel_loop3A_511 : i32 to index
          %parallel_loop3A_513 = tpu.vector_load %arg8[%parallel_loop3A_512] {strides = array<i32>} : memref<32768xf32, #tpu.memory_space<vmem>>, vector<16xf32>,
          %parallel_loop3A_514 = arith.constant 32 : i32
          %parallel_loop3A_515 = arith.addi %parallel_loop3A_485, %parallel_loop3A_514 : i32
          %parallel_loop3A_516 = arith.index_cast %parallel_loop3A_515 : i32 to index
          %parallel_loop3A_517 = tpu.vector_load %arg7[%parallel_loop3A_516] {strides = array<i32>} : memref<32768xf32, #tpu.memory_space<vmem>>, vector<16xf32>,
          %parallel_loop3A_518 = arith.constant 32 : i32
          %parallel_loop3A_519 = arith.addi %parallel_loop3A_483, %parallel_loop3A_518 : i32
          %parallel_loop3A_520 = tpu.memref_slice %run_scoped3A_10[%mul3A_254] : memref<32768xf32, #tpu.memory_space<vmem>> -> memref<16384xf32, #tpu.memory_space<vmem>>
          %parallel_loop3A_521 = arith.index_cast %parallel_loop3A_519 : i32 to index
          %parallel_loop3A_522 = tpu.vector_load %parallel_loop3A_520[%parallel_loop3A_521] {strides = array<i32>} : memref<16384xf32, #tpu.memory_space<vmem>>, vector<16xf32>,
          tpu.vector_store %parallel_loop3A_520[%parallel_loop3A_521], %parallel_loop3A_461 {strides = array<i32>} : memref<16384xf32, #tpu.memory_space<vmem>>, vector<16xf32>,
          %parallel_loop3A_523 = arith.constant 32 : i32
          %parallel_loop3A_524 = arith.addi %parallel_loop3A_487, %parallel_loop3A_523 : i32
          %parallel_loop3A_525 = arith.index_cast %parallel_loop3A_524 : i32 to index
          %parallel_loop3A_526 = tpu.vector_load %arg8[%parallel_loop3A_525] {strides = array<i32>} : memref<32768xf32, #tpu.memory_space<vmem>>, vector<16xf32>,
          %parallel_loop3A_527 = arith.constant 48 : i32
          %parallel_loop3A_528 = arith.addi %parallel_loop3A_485, %parallel_loop3A_527 : i32
          %parallel_loop3A_529 = arith.index_cast %parallel_loop3A_528 : i32 to index
          %parallel_loop3A_530 = tpu.vector_load %arg7[%parallel_loop3A_529] {strides = array<i32>} : memref<32768xf32, #tpu.memory_space<vmem>>, vector<16xf32>,
          %parallel_loop3A_531 = arith.constant 48 : i32
          %parallel_loop3A_532 = arith.addi %parallel_loop3A_483, %parallel_loop3A_531 : i32
          %parallel_loop3A_533 = tpu.memref_slice %run_scoped3A_10[%mul3A_254] : memref<32768xf32, #tpu.memory_space<vmem>> -> memref<16384xf32, #tpu.memory_space<vmem>>
          %parallel_loop3A_534 = arith.index_cast %parallel_loop3A_532 : i32 to index
          %parallel_loop3A_535 = tpu.vector_load %parallel_loop3A_533[%parallel_loop3A_534] {strides = array<i32>} : memref<16384xf32, #tpu.memory_space<vmem>>, vector<16xf32>,
          tpu.vector_store %parallel_loop3A_533[%parallel_loop3A_534], %parallel_loop3A_465 {strides = array<i32>} : memref<16384xf32, #tpu.memory_space<vmem>>, vector<16xf32>,
          %parallel_loop3A_536 = arith.constant 48 : i32
          %parallel_loop3A_537 = arith.addi %parallel_loop3A_487, %parallel_loop3A_536 : i32
          %parallel_loop3A_538 = arith.index_cast %parallel_loop3A_537 : i32 to index
          %parallel_loop3A_539 = tpu.vector_load %arg8[%parallel_loop3A_538] {strides = array<i32>} : memref<32768xf32, #tpu.memory_space<vmem>>, vector<16xf32>,
          %parallel_loop3A_540 = arith.constant 64 : i32
          %parallel_loop3A_541 = arith.addi %parallel_loop3A_485, %parallel_loop3A_540 : i32
          %parallel_loop3A_542 = arith.index_cast %parallel_loop3A_541 : i32 to index
          %parallel_loop3A_543 = tpu.vector_load %arg7[%parallel_loop3A_542] {strides = array<i32>} : memref<32768xf32, #tpu.memory_space<vmem>>, vector<16xf32>,
          %parallel_loop3A_544 = arith.constant 64 : i32
          %parallel_loop3A_545 = arith.addi %parallel_loop3A_483, %parallel_loop3A_544 : i32
          %parallel_loop3A_546 = tpu.memref_slice %run_scoped3A_10[%mul3A_254] : memref<32768xf32, #tpu.memory_space<vmem>> -> memref<16384xf32, #tpu.memory_space<vmem>>
          %parallel_loop3A_547 = arith.index_cast %parallel_loop3A_545 : i32 to index
          %parallel_loop3A_548 = tpu.vector_load %parallel_loop3A_546[%parallel_loop3A_547] {strides = array<i32>} : memref<16384xf32, #tpu.memory_space<vmem>>, vector<16xf32>,
          tpu.vector_store %parallel_loop3A_546[%parallel_loop3A_547], %parallel_loop3A_469 {strides = array<i32>} : memref<16384xf32, #tpu.memory_space<vmem>>, vector<16xf32>,
          %parallel_loop3A_549 = arith.constant 64 : i32
          %parallel_loop3A_550 = arith.addi %parallel_loop3A_487, %parallel_loop3A_549 : i32
          %parallel_loop3A_551 = arith.index_cast %parallel_loop3A_550 : i32 to index
          %parallel_loop3A_552 = tpu.vector_load %arg8[%parallel_loop3A_551] {strides = array<i32>} : memref<32768xf32, #tpu.memory_space<vmem>>, vector<16xf32>,
          %parallel_loop3A_553 = arith.constant 80 : i32
          %parallel_loop3A_554 = arith.addi %parallel_loop3A_485, %parallel_loop3A_553 : i32
          %parallel_loop3A_555 = arith.index_cast %parallel_loop3A_554 : i32 to index
          %parallel_loop3A_556 = tpu.vector_load %arg7[%parallel_loop3A_555] {strides = array<i32>} : memref<32768xf32, #tpu.memory_space<vmem>>, vector<16xf32>,
          %parallel_loop3A_557 = arith.constant 80 : i32
          %parallel_loop3A_558 = arith.addi %parallel_loop3A_483, %parallel_loop3A_557 : i32
          %parallel_loop3A_559 = tpu.memref_slice %run_scoped3A_10[%mul3A_254] : memref<32768xf32, #tpu.memory_space<vmem>> -> memref<16384xf32, #tpu.memory_space<vmem>>
          %parallel_loop3A_560 = arith.index_cast %parallel_loop3A_558 : i32 to index
          %parallel_loop3A_561 = tpu.vector_load %parallel_loop3A_559[%parallel_loop3A_560] {strides = array<i32>} : memref<16384xf32, #tpu.memory_space<vmem>>, vector<16xf32>,
          tpu.vector_store %parallel_loop3A_559[%parallel_loop3A_560], %parallel_loop3A_473 {strides = array<i32>} : memref<16384xf32, #tpu.memory_space<vmem>>, vector<16xf32>,
          %parallel_loop3A_562 = arith.constant 80 : i32
          %parallel_loop3A_563 = arith.addi %parallel_loop3A_487, %parallel_loop3A_562 : i32
          %parallel_loop3A_564 = arith.index_cast %parallel_loop3A_563 : i32 to index
          %parallel_loop3A_565 = tpu.vector_load %arg8[%parallel_loop3A_564] {strides = array<i32>} : memref<32768xf32, #tpu.memory_space<vmem>>, vector<16xf32>,
          %parallel_loop3A_566 = arith.constant 96 : i32
          %parallel_loop3A_567 = arith.addi %parallel_loop3A_485, %parallel_loop3A_566 : i32
          %parallel_loop3A_568 = arith.index_cast %parallel_loop3A_567 : i32 to index
          %parallel_loop3A_569 = tpu.vector_load %arg7[%parallel_loop3A_568] {strides = array<i32>} : memref<32768xf32, #tpu.memory_space<vmem>>, vector<16xf32>,
          %parallel_loop3A_570 = arith.constant 96 : i32
          %parallel_loop3A_571 = arith.addi %parallel_loop3A_483, %parallel_loop3A_570 : i32
          %parallel_loop3A_572 = tpu.memref_slice %run_scoped3A_10[%mul3A_254] : memref<32768xf32, #tpu.memory_space<vmem>> -> memref<16384xf32, #tpu.memory_space<vmem>>
          %parallel_loop3A_573 = arith.index_cast %parallel_loop3A_571 : i32 to index
          %parallel_loop3A_574 = tpu.vector_load %parallel_loop3A_572[%parallel_loop3A_573] {strides = array<i32>} : memref<16384xf32, #tpu.memory_space<vmem>>, vector<16xf32>,
          tpu.vector_store %parallel_loop3A_572[%parallel_loop3A_573], %parallel_loop3A_477 {strides = array<i32>} : memref<16384xf32, #tpu.memory_space<vmem>>, vector<16xf32>,
          %parallel_loop3A_575 = arith.constant 96 : i32
          %parallel_loop3A_576 = arith.addi %parallel_loop3A_487, %parallel_loop3A_575 : i32
          %parallel_loop3A_577 = arith.index_cast %parallel_loop3A_576 : i32 to index
          %parallel_loop3A_578 = tpu.vector_load %arg8[%parallel_loop3A_577] {strides = array<i32>} : memref<32768xf32, #tpu.memory_space<vmem>>, vector<16xf32>,
          %parallel_loop3A_579 = arith.constant 112 : i32
          %parallel_loop3A_580 = arith.addi %parallel_loop3A_485, %parallel_loop3A_579 : i32
          %parallel_loop3A_581 = arith.index_cast %parallel_loop3A_580 : i32 to index
          %parallel_loop3A_582 = tpu.vector_load %arg7[%parallel_loop3A_581] {strides = array<i32>} : memref<32768xf32, #tpu.memory_space<vmem>>, vector<16xf32>,
          %parallel_loop3A_583 = arith.constant 112 : i32
          %parallel_loop3A_584 = arith.addi %parallel_loop3A_483, %parallel_loop3A_583 : i32
          %parallel_loop3A_585 = tpu.memref_slice %run_scoped3A_10[%mul3A_254] : memref<32768xf32, #tpu.memory_space<vmem>> -> memref<16384xf32, #tpu.memory_space<vmem>>
          %parallel_loop3A_586 = arith.index_cast %parallel_loop3A_584 : i32 to index
          %parallel_loop3A_587 = tpu.vector_load %parallel_loop3A_585[%parallel_loop3A_586] {strides = array<i32>} : memref<16384xf32, #tpu.memory_space<vmem>>, vector<16xf32>,
          tpu.vector_store %parallel_loop3A_585[%parallel_loop3A_586], %parallel_loop3A_481 {strides = array<i32>} : memref<16384xf32, #tpu.memory_space<vmem>>, vector<16xf32>,
          %parallel_loop3A_588 = arith.constant 112 : i32
          %parallel_loop3A_589 = arith.addi %parallel_loop3A_487, %parallel_loop3A_588 : i32
          %parallel_loop3A_590 = arith.index_cast %parallel_loop3A_589 : i32 to index
          %parallel_loop3A_591 = tpu.vector_load %arg8[%parallel_loop3A_590] {strides = array<i32>} : memref<32768xf32, #tpu.memory_space<vmem>>, vector<16xf32>,
          %parallel_loop3A_592 = arith.addf %parallel_loop3A_491, %parallel_loop3A_500 : vector<16xf32>
          %parallel_loop3A_593 = arith.constant 0.000000e+00 : f32
          %parallel_loop3A_594 = vector.broadcast %parallel_loop3A_593 : f32 to vector<16xf32>
          %parallel_loop3A_595 = arith.maximumf %parallel_loop3A_592, %parallel_loop3A_594 : vector<16xf32>
          %parallel_loop3A_596 = arith.addf %parallel_loop3A_504, %parallel_loop3A_513 : vector<16xf32>
          %parallel_loop3A_597 = arith.constant 0.000000e+00 : f32
          %parallel_loop3A_598 = vector.broadcast %parallel_loop3A_597 : f32 to vector<16xf32>
          %parallel_loop3A_599 = arith.maximumf %parallel_loop3A_596, %parallel_loop3A_598 : vector<16xf32>
          %parallel_loop3A_600 = arith.addf %parallel_loop3A_517, %parallel_loop3A_526 : vector<16xf32>
          %parallel_loop3A_601 = arith.constant 0.000000e+00 : f32
          %parallel_loop3A_602 = vector.broadcast %parallel_loop3A_601 : f32 to vector<16xf32>
          %parallel_loop3A_603 = arith.maximumf %parallel_loop3A_600, %parallel_loop3A_602 : vector<16xf32>
          %parallel_loop3A_604 = arith.addf %parallel_loop3A_530, %parallel_loop3A_539 : vector<16xf32>
          %parallel_loop3A_605 = arith.constant 0.000000e+00 : f32
          %parallel_loop3A_606 = vector.broadcast %parallel_loop3A_605 : f32 to vector<16xf32>
          %parallel_loop3A_607 = arith.maximumf %parallel_loop3A_604, %parallel_loop3A_606 : vector<16xf32>
          %parallel_loop3A_608 = arith.addf %parallel_loop3A_543, %parallel_loop3A_552 : vector<16xf32>
          %parallel_loop3A_609 = arith.constant 0.000000e+00 : f32
          %parallel_loop3A_610 = vector.broadcast %parallel_loop3A_609 : f32 to vector<16xf32>
          %parallel_loop3A_611 = arith.maximumf %parallel_loop3A_608, %parallel_loop3A_610 : vector<16xf32>
          %parallel_loop3A_612 = arith.addf %parallel_loop3A_556, %parallel_loop3A_565 : vector<16xf32>
          %parallel_loop3A_613 = arith.constant 0.000000e+00 : f32
          %parallel_loop3A_614 = vector.broadcast %parallel_loop3A_613 : f32 to vector<16xf32>
          %parallel_loop3A_615 = arith.maximumf %parallel_loop3A_612, %parallel_loop3A_614 : vector<16xf32>
          %parallel_loop3A_616 = arith.addf %parallel_loop3A_569, %parallel_loop3A_578 : vector<16xf32>
          %parallel_loop3A_617 = arith.constant 0.000000e+00 : f32
          %parallel_loop3A_618 = vector.broadcast %parallel_loop3A_617 : f32 to vector<16xf32>
          %parallel_loop3A_619 = arith.maximumf %parallel_loop3A_616, %parallel_loop3A_618 : vector<16xf32>
          %parallel_loop3A_620 = arith.addf %parallel_loop3A_582, %parallel_loop3A_591 : vector<16xf32>
          %parallel_loop3A_621 = arith.constant 0.000000e+00 : f32
          %parallel_loop3A_622 = vector.broadcast %parallel_loop3A_621 : f32 to vector<16xf32>
          %parallel_loop3A_623 = arith.maximumf %parallel_loop3A_620, %parallel_loop3A_622 : vector<16xf32>
          %parallel_loop3A_624 = arith.constant 128 : i32
          %parallel_loop3A_625 = arith.addi %parallel_loop3A_381, %parallel_loop3A_624 : i32
          %parallel_loop3A_626 = vector.extract_strided_slice %parallel_loop3A_367 {offsets = [2], sizes = [1], strides = [1]} : vector<16xi32> to vector<1xi32>
          %parallel_loop3A_627 = vector.extract %parallel_loop3A_626[0] : i32 from vector<1xi32>
          %parallel_loop3A_628 = vector.extract_strided_slice %parallel_loop3A_377 {offsets = [2], sizes = [1], strides = [1]} : vector<16xi32> to vector<1xi32>
          %parallel_loop3A_629 = vector.extract %parallel_loop3A_628[0] : i32 from vector<1xi32>
          %parallel_loop3A_630 = arith.constant 0 : i32
          %parallel_loop3A_631 = arith.addi %parallel_loop3A_627, %parallel_loop3A_630 : i32
          %parallel_loop3A_632 = arith.index_cast %parallel_loop3A_631 : i32 to index
          %parallel_loop3A_633 = tpu.vector_load %arg7[%parallel_loop3A_632] {strides = array<i32>} : memref<32768xf32, #tpu.memory_space<vmem>>, vector<16xf32>,
          %parallel_loop3A_634 = arith.constant 0 : i32
          %parallel_loop3A_635 = arith.addi %parallel_loop3A_625, %parallel_loop3A_634 : i32
          %parallel_loop3A_636 = tpu.memref_slice %run_scoped3A_10[%mul3A_254] : memref<32768xf32, #tpu.memory_space<vmem>> -> memref<16384xf32, #tpu.memory_space<vmem>>
          %parallel_loop3A_637 = arith.index_cast %parallel_loop3A_635 : i32 to index
          %parallel_loop3A_638 = tpu.vector_load %parallel_loop3A_636[%parallel_loop3A_637] {strides = array<i32>} : memref<16384xf32, #tpu.memory_space<vmem>>, vector<16xf32>,
          tpu.vector_store %parallel_loop3A_636[%parallel_loop3A_637], %parallel_loop3A_595 {strides = array<i32>} : memref<16384xf32, #tpu.memory_space<vmem>>, vector<16xf32>,
          %parallel_loop3A_639 = arith.constant 0 : i32
          %parallel_loop3A_640 = arith.addi %parallel_loop3A_629, %parallel_loop3A_639 : i32
          %parallel_loop3A_641 = arith.index_cast %parallel_loop3A_640 : i32 to index
          %parallel_loop3A_642 = tpu.vector_load %arg8[%parallel_loop3A_641] {strides = array<i32>} : memref<32768xf32, #tpu.memory_space<vmem>>, vector<16xf32>,
          %parallel_loop3A_643 = arith.constant 16 : i32
          %parallel_loop3A_644 = arith.addi %parallel_loop3A_627, %parallel_loop3A_643 : i32
          %parallel_loop3A_645 = arith.index_cast %parallel_loop3A_644 : i32 to index
          %parallel_loop3A_646 = tpu.vector_load %arg7[%parallel_loop3A_645] {strides = array<i32>} : memref<32768xf32, #tpu.memory_space<vmem>>, vector<16xf32>,
          %parallel_loop3A_647 = arith.constant 16 : i32
          %parallel_loop3A_648 = arith.addi %parallel_loop3A_625, %parallel_loop3A_647 : i32
          %parallel_loop3A_649 = tpu.memref_slice %run_scoped3A_10[%mul3A_254] : memref<32768xf32, #tpu.memory_space<vmem>> -> memref<16384xf32, #tpu.memory_space<vmem>>
          %parallel_loop3A_650 = arith.index_cast %parallel_loop3A_648 : i32 to index
          %parallel_loop3A_651 = tpu.vector_load %parallel_loop3A_649[%parallel_loop3A_650] {strides = array<i32>} : memref<16384xf32, #tpu.memory_space<vmem>>, vector<16xf32>,
          tpu.vector_store %parallel_loop3A_649[%parallel_loop3A_650], %parallel_loop3A_599 {strides = array<i32>} : memref<16384xf32, #tpu.memory_space<vmem>>, vector<16xf32>,
          %parallel_loop3A_652 = arith.constant 16 : i32
          %parallel_loop3A_653 = arith.addi %parallel_loop3A_629, %parallel_loop3A_652 : i32
          %parallel_loop3A_654 = arith.index_cast %parallel_loop3A_653 : i32 to index
          %parallel_loop3A_655 = tpu.vector_load %arg8[%parallel_loop3A_654] {strides = array<i32>} : memref<32768xf32, #tpu.memory_space<vmem>>, vector<16xf32>,
          %parallel_loop3A_656 = arith.constant 32 : i32
          %parallel_loop3A_657 = arith.addi %parallel_loop3A_627, %parallel_loop3A_656 : i32
          %parallel_loop3A_658 = arith.index_cast %parallel_loop3A_657 : i32 to index
          %parallel_loop3A_659 = tpu.vector_load %arg7[%parallel_loop3A_658] {strides = array<i32>} : memref<32768xf32, #tpu.memory_space<vmem>>, vector<16xf32>,
          %parallel_loop3A_660 = arith.constant 32 : i32
          %parallel_loop3A_661 = arith.addi %parallel_loop3A_625, %parallel_loop3A_660 : i32
          %parallel_loop3A_662 = tpu.memref_slice %run_scoped3A_10[%mul3A_254] : memref<32768xf32, #tpu.memory_space<vmem>> -> memref<16384xf32, #tpu.memory_space<vmem>>
          %parallel_loop3A_663 = arith.index_cast %parallel_loop3A_661 : i32 to index
          %parallel_loop3A_664 = tpu.vector_load %parallel_loop3A_662[%parallel_loop3A_663] {strides = array<i32>} : memref<16384xf32, #tpu.memory_space<vmem>>, vector<16xf32>,
          tpu.vector_store %parallel_loop3A_662[%parallel_loop3A_663], %parallel_loop3A_603 {strides = array<i32>} : memref<16384xf32, #tpu.memory_space<vmem>>, vector<16xf32>,
          %parallel_loop3A_665 = arith.constant 32 : i32
          %parallel_loop3A_666 = arith.addi %parallel_loop3A_629, %parallel_loop3A_665 : i32
          %parallel_loop3A_667 = arith.index_cast %parallel_loop3A_666 : i32 to index
          %parallel_loop3A_668 = tpu.vector_load %arg8[%parallel_loop3A_667] {strides = array<i32>} : memref<32768xf32, #tpu.memory_space<vmem>>, vector<16xf32>,
          %parallel_loop3A_669 = arith.constant 48 : i32
          %parallel_loop3A_670 = arith.addi %parallel_loop3A_627, %parallel_loop3A_669 : i32
          %parallel_loop3A_671 = arith.index_cast %parallel_loop3A_670 : i32 to index
          %parallel_loop3A_672 = tpu.vector_load %arg7[%parallel_loop3A_671] {strides = array<i32>} : memref<32768xf32, #tpu.memory_space<vmem>>, vector<16xf32>,
          %parallel_loop3A_673 = arith.constant 48 : i32
          %parallel_loop3A_674 = arith.addi %parallel_loop3A_625, %parallel_loop3A_673 : i32
          %parallel_loop3A_675 = tpu.memref_slice %run_scoped3A_10[%mul3A_254] : memref<32768xf32, #tpu.memory_space<vmem>> -> memref<16384xf32, #tpu.memory_space<vmem>>
          %parallel_loop3A_676 = arith.index_cast %parallel_loop3A_674 : i32 to index
          %parallel_loop3A_677 = tpu.vector_load %parallel_loop3A_675[%parallel_loop3A_676] {strides = array<i32>} : memref<16384xf32, #tpu.memory_space<vmem>>, vector<16xf32>,
          tpu.vector_store %parallel_loop3A_675[%parallel_loop3A_676], %parallel_loop3A_607 {strides = array<i32>} : memref<16384xf32, #tpu.memory_space<vmem>>, vector<16xf32>,
          %parallel_loop3A_678 = arith.constant 48 : i32
          %parallel_loop3A_679 = arith.addi %parallel_loop3A_629, %parallel_loop3A_678 : i32
          %parallel_loop3A_680 = arith.index_cast %parallel_loop3A_679 : i32 to index
          %parallel_loop3A_681 = tpu.vector_load %arg8[%parallel_loop3A_680] {strides = array<i32>} : memref<32768xf32, #tpu.memory_space<vmem>>, vector<16xf32>,
          %parallel_loop3A_682 = arith.constant 64 : i32
          %parallel_loop3A_683 = arith.addi %parallel_loop3A_627, %parallel_loop3A_682 : i32
          %parallel_loop3A_684 = arith.index_cast %parallel_loop3A_683 : i32 to index
          %parallel_loop3A_685 = tpu.vector_load %arg7[%parallel_loop3A_684] {strides = array<i32>} : memref<32768xf32, #tpu.memory_space<vmem>>, vector<16xf32>,
          %parallel_loop3A_686 = arith.constant 64 : i32
          %parallel_loop3A_687 = arith.addi %parallel_loop3A_625, %parallel_loop3A_686 : i32
          %parallel_loop3A_688 = tpu.memref_slice %run_scoped3A_10[%mul3A_254] : memref<32768xf32, #tpu.memory_space<vmem>> -> memref<16384xf32, #tpu.memory_space<vmem>>
          %parallel_loop3A_689 = arith.index_cast %parallel_loop3A_687 : i32 to index
          %parallel_loop3A_690 = tpu.vector_load %parallel_loop3A_688[%parallel_loop3A_689] {strides = array<i32>} : memref<16384xf32, #tpu.memory_space<vmem>>, vector<16xf32>,
          tpu.vector_store %parallel_loop3A_688[%parallel_loop3A_689], %parallel_loop3A_611 {strides = array<i32>} : memref<16384xf32, #tpu.memory_space<vmem>>, vector<16xf32>,
          %parallel_loop3A_691 = arith.constant 64 : i32
          %parallel_loop3A_692 = arith.addi %parallel_loop3A_629, %parallel_loop3A_691 : i32
          %parallel_loop3A_693 = arith.index_cast %parallel_loop3A_692 : i32 to index
          %parallel_loop3A_694 = tpu.vector_load %arg8[%parallel_loop3A_693] {strides = array<i32>} : memref<32768xf32, #tpu.memory_space<vmem>>, vector<16xf32>,
          %parallel_loop3A_695 = arith.constant 80 : i32
          %parallel_loop3A_696 = arith.addi %parallel_loop3A_627, %parallel_loop3A_695 : i32
          %parallel_loop3A_697 = arith.index_cast %parallel_loop3A_696 : i32 to index
          %parallel_loop3A_698 = tpu.vector_load %arg7[%parallel_loop3A_697] {strides = array<i32>} : memref<32768xf32, #tpu.memory_space<vmem>>, vector<16xf32>,
          %parallel_loop3A_699 = arith.constant 80 : i32
          %parallel_loop3A_700 = arith.addi %parallel_loop3A_625, %parallel_loop3A_699 : i32
          %parallel_loop3A_701 = tpu.memref_slice %run_scoped3A_10[%mul3A_254] : memref<32768xf32, #tpu.memory_space<vmem>> -> memref<16384xf32, #tpu.memory_space<vmem>>
          %parallel_loop3A_702 = arith.index_cast %parallel_loop3A_700 : i32 to index
          %parallel_loop3A_703 = tpu.vector_load %parallel_loop3A_701[%parallel_loop3A_702] {strides = array<i32>} : memref<16384xf32, #tpu.memory_space<vmem>>, vector<16xf32>,
          tpu.vector_store %parallel_loop3A_701[%parallel_loop3A_702], %parallel_loop3A_615 {strides = array<i32>} : memref<16384xf32, #tpu.memory_space<vmem>>, vector<16xf32>,
          %parallel_loop3A_704 = arith.constant 80 : i32
          %parallel_loop3A_705 = arith.addi %parallel_loop3A_629, %parallel_loop3A_704 : i32
          %parallel_loop3A_706 = arith.index_cast %parallel_loop3A_705 : i32 to index
          %parallel_loop3A_707 = tpu.vector_load %arg8[%parallel_loop3A_706] {strides = array<i32>} : memref<32768xf32, #tpu.memory_space<vmem>>, vector<16xf32>,
          %parallel_loop3A_708 = arith.constant 96 : i32
          %parallel_loop3A_709 = arith.addi %parallel_loop3A_627, %parallel_loop3A_708 : i32
          %parallel_loop3A_710 = arith.index_cast %parallel_loop3A_709 : i32 to index
          %parallel_loop3A_711 = tpu.vector_load %arg7[%parallel_loop3A_710] {strides = array<i32>} : memref<32768xf32, #tpu.memory_space<vmem>>, vector<16xf32>,
          %parallel_loop3A_712 = arith.constant 96 : i32
          %parallel_loop3A_713 = arith.addi %parallel_loop3A_625, %parallel_loop3A_712 : i32
          %parallel_loop3A_714 = tpu.memref_slice %run_scoped3A_10[%mul3A_254] : memref<32768xf32, #tpu.memory_space<vmem>> -> memref<16384xf32, #tpu.memory_space<vmem>>
          %parallel_loop3A_715 = arith.index_cast %parallel_loop3A_713 : i32 to index
          %parallel_loop3A_716 = tpu.vector_load %parallel_loop3A_714[%parallel_loop3A_715] {strides = array<i32>} : memref<16384xf32, #tpu.memory_space<vmem>>, vector<16xf32>,
          tpu.vector_store %parallel_loop3A_714[%parallel_loop3A_715], %parallel_loop3A_619 {strides = array<i32>} : memref<16384xf32, #tpu.memory_space<vmem>>, vector<16xf32>,
          %parallel_loop3A_717 = arith.constant 96 : i32
          %parallel_loop3A_718 = arith.addi %parallel_loop3A_629, %parallel_loop3A_717 : i32
          %parallel_loop3A_719 = arith.index_cast %parallel_loop3A_718 : i32 to index
          %parallel_loop3A_720 = tpu.vector_load %arg8[%parallel_loop3A_719] {strides = array<i32>} : memref<32768xf32, #tpu.memory_space<vmem>>, vector<16xf32>,
          %parallel_loop3A_721 = arith.constant 112 : i32
          %parallel_loop3A_722 = arith.addi %parallel_loop3A_627, %parallel_loop3A_721 : i32
          %parallel_loop3A_723 = arith.index_cast %parallel_loop3A_722 : i32 to index
          %parallel_loop3A_724 = tpu.vector_load %arg7[%parallel_loop3A_723] {strides = array<i32>} : memref<32768xf32, #tpu.memory_space<vmem>>, vector<16xf32>,
          %parallel_loop3A_725 = arith.constant 112 : i32
          %parallel_loop3A_726 = arith.addi %parallel_loop3A_625, %parallel_loop3A_725 : i32
          %parallel_loop3A_727 = tpu.memref_slice %run_scoped3A_10[%mul3A_254] : memref<32768xf32, #tpu.memory_space<vmem>> -> memref<16384xf32, #tpu.memory_space<vmem>>
          %parallel_loop3A_728 = arith.index_cast %parallel_loop3A_726 : i32 to index
          %parallel_loop3A_729 = tpu.vector_load %parallel_loop3A_727[%parallel_loop3A_728] {strides = array<i32>} : memref<16384xf32, #tpu.memory_space<vmem>>, vector<16xf32>,
          tpu.vector_store %parallel_loop3A_727[%parallel_loop3A_728], %parallel_loop3A_623 {strides = array<i32>} : memref<16384xf32, #tpu.memory_space<vmem>>, vector<16xf32>,
          %parallel_loop3A_730 = arith.constant 112 : i32
          %parallel_loop3A_731 = arith.addi %parallel_loop3A_629, %parallel_loop3A_730 : i32
          %parallel_loop3A_732 = arith.index_cast %parallel_loop3A_731 : i32 to index
          %parallel_loop3A_733 = tpu.vector_load %arg8[%parallel_loop3A_732] {strides = array<i32>} : memref<32768xf32, #tpu.memory_space<vmem>>, vector<16xf32>,
          %parallel_loop3A_734 = arith.addf %parallel_loop3A_633, %parallel_loop3A_642 : vector<16xf32>
          %parallel_loop3A_735 = arith.constant 0.000000e+00 : f32
          %parallel_loop3A_736 = vector.broadcast %parallel_loop3A_735 : f32 to vector<16xf32>
          %parallel_loop3A_737 = arith.maximumf %parallel_loop3A_734, %parallel_loop3A_736 : vector<16xf32>
          %parallel_loop3A_738 = arith.addf %parallel_loop3A_646, %parallel_loop3A_655 : vector<16xf32>
          %parallel_loop3A_739 = arith.constant 0.000000e+00 : f32
          %parallel_loop3A_740 = vector.broadcast %parallel_loop3A_739 : f32 to vector<16xf32>
          %parallel_loop3A_741 = arith.maximumf %parallel_loop3A_738, %parallel_loop3A_740 : vector<16xf32>
          %parallel_loop3A_742 = arith.addf %parallel_loop3A_659, %parallel_loop3A_668 : vector<16xf32>
          %parallel_loop3A_743 = arith.constant 0.000000e+00 : f32
          %parallel_loop3A_744 = vector.broadcast %parallel_loop3A_743 : f32 to vector<16xf32>
          %parallel_loop3A_745 = arith.maximumf %parallel_loop3A_742, %parallel_loop3A_744 : vector<16xf32>
          %parallel_loop3A_746 = arith.addf %parallel_loop3A_672, %parallel_loop3A_681 : vector<16xf32>
          %parallel_loop3A_747 = arith.constant 0.000000e+00 : f32
          %parallel_loop3A_748 = vector.broadcast %parallel_loop3A_747 : f32 to vector<16xf32>
          %parallel_loop3A_749 = arith.maximumf %parallel_loop3A_746, %parallel_loop3A_748 : vector<16xf32>
          %parallel_loop3A_750 = arith.addf %parallel_loop3A_685, %parallel_loop3A_694 : vector<16xf32>
          %parallel_loop3A_751 = arith.constant 0.000000e+00 : f32
          %parallel_loop3A_752 = vector.broadcast %parallel_loop3A_751 : f32 to vector<16xf32>
          %parallel_loop3A_753 = arith.maximumf %parallel_loop3A_750, %parallel_loop3A_752 : vector<16xf32>
          %parallel_loop3A_754 = arith.addf %parallel_loop3A_698, %parallel_loop3A_707 : vector<16xf32>
          %parallel_loop3A_755 = arith.constant 0.000000e+00 : f32
          %parallel_loop3A_756 = vector.broadcast %parallel_loop3A_755 : f32 to vector<16xf32>
          %parallel_loop3A_757 = arith.maximumf %parallel_loop3A_754, %parallel_loop3A_756 : vector<16xf32>
          %parallel_loop3A_758 = arith.addf %parallel_loop3A_711, %parallel_loop3A_720 : vector<16xf32>
          %parallel_loop3A_759 = arith.constant 0.000000e+00 : f32
          %parallel_loop3A_760 = vector.broadcast %parallel_loop3A_759 : f32 to vector<16xf32>
          %parallel_loop3A_761 = arith.maximumf %parallel_loop3A_758, %parallel_loop3A_760 : vector<16xf32>
          %parallel_loop3A_762 = arith.addf %parallel_loop3A_724, %parallel_loop3A_733 : vector<16xf32>
          %parallel_loop3A_763 = arith.constant 0.000000e+00 : f32
          %parallel_loop3A_764 = vector.broadcast %parallel_loop3A_763 : f32 to vector<16xf32>
          %parallel_loop3A_765 = arith.maximumf %parallel_loop3A_762, %parallel_loop3A_764 : vector<16xf32>
          %parallel_loop3A_766 = arith.constant 256 : i32
          %parallel_loop3A_767 = arith.addi %parallel_loop3A_381, %parallel_loop3A_766 : i32
          %parallel_loop3A_768 = vector.extract_strided_slice %parallel_loop3A_367 {offsets = [3], sizes = [1], strides = [1]} : vector<16xi32> to vector<1xi32>
          %parallel_loop3A_769 = vector.extract %parallel_loop3A_768[0] : i32 from vector<1xi32>
          %parallel_loop3A_770 = vector.extract_strided_slice %parallel_loop3A_377 {offsets = [3], sizes = [1], strides = [1]} : vector<16xi32> to vector<1xi32>
          %parallel_loop3A_771 = vector.extract %parallel_loop3A_770[0] : i32 from vector<1xi32>
          %parallel_loop3A_772 = arith.constant 0 : i32
          %parallel_loop3A_773 = arith.addi %parallel_loop3A_769, %parallel_loop3A_772 : i32
          %parallel_loop3A_774 = arith.index_cast %parallel_loop3A_773 : i32 to index
          %parallel_loop3A_775 = tpu.vector_load %arg7[%parallel_loop3A_774] {strides = array<i32>} : memref<32768xf32, #tpu.memory_space<vmem>>, vector<16xf32>,
          %parallel_loop3A_776 = arith.constant 0 : i32
          %parallel_loop3A_777 = arith.addi %parallel_loop3A_767, %parallel_loop3A_776 : i32
          %parallel_loop3A_778 = tpu.memref_slice %run_scoped3A_10[%mul3A_254] : memref<32768xf32, #tpu.memory_space<vmem>> -> memref<16384xf32, #tpu.memory_space<vmem>>
          %parallel_loop3A_779 = arith.index_cast %parallel_loop3A_777 : i32 to index
          %parallel_loop3A_780 = tpu.vector_load %parallel_loop3A_778[%parallel_loop3A_779] {strides = array<i32>} : memref<16384xf32, #tpu.memory_space<vmem>>, vector<16xf32>,
          tpu.vector_store %parallel_loop3A_778[%parallel_loop3A_779], %parallel_loop3A_737 {strides = array<i32>} : memref<16384xf32, #tpu.memory_space<vmem>>, vector<16xf32>,
          %parallel_loop3A_781 = arith.constant 0 : i32
          %parallel_loop3A_782 = arith.addi %parallel_loop3A_771, %parallel_loop3A_781 : i32
          %parallel_loop3A_783 = arith.index_cast %parallel_loop3A_782 : i32 to index
          %parallel_loop3A_784 = tpu.vector_load %arg8[%parallel_loop3A_783] {strides = array<i32>} : memref<32768xf32, #tpu.memory_space<vmem>>, vector<16xf32>,
          %parallel_loop3A_785 = arith.constant 16 : i32
          %parallel_loop3A_786 = arith.addi %parallel_loop3A_769, %parallel_loop3A_785 : i32
          %parallel_loop3A_787 = arith.index_cast %parallel_loop3A_786 : i32 to index
          %parallel_loop3A_788 = tpu.vector_load %arg7[%parallel_loop3A_787] {strides = array<i32>} : memref<32768xf32, #tpu.memory_space<vmem>>, vector<16xf32>,
          %parallel_loop3A_789 = arith.constant 16 : i32
          %parallel_loop3A_790 = arith.addi %parallel_loop3A_767, %parallel_loop3A_789 : i32
          %parallel_loop3A_791 = tpu.memref_slice %run_scoped3A_10[%mul3A_254] : memref<32768xf32, #tpu.memory_space<vmem>> -> memref<16384xf32, #tpu.memory_space<vmem>>
          %parallel_loop3A_792 = arith.index_cast %parallel_loop3A_790 : i32 to index
          %parallel_loop3A_793 = tpu.vector_load %parallel_loop3A_791[%parallel_loop3A_792] {strides = array<i32>} : memref<16384xf32, #tpu.memory_space<vmem>>, vector<16xf32>,
          tpu.vector_store %parallel_loop3A_791[%parallel_loop3A_792], %parallel_loop3A_741 {strides = array<i32>} : memref<16384xf32, #tpu.memory_space<vmem>>, vector<16xf32>,
          %parallel_loop3A_794 = arith.constant 16 : i32
          %parallel_loop3A_795 = arith.addi %parallel_loop3A_771, %parallel_loop3A_794 : i32
          %parallel_loop3A_796 = arith.index_cast %parallel_loop3A_795 : i32 to index
          %parallel_loop3A_797 = tpu.vector_load %arg8[%parallel_loop3A_796] {strides = array<i32>} : memref<32768xf32, #tpu.memory_space<vmem>>, vector<16xf32>,
          %parallel_loop3A_798 = arith.constant 32 : i32
          %parallel_loop3A_799 = arith.addi %parallel_loop3A_769, %parallel_loop3A_798 : i32
          %parallel_loop3A_800 = arith.index_cast %parallel_loop3A_799 : i32 to index
          %parallel_loop3A_801 = tpu.vector_load %arg7[%parallel_loop3A_800] {strides = array<i32>} : memref<32768xf32, #tpu.memory_space<vmem>>, vector<16xf32>,
          %parallel_loop3A_802 = arith.constant 32 : i32
          %parallel_loop3A_803 = arith.addi %parallel_loop3A_767, %parallel_loop3A_802 : i32
          %parallel_loop3A_804 = tpu.memref_slice %run_scoped3A_10[%mul3A_254] : memref<32768xf32, #tpu.memory_space<vmem>> -> memref<16384xf32, #tpu.memory_space<vmem>>
          %parallel_loop3A_805 = arith.index_cast %parallel_loop3A_803 : i32 to index
          %parallel_loop3A_806 = tpu.vector_load %parallel_loop3A_804[%parallel_loop3A_805] {strides = array<i32>} : memref<16384xf32, #tpu.memory_space<vmem>>, vector<16xf32>,
          tpu.vector_store %parallel_loop3A_804[%parallel_loop3A_805], %parallel_loop3A_745 {strides = array<i32>} : memref<16384xf32, #tpu.memory_space<vmem>>, vector<16xf32>,
          %parallel_loop3A_807 = arith.constant 32 : i32
          %parallel_loop3A_808 = arith.addi %parallel_loop3A_771, %parallel_loop3A_807 : i32
          %parallel_loop3A_809 = arith.index_cast %parallel_loop3A_808 : i32 to index
          %parallel_loop3A_810 = tpu.vector_load %arg8[%parallel_loop3A_809] {strides = array<i32>} : memref<32768xf32, #tpu.memory_space<vmem>>, vector<16xf32>,
          %parallel_loop3A_811 = arith.constant 48 : i32
          %parallel_loop3A_812 = arith.addi %parallel_loop3A_769, %parallel_loop3A_811 : i32
          %parallel_loop3A_813 = arith.index_cast %parallel_loop3A_812 : i32 to index
          %parallel_loop3A_814 = tpu.vector_load %arg7[%parallel_loop3A_813] {strides = array<i32>} : memref<32768xf32, #tpu.memory_space<vmem>>, vector<16xf32>,
          %parallel_loop3A_815 = arith.constant 48 : i32
          %parallel_loop3A_816 = arith.addi %parallel_loop3A_767, %parallel_loop3A_815 : i32
          %parallel_loop3A_817 = tpu.memref_slice %run_scoped3A_10[%mul3A_254] : memref<32768xf32, #tpu.memory_space<vmem>> -> memref<16384xf32, #tpu.memory_space<vmem>>
          %parallel_loop3A_818 = arith.index_cast %parallel_loop3A_816 : i32 to index
          %parallel_loop3A_819 = tpu.vector_load %parallel_loop3A_817[%parallel_loop3A_818] {strides = array<i32>} : memref<16384xf32, #tpu.memory_space<vmem>>, vector<16xf32>,
          tpu.vector_store %parallel_loop3A_817[%parallel_loop3A_818], %parallel_loop3A_749 {strides = array<i32>} : memref<16384xf32, #tpu.memory_space<vmem>>, vector<16xf32>,
          %parallel_loop3A_820 = arith.constant 48 : i32
          %parallel_loop3A_821 = arith.addi %parallel_loop3A_771, %parallel_loop3A_820 : i32
          %parallel_loop3A_822 = arith.index_cast %parallel_loop3A_821 : i32 to index
          %parallel_loop3A_823 = tpu.vector_load %arg8[%parallel_loop3A_822] {strides = array<i32>} : memref<32768xf32, #tpu.memory_space<vmem>>, vector<16xf32>,
          %parallel_loop3A_824 = arith.constant 64 : i32
          %parallel_loop3A_825 = arith.addi %parallel_loop3A_769, %parallel_loop3A_824 : i32
          %parallel_loop3A_826 = arith.index_cast %parallel_loop3A_825 : i32 to index
          %parallel_loop3A_827 = tpu.vector_load %arg7[%parallel_loop3A_826] {strides = array<i32>} : memref<32768xf32, #tpu.memory_space<vmem>>, vector<16xf32>,
          %parallel_loop3A_828 = arith.constant 64 : i32
          %parallel_loop3A_829 = arith.addi %parallel_loop3A_767, %parallel_loop3A_828 : i32
          %parallel_loop3A_830 = tpu.memref_slice %run_scoped3A_10[%mul3A_254] : memref<32768xf32, #tpu.memory_space<vmem>> -> memref<16384xf32, #tpu.memory_space<vmem>>
          %parallel_loop3A_831 = arith.index_cast %parallel_loop3A_829 : i32 to index
          %parallel_loop3A_832 = tpu.vector_load %parallel_loop3A_830[%parallel_loop3A_831] {strides = array<i32>} : memref<16384xf32, #tpu.memory_space<vmem>>, vector<16xf32>,
          tpu.vector_store %parallel_loop3A_830[%parallel_loop3A_831], %parallel_loop3A_753 {strides = array<i32>} : memref<16384xf32, #tpu.memory_space<vmem>>, vector<16xf32>,
          %parallel_loop3A_833 = arith.constant 64 : i32
          %parallel_loop3A_834 = arith.addi %parallel_loop3A_771, %parallel_loop3A_833 : i32
          %parallel_loop3A_835 = arith.index_cast %parallel_loop3A_834 : i32 to index
          %parallel_loop3A_836 = tpu.vector_load %arg8[%parallel_loop3A_835] {strides = array<i32>} : memref<32768xf32, #tpu.memory_space<vmem>>, vector<16xf32>,
          %parallel_loop3A_837 = arith.constant 80 : i32
          %parallel_loop3A_838 = arith.addi %parallel_loop3A_769, %parallel_loop3A_837 : i32
          %parallel_loop3A_839 = arith.index_cast %parallel_loop3A_838 : i32 to index
          %parallel_loop3A_840 = tpu.vector_load %arg7[%parallel_loop3A_839] {strides = array<i32>} : memref<32768xf32, #tpu.memory_space<vmem>>, vector<16xf32>,
          %parallel_loop3A_841 = arith.constant 80 : i32
          %parallel_loop3A_842 = arith.addi %parallel_loop3A_767, %parallel_loop3A_841 : i32
          %parallel_loop3A_843 = tpu.memref_slice %run_scoped3A_10[%mul3A_254] : memref<32768xf32, #tpu.memory_space<vmem>> -> memref<16384xf32, #tpu.memory_space<vmem>>
          %parallel_loop3A_844 = arith.index_cast %parallel_loop3A_842 : i32 to index
          %parallel_loop3A_845 = tpu.vector_load %parallel_loop3A_843[%parallel_loop3A_844] {strides = array<i32>} : memref<16384xf32, #tpu.memory_space<vmem>>, vector<16xf32>,
          tpu.vector_store %parallel_loop3A_843[%parallel_loop3A_844], %parallel_loop3A_757 {strides = array<i32>} : memref<16384xf32, #tpu.memory_space<vmem>>, vector<16xf32>,
          %parallel_loop3A_846 = arith.constant 80 : i32
          %parallel_loop3A_847 = arith.addi %parallel_loop3A_771, %parallel_loop3A_846 : i32
          %parallel_loop3A_848 = arith.index_cast %parallel_loop3A_847 : i32 to index
          %parallel_loop3A_849 = tpu.vector_load %arg8[%parallel_loop3A_848] {strides = array<i32>} : memref<32768xf32, #tpu.memory_space<vmem>>, vector<16xf32>,
          %parallel_loop3A_850 = arith.constant 96 : i32
          %parallel_loop3A_851 = arith.addi %parallel_loop3A_769, %parallel_loop3A_850 : i32
          %parallel_loop3A_852 = arith.index_cast %parallel_loop3A_851 : i32 to index
          %parallel_loop3A_853 = tpu.vector_load %arg7[%parallel_loop3A_852] {strides = array<i32>} : memref<32768xf32, #tpu.memory_space<vmem>>, vector<16xf32>,
          %parallel_loop3A_854 = arith.constant 96 : i32
          %parallel_loop3A_855 = arith.addi %parallel_loop3A_767, %parallel_loop3A_854 : i32
          %parallel_loop3A_856 = tpu.memref_slice %run_scoped3A_10[%mul3A_254] : memref<32768xf32, #tpu.memory_space<vmem>> -> memref<16384xf32, #tpu.memory_space<vmem>>
          %parallel_loop3A_857 = arith.index_cast %parallel_loop3A_855 : i32 to index
          %parallel_loop3A_858 = tpu.vector_load %parallel_loop3A_856[%parallel_loop3A_857] {strides = array<i32>} : memref<16384xf32, #tpu.memory_space<vmem>>, vector<16xf32>,
          tpu.vector_store %parallel_loop3A_856[%parallel_loop3A_857], %parallel_loop3A_761 {strides = array<i32>} : memref<16384xf32, #tpu.memory_space<vmem>>, vector<16xf32>,
          %parallel_loop3A_859 = arith.constant 96 : i32
          %parallel_loop3A_860 = arith.addi %parallel_loop3A_771, %parallel_loop3A_859 : i32
          %parallel_loop3A_861 = arith.index_cast %parallel_loop3A_860 : i32 to index
          %parallel_loop3A_862 = tpu.vector_load %arg8[%parallel_loop3A_861] {strides = array<i32>} : memref<32768xf32, #tpu.memory_space<vmem>>, vector<16xf32>,
          %parallel_loop3A_863 = arith.constant 112 : i32
          %parallel_loop3A_864 = arith.addi %parallel_loop3A_769, %parallel_loop3A_863 : i32
          %parallel_loop3A_865 = arith.index_cast %parallel_loop3A_864 : i32 to index
          %parallel_loop3A_866 = tpu.vector_load %arg7[%parallel_loop3A_865] {strides = array<i32>} : memref<32768xf32, #tpu.memory_space<vmem>>, vector<16xf32>,
          %parallel_loop3A_867 = arith.constant 112 : i32
          %parallel_loop3A_868 = arith.addi %parallel_loop3A_767, %parallel_loop3A_867 : i32
          %parallel_loop3A_869 = tpu.memref_slice %run_scoped3A_10[%mul3A_254] : memref<32768xf32, #tpu.memory_space<vmem>> -> memref<16384xf32, #tpu.memory_space<vmem>>
          %parallel_loop3A_870 = arith.index_cast %parallel_loop3A_868 : i32 to index
          %parallel_loop3A_871 = tpu.vector_load %parallel_loop3A_869[%parallel_loop3A_870] {strides = array<i32>} : memref<16384xf32, #tpu.memory_space<vmem>>, vector<16xf32>,
          tpu.vector_store %parallel_loop3A_869[%parallel_loop3A_870], %parallel_loop3A_765 {strides = array<i32>} : memref<16384xf32, #tpu.memory_space<vmem>>, vector<16xf32>,
          %parallel_loop3A_872 = arith.constant 112 : i32
          %parallel_loop3A_873 = arith.addi %parallel_loop3A_771, %parallel_loop3A_872 : i32
          %parallel_loop3A_874 = arith.index_cast %parallel_loop3A_873 : i32 to index
          %parallel_loop3A_875 = tpu.vector_load %arg8[%parallel_loop3A_874] {strides = array<i32>} : memref<32768xf32, #tpu.memory_space<vmem>>, vector<16xf32>,
          %parallel_loop3A_876 = arith.addf %parallel_loop3A_775, %parallel_loop3A_784 : vector<16xf32>
          %parallel_loop3A_877 = arith.constant 0.000000e+00 : f32
          %parallel_loop3A_878 = vector.broadcast %parallel_loop3A_877 : f32 to vector<16xf32>
          %parallel_loop3A_879 = arith.maximumf %parallel_loop3A_876, %parallel_loop3A_878 : vector<16xf32>
          %parallel_loop3A_880 = arith.addf %parallel_loop3A_788, %parallel_loop3A_797 : vector<16xf32>
          %parallel_loop3A_881 = arith.constant 0.000000e+00 : f32
          %parallel_loop3A_882 = vector.broadcast %parallel_loop3A_881 : f32 to vector<16xf32>
          %parallel_loop3A_883 = arith.maximumf %parallel_loop3A_880, %parallel_loop3A_882 : vector<16xf32>
          %parallel_loop3A_884 = arith.addf %parallel_loop3A_801, %parallel_loop3A_810 : vector<16xf32>
          %parallel_loop3A_885 = arith.constant 0.000000e+00 : f32
          %parallel_loop3A_886 = vector.broadcast %parallel_loop3A_885 : f32 to vector<16xf32>
          %parallel_loop3A_887 = arith.maximumf %parallel_loop3A_884, %parallel_loop3A_886 : vector<16xf32>
          %parallel_loop3A_888 = arith.addf %parallel_loop3A_814, %parallel_loop3A_823 : vector<16xf32>
          %parallel_loop3A_889 = arith.constant 0.000000e+00 : f32
          %parallel_loop3A_890 = vector.broadcast %parallel_loop3A_889 : f32 to vector<16xf32>
          %parallel_loop3A_891 = arith.maximumf %parallel_loop3A_888, %parallel_loop3A_890 : vector<16xf32>
          %parallel_loop3A_892 = arith.addf %parallel_loop3A_827, %parallel_loop3A_836 : vector<16xf32>
          %parallel_loop3A_893 = arith.constant 0.000000e+00 : f32
          %parallel_loop3A_894 = vector.broadcast %parallel_loop3A_893 : f32 to vector<16xf32>
          %parallel_loop3A_895 = arith.maximumf %parallel_loop3A_892, %parallel_loop3A_894 : vector<16xf32>
          %parallel_loop3A_896 = arith.addf %parallel_loop3A_840, %parallel_loop3A_849 : vector<16xf32>
          %parallel_loop3A_897 = arith.constant 0.000000e+00 : f32
          %parallel_loop3A_898 = vector.broadcast %parallel_loop3A_897 : f32 to vector<16xf32>
          %parallel_loop3A_899 = arith.maximumf %parallel_loop3A_896, %parallel_loop3A_898 : vector<16xf32>
          %parallel_loop3A_900 = arith.addf %parallel_loop3A_853, %parallel_loop3A_862 : vector<16xf32>
          %parallel_loop3A_901 = arith.constant 0.000000e+00 : f32
          %parallel_loop3A_902 = vector.broadcast %parallel_loop3A_901 : f32 to vector<16xf32>
          %parallel_loop3A_903 = arith.maximumf %parallel_loop3A_900, %parallel_loop3A_902 : vector<16xf32>
          %parallel_loop3A_904 = arith.addf %parallel_loop3A_866, %parallel_loop3A_875 : vector<16xf32>
          %parallel_loop3A_905 = arith.constant 0.000000e+00 : f32
          %parallel_loop3A_906 = vector.broadcast %parallel_loop3A_905 : f32 to vector<16xf32>
          %parallel_loop3A_907 = arith.maximumf %parallel_loop3A_904, %parallel_loop3A_906 : vector<16xf32>
          %parallel_loop3A_908 = arith.constant 384 : i32
          %parallel_loop3A_909 = arith.addi %parallel_loop3A_381, %parallel_loop3A_908 : i32
          %parallel_loop3A_910 = vector.extract_strided_slice %parallel_loop3A_367 {offsets = [4], sizes = [1], strides = [1]} : vector<16xi32> to vector<1xi32>
          %parallel_loop3A_911 = vector.extract %parallel_loop3A_910[0] : i32 from vector<1xi32>
          %parallel_loop3A_912 = vector.extract_strided_slice %parallel_loop3A_377 {offsets = [4], sizes = [1], strides = [1]} : vector<16xi32> to vector<1xi32>
          %parallel_loop3A_913 = vector.extract %parallel_loop3A_912[0] : i32 from vector<1xi32>
          %parallel_loop3A_914 = arith.constant 0 : i32
          %parallel_loop3A_915 = arith.addi %parallel_loop3A_911, %parallel_loop3A_914 : i32
          %parallel_loop3A_916 = arith.index_cast %parallel_loop3A_915 : i32 to index
          %parallel_loop3A_917 = tpu.vector_load %arg7[%parallel_loop3A_916] {strides = array<i32>} : memref<32768xf32, #tpu.memory_space<vmem>>, vector<16xf32>,
          %parallel_loop3A_918 = arith.constant 0 : i32
          %parallel_loop3A_919 = arith.addi %parallel_loop3A_909, %parallel_loop3A_918 : i32
          %parallel_loop3A_920 = tpu.memref_slice %run_scoped3A_10[%mul3A_254] : memref<32768xf32, #tpu.memory_space<vmem>> -> memref<16384xf32, #tpu.memory_space<vmem>>
          %parallel_loop3A_921 = arith.index_cast %parallel_loop3A_919 : i32 to index
          %parallel_loop3A_922 = tpu.vector_load %parallel_loop3A_920[%parallel_loop3A_921] {strides = array<i32>} : memref<16384xf32, #tpu.memory_space<vmem>>, vector<16xf32>,
          tpu.vector_store %parallel_loop3A_920[%parallel_loop3A_921], %parallel_loop3A_879 {strides = array<i32>} : memref<16384xf32, #tpu.memory_space<vmem>>, vector<16xf32>,
          %parallel_loop3A_923 = arith.constant 0 : i32
          %parallel_loop3A_924 = arith.addi %parallel_loop3A_913, %parallel_loop3A_923 : i32
          %parallel_loop3A_925 = arith.index_cast %parallel_loop3A_924 : i32 to index
          %parallel_loop3A_926 = tpu.vector_load %arg8[%parallel_loop3A_925] {strides = array<i32>} : memref<32768xf32, #tpu.memory_space<vmem>>, vector<16xf32>,
          %parallel_loop3A_927 = arith.constant 16 : i32
          %parallel_loop3A_928 = arith.addi %parallel_loop3A_911, %parallel_loop3A_927 : i32
          %parallel_loop3A_929 = arith.index_cast %parallel_loop3A_928 : i32 to index
          %parallel_loop3A_930 = tpu.vector_load %arg7[%parallel_loop3A_929] {strides = array<i32>} : memref<32768xf32, #tpu.memory_space<vmem>>, vector<16xf32>,
          %parallel_loop3A_931 = arith.constant 16 : i32
          %parallel_loop3A_932 = arith.addi %parallel_loop3A_909, %parallel_loop3A_931 : i32
          %parallel_loop3A_933 = tpu.memref_slice %run_scoped3A_10[%mul3A_254] : memref<32768xf32, #tpu.memory_space<vmem>> -> memref<16384xf32, #tpu.memory_space<vmem>>
          %parallel_loop3A_934 = arith.index_cast %parallel_loop3A_932 : i32 to index
          %parallel_loop3A_935 = tpu.vector_load %parallel_loop3A_933[%parallel_loop3A_934] {strides = array<i32>} : memref<16384xf32, #tpu.memory_space<vmem>>, vector<16xf32>,
          tpu.vector_store %parallel_loop3A_933[%parallel_loop3A_934], %parallel_loop3A_883 {strides = array<i32>} : memref<16384xf32, #tpu.memory_space<vmem>>, vector<16xf32>,
          %parallel_loop3A_936 = arith.constant 16 : i32
          %parallel_loop3A_937 = arith.addi %parallel_loop3A_913, %parallel_loop3A_936 : i32
          %parallel_loop3A_938 = arith.index_cast %parallel_loop3A_937 : i32 to index
          %parallel_loop3A_939 = tpu.vector_load %arg8[%parallel_loop3A_938] {strides = array<i32>} : memref<32768xf32, #tpu.memory_space<vmem>>, vector<16xf32>,
          %parallel_loop3A_940 = arith.constant 32 : i32
          %parallel_loop3A_941 = arith.addi %parallel_loop3A_911, %parallel_loop3A_940 : i32
          %parallel_loop3A_942 = arith.index_cast %parallel_loop3A_941 : i32 to index
          %parallel_loop3A_943 = tpu.vector_load %arg7[%parallel_loop3A_942] {strides = array<i32>} : memref<32768xf32, #tpu.memory_space<vmem>>, vector<16xf32>,
          %parallel_loop3A_944 = arith.constant 32 : i32
          %parallel_loop3A_945 = arith.addi %parallel_loop3A_909, %parallel_loop3A_944 : i32
          %parallel_loop3A_946 = tpu.memref_slice %run_scoped3A_10[%mul3A_254] : memref<32768xf32, #tpu.memory_space<vmem>> -> memref<16384xf32, #tpu.memory_space<vmem>>
          %parallel_loop3A_947 = arith.index_cast %parallel_loop3A_945 : i32 to index
          %parallel_loop3A_948 = tpu.vector_load %parallel_loop3A_946[%parallel_loop3A_947] {strides = array<i32>} : memref<16384xf32, #tpu.memory_space<vmem>>, vector<16xf32>,
          tpu.vector_store %parallel_loop3A_946[%parallel_loop3A_947], %parallel_loop3A_887 {strides = array<i32>} : memref<16384xf32, #tpu.memory_space<vmem>>, vector<16xf32>,
          %parallel_loop3A_949 = arith.constant 32 : i32
          %parallel_loop3A_950 = arith.addi %parallel_loop3A_913, %parallel_loop3A_949 : i32
          %parallel_loop3A_951 = arith.index_cast %parallel_loop3A_950 : i32 to index
          %parallel_loop3A_952 = tpu.vector_load %arg8[%parallel_loop3A_951] {strides = array<i32>} : memref<32768xf32, #tpu.memory_space<vmem>>, vector<16xf32>,
          %parallel_loop3A_953 = arith.constant 48 : i32
          %parallel_loop3A_954 = arith.addi %parallel_loop3A_911, %parallel_loop3A_953 : i32
          %parallel_loop3A_955 = arith.index_cast %parallel_loop3A_954 : i32 to index
          %parallel_loop3A_956 = tpu.vector_load %arg7[%parallel_loop3A_955] {strides = array<i32>} : memref<32768xf32, #tpu.memory_space<vmem>>, vector<16xf32>,
          %parallel_loop3A_957 = arith.constant 48 : i32
          %parallel_loop3A_958 = arith.addi %parallel_loop3A_909, %parallel_loop3A_957 : i32
          %parallel_loop3A_959 = tpu.memref_slice %run_scoped3A_10[%mul3A_254] : memref<32768xf32, #tpu.memory_space<vmem>> -> memref<16384xf32, #tpu.memory_space<vmem>>
          %parallel_loop3A_960 = arith.index_cast %parallel_loop3A_958 : i32 to index
          %parallel_loop3A_961 = tpu.vector_load %parallel_loop3A_959[%parallel_loop3A_960] {strides = array<i32>} : memref<16384xf32, #tpu.memory_space<vmem>>, vector<16xf32>,
          tpu.vector_store %parallel_loop3A_959[%parallel_loop3A_960], %parallel_loop3A_891 {strides = array<i32>} : memref<16384xf32, #tpu.memory_space<vmem>>, vector<16xf32>,
          %parallel_loop3A_962 = arith.constant 48 : i32
          %parallel_loop3A_963 = arith.addi %parallel_loop3A_913, %parallel_loop3A_962 : i32
          %parallel_loop3A_964 = arith.index_cast %parallel_loop3A_963 : i32 to index
          %parallel_loop3A_965 = tpu.vector_load %arg8[%parallel_loop3A_964] {strides = array<i32>} : memref<32768xf32, #tpu.memory_space<vmem>>, vector<16xf32>,
          %parallel_loop3A_966 = arith.constant 64 : i32
          %parallel_loop3A_967 = arith.addi %parallel_loop3A_911, %parallel_loop3A_966 : i32
          %parallel_loop3A_968 = arith.index_cast %parallel_loop3A_967 : i32 to index
          %parallel_loop3A_969 = tpu.vector_load %arg7[%parallel_loop3A_968] {strides = array<i32>} : memref<32768xf32, #tpu.memory_space<vmem>>, vector<16xf32>,
          %parallel_loop3A_970 = arith.constant 64 : i32
          %parallel_loop3A_971 = arith.addi %parallel_loop3A_909, %parallel_loop3A_970 : i32
          %parallel_loop3A_972 = tpu.memref_slice %run_scoped3A_10[%mul3A_254] : memref<32768xf32, #tpu.memory_space<vmem>> -> memref<16384xf32, #tpu.memory_space<vmem>>
          %parallel_loop3A_973 = arith.index_cast %parallel_loop3A_971 : i32 to index
          %parallel_loop3A_974 = tpu.vector_load %parallel_loop3A_972[%parallel_loop3A_973] {strides = array<i32>} : memref<16384xf32, #tpu.memory_space<vmem>>, vector<16xf32>,
          tpu.vector_store %parallel_loop3A_972[%parallel_loop3A_973], %parallel_loop3A_895 {strides = array<i32>} : memref<16384xf32, #tpu.memory_space<vmem>>, vector<16xf32>,
          %parallel_loop3A_975 = arith.constant 64 : i32
          %parallel_loop3A_976 = arith.addi %parallel_loop3A_913, %parallel_loop3A_975 : i32
          %parallel_loop3A_977 = arith.index_cast %parallel_loop3A_976 : i32 to index
          %parallel_loop3A_978 = tpu.vector_load %arg8[%parallel_loop3A_977] {strides = array<i32>} : memref<32768xf32, #tpu.memory_space<vmem>>, vector<16xf32>,
          %parallel_loop3A_979 = arith.constant 80 : i32
          %parallel_loop3A_980 = arith.addi %parallel_loop3A_911, %parallel_loop3A_979 : i32
          %parallel_loop3A_981 = arith.index_cast %parallel_loop3A_980 : i32 to index
          %parallel_loop3A_982 = tpu.vector_load %arg7[%parallel_loop3A_981] {strides = array<i32>} : memref<32768xf32, #tpu.memory_space<vmem>>, vector<16xf32>,
          %parallel_loop3A_983 = arith.constant 80 : i32
          %parallel_loop3A_984 = arith.addi %parallel_loop3A_909, %parallel_loop3A_983 : i32
          %parallel_loop3A_985 = tpu.memref_slice %run_scoped3A_10[%mul3A_254] : memref<32768xf32, #tpu.memory_space<vmem>> -> memref<16384xf32, #tpu.memory_space<vmem>>
          %parallel_loop3A_986 = arith.index_cast %parallel_loop3A_984 : i32 to index
          %parallel_loop3A_987 = tpu.vector_load %parallel_loop3A_985[%parallel_loop3A_986] {strides = array<i32>} : memref<16384xf32, #tpu.memory_space<vmem>>, vector<16xf32>,
          tpu.vector_store %parallel_loop3A_985[%parallel_loop3A_986], %parallel_loop3A_899 {strides = array<i32>} : memref<16384xf32, #tpu.memory_space<vmem>>, vector<16xf32>,
          %parallel_loop3A_988 = arith.constant 80 : i32
          %parallel_loop3A_989 = arith.addi %parallel_loop3A_913, %parallel_loop3A_988 : i32
          %parallel_loop3A_990 = arith.index_cast %parallel_loop3A_989 : i32 to index
          %parallel_loop3A_991 = tpu.vector_load %arg8[%parallel_loop3A_990] {strides = array<i32>} : memref<32768xf32, #tpu.memory_space<vmem>>, vector<16xf32>,
          %parallel_loop3A_992 = arith.constant 96 : i32
          %parallel_loop3A_993 = arith.addi %parallel_loop3A_911, %parallel_loop3A_992 : i32
          %parallel_loop3A_994 = arith.index_cast %parallel_loop3A_993 : i32 to index
          %parallel_loop3A_995 = tpu.vector_load %arg7[%parallel_loop3A_994] {strides = array<i32>} : memref<32768xf32, #tpu.memory_space<vmem>>, vector<16xf32>,
          %parallel_loop3A_996 = arith.constant 96 : i32
          %parallel_loop3A_997 = arith.addi %parallel_loop3A_909, %parallel_loop3A_996 : i32
          %parallel_loop3A_998 = tpu.memref_slice %run_scoped3A_10[%mul3A_254] : memref<32768xf32, #tpu.memory_space<vmem>> -> memref<16384xf32, #tpu.memory_space<vmem>>
          %parallel_loop3A_999 = arith.index_cast %parallel_loop3A_997 : i32 to index
          %parallel_loop3A_1000 = tpu.vector_load %parallel_loop3A_998[%parallel_loop3A_999] {strides = array<i32>} : memref<16384xf32, #tpu.memory_space<vmem>>, vector<16xf32>,
          tpu.vector_store %parallel_loop3A_998[%parallel_loop3A_999], %parallel_loop3A_903 {strides = array<i32>} : memref<16384xf32, #tpu.memory_space<vmem>>, vector<16xf32>,
          %parallel_loop3A_1001 = arith.constant 96 : i32
          %parallel_loop3A_1002 = arith.addi %parallel_loop3A_913, %parallel_loop3A_1001 : i32
          %parallel_loop3A_1003 = arith.index_cast %parallel_loop3A_1002 : i32 to index
          %parallel_loop3A_1004 = tpu.vector_load %arg8[%parallel_loop3A_1003] {strides = array<i32>} : memref<32768xf32, #tpu.memory_space<vmem>>, vector<16xf32>,
          %parallel_loop3A_1005 = arith.constant 112 : i32
          %parallel_loop3A_1006 = arith.addi %parallel_loop3A_911, %parallel_loop3A_1005 : i32
          %parallel_loop3A_1007 = arith.index_cast %parallel_loop3A_1006 : i32 to index
          %parallel_loop3A_1008 = tpu.vector_load %arg7[%parallel_loop3A_1007] {strides = array<i32>} : memref<32768xf32, #tpu.memory_space<vmem>>, vector<16xf32>,
          %parallel_loop3A_1009 = arith.constant 112 : i32
          %parallel_loop3A_1010 = arith.addi %parallel_loop3A_909, %parallel_loop3A_1009 : i32
          %parallel_loop3A_1011 = tpu.memref_slice %run_scoped3A_10[%mul3A_254] : memref<32768xf32, #tpu.memory_space<vmem>> -> memref<16384xf32, #tpu.memory_space<vmem>>
          %parallel_loop3A_1012 = arith.index_cast %parallel_loop3A_1010 : i32 to index
          %parallel_loop3A_1013 = tpu.vector_load %parallel_loop3A_1011[%parallel_loop3A_1012] {strides = array<i32>} : memref<16384xf32, #tpu.memory_space<vmem>>, vector<16xf32>,
          tpu.vector_store %parallel_loop3A_1011[%parallel_loop3A_1012], %parallel_loop3A_907 {strides = array<i32>} : memref<16384xf32, #tpu.memory_space<vmem>>, vector<16xf32>,
          %parallel_loop3A_1014 = arith.constant 112 : i32
          %parallel_loop3A_1015 = arith.addi %parallel_loop3A_913, %parallel_loop3A_1014 : i32
          %parallel_loop3A_1016 = arith.index_cast %parallel_loop3A_1015 : i32 to index
          %parallel_loop3A_1017 = tpu.vector_load %arg8[%parallel_loop3A_1016] {strides = array<i32>} : memref<32768xf32, #tpu.memory_space<vmem>>, vector<16xf32>,
          %parallel_loop3A_1018 = arith.addf %parallel_loop3A_917, %parallel_loop3A_926 : vector<16xf32>
          %parallel_loop3A_1019 = arith.constant 0.000000e+00 : f32
          %parallel_loop3A_1020 = vector.broadcast %parallel_loop3A_1019 : f32 to vector<16xf32>
          %parallel_loop3A_1021 = arith.maximumf %parallel_loop3A_1018, %parallel_loop3A_1020 : vector<16xf32>
          %parallel_loop3A_1022 = arith.addf %parallel_loop3A_930, %parallel_loop3A_939 : vector<16xf32>
          %parallel_loop3A_1023 = arith.constant 0.000000e+00 : f32
          %parallel_loop3A_1024 = vector.broadcast %parallel_loop3A_1023 : f32 to vector<16xf32>
          %parallel_loop3A_1025 = arith.maximumf %parallel_loop3A_1022, %parallel_loop3A_1024 : vector<16xf32>
          %parallel_loop3A_1026 = arith.addf %parallel_loop3A_943, %parallel_loop3A_952 : vector<16xf32>
          %parallel_loop3A_1027 = arith.constant 0.000000e+00 : f32
          %parallel_loop3A_1028 = vector.broadcast %parallel_loop3A_1027 : f32 to vector<16xf32>
          %parallel_loop3A_1029 = arith.maximumf %parallel_loop3A_1026, %parallel_loop3A_1028 : vector<16xf32>
          %parallel_loop3A_1030 = arith.addf %parallel_loop3A_956, %parallel_loop3A_965 : vector<16xf32>
          %parallel_loop3A_1031 = arith.constant 0.000000e+00 : f32
          %parallel_loop3A_1032 = vector.broadcast %parallel_loop3A_1031 : f32 to vector<16xf32>
          %parallel_loop3A_1033 = arith.maximumf %parallel_loop3A_1030, %parallel_loop3A_1032 : vector<16xf32>
          %parallel_loop3A_1034 = arith.addf %parallel_loop3A_969, %parallel_loop3A_978 : vector<16xf32>
          %parallel_loop3A_1035 = arith.constant 0.000000e+00 : f32
          %parallel_loop3A_1036 = vector.broadcast %parallel_loop3A_1035 : f32 to vector<16xf32>
          %parallel_loop3A_1037 = arith.maximumf %parallel_loop3A_1034, %parallel_loop3A_1036 : vector<16xf32>
          %parallel_loop3A_1038 = arith.addf %parallel_loop3A_982, %parallel_loop3A_991 : vector<16xf32>
          %parallel_loop3A_1039 = arith.constant 0.000000e+00 : f32
          %parallel_loop3A_1040 = vector.broadcast %parallel_loop3A_1039 : f32 to vector<16xf32>
          %parallel_loop3A_1041 = arith.maximumf %parallel_loop3A_1038, %parallel_loop3A_1040 : vector<16xf32>
          %parallel_loop3A_1042 = arith.addf %parallel_loop3A_995, %parallel_loop3A_1004 : vector<16xf32>
          %parallel_loop3A_1043 = arith.constant 0.000000e+00 : f32
          %parallel_loop3A_1044 = vector.broadcast %parallel_loop3A_1043 : f32 to vector<16xf32>
          %parallel_loop3A_1045 = arith.maximumf %parallel_loop3A_1042, %parallel_loop3A_1044 : vector<16xf32>
          %parallel_loop3A_1046 = arith.addf %parallel_loop3A_1008, %parallel_loop3A_1017 : vector<16xf32>
          %parallel_loop3A_1047 = arith.constant 0.000000e+00 : f32
          %parallel_loop3A_1048 = vector.broadcast %parallel_loop3A_1047 : f32 to vector<16xf32>
          %parallel_loop3A_1049 = arith.maximumf %parallel_loop3A_1046, %parallel_loop3A_1048 : vector<16xf32>
          %parallel_loop3A_1050 = arith.constant 512 : i32
          %parallel_loop3A_1051 = arith.addi %parallel_loop3A_381, %parallel_loop3A_1050 : i32
          %parallel_loop3A_1052 = vector.extract_strided_slice %parallel_loop3A_367 {offsets = [5], sizes = [1], strides = [1]} : vector<16xi32> to vector<1xi32>
          %parallel_loop3A_1053 = vector.extract %parallel_loop3A_1052[0] : i32 from vector<1xi32>
          %parallel_loop3A_1054 = vector.extract_strided_slice %parallel_loop3A_377 {offsets = [5], sizes = [1], strides = [1]} : vector<16xi32> to vector<1xi32>
          %parallel_loop3A_1055 = vector.extract %parallel_loop3A_1054[0] : i32 from vector<1xi32>
          %parallel_loop3A_1056 = arith.constant 0 : i32
          %parallel_loop3A_1057 = arith.addi %parallel_loop3A_1053, %parallel_loop3A_1056 : i32
          %parallel_loop3A_1058 = arith.index_cast %parallel_loop3A_1057 : i32 to index
          %parallel_loop3A_1059 = tpu.vector_load %arg7[%parallel_loop3A_1058] {strides = array<i32>} : memref<32768xf32, #tpu.memory_space<vmem>>, vector<16xf32>,
          %parallel_loop3A_1060 = arith.constant 0 : i32
          %parallel_loop3A_1061 = arith.addi %parallel_loop3A_1051, %parallel_loop3A_1060 : i32
          %parallel_loop3A_1062 = tpu.memref_slice %run_scoped3A_10[%mul3A_254] : memref<32768xf32, #tpu.memory_space<vmem>> -> memref<16384xf32, #tpu.memory_space<vmem>>
          %parallel_loop3A_1063 = arith.index_cast %parallel_loop3A_1061 : i32 to index
          %parallel_loop3A_1064 = tpu.vector_load %parallel_loop3A_1062[%parallel_loop3A_1063] {strides = array<i32>} : memref<16384xf32, #tpu.memory_space<vmem>>, vector<16xf32>,
          tpu.vector_store %parallel_loop3A_1062[%parallel_loop3A_1063], %parallel_loop3A_1021 {strides = array<i32>} : memref<16384xf32, #tpu.memory_space<vmem>>, vector<16xf32>,
          %parallel_loop3A_1065 = arith.constant 0 : i32
          %parallel_loop3A_1066 = arith.addi %parallel_loop3A_1055, %parallel_loop3A_1065 : i32
          %parallel_loop3A_1067 = arith.index_cast %parallel_loop3A_1066 : i32 to index
          %parallel_loop3A_1068 = tpu.vector_load %arg8[%parallel_loop3A_1067] {strides = array<i32>} : memref<32768xf32, #tpu.memory_space<vmem>>, vector<16xf32>,
          %parallel_loop3A_1069 = arith.constant 16 : i32
          %parallel_loop3A_1070 = arith.addi %parallel_loop3A_1053, %parallel_loop3A_1069 : i32
          %parallel_loop3A_1071 = arith.index_cast %parallel_loop3A_1070 : i32 to index
          %parallel_loop3A_1072 = tpu.vector_load %arg7[%parallel_loop3A_1071] {strides = array<i32>} : memref<32768xf32, #tpu.memory_space<vmem>>, vector<16xf32>,
          %parallel_loop3A_1073 = arith.constant 16 : i32
          %parallel_loop3A_1074 = arith.addi %parallel_loop3A_1051, %parallel_loop3A_1073 : i32
          %parallel_loop3A_1075 = tpu.memref_slice %run_scoped3A_10[%mul3A_254] : memref<32768xf32, #tpu.memory_space<vmem>> -> memref<16384xf32, #tpu.memory_space<vmem>>
          %parallel_loop3A_1076 = arith.index_cast %parallel_loop3A_1074 : i32 to index
          %parallel_loop3A_1077 = tpu.vector_load %parallel_loop3A_1075[%parallel_loop3A_1076] {strides = array<i32>} : memref<16384xf32, #tpu.memory_space<vmem>>, vector<16xf32>,
          tpu.vector_store %parallel_loop3A_1075[%parallel_loop3A_1076], %parallel_loop3A_1025 {strides = array<i32>} : memref<16384xf32, #tpu.memory_space<vmem>>, vector<16xf32>,
          %parallel_loop3A_1078 = arith.constant 16 : i32
          %parallel_loop3A_1079 = arith.addi %parallel_loop3A_1055, %parallel_loop3A_1078 : i32
          %parallel_loop3A_1080 = arith.index_cast %parallel_loop3A_1079 : i32 to index
          %parallel_loop3A_1081 = tpu.vector_load %arg8[%parallel_loop3A_1080] {strides = array<i32>} : memref<32768xf32, #tpu.memory_space<vmem>>, vector<16xf32>,
          %parallel_loop3A_1082 = arith.constant 32 : i32
          %parallel_loop3A_1083 = arith.addi %parallel_loop3A_1053, %parallel_loop3A_1082 : i32
          %parallel_loop3A_1084 = arith.index_cast %parallel_loop3A_1083 : i32 to index
          %parallel_loop3A_1085 = tpu.vector_load %arg7[%parallel_loop3A_1084] {strides = array<i32>} : memref<32768xf32, #tpu.memory_space<vmem>>, vector<16xf32>,
          %parallel_loop3A_1086 = arith.constant 32 : i32
          %parallel_loop3A_1087 = arith.addi %parallel_loop3A_1051, %parallel_loop3A_1086 : i32
          %parallel_loop3A_1088 = tpu.memref_slice %run_scoped3A_10[%mul3A_254] : memref<32768xf32, #tpu.memory_space<vmem>> -> memref<16384xf32, #tpu.memory_space<vmem>>
          %parallel_loop3A_1089 = arith.index_cast %parallel_loop3A_1087 : i32 to index
          %parallel_loop3A_1090 = tpu.vector_load %parallel_loop3A_1088[%parallel_loop3A_1089] {strides = array<i32>} : memref<16384xf32, #tpu.memory_space<vmem>>, vector<16xf32>,
          tpu.vector_store %parallel_loop3A_1088[%parallel_loop3A_1089], %parallel_loop3A_1029 {strides = array<i32>} : memref<16384xf32, #tpu.memory_space<vmem>>, vector<16xf32>,
          %parallel_loop3A_1091 = arith.constant 32 : i32
          %parallel_loop3A_1092 = arith.addi %parallel_loop3A_1055, %parallel_loop3A_1091 : i32
          %parallel_loop3A_1093 = arith.index_cast %parallel_loop3A_1092 : i32 to index
          %parallel_loop3A_1094 = tpu.vector_load %arg8[%parallel_loop3A_1093] {strides = array<i32>} : memref<32768xf32, #tpu.memory_space<vmem>>, vector<16xf32>,
          %parallel_loop3A_1095 = arith.constant 48 : i32
          %parallel_loop3A_1096 = arith.addi %parallel_loop3A_1053, %parallel_loop3A_1095 : i32
          %parallel_loop3A_1097 = arith.index_cast %parallel_loop3A_1096 : i32 to index
          %parallel_loop3A_1098 = tpu.vector_load %arg7[%parallel_loop3A_1097] {strides = array<i32>} : memref<32768xf32, #tpu.memory_space<vmem>>, vector<16xf32>,
          %parallel_loop3A_1099 = arith.constant 48 : i32
          %parallel_loop3A_1100 = arith.addi %parallel_loop3A_1051, %parallel_loop3A_1099 : i32
          %parallel_loop3A_1101 = tpu.memref_slice %run_scoped3A_10[%mul3A_254] : memref<32768xf32, #tpu.memory_space<vmem>> -> memref<16384xf32, #tpu.memory_space<vmem>>
          %parallel_loop3A_1102 = arith.index_cast %parallel_loop3A_1100 : i32 to index
          %parallel_loop3A_1103 = tpu.vector_load %parallel_loop3A_1101[%parallel_loop3A_1102] {strides = array<i32>} : memref<16384xf32, #tpu.memory_space<vmem>>, vector<16xf32>,
          tpu.vector_store %parallel_loop3A_1101[%parallel_loop3A_1102], %parallel_loop3A_1033 {strides = array<i32>} : memref<16384xf32, #tpu.memory_space<vmem>>, vector<16xf32>,
          %parallel_loop3A_1104 = arith.constant 48 : i32
          %parallel_loop3A_1105 = arith.addi %parallel_loop3A_1055, %parallel_loop3A_1104 : i32
          %parallel_loop3A_1106 = arith.index_cast %parallel_loop3A_1105 : i32 to index
          %parallel_loop3A_1107 = tpu.vector_load %arg8[%parallel_loop3A_1106] {strides = array<i32>} : memref<32768xf32, #tpu.memory_space<vmem>>, vector<16xf32>,
          %parallel_loop3A_1108 = arith.constant 64 : i32
          %parallel_loop3A_1109 = arith.addi %parallel_loop3A_1053, %parallel_loop3A_1108 : i32
          %parallel_loop3A_1110 = arith.index_cast %parallel_loop3A_1109 : i32 to index
          %parallel_loop3A_1111 = tpu.vector_load %arg7[%parallel_loop3A_1110] {strides = array<i32>} : memref<32768xf32, #tpu.memory_space<vmem>>, vector<16xf32>,
          %parallel_loop3A_1112 = arith.constant 64 : i32
          %parallel_loop3A_1113 = arith.addi %parallel_loop3A_1051, %parallel_loop3A_1112 : i32
          %parallel_loop3A_1114 = tpu.memref_slice %run_scoped3A_10[%mul3A_254] : memref<32768xf32, #tpu.memory_space<vmem>> -> memref<16384xf32, #tpu.memory_space<vmem>>
          %parallel_loop3A_1115 = arith.index_cast %parallel_loop3A_1113 : i32 to index
          %parallel_loop3A_1116 = tpu.vector_load %parallel_loop3A_1114[%parallel_loop3A_1115] {strides = array<i32>} : memref<16384xf32, #tpu.memory_space<vmem>>, vector<16xf32>,
          tpu.vector_store %parallel_loop3A_1114[%parallel_loop3A_1115], %parallel_loop3A_1037 {strides = array<i32>} : memref<16384xf32, #tpu.memory_space<vmem>>, vector<16xf32>,
          %parallel_loop3A_1117 = arith.constant 64 : i32
          %parallel_loop3A_1118 = arith.addi %parallel_loop3A_1055, %parallel_loop3A_1117 : i32
          %parallel_loop3A_1119 = arith.index_cast %parallel_loop3A_1118 : i32 to index
          %parallel_loop3A_1120 = tpu.vector_load %arg8[%parallel_loop3A_1119] {strides = array<i32>} : memref<32768xf32, #tpu.memory_space<vmem>>, vector<16xf32>,
          %parallel_loop3A_1121 = arith.constant 80 : i32
          %parallel_loop3A_1122 = arith.addi %parallel_loop3A_1053, %parallel_loop3A_1121 : i32
          %parallel_loop3A_1123 = arith.index_cast %parallel_loop3A_1122 : i32 to index
          %parallel_loop3A_1124 = tpu.vector_load %arg7[%parallel_loop3A_1123] {strides = array<i32>} : memref<32768xf32, #tpu.memory_space<vmem>>, vector<16xf32>,
          %parallel_loop3A_1125 = arith.constant 80 : i32
          %parallel_loop3A_1126 = arith.addi %parallel_loop3A_1051, %parallel_loop3A_1125 : i32
          %parallel_loop3A_1127 = tpu.memref_slice %run_scoped3A_10[%mul3A_254] : memref<32768xf32, #tpu.memory_space<vmem>> -> memref<16384xf32, #tpu.memory_space<vmem>>
          %parallel_loop3A_1128 = arith.index_cast %parallel_loop3A_1126 : i32 to index
          %parallel_loop3A_1129 = tpu.vector_load %parallel_loop3A_1127[%parallel_loop3A_1128] {strides = array<i32>} : memref<16384xf32, #tpu.memory_space<vmem>>, vector<16xf32>,
          tpu.vector_store %parallel_loop3A_1127[%parallel_loop3A_1128], %parallel_loop3A_1041 {strides = array<i32>} : memref<16384xf32, #tpu.memory_space<vmem>>, vector<16xf32>,
          %parallel_loop3A_1130 = arith.constant 80 : i32
          %parallel_loop3A_1131 = arith.addi %parallel_loop3A_1055, %parallel_loop3A_1130 : i32
          %parallel_loop3A_1132 = arith.index_cast %parallel_loop3A_1131 : i32 to index
          %parallel_loop3A_1133 = tpu.vector_load %arg8[%parallel_loop3A_1132] {strides = array<i32>} : memref<32768xf32, #tpu.memory_space<vmem>>, vector<16xf32>,
          %parallel_loop3A_1134 = arith.constant 96 : i32
          %parallel_loop3A_1135 = arith.addi %parallel_loop3A_1053, %parallel_loop3A_1134 : i32
          %parallel_loop3A_1136 = arith.index_cast %parallel_loop3A_1135 : i32 to index
          %parallel_loop3A_1137 = tpu.vector_load %arg7[%parallel_loop3A_1136] {strides = array<i32>} : memref<32768xf32, #tpu.memory_space<vmem>>, vector<16xf32>,
          %parallel_loop3A_1138 = arith.constant 96 : i32
          %parallel_loop3A_1139 = arith.addi %parallel_loop3A_1051, %parallel_loop3A_1138 : i32
          %parallel_loop3A_1140 = tpu.memref_slice %run_scoped3A_10[%mul3A_254] : memref<32768xf32, #tpu.memory_space<vmem>> -> memref<16384xf32, #tpu.memory_space<vmem>>
          %parallel_loop3A_1141 = arith.index_cast %parallel_loop3A_1139 : i32 to index
          %parallel_loop3A_1142 = tpu.vector_load %parallel_loop3A_1140[%parallel_loop3A_1141] {strides = array<i32>} : memref<16384xf32, #tpu.memory_space<vmem>>, vector<16xf32>,
          tpu.vector_store %parallel_loop3A_1140[%parallel_loop3A_1141], %parallel_loop3A_1045 {strides = array<i32>} : memref<16384xf32, #tpu.memory_space<vmem>>, vector<16xf32>,
          %parallel_loop3A_1143 = arith.constant 96 : i32
          %parallel_loop3A_1144 = arith.addi %parallel_loop3A_1055, %parallel_loop3A_1143 : i32
          %parallel_loop3A_1145 = arith.index_cast %parallel_loop3A_1144 : i32 to index
          %parallel_loop3A_1146 = tpu.vector_load %arg8[%parallel_loop3A_1145] {strides = array<i32>} : memref<32768xf32, #tpu.memory_space<vmem>>, vector<16xf32>,
          %parallel_loop3A_1147 = arith.constant 112 : i32
          %parallel_loop3A_1148 = arith.addi %parallel_loop3A_1053, %parallel_loop3A_1147 : i32
          %parallel_loop3A_1149 = arith.index_cast %parallel_loop3A_1148 : i32 to index
          %parallel_loop3A_1150 = tpu.vector_load %arg7[%parallel_loop3A_1149] {strides = array<i32>} : memref<32768xf32, #tpu.memory_space<vmem>>, vector<16xf32>,
          %parallel_loop3A_1151 = arith.constant 112 : i32
          %parallel_loop3A_1152 = arith.addi %parallel_loop3A_1051, %parallel_loop3A_1151 : i32
          %parallel_loop3A_1153 = tpu.memref_slice %run_scoped3A_10[%mul3A_254] : memref<32768xf32, #tpu.memory_space<vmem>> -> memref<16384xf32, #tpu.memory_space<vmem>>
          %parallel_loop3A_1154 = arith.index_cast %parallel_loop3A_1152 : i32 to index
          %parallel_loop3A_1155 = tpu.vector_load %parallel_loop3A_1153[%parallel_loop3A_1154] {strides = array<i32>} : memref<16384xf32, #tpu.memory_space<vmem>>, vector<16xf32>,
          tpu.vector_store %parallel_loop3A_1153[%parallel_loop3A_1154], %parallel_loop3A_1049 {strides = array<i32>} : memref<16384xf32, #tpu.memory_space<vmem>>, vector<16xf32>,
          %parallel_loop3A_1156 = arith.constant 112 : i32
          %parallel_loop3A_1157 = arith.addi %parallel_loop3A_1055, %parallel_loop3A_1156 : i32
          %parallel_loop3A_1158 = arith.index_cast %parallel_loop3A_1157 : i32 to index
          %parallel_loop3A_1159 = tpu.vector_load %arg8[%parallel_loop3A_1158] {strides = array<i32>} : memref<32768xf32, #tpu.memory_space<vmem>>, vector<16xf32>,
          %parallel_loop3A_1160 = arith.addf %parallel_loop3A_1059, %parallel_loop3A_1068 : vector<16xf32>
          %parallel_loop3A_1161 = arith.constant 0.000000e+00 : f32
          %parallel_loop3A_1162 = vector.broadcast %parallel_loop3A_1161 : f32 to vector<16xf32>
          %parallel_loop3A_1163 = arith.maximumf %parallel_loop3A_1160, %parallel_loop3A_1162 : vector<16xf32>
          %parallel_loop3A_1164 = arith.addf %parallel_loop3A_1072, %parallel_loop3A_1081 : vector<16xf32>
          %parallel_loop3A_1165 = arith.constant 0.000000e+00 : f32
          %parallel_loop3A_1166 = vector.broadcast %parallel_loop3A_1165 : f32 to vector<16xf32>
          %parallel_loop3A_1167 = arith.maximumf %parallel_loop3A_1164, %parallel_loop3A_1166 : vector<16xf32>
          %parallel_loop3A_1168 = arith.addf %parallel_loop3A_1085, %parallel_loop3A_1094 : vector<16xf32>
          %parallel_loop3A_1169 = arith.constant 0.000000e+00 : f32
          %parallel_loop3A_1170 = vector.broadcast %parallel_loop3A_1169 : f32 to vector<16xf32>
          %parallel_loop3A_1171 = arith.maximumf %parallel_loop3A_1168, %parallel_loop3A_1170 : vector<16xf32>
          %parallel_loop3A_1172 = arith.addf %parallel_loop3A_1098, %parallel_loop3A_1107 : vector<16xf32>
          %parallel_loop3A_1173 = arith.constant 0.000000e+00 : f32
          %parallel_loop3A_1174 = vector.broadcast %parallel_loop3A_1173 : f32 to vector<16xf32>
          %parallel_loop3A_1175 = arith.maximumf %parallel_loop3A_1172, %parallel_loop3A_1174 : vector<16xf32>
          %parallel_loop3A_1176 = arith.addf %parallel_loop3A_1111, %parallel_loop3A_1120 : vector<16xf32>
          %parallel_loop3A_1177 = arith.constant 0.000000e+00 : f32
          %parallel_loop3A_1178 = vector.broadcast %parallel_loop3A_1177 : f32 to vector<16xf32>
          %parallel_loop3A_1179 = arith.maximumf %parallel_loop3A_1176, %parallel_loop3A_1178 : vector<16xf32>
          %parallel_loop3A_1180 = arith.addf %parallel_loop3A_1124, %parallel_loop3A_1133 : vector<16xf32>
          %parallel_loop3A_1181 = arith.constant 0.000000e+00 : f32
          %parallel_loop3A_1182 = vector.broadcast %parallel_loop3A_1181 : f32 to vector<16xf32>
          %parallel_loop3A_1183 = arith.maximumf %parallel_loop3A_1180, %parallel_loop3A_1182 : vector<16xf32>
          %parallel_loop3A_1184 = arith.addf %parallel_loop3A_1137, %parallel_loop3A_1146 : vector<16xf32>
          %parallel_loop3A_1185 = arith.constant 0.000000e+00 : f32
          %parallel_loop3A_1186 = vector.broadcast %parallel_loop3A_1185 : f32 to vector<16xf32>
          %parallel_loop3A_1187 = arith.maximumf %parallel_loop3A_1184, %parallel_loop3A_1186 : vector<16xf32>
          %parallel_loop3A_1188 = arith.addf %parallel_loop3A_1150, %parallel_loop3A_1159 : vector<16xf32>
          %parallel_loop3A_1189 = arith.constant 0.000000e+00 : f32
          %parallel_loop3A_1190 = vector.broadcast %parallel_loop3A_1189 : f32 to vector<16xf32>
          %parallel_loop3A_1191 = arith.maximumf %parallel_loop3A_1188, %parallel_loop3A_1190 : vector<16xf32>
          %parallel_loop3A_1192 = arith.constant 640 : i32
          %parallel_loop3A_1193 = arith.addi %parallel_loop3A_381, %parallel_loop3A_1192 : i32
          %parallel_loop3A_1194 = vector.extract_strided_slice %parallel_loop3A_367 {offsets = [6], sizes = [1], strides = [1]} : vector<16xi32> to vector<1xi32>
          %parallel_loop3A_1195 = vector.extract %parallel_loop3A_1194[0] : i32 from vector<1xi32>
          %parallel_loop3A_1196 = vector.extract_strided_slice %parallel_loop3A_377 {offsets = [6], sizes = [1], strides = [1]} : vector<16xi32> to vector<1xi32>
          %parallel_loop3A_1197 = vector.extract %parallel_loop3A_1196[0] : i32 from vector<1xi32>
          %parallel_loop3A_1198 = arith.constant 0 : i32
          %parallel_loop3A_1199 = arith.addi %parallel_loop3A_1195, %parallel_loop3A_1198 : i32
          %parallel_loop3A_1200 = arith.index_cast %parallel_loop3A_1199 : i32 to index
          %parallel_loop3A_1201 = tpu.vector_load %arg7[%parallel_loop3A_1200] {strides = array<i32>} : memref<32768xf32, #tpu.memory_space<vmem>>, vector<16xf32>,
          %parallel_loop3A_1202 = arith.constant 0 : i32
          %parallel_loop3A_1203 = arith.addi %parallel_loop3A_1193, %parallel_loop3A_1202 : i32
          %parallel_loop3A_1204 = tpu.memref_slice %run_scoped3A_10[%mul3A_254] : memref<32768xf32, #tpu.memory_space<vmem>> -> memref<16384xf32, #tpu.memory_space<vmem>>
          %parallel_loop3A_1205 = arith.index_cast %parallel_loop3A_1203 : i32 to index
          %parallel_loop3A_1206 = tpu.vector_load %parallel_loop3A_1204[%parallel_loop3A_1205] {strides = array<i32>} : memref<16384xf32, #tpu.memory_space<vmem>>, vector<16xf32>,
          tpu.vector_store %parallel_loop3A_1204[%parallel_loop3A_1205], %parallel_loop3A_1163 {strides = array<i32>} : memref<16384xf32, #tpu.memory_space<vmem>>, vector<16xf32>,
          %parallel_loop3A_1207 = arith.constant 0 : i32
          %parallel_loop3A_1208 = arith.addi %parallel_loop3A_1197, %parallel_loop3A_1207 : i32
          %parallel_loop3A_1209 = arith.index_cast %parallel_loop3A_1208 : i32 to index
          %parallel_loop3A_1210 = tpu.vector_load %arg8[%parallel_loop3A_1209] {strides = array<i32>} : memref<32768xf32, #tpu.memory_space<vmem>>, vector<16xf32>,
          %parallel_loop3A_1211 = arith.constant 16 : i32
          %parallel_loop3A_1212 = arith.addi %parallel_loop3A_1195, %parallel_loop3A_1211 : i32
          %parallel_loop3A_1213 = arith.index_cast %parallel_loop3A_1212 : i32 to index
          %parallel_loop3A_1214 = tpu.vector_load %arg7[%parallel_loop3A_1213] {strides = array<i32>} : memref<32768xf32, #tpu.memory_space<vmem>>, vector<16xf32>,
          %parallel_loop3A_1215 = arith.constant 16 : i32
          %parallel_loop3A_1216 = arith.addi %parallel_loop3A_1193, %parallel_loop3A_1215 : i32
          %parallel_loop3A_1217 = tpu.memref_slice %run_scoped3A_10[%mul3A_254] : memref<32768xf32, #tpu.memory_space<vmem>> -> memref<16384xf32, #tpu.memory_space<vmem>>
          %parallel_loop3A_1218 = arith.index_cast %parallel_loop3A_1216 : i32 to index
          %parallel_loop3A_1219 = tpu.vector_load %parallel_loop3A_1217[%parallel_loop3A_1218] {strides = array<i32>} : memref<16384xf32, #tpu.memory_space<vmem>>, vector<16xf32>,
          tpu.vector_store %parallel_loop3A_1217[%parallel_loop3A_1218], %parallel_loop3A_1167 {strides = array<i32>} : memref<16384xf32, #tpu.memory_space<vmem>>, vector<16xf32>,
          %parallel_loop3A_1220 = arith.constant 16 : i32
          %parallel_loop3A_1221 = arith.addi %parallel_loop3A_1197, %parallel_loop3A_1220 : i32
          %parallel_loop3A_1222 = arith.index_cast %parallel_loop3A_1221 : i32 to index
          %parallel_loop3A_1223 = tpu.vector_load %arg8[%parallel_loop3A_1222] {strides = array<i32>} : memref<32768xf32, #tpu.memory_space<vmem>>, vector<16xf32>,
          %parallel_loop3A_1224 = arith.constant 32 : i32
          %parallel_loop3A_1225 = arith.addi %parallel_loop3A_1195, %parallel_loop3A_1224 : i32
          %parallel_loop3A_1226 = arith.index_cast %parallel_loop3A_1225 : i32 to index
          %parallel_loop3A_1227 = tpu.vector_load %arg7[%parallel_loop3A_1226] {strides = array<i32>} : memref<32768xf32, #tpu.memory_space<vmem>>, vector<16xf32>,
          %parallel_loop3A_1228 = arith.constant 32 : i32
          %parallel_loop3A_1229 = arith.addi %parallel_loop3A_1193, %parallel_loop3A_1228 : i32
          %parallel_loop3A_1230 = tpu.memref_slice %run_scoped3A_10[%mul3A_254] : memref<32768xf32, #tpu.memory_space<vmem>> -> memref<16384xf32, #tpu.memory_space<vmem>>
          %parallel_loop3A_1231 = arith.index_cast %parallel_loop3A_1229 : i32 to index
          %parallel_loop3A_1232 = tpu.vector_load %parallel_loop3A_1230[%parallel_loop3A_1231] {strides = array<i32>} : memref<16384xf32, #tpu.memory_space<vmem>>, vector<16xf32>,
          tpu.vector_store %parallel_loop3A_1230[%parallel_loop3A_1231], %parallel_loop3A_1171 {strides = array<i32>} : memref<16384xf32, #tpu.memory_space<vmem>>, vector<16xf32>,
          %parallel_loop3A_1233 = arith.constant 32 : i32
          %parallel_loop3A_1234 = arith.addi %parallel_loop3A_1197, %parallel_loop3A_1233 : i32
          %parallel_loop3A_1235 = arith.index_cast %parallel_loop3A_1234 : i32 to index
          %parallel_loop3A_1236 = tpu.vector_load %arg8[%parallel_loop3A_1235] {strides = array<i32>} : memref<32768xf32, #tpu.memory_space<vmem>>, vector<16xf32>,
          %parallel_loop3A_1237 = arith.constant 48 : i32
          %parallel_loop3A_1238 = arith.addi %parallel_loop3A_1195, %parallel_loop3A_1237 : i32
          %parallel_loop3A_1239 = arith.index_cast %parallel_loop3A_1238 : i32 to index
          %parallel_loop3A_1240 = tpu.vector_load %arg7[%parallel_loop3A_1239] {strides = array<i32>} : memref<32768xf32, #tpu.memory_space<vmem>>, vector<16xf32>,
          %parallel_loop3A_1241 = arith.constant 48 : i32
          %parallel_loop3A_1242 = arith.addi %parallel_loop3A_1193, %parallel_loop3A_1241 : i32
          %parallel_loop3A_1243 = tpu.memref_slice %run_scoped3A_10[%mul3A_254] : memref<32768xf32, #tpu.memory_space<vmem>> -> memref<16384xf32, #tpu.memory_space<vmem>>
          %parallel_loop3A_1244 = arith.index_cast %parallel_loop3A_1242 : i32 to index
          %parallel_loop3A_1245 = tpu.vector_load %parallel_loop3A_1243[%parallel_loop3A_1244] {strides = array<i32>} : memref<16384xf32, #tpu.memory_space<vmem>>, vector<16xf32>,
          tpu.vector_store %parallel_loop3A_1243[%parallel_loop3A_1244], %parallel_loop3A_1175 {strides = array<i32>} : memref<16384xf32, #tpu.memory_space<vmem>>, vector<16xf32>,
          %parallel_loop3A_1246 = arith.constant 48 : i32
          %parallel_loop3A_1247 = arith.addi %parallel_loop3A_1197, %parallel_loop3A_1246 : i32
          %parallel_loop3A_1248 = arith.index_cast %parallel_loop3A_1247 : i32 to index
          %parallel_loop3A_1249 = tpu.vector_load %arg8[%parallel_loop3A_1248] {strides = array<i32>} : memref<32768xf32, #tpu.memory_space<vmem>>, vector<16xf32>,
          %parallel_loop3A_1250 = arith.constant 64 : i32
          %parallel_loop3A_1251 = arith.addi %parallel_loop3A_1195, %parallel_loop3A_1250 : i32
          %parallel_loop3A_1252 = arith.index_cast %parallel_loop3A_1251 : i32 to index
          %parallel_loop3A_1253 = tpu.vector_load %arg7[%parallel_loop3A_1252] {strides = array<i32>} : memref<32768xf32, #tpu.memory_space<vmem>>, vector<16xf32>,
          %parallel_loop3A_1254 = arith.constant 64 : i32
          %parallel_loop3A_1255 = arith.addi %parallel_loop3A_1193, %parallel_loop3A_1254 : i32
          %parallel_loop3A_1256 = tpu.memref_slice %run_scoped3A_10[%mul3A_254] : memref<32768xf32, #tpu.memory_space<vmem>> -> memref<16384xf32, #tpu.memory_space<vmem>>
          %parallel_loop3A_1257 = arith.index_cast %parallel_loop3A_1255 : i32 to index
          %parallel_loop3A_1258 = tpu.vector_load %parallel_loop3A_1256[%parallel_loop3A_1257] {strides = array<i32>} : memref<16384xf32, #tpu.memory_space<vmem>>, vector<16xf32>,
          tpu.vector_store %parallel_loop3A_1256[%parallel_loop3A_1257], %parallel_loop3A_1179 {strides = array<i32>} : memref<16384xf32, #tpu.memory_space<vmem>>, vector<16xf32>,
          %parallel_loop3A_1259 = arith.constant 64 : i32
          %parallel_loop3A_1260 = arith.addi %parallel_loop3A_1197, %parallel_loop3A_1259 : i32
          %parallel_loop3A_1261 = arith.index_cast %parallel_loop3A_1260 : i32 to index
          %parallel_loop3A_1262 = tpu.vector_load %arg8[%parallel_loop3A_1261] {strides = array<i32>} : memref<32768xf32, #tpu.memory_space<vmem>>, vector<16xf32>,
          %parallel_loop3A_1263 = arith.constant 80 : i32
          %parallel_loop3A_1264 = arith.addi %parallel_loop3A_1195, %parallel_loop3A_1263 : i32
          %parallel_loop3A_1265 = arith.index_cast %parallel_loop3A_1264 : i32 to index
          %parallel_loop3A_1266 = tpu.vector_load %arg7[%parallel_loop3A_1265] {strides = array<i32>} : memref<32768xf32, #tpu.memory_space<vmem>>, vector<16xf32>,
          %parallel_loop3A_1267 = arith.constant 80 : i32
          %parallel_loop3A_1268 = arith.addi %parallel_loop3A_1193, %parallel_loop3A_1267 : i32
          %parallel_loop3A_1269 = tpu.memref_slice %run_scoped3A_10[%mul3A_254] : memref<32768xf32, #tpu.memory_space<vmem>> -> memref<16384xf32, #tpu.memory_space<vmem>>
          %parallel_loop3A_1270 = arith.index_cast %parallel_loop3A_1268 : i32 to index
          %parallel_loop3A_1271 = tpu.vector_load %parallel_loop3A_1269[%parallel_loop3A_1270] {strides = array<i32>} : memref<16384xf32, #tpu.memory_space<vmem>>, vector<16xf32>,
          tpu.vector_store %parallel_loop3A_1269[%parallel_loop3A_1270], %parallel_loop3A_1183 {strides = array<i32>} : memref<16384xf32, #tpu.memory_space<vmem>>, vector<16xf32>,
          %parallel_loop3A_1272 = arith.constant 80 : i32
          %parallel_loop3A_1273 = arith.addi %parallel_loop3A_1197, %parallel_loop3A_1272 : i32
          %parallel_loop3A_1274 = arith.index_cast %parallel_loop3A_1273 : i32 to index
          %parallel_loop3A_1275 = tpu.vector_load %arg8[%parallel_loop3A_1274] {strides = array<i32>} : memref<32768xf32, #tpu.memory_space<vmem>>, vector<16xf32>,
          %parallel_loop3A_1276 = arith.constant 96 : i32
          %parallel_loop3A_1277 = arith.addi %parallel_loop3A_1195, %parallel_loop3A_1276 : i32
          %parallel_loop3A_1278 = arith.index_cast %parallel_loop3A_1277 : i32 to index
          %parallel_loop3A_1279 = tpu.vector_load %arg7[%parallel_loop3A_1278] {strides = array<i32>} : memref<32768xf32, #tpu.memory_space<vmem>>, vector<16xf32>,
          %parallel_loop3A_1280 = arith.constant 96 : i32
          %parallel_loop3A_1281 = arith.addi %parallel_loop3A_1193, %parallel_loop3A_1280 : i32
          %parallel_loop3A_1282 = tpu.memref_slice %run_scoped3A_10[%mul3A_254] : memref<32768xf32, #tpu.memory_space<vmem>> -> memref<16384xf32, #tpu.memory_space<vmem>>
          %parallel_loop3A_1283 = arith.index_cast %parallel_loop3A_1281 : i32 to index
          %parallel_loop3A_1284 = tpu.vector_load %parallel_loop3A_1282[%parallel_loop3A_1283] {strides = array<i32>} : memref<16384xf32, #tpu.memory_space<vmem>>, vector<16xf32>,
          tpu.vector_store %parallel_loop3A_1282[%parallel_loop3A_1283], %parallel_loop3A_1187 {strides = array<i32>} : memref<16384xf32, #tpu.memory_space<vmem>>, vector<16xf32>,
          %parallel_loop3A_1285 = arith.constant 96 : i32
          %parallel_loop3A_1286 = arith.addi %parallel_loop3A_1197, %parallel_loop3A_1285 : i32
          %parallel_loop3A_1287 = arith.index_cast %parallel_loop3A_1286 : i32 to index
          %parallel_loop3A_1288 = tpu.vector_load %arg8[%parallel_loop3A_1287] {strides = array<i32>} : memref<32768xf32, #tpu.memory_space<vmem>>, vector<16xf32>,
          %parallel_loop3A_1289 = arith.constant 112 : i32
          %parallel_loop3A_1290 = arith.addi %parallel_loop3A_1195, %parallel_loop3A_1289 : i32
          %parallel_loop3A_1291 = arith.index_cast %parallel_loop3A_1290 : i32 to index
          %parallel_loop3A_1292 = tpu.vector_load %arg7[%parallel_loop3A_1291] {strides = array<i32>} : memref<32768xf32, #tpu.memory_space<vmem>>, vector<16xf32>,
          %parallel_loop3A_1293 = arith.constant 112 : i32
          %parallel_loop3A_1294 = arith.addi %parallel_loop3A_1193, %parallel_loop3A_1293 : i32
          %parallel_loop3A_1295 = tpu.memref_slice %run_scoped3A_10[%mul3A_254] : memref<32768xf32, #tpu.memory_space<vmem>> -> memref<16384xf32, #tpu.memory_space<vmem>>
          %parallel_loop3A_1296 = arith.index_cast %parallel_loop3A_1294 : i32 to index
          %parallel_loop3A_1297 = tpu.vector_load %parallel_loop3A_1295[%parallel_loop3A_1296] {strides = array<i32>} : memref<16384xf32, #tpu.memory_space<vmem>>, vector<16xf32>,
          tpu.vector_store %parallel_loop3A_1295[%parallel_loop3A_1296], %parallel_loop3A_1191 {strides = array<i32>} : memref<16384xf32, #tpu.memory_space<vmem>>, vector<16xf32>,
          %parallel_loop3A_1298 = arith.constant 112 : i32
          %parallel_loop3A_1299 = arith.addi %parallel_loop3A_1197, %parallel_loop3A_1298 : i32
          %parallel_loop3A_1300 = arith.index_cast %parallel_loop3A_1299 : i32 to index
          %parallel_loop3A_1301 = tpu.vector_load %arg8[%parallel_loop3A_1300] {strides = array<i32>} : memref<32768xf32, #tpu.memory_space<vmem>>, vector<16xf32>,
          %parallel_loop3A_1302 = arith.addf %parallel_loop3A_1201, %parallel_loop3A_1210 : vector<16xf32>
          %parallel_loop3A_1303 = arith.constant 0.000000e+00 : f32
          %parallel_loop3A_1304 = vector.broadcast %parallel_loop3A_1303 : f32 to vector<16xf32>
          %parallel_loop3A_1305 = arith.maximumf %parallel_loop3A_1302, %parallel_loop3A_1304 : vector<16xf32>
          %parallel_loop3A_1306 = arith.addf %parallel_loop3A_1214, %parallel_loop3A_1223 : vector<16xf32>
          %parallel_loop3A_1307 = arith.constant 0.000000e+00 : f32
          %parallel_loop3A_1308 = vector.broadcast %parallel_loop3A_1307 : f32 to vector<16xf32>
          %parallel_loop3A_1309 = arith.maximumf %parallel_loop3A_1306, %parallel_loop3A_1308 : vector<16xf32>
          %parallel_loop3A_1310 = arith.addf %parallel_loop3A_1227, %parallel_loop3A_1236 : vector<16xf32>
          %parallel_loop3A_1311 = arith.constant 0.000000e+00 : f32
          %parallel_loop3A_1312 = vector.broadcast %parallel_loop3A_1311 : f32 to vector<16xf32>
          %parallel_loop3A_1313 = arith.maximumf %parallel_loop3A_1310, %parallel_loop3A_1312 : vector<16xf32>
          %parallel_loop3A_1314 = arith.addf %parallel_loop3A_1240, %parallel_loop3A_1249 : vector<16xf32>
          %parallel_loop3A_1315 = arith.constant 0.000000e+00 : f32
          %parallel_loop3A_1316 = vector.broadcast %parallel_loop3A_1315 : f32 to vector<16xf32>
          %parallel_loop3A_1317 = arith.maximumf %parallel_loop3A_1314, %parallel_loop3A_1316 : vector<16xf32>
          %parallel_loop3A_1318 = arith.addf %parallel_loop3A_1253, %parallel_loop3A_1262 : vector<16xf32>
          %parallel_loop3A_1319 = arith.constant 0.000000e+00 : f32
          %parallel_loop3A_1320 = vector.broadcast %parallel_loop3A_1319 : f32 to vector<16xf32>
          %parallel_loop3A_1321 = arith.maximumf %parallel_loop3A_1318, %parallel_loop3A_1320 : vector<16xf32>
          %parallel_loop3A_1322 = arith.addf %parallel_loop3A_1266, %parallel_loop3A_1275 : vector<16xf32>
          %parallel_loop3A_1323 = arith.constant 0.000000e+00 : f32
          %parallel_loop3A_1324 = vector.broadcast %parallel_loop3A_1323 : f32 to vector<16xf32>
          %parallel_loop3A_1325 = arith.maximumf %parallel_loop3A_1322, %parallel_loop3A_1324 : vector<16xf32>
          %parallel_loop3A_1326 = arith.addf %parallel_loop3A_1279, %parallel_loop3A_1288 : vector<16xf32>
          %parallel_loop3A_1327 = arith.constant 0.000000e+00 : f32
          %parallel_loop3A_1328 = vector.broadcast %parallel_loop3A_1327 : f32 to vector<16xf32>
          %parallel_loop3A_1329 = arith.maximumf %parallel_loop3A_1326, %parallel_loop3A_1328 : vector<16xf32>
          %parallel_loop3A_1330 = arith.addf %parallel_loop3A_1292, %parallel_loop3A_1301 : vector<16xf32>
          %parallel_loop3A_1331 = arith.constant 0.000000e+00 : f32
          %parallel_loop3A_1332 = vector.broadcast %parallel_loop3A_1331 : f32 to vector<16xf32>
          %parallel_loop3A_1333 = arith.maximumf %parallel_loop3A_1330, %parallel_loop3A_1332 : vector<16xf32>
          %parallel_loop3A_1334 = arith.constant 768 : i32
          %parallel_loop3A_1335 = arith.addi %parallel_loop3A_381, %parallel_loop3A_1334 : i32
          %parallel_loop3A_1336 = vector.extract_strided_slice %parallel_loop3A_367 {offsets = [7], sizes = [1], strides = [1]} : vector<16xi32> to vector<1xi32>
          %parallel_loop3A_1337 = vector.extract %parallel_loop3A_1336[0] : i32 from vector<1xi32>
          %parallel_loop3A_1338 = vector.extract_strided_slice %parallel_loop3A_377 {offsets = [7], sizes = [1], strides = [1]} : vector<16xi32> to vector<1xi32>
          %parallel_loop3A_1339 = vector.extract %parallel_loop3A_1338[0] : i32 from vector<1xi32>
          %parallel_loop3A_1340 = arith.constant 0 : i32
          %parallel_loop3A_1341 = arith.addi %parallel_loop3A_1337, %parallel_loop3A_1340 : i32
          %parallel_loop3A_1342 = arith.index_cast %parallel_loop3A_1341 : i32 to index
          %parallel_loop3A_1343 = tpu.vector_load %arg7[%parallel_loop3A_1342] {strides = array<i32>} : memref<32768xf32, #tpu.memory_space<vmem>>, vector<16xf32>,
          %parallel_loop3A_1344 = arith.constant 0 : i32
          %parallel_loop3A_1345 = arith.addi %parallel_loop3A_1335, %parallel_loop3A_1344 : i32
          %parallel_loop3A_1346 = tpu.memref_slice %run_scoped3A_10[%mul3A_254] : memref<32768xf32, #tpu.memory_space<vmem>> -> memref<16384xf32, #tpu.memory_space<vmem>>
          %parallel_loop3A_1347 = arith.index_cast %parallel_loop3A_1345 : i32 to index
          %parallel_loop3A_1348 = tpu.vector_load %parallel_loop3A_1346[%parallel_loop3A_1347] {strides = array<i32>} : memref<16384xf32, #tpu.memory_space<vmem>>, vector<16xf32>,
          tpu.vector_store %parallel_loop3A_1346[%parallel_loop3A_1347], %parallel_loop3A_1305 {strides = array<i32>} : memref<16384xf32, #tpu.memory_space<vmem>>, vector<16xf32>,
          %parallel_loop3A_1349 = arith.constant 0 : i32
          %parallel_loop3A_1350 = arith.addi %parallel_loop3A_1339, %parallel_loop3A_1349 : i32
          %parallel_loop3A_1351 = arith.index_cast %parallel_loop3A_1350 : i32 to index
          %parallel_loop3A_1352 = tpu.vector_load %arg8[%parallel_loop3A_1351] {strides = array<i32>} : memref<32768xf32, #tpu.memory_space<vmem>>, vector<16xf32>,
          %parallel_loop3A_1353 = arith.constant 16 : i32
          %parallel_loop3A_1354 = arith.addi %parallel_loop3A_1337, %parallel_loop3A_1353 : i32
          %parallel_loop3A_1355 = arith.index_cast %parallel_loop3A_1354 : i32 to index
          %parallel_loop3A_1356 = tpu.vector_load %arg7[%parallel_loop3A_1355] {strides = array<i32>} : memref<32768xf32, #tpu.memory_space<vmem>>, vector<16xf32>,
          %parallel_loop3A_1357 = arith.constant 16 : i32
          %parallel_loop3A_1358 = arith.addi %parallel_loop3A_1335, %parallel_loop3A_1357 : i32
          %parallel_loop3A_1359 = tpu.memref_slice %run_scoped3A_10[%mul3A_254] : memref<32768xf32, #tpu.memory_space<vmem>> -> memref<16384xf32, #tpu.memory_space<vmem>>
          %parallel_loop3A_1360 = arith.index_cast %parallel_loop3A_1358 : i32 to index
          %parallel_loop3A_1361 = tpu.vector_load %parallel_loop3A_1359[%parallel_loop3A_1360] {strides = array<i32>} : memref<16384xf32, #tpu.memory_space<vmem>>, vector<16xf32>,
          tpu.vector_store %parallel_loop3A_1359[%parallel_loop3A_1360], %parallel_loop3A_1309 {strides = array<i32>} : memref<16384xf32, #tpu.memory_space<vmem>>, vector<16xf32>,
          %parallel_loop3A_1362 = arith.constant 16 : i32
          %parallel_loop3A_1363 = arith.addi %parallel_loop3A_1339, %parallel_loop3A_1362 : i32
          %parallel_loop3A_1364 = arith.index_cast %parallel_loop3A_1363 : i32 to index
          %parallel_loop3A_1365 = tpu.vector_load %arg8[%parallel_loop3A_1364] {strides = array<i32>} : memref<32768xf32, #tpu.memory_space<vmem>>, vector<16xf32>,
          %parallel_loop3A_1366 = arith.constant 32 : i32
          %parallel_loop3A_1367 = arith.addi %parallel_loop3A_1337, %parallel_loop3A_1366 : i32
          %parallel_loop3A_1368 = arith.index_cast %parallel_loop3A_1367 : i32 to index
          %parallel_loop3A_1369 = tpu.vector_load %arg7[%parallel_loop3A_1368] {strides = array<i32>} : memref<32768xf32, #tpu.memory_space<vmem>>, vector<16xf32>,
          %parallel_loop3A_1370 = arith.constant 32 : i32
          %parallel_loop3A_1371 = arith.addi %parallel_loop3A_1335, %parallel_loop3A_1370 : i32
          %parallel_loop3A_1372 = tpu.memref_slice %run_scoped3A_10[%mul3A_254] : memref<32768xf32, #tpu.memory_space<vmem>> -> memref<16384xf32, #tpu.memory_space<vmem>>
          %parallel_loop3A_1373 = arith.index_cast %parallel_loop3A_1371 : i32 to index
          %parallel_loop3A_1374 = tpu.vector_load %parallel_loop3A_1372[%parallel_loop3A_1373] {strides = array<i32>} : memref<16384xf32, #tpu.memory_space<vmem>>, vector<16xf32>,
          tpu.vector_store %parallel_loop3A_1372[%parallel_loop3A_1373], %parallel_loop3A_1313 {strides = array<i32>} : memref<16384xf32, #tpu.memory_space<vmem>>, vector<16xf32>,
          %parallel_loop3A_1375 = arith.constant 32 : i32
          %parallel_loop3A_1376 = arith.addi %parallel_loop3A_1339, %parallel_loop3A_1375 : i32
          %parallel_loop3A_1377 = arith.index_cast %parallel_loop3A_1376 : i32 to index
          %parallel_loop3A_1378 = tpu.vector_load %arg8[%parallel_loop3A_1377] {strides = array<i32>} : memref<32768xf32, #tpu.memory_space<vmem>>, vector<16xf32>,
          %parallel_loop3A_1379 = arith.constant 48 : i32
          %parallel_loop3A_1380 = arith.addi %parallel_loop3A_1337, %parallel_loop3A_1379 : i32
          %parallel_loop3A_1381 = arith.index_cast %parallel_loop3A_1380 : i32 to index
          %parallel_loop3A_1382 = tpu.vector_load %arg7[%parallel_loop3A_1381] {strides = array<i32>} : memref<32768xf32, #tpu.memory_space<vmem>>, vector<16xf32>,
          %parallel_loop3A_1383 = arith.constant 48 : i32
          %parallel_loop3A_1384 = arith.addi %parallel_loop3A_1335, %parallel_loop3A_1383 : i32
          %parallel_loop3A_1385 = tpu.memref_slice %run_scoped3A_10[%mul3A_254] : memref<32768xf32, #tpu.memory_space<vmem>> -> memref<16384xf32, #tpu.memory_space<vmem>>
          %parallel_loop3A_1386 = arith.index_cast %parallel_loop3A_1384 : i32 to index
          %parallel_loop3A_1387 = tpu.vector_load %parallel_loop3A_1385[%parallel_loop3A_1386] {strides = array<i32>} : memref<16384xf32, #tpu.memory_space<vmem>>, vector<16xf32>,
          tpu.vector_store %parallel_loop3A_1385[%parallel_loop3A_1386], %parallel_loop3A_1317 {strides = array<i32>} : memref<16384xf32, #tpu.memory_space<vmem>>, vector<16xf32>,
          %parallel_loop3A_1388 = arith.constant 48 : i32
          %parallel_loop3A_1389 = arith.addi %parallel_loop3A_1339, %parallel_loop3A_1388 : i32
          %parallel_loop3A_1390 = arith.index_cast %parallel_loop3A_1389 : i32 to index
          %parallel_loop3A_1391 = tpu.vector_load %arg8[%parallel_loop3A_1390] {strides = array<i32>} : memref<32768xf32, #tpu.memory_space<vmem>>, vector<16xf32>,
          %parallel_loop3A_1392 = arith.constant 64 : i32
          %parallel_loop3A_1393 = arith.addi %parallel_loop3A_1337, %parallel_loop3A_1392 : i32
          %parallel_loop3A_1394 = arith.index_cast %parallel_loop3A_1393 : i32 to index
          %parallel_loop3A_1395 = tpu.vector_load %arg7[%parallel_loop3A_1394] {strides = array<i32>} : memref<32768xf32, #tpu.memory_space<vmem>>, vector<16xf32>,
          %parallel_loop3A_1396 = arith.constant 64 : i32
          %parallel_loop3A_1397 = arith.addi %parallel_loop3A_1335, %parallel_loop3A_1396 : i32
          %parallel_loop3A_1398 = tpu.memref_slice %run_scoped3A_10[%mul3A_254] : memref<32768xf32, #tpu.memory_space<vmem>> -> memref<16384xf32, #tpu.memory_space<vmem>>
          %parallel_loop3A_1399 = arith.index_cast %parallel_loop3A_1397 : i32 to index
          %parallel_loop3A_1400 = tpu.vector_load %parallel_loop3A_1398[%parallel_loop3A_1399] {strides = array<i32>} : memref<16384xf32, #tpu.memory_space<vmem>>, vector<16xf32>,
          tpu.vector_store %parallel_loop3A_1398[%parallel_loop3A_1399], %parallel_loop3A_1321 {strides = array<i32>} : memref<16384xf32, #tpu.memory_space<vmem>>, vector<16xf32>,
          %parallel_loop3A_1401 = arith.constant 64 : i32
          %parallel_loop3A_1402 = arith.addi %parallel_loop3A_1339, %parallel_loop3A_1401 : i32
          %parallel_loop3A_1403 = arith.index_cast %parallel_loop3A_1402 : i32 to index
          %parallel_loop3A_1404 = tpu.vector_load %arg8[%parallel_loop3A_1403] {strides = array<i32>} : memref<32768xf32, #tpu.memory_space<vmem>>, vector<16xf32>,
          %parallel_loop3A_1405 = arith.constant 80 : i32
          %parallel_loop3A_1406 = arith.addi %parallel_loop3A_1337, %parallel_loop3A_1405 : i32
          %parallel_loop3A_1407 = arith.index_cast %parallel_loop3A_1406 : i32 to index
          %parallel_loop3A_1408 = tpu.vector_load %arg7[%parallel_loop3A_1407] {strides = array<i32>} : memref<32768xf32, #tpu.memory_space<vmem>>, vector<16xf32>,
          %parallel_loop3A_1409 = arith.constant 80 : i32
          %parallel_loop3A_1410 = arith.addi %parallel_loop3A_1335, %parallel_loop3A_1409 : i32
          %parallel_loop3A_1411 = tpu.memref_slice %run_scoped3A_10[%mul3A_254] : memref<32768xf32, #tpu.memory_space<vmem>> -> memref<16384xf32, #tpu.memory_space<vmem>>
          %parallel_loop3A_1412 = arith.index_cast %parallel_loop3A_1410 : i32 to index
          %parallel_loop3A_1413 = tpu.vector_load %parallel_loop3A_1411[%parallel_loop3A_1412] {strides = array<i32>} : memref<16384xf32, #tpu.memory_space<vmem>>, vector<16xf32>,
          tpu.vector_store %parallel_loop3A_1411[%parallel_loop3A_1412], %parallel_loop3A_1325 {strides = array<i32>} : memref<16384xf32, #tpu.memory_space<vmem>>, vector<16xf32>,
          %parallel_loop3A_1414 = arith.constant 80 : i32
          %parallel_loop3A_1415 = arith.addi %parallel_loop3A_1339, %parallel_loop3A_1414 : i32
          %parallel_loop3A_1416 = arith.index_cast %parallel_loop3A_1415 : i32 to index
          %parallel_loop3A_1417 = tpu.vector_load %arg8[%parallel_loop3A_1416] {strides = array<i32>} : memref<32768xf32, #tpu.memory_space<vmem>>, vector<16xf32>,
          %parallel_loop3A_1418 = arith.constant 96 : i32
          %parallel_loop3A_1419 = arith.addi %parallel_loop3A_1337, %parallel_loop3A_1418 : i32
          %parallel_loop3A_1420 = arith.index_cast %parallel_loop3A_1419 : i32 to index
          %parallel_loop3A_1421 = tpu.vector_load %arg7[%parallel_loop3A_1420] {strides = array<i32>} : memref<32768xf32, #tpu.memory_space<vmem>>, vector<16xf32>,
          %parallel_loop3A_1422 = arith.constant 96 : i32
          %parallel_loop3A_1423 = arith.addi %parallel_loop3A_1335, %parallel_loop3A_1422 : i32
          %parallel_loop3A_1424 = tpu.memref_slice %run_scoped3A_10[%mul3A_254] : memref<32768xf32, #tpu.memory_space<vmem>> -> memref<16384xf32, #tpu.memory_space<vmem>>
          %parallel_loop3A_1425 = arith.index_cast %parallel_loop3A_1423 : i32 to index
          %parallel_loop3A_1426 = tpu.vector_load %parallel_loop3A_1424[%parallel_loop3A_1425] {strides = array<i32>} : memref<16384xf32, #tpu.memory_space<vmem>>, vector<16xf32>,
          tpu.vector_store %parallel_loop3A_1424[%parallel_loop3A_1425], %parallel_loop3A_1329 {strides = array<i32>} : memref<16384xf32, #tpu.memory_space<vmem>>, vector<16xf32>,
          %parallel_loop3A_1427 = arith.constant 96 : i32
          %parallel_loop3A_1428 = arith.addi %parallel_loop3A_1339, %parallel_loop3A_1427 : i32
          %parallel_loop3A_1429 = arith.index_cast %parallel_loop3A_1428 : i32 to index
          %parallel_loop3A_1430 = tpu.vector_load %arg8[%parallel_loop3A_1429] {strides = array<i32>} : memref<32768xf32, #tpu.memory_space<vmem>>, vector<16xf32>,
          %parallel_loop3A_1431 = arith.constant 112 : i32
          %parallel_loop3A_1432 = arith.addi %parallel_loop3A_1337, %parallel_loop3A_1431 : i32
          %parallel_loop3A_1433 = arith.index_cast %parallel_loop3A_1432 : i32 to index
          %parallel_loop3A_1434 = tpu.vector_load %arg7[%parallel_loop3A_1433] {strides = array<i32>} : memref<32768xf32, #tpu.memory_space<vmem>>, vector<16xf32>,
          %parallel_loop3A_1435 = arith.constant 112 : i32
          %parallel_loop3A_1436 = arith.addi %parallel_loop3A_1335, %parallel_loop3A_1435 : i32
          %parallel_loop3A_1437 = tpu.memref_slice %run_scoped3A_10[%mul3A_254] : memref<32768xf32, #tpu.memory_space<vmem>> -> memref<16384xf32, #tpu.memory_space<vmem>>
          %parallel_loop3A_1438 = arith.index_cast %parallel_loop3A_1436 : i32 to index
          %parallel_loop3A_1439 = tpu.vector_load %parallel_loop3A_1437[%parallel_loop3A_1438] {strides = array<i32>} : memref<16384xf32, #tpu.memory_space<vmem>>, vector<16xf32>,
          tpu.vector_store %parallel_loop3A_1437[%parallel_loop3A_1438], %parallel_loop3A_1333 {strides = array<i32>} : memref<16384xf32, #tpu.memory_space<vmem>>, vector<16xf32>,
          %parallel_loop3A_1440 = arith.constant 112 : i32
          %parallel_loop3A_1441 = arith.addi %parallel_loop3A_1339, %parallel_loop3A_1440 : i32
          %parallel_loop3A_1442 = arith.index_cast %parallel_loop3A_1441 : i32 to index
          %parallel_loop3A_1443 = tpu.vector_load %arg8[%parallel_loop3A_1442] {strides = array<i32>} : memref<32768xf32, #tpu.memory_space<vmem>>, vector<16xf32>,
          %parallel_loop3A_1444 = arith.addf %parallel_loop3A_1343, %parallel_loop3A_1352 : vector<16xf32>
          %parallel_loop3A_1445 = arith.constant 0.000000e+00 : f32
          %parallel_loop3A_1446 = vector.broadcast %parallel_loop3A_1445 : f32 to vector<16xf32>
          %parallel_loop3A_1447 = arith.maximumf %parallel_loop3A_1444, %parallel_loop3A_1446 : vector<16xf32>
          %parallel_loop3A_1448 = arith.addf %parallel_loop3A_1356, %parallel_loop3A_1365 : vector<16xf32>
          %parallel_loop3A_1449 = arith.constant 0.000000e+00 : f32
          %parallel_loop3A_1450 = vector.broadcast %parallel_loop3A_1449 : f32 to vector<16xf32>
          %parallel_loop3A_1451 = arith.maximumf %parallel_loop3A_1448, %parallel_loop3A_1450 : vector<16xf32>
          %parallel_loop3A_1452 = arith.addf %parallel_loop3A_1369, %parallel_loop3A_1378 : vector<16xf32>
          %parallel_loop3A_1453 = arith.constant 0.000000e+00 : f32
          %parallel_loop3A_1454 = vector.broadcast %parallel_loop3A_1453 : f32 to vector<16xf32>
          %parallel_loop3A_1455 = arith.maximumf %parallel_loop3A_1452, %parallel_loop3A_1454 : vector<16xf32>
          %parallel_loop3A_1456 = arith.addf %parallel_loop3A_1382, %parallel_loop3A_1391 : vector<16xf32>
          %parallel_loop3A_1457 = arith.constant 0.000000e+00 : f32
          %parallel_loop3A_1458 = vector.broadcast %parallel_loop3A_1457 : f32 to vector<16xf32>
          %parallel_loop3A_1459 = arith.maximumf %parallel_loop3A_1456, %parallel_loop3A_1458 : vector<16xf32>
          %parallel_loop3A_1460 = arith.addf %parallel_loop3A_1395, %parallel_loop3A_1404 : vector<16xf32>
          %parallel_loop3A_1461 = arith.constant 0.000000e+00 : f32
          %parallel_loop3A_1462 = vector.broadcast %parallel_loop3A_1461 : f32 to vector<16xf32>
          %parallel_loop3A_1463 = arith.maximumf %parallel_loop3A_1460, %parallel_loop3A_1462 : vector<16xf32>
          %parallel_loop3A_1464 = arith.addf %parallel_loop3A_1408, %parallel_loop3A_1417 : vector<16xf32>
          %parallel_loop3A_1465 = arith.constant 0.000000e+00 : f32
          %parallel_loop3A_1466 = vector.broadcast %parallel_loop3A_1465 : f32 to vector<16xf32>
          %parallel_loop3A_1467 = arith.maximumf %parallel_loop3A_1464, %parallel_loop3A_1466 : vector<16xf32>
          %parallel_loop3A_1468 = arith.addf %parallel_loop3A_1421, %parallel_loop3A_1430 : vector<16xf32>
          %parallel_loop3A_1469 = arith.constant 0.000000e+00 : f32
          %parallel_loop3A_1470 = vector.broadcast %parallel_loop3A_1469 : f32 to vector<16xf32>
          %parallel_loop3A_1471 = arith.maximumf %parallel_loop3A_1468, %parallel_loop3A_1470 : vector<16xf32>
          %parallel_loop3A_1472 = arith.addf %parallel_loop3A_1434, %parallel_loop3A_1443 : vector<16xf32>
          %parallel_loop3A_1473 = arith.constant 0.000000e+00 : f32
          %parallel_loop3A_1474 = vector.broadcast %parallel_loop3A_1473 : f32 to vector<16xf32>
          %parallel_loop3A_1475 = arith.maximumf %parallel_loop3A_1472, %parallel_loop3A_1474 : vector<16xf32>
          %parallel_loop3A_1476 = arith.constant 896 : i32
          %parallel_loop3A_1477 = arith.addi %parallel_loop3A_381, %parallel_loop3A_1476 : i32
          %parallel_loop3A_1478 = vector.extract_strided_slice %parallel_loop3A_367 {offsets = [8], sizes = [1], strides = [1]} : vector<16xi32> to vector<1xi32>
          %parallel_loop3A_1479 = vector.extract %parallel_loop3A_1478[0] : i32 from vector<1xi32>
          %parallel_loop3A_1480 = vector.extract_strided_slice %parallel_loop3A_377 {offsets = [8], sizes = [1], strides = [1]} : vector<16xi32> to vector<1xi32>
          %parallel_loop3A_1481 = vector.extract %parallel_loop3A_1480[0] : i32 from vector<1xi32>
          %parallel_loop3A_1482 = arith.constant 0 : i32
          %parallel_loop3A_1483 = arith.addi %parallel_loop3A_1479, %parallel_loop3A_1482 : i32
          %parallel_loop3A_1484 = arith.index_cast %parallel_loop3A_1483 : i32 to index
          %parallel_loop3A_1485 = tpu.vector_load %arg7[%parallel_loop3A_1484] {strides = array<i32>} : memref<32768xf32, #tpu.memory_space<vmem>>, vector<16xf32>,
          %parallel_loop3A_1486 = arith.constant 0 : i32
          %parallel_loop3A_1487 = arith.addi %parallel_loop3A_1477, %parallel_loop3A_1486 : i32
          %parallel_loop3A_1488 = tpu.memref_slice %run_scoped3A_10[%mul3A_254] : memref<32768xf32, #tpu.memory_space<vmem>> -> memref<16384xf32, #tpu.memory_space<vmem>>
          %parallel_loop3A_1489 = arith.index_cast %parallel_loop3A_1487 : i32 to index
          %parallel_loop3A_1490 = tpu.vector_load %parallel_loop3A_1488[%parallel_loop3A_1489] {strides = array<i32>} : memref<16384xf32, #tpu.memory_space<vmem>>, vector<16xf32>,
          tpu.vector_store %parallel_loop3A_1488[%parallel_loop3A_1489], %parallel_loop3A_1447 {strides = array<i32>} : memref<16384xf32, #tpu.memory_space<vmem>>, vector<16xf32>,
          %parallel_loop3A_1491 = arith.constant 0 : i32
          %parallel_loop3A_1492 = arith.addi %parallel_loop3A_1481, %parallel_loop3A_1491 : i32
          %parallel_loop3A_1493 = arith.index_cast %parallel_loop3A_1492 : i32 to index
          %parallel_loop3A_1494 = tpu.vector_load %arg8[%parallel_loop3A_1493] {strides = array<i32>} : memref<32768xf32, #tpu.memory_space<vmem>>, vector<16xf32>,
          %parallel_loop3A_1495 = arith.constant 16 : i32
          %parallel_loop3A_1496 = arith.addi %parallel_loop3A_1479, %parallel_loop3A_1495 : i32
          %parallel_loop3A_1497 = arith.index_cast %parallel_loop3A_1496 : i32 to index
          %parallel_loop3A_1498 = tpu.vector_load %arg7[%parallel_loop3A_1497] {strides = array<i32>} : memref<32768xf32, #tpu.memory_space<vmem>>, vector<16xf32>,
          %parallel_loop3A_1499 = arith.constant 16 : i32
          %parallel_loop3A_1500 = arith.addi %parallel_loop3A_1477, %parallel_loop3A_1499 : i32
          %parallel_loop3A_1501 = tpu.memref_slice %run_scoped3A_10[%mul3A_254] : memref<32768xf32, #tpu.memory_space<vmem>> -> memref<16384xf32, #tpu.memory_space<vmem>>
          %parallel_loop3A_1502 = arith.index_cast %parallel_loop3A_1500 : i32 to index
          %parallel_loop3A_1503 = tpu.vector_load %parallel_loop3A_1501[%parallel_loop3A_1502] {strides = array<i32>} : memref<16384xf32, #tpu.memory_space<vmem>>, vector<16xf32>,
          tpu.vector_store %parallel_loop3A_1501[%parallel_loop3A_1502], %parallel_loop3A_1451 {strides = array<i32>} : memref<16384xf32, #tpu.memory_space<vmem>>, vector<16xf32>,
          %parallel_loop3A_1504 = arith.constant 16 : i32
          %parallel_loop3A_1505 = arith.addi %parallel_loop3A_1481, %parallel_loop3A_1504 : i32
          %parallel_loop3A_1506 = arith.index_cast %parallel_loop3A_1505 : i32 to index
          %parallel_loop3A_1507 = tpu.vector_load %arg8[%parallel_loop3A_1506] {strides = array<i32>} : memref<32768xf32, #tpu.memory_space<vmem>>, vector<16xf32>,
          %parallel_loop3A_1508 = arith.constant 32 : i32
          %parallel_loop3A_1509 = arith.addi %parallel_loop3A_1479, %parallel_loop3A_1508 : i32
          %parallel_loop3A_1510 = arith.index_cast %parallel_loop3A_1509 : i32 to index
          %parallel_loop3A_1511 = tpu.vector_load %arg7[%parallel_loop3A_1510] {strides = array<i32>} : memref<32768xf32, #tpu.memory_space<vmem>>, vector<16xf32>,
          %parallel_loop3A_1512 = arith.constant 32 : i32
          %parallel_loop3A_1513 = arith.addi %parallel_loop3A_1477, %parallel_loop3A_1512 : i32
          %parallel_loop3A_1514 = tpu.memref_slice %run_scoped3A_10[%mul3A_254] : memref<32768xf32, #tpu.memory_space<vmem>> -> memref<16384xf32, #tpu.memory_space<vmem>>
          %parallel_loop3A_1515 = arith.index_cast %parallel_loop3A_1513 : i32 to index
          %parallel_loop3A_1516 = tpu.vector_load %parallel_loop3A_1514[%parallel_loop3A_1515] {strides = array<i32>} : memref<16384xf32, #tpu.memory_space<vmem>>, vector<16xf32>,
          tpu.vector_store %parallel_loop3A_1514[%parallel_loop3A_1515], %parallel_loop3A_1455 {strides = array<i32>} : memref<16384xf32, #tpu.memory_space<vmem>>, vector<16xf32>,
          %parallel_loop3A_1517 = arith.constant 32 : i32
          %parallel_loop3A_1518 = arith.addi %parallel_loop3A_1481, %parallel_loop3A_1517 : i32
          %parallel_loop3A_1519 = arith.index_cast %parallel_loop3A_1518 : i32 to index
          %parallel_loop3A_1520 = tpu.vector_load %arg8[%parallel_loop3A_1519] {strides = array<i32>} : memref<32768xf32, #tpu.memory_space<vmem>>, vector<16xf32>,
          %parallel_loop3A_1521 = arith.constant 48 : i32
          %parallel_loop3A_1522 = arith.addi %parallel_loop3A_1479, %parallel_loop3A_1521 : i32
          %parallel_loop3A_1523 = arith.index_cast %parallel_loop3A_1522 : i32 to index
          %parallel_loop3A_1524 = tpu.vector_load %arg7[%parallel_loop3A_1523] {strides = array<i32>} : memref<32768xf32, #tpu.memory_space<vmem>>, vector<16xf32>,
          %parallel_loop3A_1525 = arith.constant 48 : i32
          %parallel_loop3A_1526 = arith.addi %parallel_loop3A_1477, %parallel_loop3A_1525 : i32
          %parallel_loop3A_1527 = tpu.memref_slice %run_scoped3A_10[%mul3A_254] : memref<32768xf32, #tpu.memory_space<vmem>> -> memref<16384xf32, #tpu.memory_space<vmem>>
          %parallel_loop3A_1528 = arith.index_cast %parallel_loop3A_1526 : i32 to index
          %parallel_loop3A_1529 = tpu.vector_load %parallel_loop3A_1527[%parallel_loop3A_1528] {strides = array<i32>} : memref<16384xf32, #tpu.memory_space<vmem>>, vector<16xf32>,
          tpu.vector_store %parallel_loop3A_1527[%parallel_loop3A_1528], %parallel_loop3A_1459 {strides = array<i32>} : memref<16384xf32, #tpu.memory_space<vmem>>, vector<16xf32>,
          %parallel_loop3A_1530 = arith.constant 48 : i32
          %parallel_loop3A_1531 = arith.addi %parallel_loop3A_1481, %parallel_loop3A_1530 : i32
          %parallel_loop3A_1532 = arith.index_cast %parallel_loop3A_1531 : i32 to index
          %parallel_loop3A_1533 = tpu.vector_load %arg8[%parallel_loop3A_1532] {strides = array<i32>} : memref<32768xf32, #tpu.memory_space<vmem>>, vector<16xf32>,
          %parallel_loop3A_1534 = arith.constant 64 : i32
          %parallel_loop3A_1535 = arith.addi %parallel_loop3A_1479, %parallel_loop3A_1534 : i32
          %parallel_loop3A_1536 = arith.index_cast %parallel_loop3A_1535 : i32 to index
          %parallel_loop3A_1537 = tpu.vector_load %arg7[%parallel_loop3A_1536] {strides = array<i32>} : memref<32768xf32, #tpu.memory_space<vmem>>, vector<16xf32>,
          %parallel_loop3A_1538 = arith.constant 64 : i32
          %parallel_loop3A_1539 = arith.addi %parallel_loop3A_1477, %parallel_loop3A_1538 : i32
          %parallel_loop3A_1540 = tpu.memref_slice %run_scoped3A_10[%mul3A_254] : memref<32768xf32, #tpu.memory_space<vmem>> -> memref<16384xf32, #tpu.memory_space<vmem>>
          %parallel_loop3A_1541 = arith.index_cast %parallel_loop3A_1539 : i32 to index
          %parallel_loop3A_1542 = tpu.vector_load %parallel_loop3A_1540[%parallel_loop3A_1541] {strides = array<i32>} : memref<16384xf32, #tpu.memory_space<vmem>>, vector<16xf32>,
          tpu.vector_store %parallel_loop3A_1540[%parallel_loop3A_1541], %parallel_loop3A_1463 {strides = array<i32>} : memref<16384xf32, #tpu.memory_space<vmem>>, vector<16xf32>,
          %parallel_loop3A_1543 = arith.constant 64 : i32
          %parallel_loop3A_1544 = arith.addi %parallel_loop3A_1481, %parallel_loop3A_1543 : i32
          %parallel_loop3A_1545 = arith.index_cast %parallel_loop3A_1544 : i32 to index
          %parallel_loop3A_1546 = tpu.vector_load %arg8[%parallel_loop3A_1545] {strides = array<i32>} : memref<32768xf32, #tpu.memory_space<vmem>>, vector<16xf32>,
          %parallel_loop3A_1547 = arith.constant 80 : i32
          %parallel_loop3A_1548 = arith.addi %parallel_loop3A_1479, %parallel_loop3A_1547 : i32
          %parallel_loop3A_1549 = arith.index_cast %parallel_loop3A_1548 : i32 to index
          %parallel_loop3A_1550 = tpu.vector_load %arg7[%parallel_loop3A_1549] {strides = array<i32>} : memref<32768xf32, #tpu.memory_space<vmem>>, vector<16xf32>,
          %parallel_loop3A_1551 = arith.constant 80 : i32
          %parallel_loop3A_1552 = arith.addi %parallel_loop3A_1477, %parallel_loop3A_1551 : i32
          %parallel_loop3A_1553 = tpu.memref_slice %run_scoped3A_10[%mul3A_254] : memref<32768xf32, #tpu.memory_space<vmem>> -> memref<16384xf32, #tpu.memory_space<vmem>>
          %parallel_loop3A_1554 = arith.index_cast %parallel_loop3A_1552 : i32 to index
          %parallel_loop3A_1555 = tpu.vector_load %parallel_loop3A_1553[%parallel_loop3A_1554] {strides = array<i32>} : memref<16384xf32, #tpu.memory_space<vmem>>, vector<16xf32>,
          tpu.vector_store %parallel_loop3A_1553[%parallel_loop3A_1554], %parallel_loop3A_1467 {strides = array<i32>} : memref<16384xf32, #tpu.memory_space<vmem>>, vector<16xf32>,
          %parallel_loop3A_1556 = arith.constant 80 : i32
          %parallel_loop3A_1557 = arith.addi %parallel_loop3A_1481, %parallel_loop3A_1556 : i32
          %parallel_loop3A_1558 = arith.index_cast %parallel_loop3A_1557 : i32 to index
          %parallel_loop3A_1559 = tpu.vector_load %arg8[%parallel_loop3A_1558] {strides = array<i32>} : memref<32768xf32, #tpu.memory_space<vmem>>, vector<16xf32>,
          %parallel_loop3A_1560 = arith.constant 96 : i32
          %parallel_loop3A_1561 = arith.addi %parallel_loop3A_1479, %parallel_loop3A_1560 : i32
          %parallel_loop3A_1562 = arith.index_cast %parallel_loop3A_1561 : i32 to index
          %parallel_loop3A_1563 = tpu.vector_load %arg7[%parallel_loop3A_1562] {strides = array<i32>} : memref<32768xf32, #tpu.memory_space<vmem>>, vector<16xf32>,
          %parallel_loop3A_1564 = arith.constant 96 : i32
          %parallel_loop3A_1565 = arith.addi %parallel_loop3A_1477, %parallel_loop3A_1564 : i32
          %parallel_loop3A_1566 = tpu.memref_slice %run_scoped3A_10[%mul3A_254] : memref<32768xf32, #tpu.memory_space<vmem>> -> memref<16384xf32, #tpu.memory_space<vmem>>
          %parallel_loop3A_1567 = arith.index_cast %parallel_loop3A_1565 : i32 to index
          %parallel_loop3A_1568 = tpu.vector_load %parallel_loop3A_1566[%parallel_loop3A_1567] {strides = array<i32>} : memref<16384xf32, #tpu.memory_space<vmem>>, vector<16xf32>,
          tpu.vector_store %parallel_loop3A_1566[%parallel_loop3A_1567], %parallel_loop3A_1471 {strides = array<i32>} : memref<16384xf32, #tpu.memory_space<vmem>>, vector<16xf32>,
          %parallel_loop3A_1569 = arith.constant 96 : i32
          %parallel_loop3A_1570 = arith.addi %parallel_loop3A_1481, %parallel_loop3A_1569 : i32
          %parallel_loop3A_1571 = arith.index_cast %parallel_loop3A_1570 : i32 to index
          %parallel_loop3A_1572 = tpu.vector_load %arg8[%parallel_loop3A_1571] {strides = array<i32>} : memref<32768xf32, #tpu.memory_space<vmem>>, vector<16xf32>,
          %parallel_loop3A_1573 = arith.constant 112 : i32
          %parallel_loop3A_1574 = arith.addi %parallel_loop3A_1479, %parallel_loop3A_1573 : i32
          %parallel_loop3A_1575 = arith.index_cast %parallel_loop3A_1574 : i32 to index
          %parallel_loop3A_1576 = tpu.vector_load %arg7[%parallel_loop3A_1575] {strides = array<i32>} : memref<32768xf32, #tpu.memory_space<vmem>>, vector<16xf32>,
          %parallel_loop3A_1577 = arith.constant 112 : i32
          %parallel_loop3A_1578 = arith.addi %parallel_loop3A_1477, %parallel_loop3A_1577 : i32
          %parallel_loop3A_1579 = tpu.memref_slice %run_scoped3A_10[%mul3A_254] : memref<32768xf32, #tpu.memory_space<vmem>> -> memref<16384xf32, #tpu.memory_space<vmem>>
          %parallel_loop3A_1580 = arith.index_cast %parallel_loop3A_1578 : i32 to index
          %parallel_loop3A_1581 = tpu.vector_load %parallel_loop3A_1579[%parallel_loop3A_1580] {strides = array<i32>} : memref<16384xf32, #tpu.memory_space<vmem>>, vector<16xf32>,
          tpu.vector_store %parallel_loop3A_1579[%parallel_loop3A_1580], %parallel_loop3A_1475 {strides = array<i32>} : memref<16384xf32, #tpu.memory_space<vmem>>, vector<16xf32>,
          %parallel_loop3A_1582 = arith.constant 112 : i32
          %parallel_loop3A_1583 = arith.addi %parallel_loop3A_1481, %parallel_loop3A_1582 : i32
          %parallel_loop3A_1584 = arith.index_cast %parallel_loop3A_1583 : i32 to index
          %parallel_loop3A_1585 = tpu.vector_load %arg8[%parallel_loop3A_1584] {strides = array<i32>} : memref<32768xf32, #tpu.memory_space<vmem>>, vector<16xf32>,
          %parallel_loop3A_1586 = arith.addf %parallel_loop3A_1485, %parallel_loop3A_1494 : vector<16xf32>
          %parallel_loop3A_1587 = arith.constant 0.000000e+00 : f32
          %parallel_loop3A_1588 = vector.broadcast %parallel_loop3A_1587 : f32 to vector<16xf32>
          %parallel_loop3A_1589 = arith.maximumf %parallel_loop3A_1586, %parallel_loop3A_1588 : vector<16xf32>
          %parallel_loop3A_1590 = arith.addf %parallel_loop3A_1498, %parallel_loop3A_1507 : vector<16xf32>
          %parallel_loop3A_1591 = arith.constant 0.000000e+00 : f32
          %parallel_loop3A_1592 = vector.broadcast %parallel_loop3A_1591 : f32 to vector<16xf32>
          %parallel_loop3A_1593 = arith.maximumf %parallel_loop3A_1590, %parallel_loop3A_1592 : vector<16xf32>
          %parallel_loop3A_1594 = arith.addf %parallel_loop3A_1511, %parallel_loop3A_1520 : vector<16xf32>
          %parallel_loop3A_1595 = arith.constant 0.000000e+00 : f32
          %parallel_loop3A_1596 = vector.broadcast %parallel_loop3A_1595 : f32 to vector<16xf32>
          %parallel_loop3A_1597 = arith.maximumf %parallel_loop3A_1594, %parallel_loop3A_1596 : vector<16xf32>
          %parallel_loop3A_1598 = arith.addf %parallel_loop3A_1524, %parallel_loop3A_1533 : vector<16xf32>
          %parallel_loop3A_1599 = arith.constant 0.000000e+00 : f32
          %parallel_loop3A_1600 = vector.broadcast %parallel_loop3A_1599 : f32 to vector<16xf32>
          %parallel_loop3A_1601 = arith.maximumf %parallel_loop3A_1598, %parallel_loop3A_1600 : vector<16xf32>
          %parallel_loop3A_1602 = arith.addf %parallel_loop3A_1537, %parallel_loop3A_1546 : vector<16xf32>
          %parallel_loop3A_1603 = arith.constant 0.000000e+00 : f32
          %parallel_loop3A_1604 = vector.broadcast %parallel_loop3A_1603 : f32 to vector<16xf32>
          %parallel_loop3A_1605 = arith.maximumf %parallel_loop3A_1602, %parallel_loop3A_1604 : vector<16xf32>
          %parallel_loop3A_1606 = arith.addf %parallel_loop3A_1550, %parallel_loop3A_1559 : vector<16xf32>
          %parallel_loop3A_1607 = arith.constant 0.000000e+00 : f32
          %parallel_loop3A_1608 = vector.broadcast %parallel_loop3A_1607 : f32 to vector<16xf32>
          %parallel_loop3A_1609 = arith.maximumf %parallel_loop3A_1606, %parallel_loop3A_1608 : vector<16xf32>
          %parallel_loop3A_1610 = arith.addf %parallel_loop3A_1563, %parallel_loop3A_1572 : vector<16xf32>
          %parallel_loop3A_1611 = arith.constant 0.000000e+00 : f32
          %parallel_loop3A_1612 = vector.broadcast %parallel_loop3A_1611 : f32 to vector<16xf32>
          %parallel_loop3A_1613 = arith.maximumf %parallel_loop3A_1610, %parallel_loop3A_1612 : vector<16xf32>
          %parallel_loop3A_1614 = arith.addf %parallel_loop3A_1576, %parallel_loop3A_1585 : vector<16xf32>
          %parallel_loop3A_1615 = arith.constant 0.000000e+00 : f32
          %parallel_loop3A_1616 = vector.broadcast %parallel_loop3A_1615 : f32 to vector<16xf32>
          %parallel_loop3A_1617 = arith.maximumf %parallel_loop3A_1614, %parallel_loop3A_1616 : vector<16xf32>
          %parallel_loop3A_1618 = arith.constant 1024 : i32
          %parallel_loop3A_1619 = arith.addi %parallel_loop3A_381, %parallel_loop3A_1618 : i32
          %parallel_loop3A_1620 = vector.extract_strided_slice %parallel_loop3A_367 {offsets = [9], sizes = [1], strides = [1]} : vector<16xi32> to vector<1xi32>
          %parallel_loop3A_1621 = vector.extract %parallel_loop3A_1620[0] : i32 from vector<1xi32>
          %parallel_loop3A_1622 = vector.extract_strided_slice %parallel_loop3A_377 {offsets = [9], sizes = [1], strides = [1]} : vector<16xi32> to vector<1xi32>
          %parallel_loop3A_1623 = vector.extract %parallel_loop3A_1622[0] : i32 from vector<1xi32>
          %parallel_loop3A_1624 = arith.constant 0 : i32
          %parallel_loop3A_1625 = arith.addi %parallel_loop3A_1621, %parallel_loop3A_1624 : i32
          %parallel_loop3A_1626 = arith.index_cast %parallel_loop3A_1625 : i32 to index
          %parallel_loop3A_1627 = tpu.vector_load %arg7[%parallel_loop3A_1626] {strides = array<i32>} : memref<32768xf32, #tpu.memory_space<vmem>>, vector<16xf32>,
          %parallel_loop3A_1628 = arith.constant 0 : i32
          %parallel_loop3A_1629 = arith.addi %parallel_loop3A_1619, %parallel_loop3A_1628 : i32
          %parallel_loop3A_1630 = tpu.memref_slice %run_scoped3A_10[%mul3A_254] : memref<32768xf32, #tpu.memory_space<vmem>> -> memref<16384xf32, #tpu.memory_space<vmem>>
          %parallel_loop3A_1631 = arith.index_cast %parallel_loop3A_1629 : i32 to index
          %parallel_loop3A_1632 = tpu.vector_load %parallel_loop3A_1630[%parallel_loop3A_1631] {strides = array<i32>} : memref<16384xf32, #tpu.memory_space<vmem>>, vector<16xf32>,
          tpu.vector_store %parallel_loop3A_1630[%parallel_loop3A_1631], %parallel_loop3A_1589 {strides = array<i32>} : memref<16384xf32, #tpu.memory_space<vmem>>, vector<16xf32>,
          %parallel_loop3A_1633 = arith.constant 0 : i32
          %parallel_loop3A_1634 = arith.addi %parallel_loop3A_1623, %parallel_loop3A_1633 : i32
          %parallel_loop3A_1635 = arith.index_cast %parallel_loop3A_1634 : i32 to index
          %parallel_loop3A_1636 = tpu.vector_load %arg8[%parallel_loop3A_1635] {strides = array<i32>} : memref<32768xf32, #tpu.memory_space<vmem>>, vector<16xf32>,
          %parallel_loop3A_1637 = arith.constant 16 : i32
          %parallel_loop3A_1638 = arith.addi %parallel_loop3A_1621, %parallel_loop3A_1637 : i32
          %parallel_loop3A_1639 = arith.index_cast %parallel_loop3A_1638 : i32 to index
          %parallel_loop3A_1640 = tpu.vector_load %arg7[%parallel_loop3A_1639] {strides = array<i32>} : memref<32768xf32, #tpu.memory_space<vmem>>, vector<16xf32>,
          %parallel_loop3A_1641 = arith.constant 16 : i32
          %parallel_loop3A_1642 = arith.addi %parallel_loop3A_1619, %parallel_loop3A_1641 : i32
          %parallel_loop3A_1643 = tpu.memref_slice %run_scoped3A_10[%mul3A_254] : memref<32768xf32, #tpu.memory_space<vmem>> -> memref<16384xf32, #tpu.memory_space<vmem>>
          %parallel_loop3A_1644 = arith.index_cast %parallel_loop3A_1642 : i32 to index
          %parallel_loop3A_1645 = tpu.vector_load %parallel_loop3A_1643[%parallel_loop3A_1644] {strides = array<i32>} : memref<16384xf32, #tpu.memory_space<vmem>>, vector<16xf32>,
          tpu.vector_store %parallel_loop3A_1643[%parallel_loop3A_1644], %parallel_loop3A_1593 {strides = array<i32>} : memref<16384xf32, #tpu.memory_space<vmem>>, vector<16xf32>,
          %parallel_loop3A_1646 = arith.constant 16 : i32
          %parallel_loop3A_1647 = arith.addi %parallel_loop3A_1623, %parallel_loop3A_1646 : i32
          %parallel_loop3A_1648 = arith.index_cast %parallel_loop3A_1647 : i32 to index
          %parallel_loop3A_1649 = tpu.vector_load %arg8[%parallel_loop3A_1648] {strides = array<i32>} : memref<32768xf32, #tpu.memory_space<vmem>>, vector<16xf32>,
          %parallel_loop3A_1650 = arith.constant 32 : i32
          %parallel_loop3A_1651 = arith.addi %parallel_loop3A_1621, %parallel_loop3A_1650 : i32
          %parallel_loop3A_1652 = arith.index_cast %parallel_loop3A_1651 : i32 to index
          %parallel_loop3A_1653 = tpu.vector_load %arg7[%parallel_loop3A_1652] {strides = array<i32>} : memref<32768xf32, #tpu.memory_space<vmem>>, vector<16xf32>,
          %parallel_loop3A_1654 = arith.constant 32 : i32
          %parallel_loop3A_1655 = arith.addi %parallel_loop3A_1619, %parallel_loop3A_1654 : i32
          %parallel_loop3A_1656 = tpu.memref_slice %run_scoped3A_10[%mul3A_254] : memref<32768xf32, #tpu.memory_space<vmem>> -> memref<16384xf32, #tpu.memory_space<vmem>>
          %parallel_loop3A_1657 = arith.index_cast %parallel_loop3A_1655 : i32 to index
          %parallel_loop3A_1658 = tpu.vector_load %parallel_loop3A_1656[%parallel_loop3A_1657] {strides = array<i32>} : memref<16384xf32, #tpu.memory_space<vmem>>, vector<16xf32>,
          tpu.vector_store %parallel_loop3A_1656[%parallel_loop3A_1657], %parallel_loop3A_1597 {strides = array<i32>} : memref<16384xf32, #tpu.memory_space<vmem>>, vector<16xf32>,
          %parallel_loop3A_1659 = arith.constant 32 : i32
          %parallel_loop3A_1660 = arith.addi %parallel_loop3A_1623, %parallel_loop3A_1659 : i32
          %parallel_loop3A_1661 = arith.index_cast %parallel_loop3A_1660 : i32 to index
          %parallel_loop3A_1662 = tpu.vector_load %arg8[%parallel_loop3A_1661] {strides = array<i32>} : memref<32768xf32, #tpu.memory_space<vmem>>, vector<16xf32>,
          %parallel_loop3A_1663 = arith.constant 48 : i32
          %parallel_loop3A_1664 = arith.addi %parallel_loop3A_1621, %parallel_loop3A_1663 : i32
          %parallel_loop3A_1665 = arith.index_cast %parallel_loop3A_1664 : i32 to index
          %parallel_loop3A_1666 = tpu.vector_load %arg7[%parallel_loop3A_1665] {strides = array<i32>} : memref<32768xf32, #tpu.memory_space<vmem>>, vector<16xf32>,
          %parallel_loop3A_1667 = arith.constant 48 : i32
          %parallel_loop3A_1668 = arith.addi %parallel_loop3A_1619, %parallel_loop3A_1667 : i32
          %parallel_loop3A_1669 = tpu.memref_slice %run_scoped3A_10[%mul3A_254] : memref<32768xf32, #tpu.memory_space<vmem>> -> memref<16384xf32, #tpu.memory_space<vmem>>
          %parallel_loop3A_1670 = arith.index_cast %parallel_loop3A_1668 : i32 to index
          %parallel_loop3A_1671 = tpu.vector_load %parallel_loop3A_1669[%parallel_loop3A_1670] {strides = array<i32>} : memref<16384xf32, #tpu.memory_space<vmem>>, vector<16xf32>,
          tpu.vector_store %parallel_loop3A_1669[%parallel_loop3A_1670], %parallel_loop3A_1601 {strides = array<i32>} : memref<16384xf32, #tpu.memory_space<vmem>>, vector<16xf32>,
          %parallel_loop3A_1672 = arith.constant 48 : i32
          %parallel_loop3A_1673 = arith.addi %parallel_loop3A_1623, %parallel_loop3A_1672 : i32
          %parallel_loop3A_1674 = arith.index_cast %parallel_loop3A_1673 : i32 to index
          %parallel_loop3A_1675 = tpu.vector_load %arg8[%parallel_loop3A_1674] {strides = array<i32>} : memref<32768xf32, #tpu.memory_space<vmem>>, vector<16xf32>,
          %parallel_loop3A_1676 = arith.constant 64 : i32
          %parallel_loop3A_1677 = arith.addi %parallel_loop3A_1621, %parallel_loop3A_1676 : i32
          %parallel_loop3A_1678 = arith.index_cast %parallel_loop3A_1677 : i32 to index
          %parallel_loop3A_1679 = tpu.vector_load %arg7[%parallel_loop3A_1678] {strides = array<i32>} : memref<32768xf32, #tpu.memory_space<vmem>>, vector<16xf32>,
          %parallel_loop3A_1680 = arith.constant 64 : i32
          %parallel_loop3A_1681 = arith.addi %parallel_loop3A_1619, %parallel_loop3A_1680 : i32
          %parallel_loop3A_1682 = tpu.memref_slice %run_scoped3A_10[%mul3A_254] : memref<32768xf32, #tpu.memory_space<vmem>> -> memref<16384xf32, #tpu.memory_space<vmem>>
          %parallel_loop3A_1683 = arith.index_cast %parallel_loop3A_1681 : i32 to index
          %parallel_loop3A_1684 = tpu.vector_load %parallel_loop3A_1682[%parallel_loop3A_1683] {strides = array<i32>} : memref<16384xf32, #tpu.memory_space<vmem>>, vector<16xf32>,
          tpu.vector_store %parallel_loop3A_1682[%parallel_loop3A_1683], %parallel_loop3A_1605 {strides = array<i32>} : memref<16384xf32, #tpu.memory_space<vmem>>, vector<16xf32>,
          %parallel_loop3A_1685 = arith.constant 64 : i32
          %parallel_loop3A_1686 = arith.addi %parallel_loop3A_1623, %parallel_loop3A_1685 : i32
          %parallel_loop3A_1687 = arith.index_cast %parallel_loop3A_1686 : i32 to index
          %parallel_loop3A_1688 = tpu.vector_load %arg8[%parallel_loop3A_1687] {strides = array<i32>} : memref<32768xf32, #tpu.memory_space<vmem>>, vector<16xf32>,
          %parallel_loop3A_1689 = arith.constant 80 : i32
          %parallel_loop3A_1690 = arith.addi %parallel_loop3A_1621, %parallel_loop3A_1689 : i32
          %parallel_loop3A_1691 = arith.index_cast %parallel_loop3A_1690 : i32 to index
          %parallel_loop3A_1692 = tpu.vector_load %arg7[%parallel_loop3A_1691] {strides = array<i32>} : memref<32768xf32, #tpu.memory_space<vmem>>, vector<16xf32>,
          %parallel_loop3A_1693 = arith.constant 80 : i32
          %parallel_loop3A_1694 = arith.addi %parallel_loop3A_1619, %parallel_loop3A_1693 : i32
          %parallel_loop3A_1695 = tpu.memref_slice %run_scoped3A_10[%mul3A_254] : memref<32768xf32, #tpu.memory_space<vmem>> -> memref<16384xf32, #tpu.memory_space<vmem>>
          %parallel_loop3A_1696 = arith.index_cast %parallel_loop3A_1694 : i32 to index
          %parallel_loop3A_1697 = tpu.vector_load %parallel_loop3A_1695[%parallel_loop3A_1696] {strides = array<i32>} : memref<16384xf32, #tpu.memory_space<vmem>>, vector<16xf32>,
          tpu.vector_store %parallel_loop3A_1695[%parallel_loop3A_1696], %parallel_loop3A_1609 {strides = array<i32>} : memref<16384xf32, #tpu.memory_space<vmem>>, vector<16xf32>,
          %parallel_loop3A_1698 = arith.constant 80 : i32
          %parallel_loop3A_1699 = arith.addi %parallel_loop3A_1623, %parallel_loop3A_1698 : i32
          %parallel_loop3A_1700 = arith.index_cast %parallel_loop3A_1699 : i32 to index
          %parallel_loop3A_1701 = tpu.vector_load %arg8[%parallel_loop3A_1700] {strides = array<i32>} : memref<32768xf32, #tpu.memory_space<vmem>>, vector<16xf32>,
          %parallel_loop3A_1702 = arith.constant 96 : i32
          %parallel_loop3A_1703 = arith.addi %parallel_loop3A_1621, %parallel_loop3A_1702 : i32
          %parallel_loop3A_1704 = arith.index_cast %parallel_loop3A_1703 : i32 to index
          %parallel_loop3A_1705 = tpu.vector_load %arg7[%parallel_loop3A_1704] {strides = array<i32>} : memref<32768xf32, #tpu.memory_space<vmem>>, vector<16xf32>,
          %parallel_loop3A_1706 = arith.constant 96 : i32
          %parallel_loop3A_1707 = arith.addi %parallel_loop3A_1619, %parallel_loop3A_1706 : i32
          %parallel_loop3A_1708 = tpu.memref_slice %run_scoped3A_10[%mul3A_254] : memref<32768xf32, #tpu.memory_space<vmem>> -> memref<16384xf32, #tpu.memory_space<vmem>>
          %parallel_loop3A_1709 = arith.index_cast %parallel_loop3A_1707 : i32 to index
          %parallel_loop3A_1710 = tpu.vector_load %parallel_loop3A_1708[%parallel_loop3A_1709] {strides = array<i32>} : memref<16384xf32, #tpu.memory_space<vmem>>, vector<16xf32>,
          tpu.vector_store %parallel_loop3A_1708[%parallel_loop3A_1709], %parallel_loop3A_1613 {strides = array<i32>} : memref<16384xf32, #tpu.memory_space<vmem>>, vector<16xf32>,
          %parallel_loop3A_1711 = arith.constant 96 : i32
          %parallel_loop3A_1712 = arith.addi %parallel_loop3A_1623, %parallel_loop3A_1711 : i32
          %parallel_loop3A_1713 = arith.index_cast %parallel_loop3A_1712 : i32 to index
          %parallel_loop3A_1714 = tpu.vector_load %arg8[%parallel_loop3A_1713] {strides = array<i32>} : memref<32768xf32, #tpu.memory_space<vmem>>, vector<16xf32>,
          %parallel_loop3A_1715 = arith.constant 112 : i32
          %parallel_loop3A_1716 = arith.addi %parallel_loop3A_1621, %parallel_loop3A_1715 : i32
          %parallel_loop3A_1717 = arith.index_cast %parallel_loop3A_1716 : i32 to index
          %parallel_loop3A_1718 = tpu.vector_load %arg7[%parallel_loop3A_1717] {strides = array<i32>} : memref<32768xf32, #tpu.memory_space<vmem>>, vector<16xf32>,
          %parallel_loop3A_1719 = arith.constant 112 : i32
          %parallel_loop3A_1720 = arith.addi %parallel_loop3A_1619, %parallel_loop3A_1719 : i32
          %parallel_loop3A_1721 = tpu.memref_slice %run_scoped3A_10[%mul3A_254] : memref<32768xf32, #tpu.memory_space<vmem>> -> memref<16384xf32, #tpu.memory_space<vmem>>
          %parallel_loop3A_1722 = arith.index_cast %parallel_loop3A_1720 : i32 to index
          %parallel_loop3A_1723 = tpu.vector_load %parallel_loop3A_1721[%parallel_loop3A_1722] {strides = array<i32>} : memref<16384xf32, #tpu.memory_space<vmem>>, vector<16xf32>,
          tpu.vector_store %parallel_loop3A_1721[%parallel_loop3A_1722], %parallel_loop3A_1617 {strides = array<i32>} : memref<16384xf32, #tpu.memory_space<vmem>>, vector<16xf32>,
          %parallel_loop3A_1724 = arith.constant 112 : i32
          %parallel_loop3A_1725 = arith.addi %parallel_loop3A_1623, %parallel_loop3A_1724 : i32
          %parallel_loop3A_1726 = arith.index_cast %parallel_loop3A_1725 : i32 to index
          %parallel_loop3A_1727 = tpu.vector_load %arg8[%parallel_loop3A_1726] {strides = array<i32>} : memref<32768xf32, #tpu.memory_space<vmem>>, vector<16xf32>,
          %parallel_loop3A_1728 = arith.addf %parallel_loop3A_1627, %parallel_loop3A_1636 : vector<16xf32>
          %parallel_loop3A_1729 = arith.constant 0.000000e+00 : f32
          %parallel_loop3A_1730 = vector.broadcast %parallel_loop3A_1729 : f32 to vector<16xf32>
          %parallel_loop3A_1731 = arith.maximumf %parallel_loop3A_1728, %parallel_loop3A_1730 : vector<16xf32>
          %parallel_loop3A_1732 = arith.addf %parallel_loop3A_1640, %parallel_loop3A_1649 : vector<16xf32>
          %parallel_loop3A_1733 = arith.constant 0.000000e+00 : f32
          %parallel_loop3A_1734 = vector.broadcast %parallel_loop3A_1733 : f32 to vector<16xf32>
          %parallel_loop3A_1735 = arith.maximumf %parallel_loop3A_1732, %parallel_loop3A_1734 : vector<16xf32>
          %parallel_loop3A_1736 = arith.addf %parallel_loop3A_1653, %parallel_loop3A_1662 : vector<16xf32>
          %parallel_loop3A_1737 = arith.constant 0.000000e+00 : f32
          %parallel_loop3A_1738 = vector.broadcast %parallel_loop3A_1737 : f32 to vector<16xf32>
          %parallel_loop3A_1739 = arith.maximumf %parallel_loop3A_1736, %parallel_loop3A_1738 : vector<16xf32>
          %parallel_loop3A_1740 = arith.addf %parallel_loop3A_1666, %parallel_loop3A_1675 : vector<16xf32>
          %parallel_loop3A_1741 = arith.constant 0.000000e+00 : f32
          %parallel_loop3A_1742 = vector.broadcast %parallel_loop3A_1741 : f32 to vector<16xf32>
          %parallel_loop3A_1743 = arith.maximumf %parallel_loop3A_1740, %parallel_loop3A_1742 : vector<16xf32>
          %parallel_loop3A_1744 = arith.addf %parallel_loop3A_1679, %parallel_loop3A_1688 : vector<16xf32>
          %parallel_loop3A_1745 = arith.constant 0.000000e+00 : f32
          %parallel_loop3A_1746 = vector.broadcast %parallel_loop3A_1745 : f32 to vector<16xf32>
          %parallel_loop3A_1747 = arith.maximumf %parallel_loop3A_1744, %parallel_loop3A_1746 : vector<16xf32>
          %parallel_loop3A_1748 = arith.addf %parallel_loop3A_1692, %parallel_loop3A_1701 : vector<16xf32>
          %parallel_loop3A_1749 = arith.constant 0.000000e+00 : f32
          %parallel_loop3A_1750 = vector.broadcast %parallel_loop3A_1749 : f32 to vector<16xf32>
          %parallel_loop3A_1751 = arith.maximumf %parallel_loop3A_1748, %parallel_loop3A_1750 : vector<16xf32>
          %parallel_loop3A_1752 = arith.addf %parallel_loop3A_1705, %parallel_loop3A_1714 : vector<16xf32>
          %parallel_loop3A_1753 = arith.constant 0.000000e+00 : f32
          %parallel_loop3A_1754 = vector.broadcast %parallel_loop3A_1753 : f32 to vector<16xf32>
          %parallel_loop3A_1755 = arith.maximumf %parallel_loop3A_1752, %parallel_loop3A_1754 : vector<16xf32>
          %parallel_loop3A_1756 = arith.addf %parallel_loop3A_1718, %parallel_loop3A_1727 : vector<16xf32>
          %parallel_loop3A_1757 = arith.constant 0.000000e+00 : f32
          %parallel_loop3A_1758 = vector.broadcast %parallel_loop3A_1757 : f32 to vector<16xf32>
          %parallel_loop3A_1759 = arith.maximumf %parallel_loop3A_1756, %parallel_loop3A_1758 : vector<16xf32>
          %parallel_loop3A_1760 = arith.constant 1152 : i32
          %parallel_loop3A_1761 = arith.addi %parallel_loop3A_381, %parallel_loop3A_1760 : i32
          %parallel_loop3A_1762 = vector.extract_strided_slice %parallel_loop3A_367 {offsets = [10], sizes = [1], strides = [1]} : vector<16xi32> to vector<1xi32>
          %parallel_loop3A_1763 = vector.extract %parallel_loop3A_1762[0] : i32 from vector<1xi32>
          %parallel_loop3A_1764 = vector.extract_strided_slice %parallel_loop3A_377 {offsets = [10], sizes = [1], strides = [1]} : vector<16xi32> to vector<1xi32>
          %parallel_loop3A_1765 = vector.extract %parallel_loop3A_1764[0] : i32 from vector<1xi32>
          %parallel_loop3A_1766 = arith.constant 0 : i32
          %parallel_loop3A_1767 = arith.addi %parallel_loop3A_1763, %parallel_loop3A_1766 : i32
          %parallel_loop3A_1768 = arith.index_cast %parallel_loop3A_1767 : i32 to index
          %parallel_loop3A_1769 = tpu.vector_load %arg7[%parallel_loop3A_1768] {strides = array<i32>} : memref<32768xf32, #tpu.memory_space<vmem>>, vector<16xf32>,
          %parallel_loop3A_1770 = arith.constant 0 : i32
          %parallel_loop3A_1771 = arith.addi %parallel_loop3A_1761, %parallel_loop3A_1770 : i32
          %parallel_loop3A_1772 = tpu.memref_slice %run_scoped3A_10[%mul3A_254] : memref<32768xf32, #tpu.memory_space<vmem>> -> memref<16384xf32, #tpu.memory_space<vmem>>
          %parallel_loop3A_1773 = arith.index_cast %parallel_loop3A_1771 : i32 to index
          %parallel_loop3A_1774 = tpu.vector_load %parallel_loop3A_1772[%parallel_loop3A_1773] {strides = array<i32>} : memref<16384xf32, #tpu.memory_space<vmem>>, vector<16xf32>,
          tpu.vector_store %parallel_loop3A_1772[%parallel_loop3A_1773], %parallel_loop3A_1731 {strides = array<i32>} : memref<16384xf32, #tpu.memory_space<vmem>>, vector<16xf32>,
          %parallel_loop3A_1775 = arith.constant 0 : i32
          %parallel_loop3A_1776 = arith.addi %parallel_loop3A_1765, %parallel_loop3A_1775 : i32
          %parallel_loop3A_1777 = arith.index_cast %parallel_loop3A_1776 : i32 to index
          %parallel_loop3A_1778 = tpu.vector_load %arg8[%parallel_loop3A_1777] {strides = array<i32>} : memref<32768xf32, #tpu.memory_space<vmem>>, vector<16xf32>,
          %parallel_loop3A_1779 = arith.constant 16 : i32
          %parallel_loop3A_1780 = arith.addi %parallel_loop3A_1763, %parallel_loop3A_1779 : i32
          %parallel_loop3A_1781 = arith.index_cast %parallel_loop3A_1780 : i32 to index
          %parallel_loop3A_1782 = tpu.vector_load %arg7[%parallel_loop3A_1781] {strides = array<i32>} : memref<32768xf32, #tpu.memory_space<vmem>>, vector<16xf32>,
          %parallel_loop3A_1783 = arith.constant 16 : i32
          %parallel_loop3A_1784 = arith.addi %parallel_loop3A_1761, %parallel_loop3A_1783 : i32
          %parallel_loop3A_1785 = tpu.memref_slice %run_scoped3A_10[%mul3A_254] : memref<32768xf32, #tpu.memory_space<vmem>> -> memref<16384xf32, #tpu.memory_space<vmem>>
          %parallel_loop3A_1786 = arith.index_cast %parallel_loop3A_1784 : i32 to index
          %parallel_loop3A_1787 = tpu.vector_load %parallel_loop3A_1785[%parallel_loop3A_1786] {strides = array<i32>} : memref<16384xf32, #tpu.memory_space<vmem>>, vector<16xf32>,
          tpu.vector_store %parallel_loop3A_1785[%parallel_loop3A_1786], %parallel_loop3A_1735 {strides = array<i32>} : memref<16384xf32, #tpu.memory_space<vmem>>, vector<16xf32>,
          %parallel_loop3A_1788 = arith.constant 16 : i32
          %parallel_loop3A_1789 = arith.addi %parallel_loop3A_1765, %parallel_loop3A_1788 : i32
          %parallel_loop3A_1790 = arith.index_cast %parallel_loop3A_1789 : i32 to index
          %parallel_loop3A_1791 = tpu.vector_load %arg8[%parallel_loop3A_1790] {strides = array<i32>} : memref<32768xf32, #tpu.memory_space<vmem>>, vector<16xf32>,
          %parallel_loop3A_1792 = arith.constant 32 : i32
          %parallel_loop3A_1793 = arith.addi %parallel_loop3A_1763, %parallel_loop3A_1792 : i32
          %parallel_loop3A_1794 = arith.index_cast %parallel_loop3A_1793 : i32 to index
          %parallel_loop3A_1795 = tpu.vector_load %arg7[%parallel_loop3A_1794] {strides = array<i32>} : memref<32768xf32, #tpu.memory_space<vmem>>, vector<16xf32>,
          %parallel_loop3A_1796 = arith.constant 32 : i32
          %parallel_loop3A_1797 = arith.addi %parallel_loop3A_1761, %parallel_loop3A_1796 : i32
          %parallel_loop3A_1798 = tpu.memref_slice %run_scoped3A_10[%mul3A_254] : memref<32768xf32, #tpu.memory_space<vmem>> -> memref<16384xf32, #tpu.memory_space<vmem>>
          %parallel_loop3A_1799 = arith.index_cast %parallel_loop3A_1797 : i32 to index
          %parallel_loop3A_1800 = tpu.vector_load %parallel_loop3A_1798[%parallel_loop3A_1799] {strides = array<i32>} : memref<16384xf32, #tpu.memory_space<vmem>>, vector<16xf32>,
          tpu.vector_store %parallel_loop3A_1798[%parallel_loop3A_1799], %parallel_loop3A_1739 {strides = array<i32>} : memref<16384xf32, #tpu.memory_space<vmem>>, vector<16xf32>,
          %parallel_loop3A_1801 = arith.constant 32 : i32
          %parallel_loop3A_1802 = arith.addi %parallel_loop3A_1765, %parallel_loop3A_1801 : i32
          %parallel_loop3A_1803 = arith.index_cast %parallel_loop3A_1802 : i32 to index
          %parallel_loop3A_1804 = tpu.vector_load %arg8[%parallel_loop3A_1803] {strides = array<i32>} : memref<32768xf32, #tpu.memory_space<vmem>>, vector<16xf32>,
          %parallel_loop3A_1805 = arith.constant 48 : i32
          %parallel_loop3A_1806 = arith.addi %parallel_loop3A_1763, %parallel_loop3A_1805 : i32
          %parallel_loop3A_1807 = arith.index_cast %parallel_loop3A_1806 : i32 to index
          %parallel_loop3A_1808 = tpu.vector_load %arg7[%parallel_loop3A_1807] {strides = array<i32>} : memref<32768xf32, #tpu.memory_space<vmem>>, vector<16xf32>,
          %parallel_loop3A_1809 = arith.constant 48 : i32
          %parallel_loop3A_1810 = arith.addi %parallel_loop3A_1761, %parallel_loop3A_1809 : i32
          %parallel_loop3A_1811 = tpu.memref_slice %run_scoped3A_10[%mul3A_254] : memref<32768xf32, #tpu.memory_space<vmem>> -> memref<16384xf32, #tpu.memory_space<vmem>>
          %parallel_loop3A_1812 = arith.index_cast %parallel_loop3A_1810 : i32 to index
          %parallel_loop3A_1813 = tpu.vector_load %parallel_loop3A_1811[%parallel_loop3A_1812] {strides = array<i32>} : memref<16384xf32, #tpu.memory_space<vmem>>, vector<16xf32>,
          tpu.vector_store %parallel_loop3A_1811[%parallel_loop3A_1812], %parallel_loop3A_1743 {strides = array<i32>} : memref<16384xf32, #tpu.memory_space<vmem>>, vector<16xf32>,
          %parallel_loop3A_1814 = arith.constant 48 : i32
          %parallel_loop3A_1815 = arith.addi %parallel_loop3A_1765, %parallel_loop3A_1814 : i32
          %parallel_loop3A_1816 = arith.index_cast %parallel_loop3A_1815 : i32 to index
          %parallel_loop3A_1817 = tpu.vector_load %arg8[%parallel_loop3A_1816] {strides = array<i32>} : memref<32768xf32, #tpu.memory_space<vmem>>, vector<16xf32>,
          %parallel_loop3A_1818 = arith.constant 64 : i32
          %parallel_loop3A_1819 = arith.addi %parallel_loop3A_1763, %parallel_loop3A_1818 : i32
          %parallel_loop3A_1820 = arith.index_cast %parallel_loop3A_1819 : i32 to index
          %parallel_loop3A_1821 = tpu.vector_load %arg7[%parallel_loop3A_1820] {strides = array<i32>} : memref<32768xf32, #tpu.memory_space<vmem>>, vector<16xf32>,
          %parallel_loop3A_1822 = arith.constant 64 : i32
          %parallel_loop3A_1823 = arith.addi %parallel_loop3A_1761, %parallel_loop3A_1822 : i32
          %parallel_loop3A_1824 = tpu.memref_slice %run_scoped3A_10[%mul3A_254] : memref<32768xf32, #tpu.memory_space<vmem>> -> memref<16384xf32, #tpu.memory_space<vmem>>
          %parallel_loop3A_1825 = arith.index_cast %parallel_loop3A_1823 : i32 to index
          %parallel_loop3A_1826 = tpu.vector_load %parallel_loop3A_1824[%parallel_loop3A_1825] {strides = array<i32>} : memref<16384xf32, #tpu.memory_space<vmem>>, vector<16xf32>,
          tpu.vector_store %parallel_loop3A_1824[%parallel_loop3A_1825], %parallel_loop3A_1747 {strides = array<i32>} : memref<16384xf32, #tpu.memory_space<vmem>>, vector<16xf32>,
          %parallel_loop3A_1827 = arith.constant 64 : i32
          %parallel_loop3A_1828 = arith.addi %parallel_loop3A_1765, %parallel_loop3A_1827 : i32
          %parallel_loop3A_1829 = arith.index_cast %parallel_loop3A_1828 : i32 to index
          %parallel_loop3A_1830 = tpu.vector_load %arg8[%parallel_loop3A_1829] {strides = array<i32>} : memref<32768xf32, #tpu.memory_space<vmem>>, vector<16xf32>,
          %parallel_loop3A_1831 = arith.constant 80 : i32
          %parallel_loop3A_1832 = arith.addi %parallel_loop3A_1763, %parallel_loop3A_1831 : i32
          %parallel_loop3A_1833 = arith.index_cast %parallel_loop3A_1832 : i32 to index
          %parallel_loop3A_1834 = tpu.vector_load %arg7[%parallel_loop3A_1833] {strides = array<i32>} : memref<32768xf32, #tpu.memory_space<vmem>>, vector<16xf32>,
          %parallel_loop3A_1835 = arith.constant 80 : i32
          %parallel_loop3A_1836 = arith.addi %parallel_loop3A_1761, %parallel_loop3A_1835 : i32
          %parallel_loop3A_1837 = tpu.memref_slice %run_scoped3A_10[%mul3A_254] : memref<32768xf32, #tpu.memory_space<vmem>> -> memref<16384xf32, #tpu.memory_space<vmem>>
          %parallel_loop3A_1838 = arith.index_cast %parallel_loop3A_1836 : i32 to index
          %parallel_loop3A_1839 = tpu.vector_load %parallel_loop3A_1837[%parallel_loop3A_1838] {strides = array<i32>} : memref<16384xf32, #tpu.memory_space<vmem>>, vector<16xf32>,
          tpu.vector_store %parallel_loop3A_1837[%parallel_loop3A_1838], %parallel_loop3A_1751 {strides = array<i32>} : memref<16384xf32, #tpu.memory_space<vmem>>, vector<16xf32>,
          %parallel_loop3A_1840 = arith.constant 80 : i32
          %parallel_loop3A_1841 = arith.addi %parallel_loop3A_1765, %parallel_loop3A_1840 : i32
          %parallel_loop3A_1842 = arith.index_cast %parallel_loop3A_1841 : i32 to index
          %parallel_loop3A_1843 = tpu.vector_load %arg8[%parallel_loop3A_1842] {strides = array<i32>} : memref<32768xf32, #tpu.memory_space<vmem>>, vector<16xf32>,
          %parallel_loop3A_1844 = arith.constant 96 : i32
          %parallel_loop3A_1845 = arith.addi %parallel_loop3A_1763, %parallel_loop3A_1844 : i32
          %parallel_loop3A_1846 = arith.index_cast %parallel_loop3A_1845 : i32 to index
          %parallel_loop3A_1847 = tpu.vector_load %arg7[%parallel_loop3A_1846] {strides = array<i32>} : memref<32768xf32, #tpu.memory_space<vmem>>, vector<16xf32>,
          %parallel_loop3A_1848 = arith.constant 96 : i32
          %parallel_loop3A_1849 = arith.addi %parallel_loop3A_1761, %parallel_loop3A_1848 : i32
          %parallel_loop3A_1850 = tpu.memref_slice %run_scoped3A_10[%mul3A_254] : memref<32768xf32, #tpu.memory_space<vmem>> -> memref<16384xf32, #tpu.memory_space<vmem>>
          %parallel_loop3A_1851 = arith.index_cast %parallel_loop3A_1849 : i32 to index
          %parallel_loop3A_1852 = tpu.vector_load %parallel_loop3A_1850[%parallel_loop3A_1851] {strides = array<i32>} : memref<16384xf32, #tpu.memory_space<vmem>>, vector<16xf32>,
          tpu.vector_store %parallel_loop3A_1850[%parallel_loop3A_1851], %parallel_loop3A_1755 {strides = array<i32>} : memref<16384xf32, #tpu.memory_space<vmem>>, vector<16xf32>,
          %parallel_loop3A_1853 = arith.constant 96 : i32
          %parallel_loop3A_1854 = arith.addi %parallel_loop3A_1765, %parallel_loop3A_1853 : i32
          %parallel_loop3A_1855 = arith.index_cast %parallel_loop3A_1854 : i32 to index
          %parallel_loop3A_1856 = tpu.vector_load %arg8[%parallel_loop3A_1855] {strides = array<i32>} : memref<32768xf32, #tpu.memory_space<vmem>>, vector<16xf32>,
          %parallel_loop3A_1857 = arith.constant 112 : i32
          %parallel_loop3A_1858 = arith.addi %parallel_loop3A_1763, %parallel_loop3A_1857 : i32
          %parallel_loop3A_1859 = arith.index_cast %parallel_loop3A_1858 : i32 to index
          %parallel_loop3A_1860 = tpu.vector_load %arg7[%parallel_loop3A_1859] {strides = array<i32>} : memref<32768xf32, #tpu.memory_space<vmem>>, vector<16xf32>,
          %parallel_loop3A_1861 = arith.constant 112 : i32
          %parallel_loop3A_1862 = arith.addi %parallel_loop3A_1761, %parallel_loop3A_1861 : i32
          %parallel_loop3A_1863 = tpu.memref_slice %run_scoped3A_10[%mul3A_254] : memref<32768xf32, #tpu.memory_space<vmem>> -> memref<16384xf32, #tpu.memory_space<vmem>>
          %parallel_loop3A_1864 = arith.index_cast %parallel_loop3A_1862 : i32 to index
          %parallel_loop3A_1865 = tpu.vector_load %parallel_loop3A_1863[%parallel_loop3A_1864] {strides = array<i32>} : memref<16384xf32, #tpu.memory_space<vmem>>, vector<16xf32>,
          tpu.vector_store %parallel_loop3A_1863[%parallel_loop3A_1864], %parallel_loop3A_1759 {strides = array<i32>} : memref<16384xf32, #tpu.memory_space<vmem>>, vector<16xf32>,
          %parallel_loop3A_1866 = arith.constant 112 : i32
          %parallel_loop3A_1867 = arith.addi %parallel_loop3A_1765, %parallel_loop3A_1866 : i32
          %parallel_loop3A_1868 = arith.index_cast %parallel_loop3A_1867 : i32 to index
          %parallel_loop3A_1869 = tpu.vector_load %arg8[%parallel_loop3A_1868] {strides = array<i32>} : memref<32768xf32, #tpu.memory_space<vmem>>, vector<16xf32>,
          %parallel_loop3A_1870 = arith.addf %parallel_loop3A_1769, %parallel_loop3A_1778 : vector<16xf32>
          %parallel_loop3A_1871 = arith.constant 0.000000e+00 : f32
          %parallel_loop3A_1872 = vector.broadcast %parallel_loop3A_1871 : f32 to vector<16xf32>
          %parallel_loop3A_1873 = arith.maximumf %parallel_loop3A_1870, %parallel_loop3A_1872 : vector<16xf32>
          %parallel_loop3A_1874 = arith.addf %parallel_loop3A_1782, %parallel_loop3A_1791 : vector<16xf32>
          %parallel_loop3A_1875 = arith.constant 0.000000e+00 : f32
          %parallel_loop3A_1876 = vector.broadcast %parallel_loop3A_1875 : f32 to vector<16xf32>
          %parallel_loop3A_1877 = arith.maximumf %parallel_loop3A_1874, %parallel_loop3A_1876 : vector<16xf32>
          %parallel_loop3A_1878 = arith.addf %parallel_loop3A_1795, %parallel_loop3A_1804 : vector<16xf32>
          %parallel_loop3A_1879 = arith.constant 0.000000e+00 : f32
          %parallel_loop3A_1880 = vector.broadcast %parallel_loop3A_1879 : f32 to vector<16xf32>
          %parallel_loop3A_1881 = arith.maximumf %parallel_loop3A_1878, %parallel_loop3A_1880 : vector<16xf32>
          %parallel_loop3A_1882 = arith.addf %parallel_loop3A_1808, %parallel_loop3A_1817 : vector<16xf32>
          %parallel_loop3A_1883 = arith.constant 0.000000e+00 : f32
          %parallel_loop3A_1884 = vector.broadcast %parallel_loop3A_1883 : f32 to vector<16xf32>
          %parallel_loop3A_1885 = arith.maximumf %parallel_loop3A_1882, %parallel_loop3A_1884 : vector<16xf32>
          %parallel_loop3A_1886 = arith.addf %parallel_loop3A_1821, %parallel_loop3A_1830 : vector<16xf32>
          %parallel_loop3A_1887 = arith.constant 0.000000e+00 : f32
          %parallel_loop3A_1888 = vector.broadcast %parallel_loop3A_1887 : f32 to vector<16xf32>
          %parallel_loop3A_1889 = arith.maximumf %parallel_loop3A_1886, %parallel_loop3A_1888 : vector<16xf32>
          %parallel_loop3A_1890 = arith.addf %parallel_loop3A_1834, %parallel_loop3A_1843 : vector<16xf32>
          %parallel_loop3A_1891 = arith.constant 0.000000e+00 : f32
          %parallel_loop3A_1892 = vector.broadcast %parallel_loop3A_1891 : f32 to vector<16xf32>
          %parallel_loop3A_1893 = arith.maximumf %parallel_loop3A_1890, %parallel_loop3A_1892 : vector<16xf32>
          %parallel_loop3A_1894 = arith.addf %parallel_loop3A_1847, %parallel_loop3A_1856 : vector<16xf32>
          %parallel_loop3A_1895 = arith.constant 0.000000e+00 : f32
          %parallel_loop3A_1896 = vector.broadcast %parallel_loop3A_1895 : f32 to vector<16xf32>
          %parallel_loop3A_1897 = arith.maximumf %parallel_loop3A_1894, %parallel_loop3A_1896 : vector<16xf32>
          %parallel_loop3A_1898 = arith.addf %parallel_loop3A_1860, %parallel_loop3A_1869 : vector<16xf32>
          %parallel_loop3A_1899 = arith.constant 0.000000e+00 : f32
          %parallel_loop3A_1900 = vector.broadcast %parallel_loop3A_1899 : f32 to vector<16xf32>
          %parallel_loop3A_1901 = arith.maximumf %parallel_loop3A_1898, %parallel_loop3A_1900 : vector<16xf32>
          %parallel_loop3A_1902 = arith.constant 1280 : i32
          %parallel_loop3A_1903 = arith.addi %parallel_loop3A_381, %parallel_loop3A_1902 : i32
          %parallel_loop3A_1904 = vector.extract_strided_slice %parallel_loop3A_367 {offsets = [11], sizes = [1], strides = [1]} : vector<16xi32> to vector<1xi32>
          %parallel_loop3A_1905 = vector.extract %parallel_loop3A_1904[0] : i32 from vector<1xi32>
          %parallel_loop3A_1906 = vector.extract_strided_slice %parallel_loop3A_377 {offsets = [11], sizes = [1], strides = [1]} : vector<16xi32> to vector<1xi32>
          %parallel_loop3A_1907 = vector.extract %parallel_loop3A_1906[0] : i32 from vector<1xi32>
          %parallel_loop3A_1908 = arith.constant 0 : i32
          %parallel_loop3A_1909 = arith.addi %parallel_loop3A_1905, %parallel_loop3A_1908 : i32
          %parallel_loop3A_1910 = arith.index_cast %parallel_loop3A_1909 : i32 to index
          %parallel_loop3A_1911 = tpu.vector_load %arg7[%parallel_loop3A_1910] {strides = array<i32>} : memref<32768xf32, #tpu.memory_space<vmem>>, vector<16xf32>,
          %parallel_loop3A_1912 = arith.constant 0 : i32
          %parallel_loop3A_1913 = arith.addi %parallel_loop3A_1903, %parallel_loop3A_1912 : i32
          %parallel_loop3A_1914 = tpu.memref_slice %run_scoped3A_10[%mul3A_254] : memref<32768xf32, #tpu.memory_space<vmem>> -> memref<16384xf32, #tpu.memory_space<vmem>>
          %parallel_loop3A_1915 = arith.index_cast %parallel_loop3A_1913 : i32 to index
          %parallel_loop3A_1916 = tpu.vector_load %parallel_loop3A_1914[%parallel_loop3A_1915] {strides = array<i32>} : memref<16384xf32, #tpu.memory_space<vmem>>, vector<16xf32>,
          tpu.vector_store %parallel_loop3A_1914[%parallel_loop3A_1915], %parallel_loop3A_1873 {strides = array<i32>} : memref<16384xf32, #tpu.memory_space<vmem>>, vector<16xf32>,
          %parallel_loop3A_1917 = arith.constant 0 : i32
          %parallel_loop3A_1918 = arith.addi %parallel_loop3A_1907, %parallel_loop3A_1917 : i32
          %parallel_loop3A_1919 = arith.index_cast %parallel_loop3A_1918 : i32 to index
          %parallel_loop3A_1920 = tpu.vector_load %arg8[%parallel_loop3A_1919] {strides = array<i32>} : memref<32768xf32, #tpu.memory_space<vmem>>, vector<16xf32>,
          %parallel_loop3A_1921 = arith.constant 16 : i32
          %parallel_loop3A_1922 = arith.addi %parallel_loop3A_1905, %parallel_loop3A_1921 : i32
          %parallel_loop3A_1923 = arith.index_cast %parallel_loop3A_1922 : i32 to index
          %parallel_loop3A_1924 = tpu.vector_load %arg7[%parallel_loop3A_1923] {strides = array<i32>} : memref<32768xf32, #tpu.memory_space<vmem>>, vector<16xf32>,
          %parallel_loop3A_1925 = arith.constant 16 : i32
          %parallel_loop3A_1926 = arith.addi %parallel_loop3A_1903, %parallel_loop3A_1925 : i32
          %parallel_loop3A_1927 = tpu.memref_slice %run_scoped3A_10[%mul3A_254] : memref<32768xf32, #tpu.memory_space<vmem>> -> memref<16384xf32, #tpu.memory_space<vmem>>
          %parallel_loop3A_1928 = arith.index_cast %parallel_loop3A_1926 : i32 to index
          %parallel_loop3A_1929 = tpu.vector_load %parallel_loop3A_1927[%parallel_loop3A_1928] {strides = array<i32>} : memref<16384xf32, #tpu.memory_space<vmem>>, vector<16xf32>,
          tpu.vector_store %parallel_loop3A_1927[%parallel_loop3A_1928], %parallel_loop3A_1877 {strides = array<i32>} : memref<16384xf32, #tpu.memory_space<vmem>>, vector<16xf32>,
          %parallel_loop3A_1930 = arith.constant 16 : i32
          %parallel_loop3A_1931 = arith.addi %parallel_loop3A_1907, %parallel_loop3A_1930 : i32
          %parallel_loop3A_1932 = arith.index_cast %parallel_loop3A_1931 : i32 to index
          %parallel_loop3A_1933 = tpu.vector_load %arg8[%parallel_loop3A_1932] {strides = array<i32>} : memref<32768xf32, #tpu.memory_space<vmem>>, vector<16xf32>,
          %parallel_loop3A_1934 = arith.constant 32 : i32
          %parallel_loop3A_1935 = arith.addi %parallel_loop3A_1905, %parallel_loop3A_1934 : i32
          %parallel_loop3A_1936 = arith.index_cast %parallel_loop3A_1935 : i32 to index
          %parallel_loop3A_1937 = tpu.vector_load %arg7[%parallel_loop3A_1936] {strides = array<i32>} : memref<32768xf32, #tpu.memory_space<vmem>>, vector<16xf32>,
          %parallel_loop3A_1938 = arith.constant 32 : i32
          %parallel_loop3A_1939 = arith.addi %parallel_loop3A_1903, %parallel_loop3A_1938 : i32
          %parallel_loop3A_1940 = tpu.memref_slice %run_scoped3A_10[%mul3A_254] : memref<32768xf32, #tpu.memory_space<vmem>> -> memref<16384xf32, #tpu.memory_space<vmem>>
          %parallel_loop3A_1941 = arith.index_cast %parallel_loop3A_1939 : i32 to index
          %parallel_loop3A_1942 = tpu.vector_load %parallel_loop3A_1940[%parallel_loop3A_1941] {strides = array<i32>} : memref<16384xf32, #tpu.memory_space<vmem>>, vector<16xf32>,
          tpu.vector_store %parallel_loop3A_1940[%parallel_loop3A_1941], %parallel_loop3A_1881 {strides = array<i32>} : memref<16384xf32, #tpu.memory_space<vmem>>, vector<16xf32>,
          %parallel_loop3A_1943 = arith.constant 32 : i32
          %parallel_loop3A_1944 = arith.addi %parallel_loop3A_1907, %parallel_loop3A_1943 : i32
          %parallel_loop3A_1945 = arith.index_cast %parallel_loop3A_1944 : i32 to index
          %parallel_loop3A_1946 = tpu.vector_load %arg8[%parallel_loop3A_1945] {strides = array<i32>} : memref<32768xf32, #tpu.memory_space<vmem>>, vector<16xf32>,
          %parallel_loop3A_1947 = arith.constant 48 : i32
          %parallel_loop3A_1948 = arith.addi %parallel_loop3A_1905, %parallel_loop3A_1947 : i32
          %parallel_loop3A_1949 = arith.index_cast %parallel_loop3A_1948 : i32 to index
          %parallel_loop3A_1950 = tpu.vector_load %arg7[%parallel_loop3A_1949] {strides = array<i32>} : memref<32768xf32, #tpu.memory_space<vmem>>, vector<16xf32>,
          %parallel_loop3A_1951 = arith.constant 48 : i32
          %parallel_loop3A_1952 = arith.addi %parallel_loop3A_1903, %parallel_loop3A_1951 : i32
          %parallel_loop3A_1953 = tpu.memref_slice %run_scoped3A_10[%mul3A_254] : memref<32768xf32, #tpu.memory_space<vmem>> -> memref<16384xf32, #tpu.memory_space<vmem>>
          %parallel_loop3A_1954 = arith.index_cast %parallel_loop3A_1952 : i32 to index
          %parallel_loop3A_1955 = tpu.vector_load %parallel_loop3A_1953[%parallel_loop3A_1954] {strides = array<i32>} : memref<16384xf32, #tpu.memory_space<vmem>>, vector<16xf32>,
          tpu.vector_store %parallel_loop3A_1953[%parallel_loop3A_1954], %parallel_loop3A_1885 {strides = array<i32>} : memref<16384xf32, #tpu.memory_space<vmem>>, vector<16xf32>,
          %parallel_loop3A_1956 = arith.constant 48 : i32
          %parallel_loop3A_1957 = arith.addi %parallel_loop3A_1907, %parallel_loop3A_1956 : i32
          %parallel_loop3A_1958 = arith.index_cast %parallel_loop3A_1957 : i32 to index
          %parallel_loop3A_1959 = tpu.vector_load %arg8[%parallel_loop3A_1958] {strides = array<i32>} : memref<32768xf32, #tpu.memory_space<vmem>>, vector<16xf32>,
          %parallel_loop3A_1960 = arith.constant 64 : i32
          %parallel_loop3A_1961 = arith.addi %parallel_loop3A_1905, %parallel_loop3A_1960 : i32
          %parallel_loop3A_1962 = arith.index_cast %parallel_loop3A_1961 : i32 to index
          %parallel_loop3A_1963 = tpu.vector_load %arg7[%parallel_loop3A_1962] {strides = array<i32>} : memref<32768xf32, #tpu.memory_space<vmem>>, vector<16xf32>,
          %parallel_loop3A_1964 = arith.constant 64 : i32
          %parallel_loop3A_1965 = arith.addi %parallel_loop3A_1903, %parallel_loop3A_1964 : i32
          %parallel_loop3A_1966 = tpu.memref_slice %run_scoped3A_10[%mul3A_254] : memref<32768xf32, #tpu.memory_space<vmem>> -> memref<16384xf32, #tpu.memory_space<vmem>>
          %parallel_loop3A_1967 = arith.index_cast %parallel_loop3A_1965 : i32 to index
          %parallel_loop3A_1968 = tpu.vector_load %parallel_loop3A_1966[%parallel_loop3A_1967] {strides = array<i32>} : memref<16384xf32, #tpu.memory_space<vmem>>, vector<16xf32>,
          tpu.vector_store %parallel_loop3A_1966[%parallel_loop3A_1967], %parallel_loop3A_1889 {strides = array<i32>} : memref<16384xf32, #tpu.memory_space<vmem>>, vector<16xf32>,
          %parallel_loop3A_1969 = arith.constant 64 : i32
          %parallel_loop3A_1970 = arith.addi %parallel_loop3A_1907, %parallel_loop3A_1969 : i32
          %parallel_loop3A_1971 = arith.index_cast %parallel_loop3A_1970 : i32 to index
          %parallel_loop3A_1972 = tpu.vector_load %arg8[%parallel_loop3A_1971] {strides = array<i32>} : memref<32768xf32, #tpu.memory_space<vmem>>, vector<16xf32>,
          %parallel_loop3A_1973 = arith.constant 80 : i32
          %parallel_loop3A_1974 = arith.addi %parallel_loop3A_1905, %parallel_loop3A_1973 : i32
          %parallel_loop3A_1975 = arith.index_cast %parallel_loop3A_1974 : i32 to index
          %parallel_loop3A_1976 = tpu.vector_load %arg7[%parallel_loop3A_1975] {strides = array<i32>} : memref<32768xf32, #tpu.memory_space<vmem>>, vector<16xf32>,
          %parallel_loop3A_1977 = arith.constant 80 : i32
          %parallel_loop3A_1978 = arith.addi %parallel_loop3A_1903, %parallel_loop3A_1977 : i32
          %parallel_loop3A_1979 = tpu.memref_slice %run_scoped3A_10[%mul3A_254] : memref<32768xf32, #tpu.memory_space<vmem>> -> memref<16384xf32, #tpu.memory_space<vmem>>
          %parallel_loop3A_1980 = arith.index_cast %parallel_loop3A_1978 : i32 to index
          %parallel_loop3A_1981 = tpu.vector_load %parallel_loop3A_1979[%parallel_loop3A_1980] {strides = array<i32>} : memref<16384xf32, #tpu.memory_space<vmem>>, vector<16xf32>,
          tpu.vector_store %parallel_loop3A_1979[%parallel_loop3A_1980], %parallel_loop3A_1893 {strides = array<i32>} : memref<16384xf32, #tpu.memory_space<vmem>>, vector<16xf32>,
          %parallel_loop3A_1982 = arith.constant 80 : i32
          %parallel_loop3A_1983 = arith.addi %parallel_loop3A_1907, %parallel_loop3A_1982 : i32
          %parallel_loop3A_1984 = arith.index_cast %parallel_loop3A_1983 : i32 to index
          %parallel_loop3A_1985 = tpu.vector_load %arg8[%parallel_loop3A_1984] {strides = array<i32>} : memref<32768xf32, #tpu.memory_space<vmem>>, vector<16xf32>,
          %parallel_loop3A_1986 = arith.constant 96 : i32
          %parallel_loop3A_1987 = arith.addi %parallel_loop3A_1905, %parallel_loop3A_1986 : i32
          %parallel_loop3A_1988 = arith.index_cast %parallel_loop3A_1987 : i32 to index
          %parallel_loop3A_1989 = tpu.vector_load %arg7[%parallel_loop3A_1988] {strides = array<i32>} : memref<32768xf32, #tpu.memory_space<vmem>>, vector<16xf32>,
          %parallel_loop3A_1990 = arith.constant 96 : i32
          %parallel_loop3A_1991 = arith.addi %parallel_loop3A_1903, %parallel_loop3A_1990 : i32
          %parallel_loop3A_1992 = tpu.memref_slice %run_scoped3A_10[%mul3A_254] : memref<32768xf32, #tpu.memory_space<vmem>> -> memref<16384xf32, #tpu.memory_space<vmem>>
          %parallel_loop3A_1993 = arith.index_cast %parallel_loop3A_1991 : i32 to index
          %parallel_loop3A_1994 = tpu.vector_load %parallel_loop3A_1992[%parallel_loop3A_1993] {strides = array<i32>} : memref<16384xf32, #tpu.memory_space<vmem>>, vector<16xf32>,
          tpu.vector_store %parallel_loop3A_1992[%parallel_loop3A_1993], %parallel_loop3A_1897 {strides = array<i32>} : memref<16384xf32, #tpu.memory_space<vmem>>, vector<16xf32>,
          %parallel_loop3A_1995 = arith.constant 96 : i32
          %parallel_loop3A_1996 = arith.addi %parallel_loop3A_1907, %parallel_loop3A_1995 : i32
          %parallel_loop3A_1997 = arith.index_cast %parallel_loop3A_1996 : i32 to index
          %parallel_loop3A_1998 = tpu.vector_load %arg8[%parallel_loop3A_1997] {strides = array<i32>} : memref<32768xf32, #tpu.memory_space<vmem>>, vector<16xf32>,
          %parallel_loop3A_1999 = arith.constant 112 : i32
          %parallel_loop3A_2000 = arith.addi %parallel_loop3A_1905, %parallel_loop3A_1999 : i32
          %parallel_loop3A_2001 = arith.index_cast %parallel_loop3A_2000 : i32 to index
          %parallel_loop3A_2002 = tpu.vector_load %arg7[%parallel_loop3A_2001] {strides = array<i32>} : memref<32768xf32, #tpu.memory_space<vmem>>, vector<16xf32>,
          %parallel_loop3A_2003 = arith.constant 112 : i32
          %parallel_loop3A_2004 = arith.addi %parallel_loop3A_1903, %parallel_loop3A_2003 : i32
          %parallel_loop3A_2005 = tpu.memref_slice %run_scoped3A_10[%mul3A_254] : memref<32768xf32, #tpu.memory_space<vmem>> -> memref<16384xf32, #tpu.memory_space<vmem>>
          %parallel_loop3A_2006 = arith.index_cast %parallel_loop3A_2004 : i32 to index
          %parallel_loop3A_2007 = tpu.vector_load %parallel_loop3A_2005[%parallel_loop3A_2006] {strides = array<i32>} : memref<16384xf32, #tpu.memory_space<vmem>>, vector<16xf32>,
          tpu.vector_store %parallel_loop3A_2005[%parallel_loop3A_2006], %parallel_loop3A_1901 {strides = array<i32>} : memref<16384xf32, #tpu.memory_space<vmem>>, vector<16xf32>,
          %parallel_loop3A_2008 = arith.constant 112 : i32
          %parallel_loop3A_2009 = arith.addi %parallel_loop3A_1907, %parallel_loop3A_2008 : i32
          %parallel_loop3A_2010 = arith.index_cast %parallel_loop3A_2009 : i32 to index
          %parallel_loop3A_2011 = tpu.vector_load %arg8[%parallel_loop3A_2010] {strides = array<i32>} : memref<32768xf32, #tpu.memory_space<vmem>>, vector<16xf32>,
          %parallel_loop3A_2012 = arith.addf %parallel_loop3A_1911, %parallel_loop3A_1920 : vector<16xf32>
          %parallel_loop3A_2013 = arith.constant 0.000000e+00 : f32
          %parallel_loop3A_2014 = vector.broadcast %parallel_loop3A_2013 : f32 to vector<16xf32>
          %parallel_loop3A_2015 = arith.maximumf %parallel_loop3A_2012, %parallel_loop3A_2014 : vector<16xf32>
          %parallel_loop3A_2016 = arith.addf %parallel_loop3A_1924, %parallel_loop3A_1933 : vector<16xf32>
          %parallel_loop3A_2017 = arith.constant 0.000000e+00 : f32
          %parallel_loop3A_2018 = vector.broadcast %parallel_loop3A_2017 : f32 to vector<16xf32>
          %parallel_loop3A_2019 = arith.maximumf %parallel_loop3A_2016, %parallel_loop3A_2018 : vector<16xf32>
          %parallel_loop3A_2020 = arith.addf %parallel_loop3A_1937, %parallel_loop3A_1946 : vector<16xf32>
          %parallel_loop3A_2021 = arith.constant 0.000000e+00 : f32
          %parallel_loop3A_2022 = vector.broadcast %parallel_loop3A_2021 : f32 to vector<16xf32>
          %parallel_loop3A_2023 = arith.maximumf %parallel_loop3A_2020, %parallel_loop3A_2022 : vector<16xf32>
          %parallel_loop3A_2024 = arith.addf %parallel_loop3A_1950, %parallel_loop3A_1959 : vector<16xf32>
          %parallel_loop3A_2025 = arith.constant 0.000000e+00 : f32
          %parallel_loop3A_2026 = vector.broadcast %parallel_loop3A_2025 : f32 to vector<16xf32>
          %parallel_loop3A_2027 = arith.maximumf %parallel_loop3A_2024, %parallel_loop3A_2026 : vector<16xf32>
          %parallel_loop3A_2028 = arith.addf %parallel_loop3A_1963, %parallel_loop3A_1972 : vector<16xf32>
          %parallel_loop3A_2029 = arith.constant 0.000000e+00 : f32
          %parallel_loop3A_2030 = vector.broadcast %parallel_loop3A_2029 : f32 to vector<16xf32>
          %parallel_loop3A_2031 = arith.maximumf %parallel_loop3A_2028, %parallel_loop3A_2030 : vector<16xf32>
          %parallel_loop3A_2032 = arith.addf %parallel_loop3A_1976, %parallel_loop3A_1985 : vector<16xf32>
          %parallel_loop3A_2033 = arith.constant 0.000000e+00 : f32
          %parallel_loop3A_2034 = vector.broadcast %parallel_loop3A_2033 : f32 to vector<16xf32>
          %parallel_loop3A_2035 = arith.maximumf %parallel_loop3A_2032, %parallel_loop3A_2034 : vector<16xf32>
          %parallel_loop3A_2036 = arith.addf %parallel_loop3A_1989, %parallel_loop3A_1998 : vector<16xf32>
          %parallel_loop3A_2037 = arith.constant 0.000000e+00 : f32
          %parallel_loop3A_2038 = vector.broadcast %parallel_loop3A_2037 : f32 to vector<16xf32>
          %parallel_loop3A_2039 = arith.maximumf %parallel_loop3A_2036, %parallel_loop3A_2038 : vector<16xf32>
          %parallel_loop3A_2040 = arith.addf %parallel_loop3A_2002, %parallel_loop3A_2011 : vector<16xf32>
          %parallel_loop3A_2041 = arith.constant 0.000000e+00 : f32
          %parallel_loop3A_2042 = vector.broadcast %parallel_loop3A_2041 : f32 to vector<16xf32>
          %parallel_loop3A_2043 = arith.maximumf %parallel_loop3A_2040, %parallel_loop3A_2042 : vector<16xf32>
          %parallel_loop3A_2044 = arith.constant 1408 : i32
          %parallel_loop3A_2045 = arith.addi %parallel_loop3A_381, %parallel_loop3A_2044 : i32
          %parallel_loop3A_2046 = vector.extract_strided_slice %parallel_loop3A_367 {offsets = [12], sizes = [1], strides = [1]} : vector<16xi32> to vector<1xi32>
          %parallel_loop3A_2047 = vector.extract %parallel_loop3A_2046[0] : i32 from vector<1xi32>
          %parallel_loop3A_2048 = vector.extract_strided_slice %parallel_loop3A_377 {offsets = [12], sizes = [1], strides = [1]} : vector<16xi32> to vector<1xi32>
          %parallel_loop3A_2049 = vector.extract %parallel_loop3A_2048[0] : i32 from vector<1xi32>
          %parallel_loop3A_2050 = arith.constant 0 : i32
          %parallel_loop3A_2051 = arith.addi %parallel_loop3A_2047, %parallel_loop3A_2050 : i32
          %parallel_loop3A_2052 = arith.index_cast %parallel_loop3A_2051 : i32 to index
          %parallel_loop3A_2053 = tpu.vector_load %arg7[%parallel_loop3A_2052] {strides = array<i32>} : memref<32768xf32, #tpu.memory_space<vmem>>, vector<16xf32>,
          %parallel_loop3A_2054 = arith.constant 0 : i32
          %parallel_loop3A_2055 = arith.addi %parallel_loop3A_2045, %parallel_loop3A_2054 : i32
          %parallel_loop3A_2056 = tpu.memref_slice %run_scoped3A_10[%mul3A_254] : memref<32768xf32, #tpu.memory_space<vmem>> -> memref<16384xf32, #tpu.memory_space<vmem>>
          %parallel_loop3A_2057 = arith.index_cast %parallel_loop3A_2055 : i32 to index
          %parallel_loop3A_2058 = tpu.vector_load %parallel_loop3A_2056[%parallel_loop3A_2057] {strides = array<i32>} : memref<16384xf32, #tpu.memory_space<vmem>>, vector<16xf32>,
          tpu.vector_store %parallel_loop3A_2056[%parallel_loop3A_2057], %parallel_loop3A_2015 {strides = array<i32>} : memref<16384xf32, #tpu.memory_space<vmem>>, vector<16xf32>,
          %parallel_loop3A_2059 = arith.constant 0 : i32
          %parallel_loop3A_2060 = arith.addi %parallel_loop3A_2049, %parallel_loop3A_2059 : i32
          %parallel_loop3A_2061 = arith.index_cast %parallel_loop3A_2060 : i32 to index
          %parallel_loop3A_2062 = tpu.vector_load %arg8[%parallel_loop3A_2061] {strides = array<i32>} : memref<32768xf32, #tpu.memory_space<vmem>>, vector<16xf32>,
          %parallel_loop3A_2063 = arith.constant 16 : i32
          %parallel_loop3A_2064 = arith.addi %parallel_loop3A_2047, %parallel_loop3A_2063 : i32
          %parallel_loop3A_2065 = arith.index_cast %parallel_loop3A_2064 : i32 to index
          %parallel_loop3A_2066 = tpu.vector_load %arg7[%parallel_loop3A_2065] {strides = array<i32>} : memref<32768xf32, #tpu.memory_space<vmem>>, vector<16xf32>,
          %parallel_loop3A_2067 = arith.constant 16 : i32
          %parallel_loop3A_2068 = arith.addi %parallel_loop3A_2045, %parallel_loop3A_2067 : i32
          %parallel_loop3A_2069 = tpu.memref_slice %run_scoped3A_10[%mul3A_254] : memref<32768xf32, #tpu.memory_space<vmem>> -> memref<16384xf32, #tpu.memory_space<vmem>>
          %parallel_loop3A_2070 = arith.index_cast %parallel_loop3A_2068 : i32 to index
          %parallel_loop3A_2071 = tpu.vector_load %parallel_loop3A_2069[%parallel_loop3A_2070] {strides = array<i32>} : memref<16384xf32, #tpu.memory_space<vmem>>, vector<16xf32>,
          tpu.vector_store %parallel_loop3A_2069[%parallel_loop3A_2070], %parallel_loop3A_2019 {strides = array<i32>} : memref<16384xf32, #tpu.memory_space<vmem>>, vector<16xf32>,
          %parallel_loop3A_2072 = arith.constant 16 : i32
          %parallel_loop3A_2073 = arith.addi %parallel_loop3A_2049, %parallel_loop3A_2072 : i32
          %parallel_loop3A_2074 = arith.index_cast %parallel_loop3A_2073 : i32 to index
          %parallel_loop3A_2075 = tpu.vector_load %arg8[%parallel_loop3A_2074] {strides = array<i32>} : memref<32768xf32, #tpu.memory_space<vmem>>, vector<16xf32>,
          %parallel_loop3A_2076 = arith.constant 32 : i32
          %parallel_loop3A_2077 = arith.addi %parallel_loop3A_2047, %parallel_loop3A_2076 : i32
          %parallel_loop3A_2078 = arith.index_cast %parallel_loop3A_2077 : i32 to index
          %parallel_loop3A_2079 = tpu.vector_load %arg7[%parallel_loop3A_2078] {strides = array<i32>} : memref<32768xf32, #tpu.memory_space<vmem>>, vector<16xf32>,
          %parallel_loop3A_2080 = arith.constant 32 : i32
          %parallel_loop3A_2081 = arith.addi %parallel_loop3A_2045, %parallel_loop3A_2080 : i32
          %parallel_loop3A_2082 = tpu.memref_slice %run_scoped3A_10[%mul3A_254] : memref<32768xf32, #tpu.memory_space<vmem>> -> memref<16384xf32, #tpu.memory_space<vmem>>
          %parallel_loop3A_2083 = arith.index_cast %parallel_loop3A_2081 : i32 to index
          %parallel_loop3A_2084 = tpu.vector_load %parallel_loop3A_2082[%parallel_loop3A_2083] {strides = array<i32>} : memref<16384xf32, #tpu.memory_space<vmem>>, vector<16xf32>,
          tpu.vector_store %parallel_loop3A_2082[%parallel_loop3A_2083], %parallel_loop3A_2023 {strides = array<i32>} : memref<16384xf32, #tpu.memory_space<vmem>>, vector<16xf32>,
          %parallel_loop3A_2085 = arith.constant 32 : i32
          %parallel_loop3A_2086 = arith.addi %parallel_loop3A_2049, %parallel_loop3A_2085 : i32
          %parallel_loop3A_2087 = arith.index_cast %parallel_loop3A_2086 : i32 to index
          %parallel_loop3A_2088 = tpu.vector_load %arg8[%parallel_loop3A_2087] {strides = array<i32>} : memref<32768xf32, #tpu.memory_space<vmem>>, vector<16xf32>,
          %parallel_loop3A_2089 = arith.constant 48 : i32
          %parallel_loop3A_2090 = arith.addi %parallel_loop3A_2047, %parallel_loop3A_2089 : i32
          %parallel_loop3A_2091 = arith.index_cast %parallel_loop3A_2090 : i32 to index
          %parallel_loop3A_2092 = tpu.vector_load %arg7[%parallel_loop3A_2091] {strides = array<i32>} : memref<32768xf32, #tpu.memory_space<vmem>>, vector<16xf32>,
          %parallel_loop3A_2093 = arith.constant 48 : i32
          %parallel_loop3A_2094 = arith.addi %parallel_loop3A_2045, %parallel_loop3A_2093 : i32
          %parallel_loop3A_2095 = tpu.memref_slice %run_scoped3A_10[%mul3A_254] : memref<32768xf32, #tpu.memory_space<vmem>> -> memref<16384xf32, #tpu.memory_space<vmem>>
          %parallel_loop3A_2096 = arith.index_cast %parallel_loop3A_2094 : i32 to index
          %parallel_loop3A_2097 = tpu.vector_load %parallel_loop3A_2095[%parallel_loop3A_2096] {strides = array<i32>} : memref<16384xf32, #tpu.memory_space<vmem>>, vector<16xf32>,
          tpu.vector_store %parallel_loop3A_2095[%parallel_loop3A_2096], %parallel_loop3A_2027 {strides = array<i32>} : memref<16384xf32, #tpu.memory_space<vmem>>, vector<16xf32>,
          %parallel_loop3A_2098 = arith.constant 48 : i32
          %parallel_loop3A_2099 = arith.addi %parallel_loop3A_2049, %parallel_loop3A_2098 : i32
          %parallel_loop3A_2100 = arith.index_cast %parallel_loop3A_2099 : i32 to index
          %parallel_loop3A_2101 = tpu.vector_load %arg8[%parallel_loop3A_2100] {strides = array<i32>} : memref<32768xf32, #tpu.memory_space<vmem>>, vector<16xf32>,
          %parallel_loop3A_2102 = arith.constant 64 : i32
          %parallel_loop3A_2103 = arith.addi %parallel_loop3A_2047, %parallel_loop3A_2102 : i32
          %parallel_loop3A_2104 = arith.index_cast %parallel_loop3A_2103 : i32 to index
          %parallel_loop3A_2105 = tpu.vector_load %arg7[%parallel_loop3A_2104] {strides = array<i32>} : memref<32768xf32, #tpu.memory_space<vmem>>, vector<16xf32>,
          %parallel_loop3A_2106 = arith.constant 64 : i32
          %parallel_loop3A_2107 = arith.addi %parallel_loop3A_2045, %parallel_loop3A_2106 : i32
          %parallel_loop3A_2108 = tpu.memref_slice %run_scoped3A_10[%mul3A_254] : memref<32768xf32, #tpu.memory_space<vmem>> -> memref<16384xf32, #tpu.memory_space<vmem>>
          %parallel_loop3A_2109 = arith.index_cast %parallel_loop3A_2107 : i32 to index
          %parallel_loop3A_2110 = tpu.vector_load %parallel_loop3A_2108[%parallel_loop3A_2109] {strides = array<i32>} : memref<16384xf32, #tpu.memory_space<vmem>>, vector<16xf32>,
          tpu.vector_store %parallel_loop3A_2108[%parallel_loop3A_2109], %parallel_loop3A_2031 {strides = array<i32>} : memref<16384xf32, #tpu.memory_space<vmem>>, vector<16xf32>,
          %parallel_loop3A_2111 = arith.constant 64 : i32
          %parallel_loop3A_2112 = arith.addi %parallel_loop3A_2049, %parallel_loop3A_2111 : i32
          %parallel_loop3A_2113 = arith.index_cast %parallel_loop3A_2112 : i32 to index
          %parallel_loop3A_2114 = tpu.vector_load %arg8[%parallel_loop3A_2113] {strides = array<i32>} : memref<32768xf32, #tpu.memory_space<vmem>>, vector<16xf32>,
          %parallel_loop3A_2115 = arith.constant 80 : i32
          %parallel_loop3A_2116 = arith.addi %parallel_loop3A_2047, %parallel_loop3A_2115 : i32
          %parallel_loop3A_2117 = arith.index_cast %parallel_loop3A_2116 : i32 to index
          %parallel_loop3A_2118 = tpu.vector_load %arg7[%parallel_loop3A_2117] {strides = array<i32>} : memref<32768xf32, #tpu.memory_space<vmem>>, vector<16xf32>,
          %parallel_loop3A_2119 = arith.constant 80 : i32
          %parallel_loop3A_2120 = arith.addi %parallel_loop3A_2045, %parallel_loop3A_2119 : i32
          %parallel_loop3A_2121 = tpu.memref_slice %run_scoped3A_10[%mul3A_254] : memref<32768xf32, #tpu.memory_space<vmem>> -> memref<16384xf32, #tpu.memory_space<vmem>>
          %parallel_loop3A_2122 = arith.index_cast %parallel_loop3A_2120 : i32 to index
          %parallel_loop3A_2123 = tpu.vector_load %parallel_loop3A_2121[%parallel_loop3A_2122] {strides = array<i32>} : memref<16384xf32, #tpu.memory_space<vmem>>, vector<16xf32>,
          tpu.vector_store %parallel_loop3A_2121[%parallel_loop3A_2122], %parallel_loop3A_2035 {strides = array<i32>} : memref<16384xf32, #tpu.memory_space<vmem>>, vector<16xf32>,
          %parallel_loop3A_2124 = arith.constant 80 : i32
          %parallel_loop3A_2125 = arith.addi %parallel_loop3A_2049, %parallel_loop3A_2124 : i32
          %parallel_loop3A_2126 = arith.index_cast %parallel_loop3A_2125 : i32 to index
          %parallel_loop3A_2127 = tpu.vector_load %arg8[%parallel_loop3A_2126] {strides = array<i32>} : memref<32768xf32, #tpu.memory_space<vmem>>, vector<16xf32>,
          %parallel_loop3A_2128 = arith.constant 96 : i32
          %parallel_loop3A_2129 = arith.addi %parallel_loop3A_2047, %parallel_loop3A_2128 : i32
          %parallel_loop3A_2130 = arith.index_cast %parallel_loop3A_2129 : i32 to index
          %parallel_loop3A_2131 = tpu.vector_load %arg7[%parallel_loop3A_2130] {strides = array<i32>} : memref<32768xf32, #tpu.memory_space<vmem>>, vector<16xf32>,
          %parallel_loop3A_2132 = arith.constant 96 : i32
          %parallel_loop3A_2133 = arith.addi %parallel_loop3A_2045, %parallel_loop3A_2132 : i32
          %parallel_loop3A_2134 = tpu.memref_slice %run_scoped3A_10[%mul3A_254] : memref<32768xf32, #tpu.memory_space<vmem>> -> memref<16384xf32, #tpu.memory_space<vmem>>
          %parallel_loop3A_2135 = arith.index_cast %parallel_loop3A_2133 : i32 to index
          %parallel_loop3A_2136 = tpu.vector_load %parallel_loop3A_2134[%parallel_loop3A_2135] {strides = array<i32>} : memref<16384xf32, #tpu.memory_space<vmem>>, vector<16xf32>,
          tpu.vector_store %parallel_loop3A_2134[%parallel_loop3A_2135], %parallel_loop3A_2039 {strides = array<i32>} : memref<16384xf32, #tpu.memory_space<vmem>>, vector<16xf32>,
          %parallel_loop3A_2137 = arith.constant 96 : i32
          %parallel_loop3A_2138 = arith.addi %parallel_loop3A_2049, %parallel_loop3A_2137 : i32
          %parallel_loop3A_2139 = arith.index_cast %parallel_loop3A_2138 : i32 to index
          %parallel_loop3A_2140 = tpu.vector_load %arg8[%parallel_loop3A_2139] {strides = array<i32>} : memref<32768xf32, #tpu.memory_space<vmem>>, vector<16xf32>,
          %parallel_loop3A_2141 = arith.constant 112 : i32
          %parallel_loop3A_2142 = arith.addi %parallel_loop3A_2047, %parallel_loop3A_2141 : i32
          %parallel_loop3A_2143 = arith.index_cast %parallel_loop3A_2142 : i32 to index
          %parallel_loop3A_2144 = tpu.vector_load %arg7[%parallel_loop3A_2143] {strides = array<i32>} : memref<32768xf32, #tpu.memory_space<vmem>>, vector<16xf32>,
          %parallel_loop3A_2145 = arith.constant 112 : i32
          %parallel_loop3A_2146 = arith.addi %parallel_loop3A_2045, %parallel_loop3A_2145 : i32
          %parallel_loop3A_2147 = tpu.memref_slice %run_scoped3A_10[%mul3A_254] : memref<32768xf32, #tpu.memory_space<vmem>> -> memref<16384xf32, #tpu.memory_space<vmem>>
          %parallel_loop3A_2148 = arith.index_cast %parallel_loop3A_2146 : i32 to index
          %parallel_loop3A_2149 = tpu.vector_load %parallel_loop3A_2147[%parallel_loop3A_2148] {strides = array<i32>} : memref<16384xf32, #tpu.memory_space<vmem>>, vector<16xf32>,
          tpu.vector_store %parallel_loop3A_2147[%parallel_loop3A_2148], %parallel_loop3A_2043 {strides = array<i32>} : memref<16384xf32, #tpu.memory_space<vmem>>, vector<16xf32>,
          %parallel_loop3A_2150 = arith.constant 112 : i32
          %parallel_loop3A_2151 = arith.addi %parallel_loop3A_2049, %parallel_loop3A_2150 : i32
          %parallel_loop3A_2152 = arith.index_cast %parallel_loop3A_2151 : i32 to index
          %parallel_loop3A_2153 = tpu.vector_load %arg8[%parallel_loop3A_2152] {strides = array<i32>} : memref<32768xf32, #tpu.memory_space<vmem>>, vector<16xf32>,
          %parallel_loop3A_2154 = arith.addf %parallel_loop3A_2053, %parallel_loop3A_2062 : vector<16xf32>
          %parallel_loop3A_2155 = arith.constant 0.000000e+00 : f32
          %parallel_loop3A_2156 = vector.broadcast %parallel_loop3A_2155 : f32 to vector<16xf32>
          %parallel_loop3A_2157 = arith.maximumf %parallel_loop3A_2154, %parallel_loop3A_2156 : vector<16xf32>
          %parallel_loop3A_2158 = arith.addf %parallel_loop3A_2066, %parallel_loop3A_2075 : vector<16xf32>
          %parallel_loop3A_2159 = arith.constant 0.000000e+00 : f32
          %parallel_loop3A_2160 = vector.broadcast %parallel_loop3A_2159 : f32 to vector<16xf32>
          %parallel_loop3A_2161 = arith.maximumf %parallel_loop3A_2158, %parallel_loop3A_2160 : vector<16xf32>
          %parallel_loop3A_2162 = arith.addf %parallel_loop3A_2079, %parallel_loop3A_2088 : vector<16xf32>
          %parallel_loop3A_2163 = arith.constant 0.000000e+00 : f32
          %parallel_loop3A_2164 = vector.broadcast %parallel_loop3A_2163 : f32 to vector<16xf32>
          %parallel_loop3A_2165 = arith.maximumf %parallel_loop3A_2162, %parallel_loop3A_2164 : vector<16xf32>
          %parallel_loop3A_2166 = arith.addf %parallel_loop3A_2092, %parallel_loop3A_2101 : vector<16xf32>
          %parallel_loop3A_2167 = arith.constant 0.000000e+00 : f32
          %parallel_loop3A_2168 = vector.broadcast %parallel_loop3A_2167 : f32 to vector<16xf32>
          %parallel_loop3A_2169 = arith.maximumf %parallel_loop3A_2166, %parallel_loop3A_2168 : vector<16xf32>
          %parallel_loop3A_2170 = arith.addf %parallel_loop3A_2105, %parallel_loop3A_2114 : vector<16xf32>
          %parallel_loop3A_2171 = arith.constant 0.000000e+00 : f32
          %parallel_loop3A_2172 = vector.broadcast %parallel_loop3A_2171 : f32 to vector<16xf32>
          %parallel_loop3A_2173 = arith.maximumf %parallel_loop3A_2170, %parallel_loop3A_2172 : vector<16xf32>
          %parallel_loop3A_2174 = arith.addf %parallel_loop3A_2118, %parallel_loop3A_2127 : vector<16xf32>
          %parallel_loop3A_2175 = arith.constant 0.000000e+00 : f32
          %parallel_loop3A_2176 = vector.broadcast %parallel_loop3A_2175 : f32 to vector<16xf32>
          %parallel_loop3A_2177 = arith.maximumf %parallel_loop3A_2174, %parallel_loop3A_2176 : vector<16xf32>
          %parallel_loop3A_2178 = arith.addf %parallel_loop3A_2131, %parallel_loop3A_2140 : vector<16xf32>
          %parallel_loop3A_2179 = arith.constant 0.000000e+00 : f32
          %parallel_loop3A_2180 = vector.broadcast %parallel_loop3A_2179 : f32 to vector<16xf32>
          %parallel_loop3A_2181 = arith.maximumf %parallel_loop3A_2178, %parallel_loop3A_2180 : vector<16xf32>
          %parallel_loop3A_2182 = arith.addf %parallel_loop3A_2144, %parallel_loop3A_2153 : vector<16xf32>
          %parallel_loop3A_2183 = arith.constant 0.000000e+00 : f32
          %parallel_loop3A_2184 = vector.broadcast %parallel_loop3A_2183 : f32 to vector<16xf32>
          %parallel_loop3A_2185 = arith.maximumf %parallel_loop3A_2182, %parallel_loop3A_2184 : vector<16xf32>
          %parallel_loop3A_2186 = arith.constant 1536 : i32
          %parallel_loop3A_2187 = arith.addi %parallel_loop3A_381, %parallel_loop3A_2186 : i32
          %parallel_loop3A_2188 = vector.extract_strided_slice %parallel_loop3A_367 {offsets = [13], sizes = [1], strides = [1]} : vector<16xi32> to vector<1xi32>
          %parallel_loop3A_2189 = vector.extract %parallel_loop3A_2188[0] : i32 from vector<1xi32>
          %parallel_loop3A_2190 = vector.extract_strided_slice %parallel_loop3A_377 {offsets = [13], sizes = [1], strides = [1]} : vector<16xi32> to vector<1xi32>
          %parallel_loop3A_2191 = vector.extract %parallel_loop3A_2190[0] : i32 from vector<1xi32>
          %parallel_loop3A_2192 = arith.constant 0 : i32
          %parallel_loop3A_2193 = arith.addi %parallel_loop3A_2189, %parallel_loop3A_2192 : i32
          %parallel_loop3A_2194 = arith.index_cast %parallel_loop3A_2193 : i32 to index
          %parallel_loop3A_2195 = tpu.vector_load %arg7[%parallel_loop3A_2194] {strides = array<i32>} : memref<32768xf32, #tpu.memory_space<vmem>>, vector<16xf32>,
          %parallel_loop3A_2196 = arith.constant 0 : i32
          %parallel_loop3A_2197 = arith.addi %parallel_loop3A_2187, %parallel_loop3A_2196 : i32
          %parallel_loop3A_2198 = tpu.memref_slice %run_scoped3A_10[%mul3A_254] : memref<32768xf32, #tpu.memory_space<vmem>> -> memref<16384xf32, #tpu.memory_space<vmem>>
          %parallel_loop3A_2199 = arith.index_cast %parallel_loop3A_2197 : i32 to index
          %parallel_loop3A_2200 = tpu.vector_load %parallel_loop3A_2198[%parallel_loop3A_2199] {strides = array<i32>} : memref<16384xf32, #tpu.memory_space<vmem>>, vector<16xf32>,
          tpu.vector_store %parallel_loop3A_2198[%parallel_loop3A_2199], %parallel_loop3A_2157 {strides = array<i32>} : memref<16384xf32, #tpu.memory_space<vmem>>, vector<16xf32>,
          %parallel_loop3A_2201 = arith.constant 0 : i32
          %parallel_loop3A_2202 = arith.addi %parallel_loop3A_2191, %parallel_loop3A_2201 : i32
          %parallel_loop3A_2203 = arith.index_cast %parallel_loop3A_2202 : i32 to index
          %parallel_loop3A_2204 = tpu.vector_load %arg8[%parallel_loop3A_2203] {strides = array<i32>} : memref<32768xf32, #tpu.memory_space<vmem>>, vector<16xf32>,
          %parallel_loop3A_2205 = arith.constant 16 : i32
          %parallel_loop3A_2206 = arith.addi %parallel_loop3A_2189, %parallel_loop3A_2205 : i32
          %parallel_loop3A_2207 = arith.index_cast %parallel_loop3A_2206 : i32 to index
          %parallel_loop3A_2208 = tpu.vector_load %arg7[%parallel_loop3A_2207] {strides = array<i32>} : memref<32768xf32, #tpu.memory_space<vmem>>, vector<16xf32>,
          %parallel_loop3A_2209 = arith.constant 16 : i32
          %parallel_loop3A_2210 = arith.addi %parallel_loop3A_2187, %parallel_loop3A_2209 : i32
          %parallel_loop3A_2211 = tpu.memref_slice %run_scoped3A_10[%mul3A_254] : memref<32768xf32, #tpu.memory_space<vmem>> -> memref<16384xf32, #tpu.memory_space<vmem>>
          %parallel_loop3A_2212 = arith.index_cast %parallel_loop3A_2210 : i32 to index
          %parallel_loop3A_2213 = tpu.vector_load %parallel_loop3A_2211[%parallel_loop3A_2212] {strides = array<i32>} : memref<16384xf32, #tpu.memory_space<vmem>>, vector<16xf32>,
          tpu.vector_store %parallel_loop3A_2211[%parallel_loop3A_2212], %parallel_loop3A_2161 {strides = array<i32>} : memref<16384xf32, #tpu.memory_space<vmem>>, vector<16xf32>,
          %parallel_loop3A_2214 = arith.constant 16 : i32
          %parallel_loop3A_2215 = arith.addi %parallel_loop3A_2191, %parallel_loop3A_2214 : i32
          %parallel_loop3A_2216 = arith.index_cast %parallel_loop3A_2215 : i32 to index
          %parallel_loop3A_2217 = tpu.vector_load %arg8[%parallel_loop3A_2216] {strides = array<i32>} : memref<32768xf32, #tpu.memory_space<vmem>>, vector<16xf32>,
          %parallel_loop3A_2218 = arith.constant 32 : i32
          %parallel_loop3A_2219 = arith.addi %parallel_loop3A_2189, %parallel_loop3A_2218 : i32
          %parallel_loop3A_2220 = arith.index_cast %parallel_loop3A_2219 : i32 to index
          %parallel_loop3A_2221 = tpu.vector_load %arg7[%parallel_loop3A_2220] {strides = array<i32>} : memref<32768xf32, #tpu.memory_space<vmem>>, vector<16xf32>,
          %parallel_loop3A_2222 = arith.constant 32 : i32
          %parallel_loop3A_2223 = arith.addi %parallel_loop3A_2187, %parallel_loop3A_2222 : i32
          %parallel_loop3A_2224 = tpu.memref_slice %run_scoped3A_10[%mul3A_254] : memref<32768xf32, #tpu.memory_space<vmem>> -> memref<16384xf32, #tpu.memory_space<vmem>>
          %parallel_loop3A_2225 = arith.index_cast %parallel_loop3A_2223 : i32 to index
          %parallel_loop3A_2226 = tpu.vector_load %parallel_loop3A_2224[%parallel_loop3A_2225] {strides = array<i32>} : memref<16384xf32, #tpu.memory_space<vmem>>, vector<16xf32>,
          tpu.vector_store %parallel_loop3A_2224[%parallel_loop3A_2225], %parallel_loop3A_2165 {strides = array<i32>} : memref<16384xf32, #tpu.memory_space<vmem>>, vector<16xf32>,
          %parallel_loop3A_2227 = arith.constant 32 : i32
          %parallel_loop3A_2228 = arith.addi %parallel_loop3A_2191, %parallel_loop3A_2227 : i32
          %parallel_loop3A_2229 = arith.index_cast %parallel_loop3A_2228 : i32 to index
          %parallel_loop3A_2230 = tpu.vector_load %arg8[%parallel_loop3A_2229] {strides = array<i32>} : memref<32768xf32, #tpu.memory_space<vmem>>, vector<16xf32>,
          %parallel_loop3A_2231 = arith.constant 48 : i32
          %parallel_loop3A_2232 = arith.addi %parallel_loop3A_2189, %parallel_loop3A_2231 : i32
          %parallel_loop3A_2233 = arith.index_cast %parallel_loop3A_2232 : i32 to index
          %parallel_loop3A_2234 = tpu.vector_load %arg7[%parallel_loop3A_2233] {strides = array<i32>} : memref<32768xf32, #tpu.memory_space<vmem>>, vector<16xf32>,
          %parallel_loop3A_2235 = arith.constant 48 : i32
          %parallel_loop3A_2236 = arith.addi %parallel_loop3A_2187, %parallel_loop3A_2235 : i32
          %parallel_loop3A_2237 = tpu.memref_slice %run_scoped3A_10[%mul3A_254] : memref<32768xf32, #tpu.memory_space<vmem>> -> memref<16384xf32, #tpu.memory_space<vmem>>
          %parallel_loop3A_2238 = arith.index_cast %parallel_loop3A_2236 : i32 to index
          %parallel_loop3A_2239 = tpu.vector_load %parallel_loop3A_2237[%parallel_loop3A_2238] {strides = array<i32>} : memref<16384xf32, #tpu.memory_space<vmem>>, vector<16xf32>,
          tpu.vector_store %parallel_loop3A_2237[%parallel_loop3A_2238], %parallel_loop3A_2169 {strides = array<i32>} : memref<16384xf32, #tpu.memory_space<vmem>>, vector<16xf32>,
          %parallel_loop3A_2240 = arith.constant 48 : i32
          %parallel_loop3A_2241 = arith.addi %parallel_loop3A_2191, %parallel_loop3A_2240 : i32
          %parallel_loop3A_2242 = arith.index_cast %parallel_loop3A_2241 : i32 to index
          %parallel_loop3A_2243 = tpu.vector_load %arg8[%parallel_loop3A_2242] {strides = array<i32>} : memref<32768xf32, #tpu.memory_space<vmem>>, vector<16xf32>,
          %parallel_loop3A_2244 = arith.constant 64 : i32
          %parallel_loop3A_2245 = arith.addi %parallel_loop3A_2189, %parallel_loop3A_2244 : i32
          %parallel_loop3A_2246 = arith.index_cast %parallel_loop3A_2245 : i32 to index
          %parallel_loop3A_2247 = tpu.vector_load %arg7[%parallel_loop3A_2246] {strides = array<i32>} : memref<32768xf32, #tpu.memory_space<vmem>>, vector<16xf32>,
          %parallel_loop3A_2248 = arith.constant 64 : i32
          %parallel_loop3A_2249 = arith.addi %parallel_loop3A_2187, %parallel_loop3A_2248 : i32
          %parallel_loop3A_2250 = tpu.memref_slice %run_scoped3A_10[%mul3A_254] : memref<32768xf32, #tpu.memory_space<vmem>> -> memref<16384xf32, #tpu.memory_space<vmem>>
          %parallel_loop3A_2251 = arith.index_cast %parallel_loop3A_2249 : i32 to index
          %parallel_loop3A_2252 = tpu.vector_load %parallel_loop3A_2250[%parallel_loop3A_2251] {strides = array<i32>} : memref<16384xf32, #tpu.memory_space<vmem>>, vector<16xf32>,
          tpu.vector_store %parallel_loop3A_2250[%parallel_loop3A_2251], %parallel_loop3A_2173 {strides = array<i32>} : memref<16384xf32, #tpu.memory_space<vmem>>, vector<16xf32>,
          %parallel_loop3A_2253 = arith.constant 64 : i32
          %parallel_loop3A_2254 = arith.addi %parallel_loop3A_2191, %parallel_loop3A_2253 : i32
          %parallel_loop3A_2255 = arith.index_cast %parallel_loop3A_2254 : i32 to index
          %parallel_loop3A_2256 = tpu.vector_load %arg8[%parallel_loop3A_2255] {strides = array<i32>} : memref<32768xf32, #tpu.memory_space<vmem>>, vector<16xf32>,
          %parallel_loop3A_2257 = arith.constant 80 : i32
          %parallel_loop3A_2258 = arith.addi %parallel_loop3A_2189, %parallel_loop3A_2257 : i32
          %parallel_loop3A_2259 = arith.index_cast %parallel_loop3A_2258 : i32 to index
          %parallel_loop3A_2260 = tpu.vector_load %arg7[%parallel_loop3A_2259] {strides = array<i32>} : memref<32768xf32, #tpu.memory_space<vmem>>, vector<16xf32>,
          %parallel_loop3A_2261 = arith.constant 80 : i32
          %parallel_loop3A_2262 = arith.addi %parallel_loop3A_2187, %parallel_loop3A_2261 : i32
          %parallel_loop3A_2263 = tpu.memref_slice %run_scoped3A_10[%mul3A_254] : memref<32768xf32, #tpu.memory_space<vmem>> -> memref<16384xf32, #tpu.memory_space<vmem>>
          %parallel_loop3A_2264 = arith.index_cast %parallel_loop3A_2262 : i32 to index
          %parallel_loop3A_2265 = tpu.vector_load %parallel_loop3A_2263[%parallel_loop3A_2264] {strides = array<i32>} : memref<16384xf32, #tpu.memory_space<vmem>>, vector<16xf32>,
          tpu.vector_store %parallel_loop3A_2263[%parallel_loop3A_2264], %parallel_loop3A_2177 {strides = array<i32>} : memref<16384xf32, #tpu.memory_space<vmem>>, vector<16xf32>,
          %parallel_loop3A_2266 = arith.constant 80 : i32
          %parallel_loop3A_2267 = arith.addi %parallel_loop3A_2191, %parallel_loop3A_2266 : i32
          %parallel_loop3A_2268 = arith.index_cast %parallel_loop3A_2267 : i32 to index
          %parallel_loop3A_2269 = tpu.vector_load %arg8[%parallel_loop3A_2268] {strides = array<i32>} : memref<32768xf32, #tpu.memory_space<vmem>>, vector<16xf32>,
          %parallel_loop3A_2270 = arith.constant 96 : i32
          %parallel_loop3A_2271 = arith.addi %parallel_loop3A_2189, %parallel_loop3A_2270 : i32
          %parallel_loop3A_2272 = arith.index_cast %parallel_loop3A_2271 : i32 to index
          %parallel_loop3A_2273 = tpu.vector_load %arg7[%parallel_loop3A_2272] {strides = array<i32>} : memref<32768xf32, #tpu.memory_space<vmem>>, vector<16xf32>,
          %parallel_loop3A_2274 = arith.constant 96 : i32
          %parallel_loop3A_2275 = arith.addi %parallel_loop3A_2187, %parallel_loop3A_2274 : i32
          %parallel_loop3A_2276 = tpu.memref_slice %run_scoped3A_10[%mul3A_254] : memref<32768xf32, #tpu.memory_space<vmem>> -> memref<16384xf32, #tpu.memory_space<vmem>>
          %parallel_loop3A_2277 = arith.index_cast %parallel_loop3A_2275 : i32 to index
          %parallel_loop3A_2278 = tpu.vector_load %parallel_loop3A_2276[%parallel_loop3A_2277] {strides = array<i32>} : memref<16384xf32, #tpu.memory_space<vmem>>, vector<16xf32>,
          tpu.vector_store %parallel_loop3A_2276[%parallel_loop3A_2277], %parallel_loop3A_2181 {strides = array<i32>} : memref<16384xf32, #tpu.memory_space<vmem>>, vector<16xf32>,
          %parallel_loop3A_2279 = arith.constant 96 : i32
          %parallel_loop3A_2280 = arith.addi %parallel_loop3A_2191, %parallel_loop3A_2279 : i32
          %parallel_loop3A_2281 = arith.index_cast %parallel_loop3A_2280 : i32 to index
          %parallel_loop3A_2282 = tpu.vector_load %arg8[%parallel_loop3A_2281] {strides = array<i32>} : memref<32768xf32, #tpu.memory_space<vmem>>, vector<16xf32>,
          %parallel_loop3A_2283 = arith.constant 112 : i32
          %parallel_loop3A_2284 = arith.addi %parallel_loop3A_2189, %parallel_loop3A_2283 : i32
          %parallel_loop3A_2285 = arith.index_cast %parallel_loop3A_2284 : i32 to index
          %parallel_loop3A_2286 = tpu.vector_load %arg7[%parallel_loop3A_2285] {strides = array<i32>} : memref<32768xf32, #tpu.memory_space<vmem>>, vector<16xf32>,
          %parallel_loop3A_2287 = arith.constant 112 : i32
          %parallel_loop3A_2288 = arith.addi %parallel_loop3A_2187, %parallel_loop3A_2287 : i32
          %parallel_loop3A_2289 = tpu.memref_slice %run_scoped3A_10[%mul3A_254] : memref<32768xf32, #tpu.memory_space<vmem>> -> memref<16384xf32, #tpu.memory_space<vmem>>
          %parallel_loop3A_2290 = arith.index_cast %parallel_loop3A_2288 : i32 to index
          %parallel_loop3A_2291 = tpu.vector_load %parallel_loop3A_2289[%parallel_loop3A_2290] {strides = array<i32>} : memref<16384xf32, #tpu.memory_space<vmem>>, vector<16xf32>,
          tpu.vector_store %parallel_loop3A_2289[%parallel_loop3A_2290], %parallel_loop3A_2185 {strides = array<i32>} : memref<16384xf32, #tpu.memory_space<vmem>>, vector<16xf32>,
          %parallel_loop3A_2292 = arith.constant 112 : i32
          %parallel_loop3A_2293 = arith.addi %parallel_loop3A_2191, %parallel_loop3A_2292 : i32
          %parallel_loop3A_2294 = arith.index_cast %parallel_loop3A_2293 : i32 to index
          %parallel_loop3A_2295 = tpu.vector_load %arg8[%parallel_loop3A_2294] {strides = array<i32>} : memref<32768xf32, #tpu.memory_space<vmem>>, vector<16xf32>,
          %parallel_loop3A_2296 = arith.addf %parallel_loop3A_2195, %parallel_loop3A_2204 : vector<16xf32>
          %parallel_loop3A_2297 = arith.constant 0.000000e+00 : f32
          %parallel_loop3A_2298 = vector.broadcast %parallel_loop3A_2297 : f32 to vector<16xf32>
          %parallel_loop3A_2299 = arith.maximumf %parallel_loop3A_2296, %parallel_loop3A_2298 : vector<16xf32>
          %parallel_loop3A_2300 = arith.addf %parallel_loop3A_2208, %parallel_loop3A_2217 : vector<16xf32>
          %parallel_loop3A_2301 = arith.constant 0.000000e+00 : f32
          %parallel_loop3A_2302 = vector.broadcast %parallel_loop3A_2301 : f32 to vector<16xf32>
          %parallel_loop3A_2303 = arith.maximumf %parallel_loop3A_2300, %parallel_loop3A_2302 : vector<16xf32>
          %parallel_loop3A_2304 = arith.addf %parallel_loop3A_2221, %parallel_loop3A_2230 : vector<16xf32>
          %parallel_loop3A_2305 = arith.constant 0.000000e+00 : f32
          %parallel_loop3A_2306 = vector.broadcast %parallel_loop3A_2305 : f32 to vector<16xf32>
          %parallel_loop3A_2307 = arith.maximumf %parallel_loop3A_2304, %parallel_loop3A_2306 : vector<16xf32>
          %parallel_loop3A_2308 = arith.addf %parallel_loop3A_2234, %parallel_loop3A_2243 : vector<16xf32>
          %parallel_loop3A_2309 = arith.constant 0.000000e+00 : f32
          %parallel_loop3A_2310 = vector.broadcast %parallel_loop3A_2309 : f32 to vector<16xf32>
          %parallel_loop3A_2311 = arith.maximumf %parallel_loop3A_2308, %parallel_loop3A_2310 : vector<16xf32>
          %parallel_loop3A_2312 = arith.addf %parallel_loop3A_2247, %parallel_loop3A_2256 : vector<16xf32>
          %parallel_loop3A_2313 = arith.constant 0.000000e+00 : f32
          %parallel_loop3A_2314 = vector.broadcast %parallel_loop3A_2313 : f32 to vector<16xf32>
          %parallel_loop3A_2315 = arith.maximumf %parallel_loop3A_2312, %parallel_loop3A_2314 : vector<16xf32>
          %parallel_loop3A_2316 = arith.addf %parallel_loop3A_2260, %parallel_loop3A_2269 : vector<16xf32>
          %parallel_loop3A_2317 = arith.constant 0.000000e+00 : f32
          %parallel_loop3A_2318 = vector.broadcast %parallel_loop3A_2317 : f32 to vector<16xf32>
          %parallel_loop3A_2319 = arith.maximumf %parallel_loop3A_2316, %parallel_loop3A_2318 : vector<16xf32>
          %parallel_loop3A_2320 = arith.addf %parallel_loop3A_2273, %parallel_loop3A_2282 : vector<16xf32>
          %parallel_loop3A_2321 = arith.constant 0.000000e+00 : f32
          %parallel_loop3A_2322 = vector.broadcast %parallel_loop3A_2321 : f32 to vector<16xf32>
          %parallel_loop3A_2323 = arith.maximumf %parallel_loop3A_2320, %parallel_loop3A_2322 : vector<16xf32>
          %parallel_loop3A_2324 = arith.addf %parallel_loop3A_2286, %parallel_loop3A_2295 : vector<16xf32>
          %parallel_loop3A_2325 = arith.constant 0.000000e+00 : f32
          %parallel_loop3A_2326 = vector.broadcast %parallel_loop3A_2325 : f32 to vector<16xf32>
          %parallel_loop3A_2327 = arith.maximumf %parallel_loop3A_2324, %parallel_loop3A_2326 : vector<16xf32>
          %parallel_loop3A_2328 = arith.constant 1664 : i32
          %parallel_loop3A_2329 = arith.addi %parallel_loop3A_381, %parallel_loop3A_2328 : i32
          %parallel_loop3A_2330 = vector.extract_strided_slice %parallel_loop3A_367 {offsets = [14], sizes = [1], strides = [1]} : vector<16xi32> to vector<1xi32>
          %parallel_loop3A_2331 = vector.extract %parallel_loop3A_2330[0] : i32 from vector<1xi32>
          %parallel_loop3A_2332 = vector.extract_strided_slice %parallel_loop3A_377 {offsets = [14], sizes = [1], strides = [1]} : vector<16xi32> to vector<1xi32>
          %parallel_loop3A_2333 = vector.extract %parallel_loop3A_2332[0] : i32 from vector<1xi32>
          %parallel_loop3A_2334 = arith.constant 0 : i32
          %parallel_loop3A_2335 = arith.addi %parallel_loop3A_2331, %parallel_loop3A_2334 : i32
          %parallel_loop3A_2336 = arith.index_cast %parallel_loop3A_2335 : i32 to index
          %parallel_loop3A_2337 = tpu.vector_load %arg7[%parallel_loop3A_2336] {strides = array<i32>} : memref<32768xf32, #tpu.memory_space<vmem>>, vector<16xf32>,
          %parallel_loop3A_2338 = arith.constant 0 : i32
          %parallel_loop3A_2339 = arith.addi %parallel_loop3A_2329, %parallel_loop3A_2338 : i32
          %parallel_loop3A_2340 = tpu.memref_slice %run_scoped3A_10[%mul3A_254] : memref<32768xf32, #tpu.memory_space<vmem>> -> memref<16384xf32, #tpu.memory_space<vmem>>
          %parallel_loop3A_2341 = arith.index_cast %parallel_loop3A_2339 : i32 to index
          %parallel_loop3A_2342 = tpu.vector_load %parallel_loop3A_2340[%parallel_loop3A_2341] {strides = array<i32>} : memref<16384xf32, #tpu.memory_space<vmem>>, vector<16xf32>,
          tpu.vector_store %parallel_loop3A_2340[%parallel_loop3A_2341], %parallel_loop3A_2299 {strides = array<i32>} : memref<16384xf32, #tpu.memory_space<vmem>>, vector<16xf32>,
          %parallel_loop3A_2343 = arith.constant 0 : i32
          %parallel_loop3A_2344 = arith.addi %parallel_loop3A_2333, %parallel_loop3A_2343 : i32
          %parallel_loop3A_2345 = arith.index_cast %parallel_loop3A_2344 : i32 to index
          %parallel_loop3A_2346 = tpu.vector_load %arg8[%parallel_loop3A_2345] {strides = array<i32>} : memref<32768xf32, #tpu.memory_space<vmem>>, vector<16xf32>,
          %parallel_loop3A_2347 = arith.constant 16 : i32
          %parallel_loop3A_2348 = arith.addi %parallel_loop3A_2331, %parallel_loop3A_2347 : i32
          %parallel_loop3A_2349 = arith.index_cast %parallel_loop3A_2348 : i32 to index
          %parallel_loop3A_2350 = tpu.vector_load %arg7[%parallel_loop3A_2349] {strides = array<i32>} : memref<32768xf32, #tpu.memory_space<vmem>>, vector<16xf32>,
          %parallel_loop3A_2351 = arith.constant 16 : i32
          %parallel_loop3A_2352 = arith.addi %parallel_loop3A_2329, %parallel_loop3A_2351 : i32
          %parallel_loop3A_2353 = tpu.memref_slice %run_scoped3A_10[%mul3A_254] : memref<32768xf32, #tpu.memory_space<vmem>> -> memref<16384xf32, #tpu.memory_space<vmem>>
          %parallel_loop3A_2354 = arith.index_cast %parallel_loop3A_2352 : i32 to index
          %parallel_loop3A_2355 = tpu.vector_load %parallel_loop3A_2353[%parallel_loop3A_2354] {strides = array<i32>} : memref<16384xf32, #tpu.memory_space<vmem>>, vector<16xf32>,
          tpu.vector_store %parallel_loop3A_2353[%parallel_loop3A_2354], %parallel_loop3A_2303 {strides = array<i32>} : memref<16384xf32, #tpu.memory_space<vmem>>, vector<16xf32>,
          %parallel_loop3A_2356 = arith.constant 16 : i32
          %parallel_loop3A_2357 = arith.addi %parallel_loop3A_2333, %parallel_loop3A_2356 : i32
          %parallel_loop3A_2358 = arith.index_cast %parallel_loop3A_2357 : i32 to index
          %parallel_loop3A_2359 = tpu.vector_load %arg8[%parallel_loop3A_2358] {strides = array<i32>} : memref<32768xf32, #tpu.memory_space<vmem>>, vector<16xf32>,
          %parallel_loop3A_2360 = arith.constant 32 : i32
          %parallel_loop3A_2361 = arith.addi %parallel_loop3A_2331, %parallel_loop3A_2360 : i32
          %parallel_loop3A_2362 = arith.index_cast %parallel_loop3A_2361 : i32 to index
          %parallel_loop3A_2363 = tpu.vector_load %arg7[%parallel_loop3A_2362] {strides = array<i32>} : memref<32768xf32, #tpu.memory_space<vmem>>, vector<16xf32>,
          %parallel_loop3A_2364 = arith.constant 32 : i32
          %parallel_loop3A_2365 = arith.addi %parallel_loop3A_2329, %parallel_loop3A_2364 : i32
          %parallel_loop3A_2366 = tpu.memref_slice %run_scoped3A_10[%mul3A_254] : memref<32768xf32, #tpu.memory_space<vmem>> -> memref<16384xf32, #tpu.memory_space<vmem>>
          %parallel_loop3A_2367 = arith.index_cast %parallel_loop3A_2365 : i32 to index
          %parallel_loop3A_2368 = tpu.vector_load %parallel_loop3A_2366[%parallel_loop3A_2367] {strides = array<i32>} : memref<16384xf32, #tpu.memory_space<vmem>>, vector<16xf32>,
          tpu.vector_store %parallel_loop3A_2366[%parallel_loop3A_2367], %parallel_loop3A_2307 {strides = array<i32>} : memref<16384xf32, #tpu.memory_space<vmem>>, vector<16xf32>,
          %parallel_loop3A_2369 = arith.constant 32 : i32
          %parallel_loop3A_2370 = arith.addi %parallel_loop3A_2333, %parallel_loop3A_2369 : i32
          %parallel_loop3A_2371 = arith.index_cast %parallel_loop3A_2370 : i32 to index
          %parallel_loop3A_2372 = tpu.vector_load %arg8[%parallel_loop3A_2371] {strides = array<i32>} : memref<32768xf32, #tpu.memory_space<vmem>>, vector<16xf32>,
          %parallel_loop3A_2373 = arith.constant 48 : i32
          %parallel_loop3A_2374 = arith.addi %parallel_loop3A_2331, %parallel_loop3A_2373 : i32
          %parallel_loop3A_2375 = arith.index_cast %parallel_loop3A_2374 : i32 to index
          %parallel_loop3A_2376 = tpu.vector_load %arg7[%parallel_loop3A_2375] {strides = array<i32>} : memref<32768xf32, #tpu.memory_space<vmem>>, vector<16xf32>,
          %parallel_loop3A_2377 = arith.constant 48 : i32
          %parallel_loop3A_2378 = arith.addi %parallel_loop3A_2329, %parallel_loop3A_2377 : i32
          %parallel_loop3A_2379 = tpu.memref_slice %run_scoped3A_10[%mul3A_254] : memref<32768xf32, #tpu.memory_space<vmem>> -> memref<16384xf32, #tpu.memory_space<vmem>>
          %parallel_loop3A_2380 = arith.index_cast %parallel_loop3A_2378 : i32 to index
          %parallel_loop3A_2381 = tpu.vector_load %parallel_loop3A_2379[%parallel_loop3A_2380] {strides = array<i32>} : memref<16384xf32, #tpu.memory_space<vmem>>, vector<16xf32>,
          tpu.vector_store %parallel_loop3A_2379[%parallel_loop3A_2380], %parallel_loop3A_2311 {strides = array<i32>} : memref<16384xf32, #tpu.memory_space<vmem>>, vector<16xf32>,
          %parallel_loop3A_2382 = arith.constant 48 : i32
          %parallel_loop3A_2383 = arith.addi %parallel_loop3A_2333, %parallel_loop3A_2382 : i32
          %parallel_loop3A_2384 = arith.index_cast %parallel_loop3A_2383 : i32 to index
          %parallel_loop3A_2385 = tpu.vector_load %arg8[%parallel_loop3A_2384] {strides = array<i32>} : memref<32768xf32, #tpu.memory_space<vmem>>, vector<16xf32>,
          %parallel_loop3A_2386 = arith.constant 64 : i32
          %parallel_loop3A_2387 = arith.addi %parallel_loop3A_2331, %parallel_loop3A_2386 : i32
          %parallel_loop3A_2388 = arith.index_cast %parallel_loop3A_2387 : i32 to index
          %parallel_loop3A_2389 = tpu.vector_load %arg7[%parallel_loop3A_2388] {strides = array<i32>} : memref<32768xf32, #tpu.memory_space<vmem>>, vector<16xf32>,
          %parallel_loop3A_2390 = arith.constant 64 : i32
          %parallel_loop3A_2391 = arith.addi %parallel_loop3A_2329, %parallel_loop3A_2390 : i32
          %parallel_loop3A_2392 = tpu.memref_slice %run_scoped3A_10[%mul3A_254] : memref<32768xf32, #tpu.memory_space<vmem>> -> memref<16384xf32, #tpu.memory_space<vmem>>
          %parallel_loop3A_2393 = arith.index_cast %parallel_loop3A_2391 : i32 to index
          %parallel_loop3A_2394 = tpu.vector_load %parallel_loop3A_2392[%parallel_loop3A_2393] {strides = array<i32>} : memref<16384xf32, #tpu.memory_space<vmem>>, vector<16xf32>,
          tpu.vector_store %parallel_loop3A_2392[%parallel_loop3A_2393], %parallel_loop3A_2315 {strides = array<i32>} : memref<16384xf32, #tpu.memory_space<vmem>>, vector<16xf32>,
          %parallel_loop3A_2395 = arith.constant 64 : i32
          %parallel_loop3A_2396 = arith.addi %parallel_loop3A_2333, %parallel_loop3A_2395 : i32
          %parallel_loop3A_2397 = arith.index_cast %parallel_loop3A_2396 : i32 to index
          %parallel_loop3A_2398 = tpu.vector_load %arg8[%parallel_loop3A_2397] {strides = array<i32>} : memref<32768xf32, #tpu.memory_space<vmem>>, vector<16xf32>,
          %parallel_loop3A_2399 = arith.constant 80 : i32
          %parallel_loop3A_2400 = arith.addi %parallel_loop3A_2331, %parallel_loop3A_2399 : i32
          %parallel_loop3A_2401 = arith.index_cast %parallel_loop3A_2400 : i32 to index
          %parallel_loop3A_2402 = tpu.vector_load %arg7[%parallel_loop3A_2401] {strides = array<i32>} : memref<32768xf32, #tpu.memory_space<vmem>>, vector<16xf32>,
          %parallel_loop3A_2403 = arith.constant 80 : i32
          %parallel_loop3A_2404 = arith.addi %parallel_loop3A_2329, %parallel_loop3A_2403 : i32
          %parallel_loop3A_2405 = tpu.memref_slice %run_scoped3A_10[%mul3A_254] : memref<32768xf32, #tpu.memory_space<vmem>> -> memref<16384xf32, #tpu.memory_space<vmem>>
          %parallel_loop3A_2406 = arith.index_cast %parallel_loop3A_2404 : i32 to index
          %parallel_loop3A_2407 = tpu.vector_load %parallel_loop3A_2405[%parallel_loop3A_2406] {strides = array<i32>} : memref<16384xf32, #tpu.memory_space<vmem>>, vector<16xf32>,
          tpu.vector_store %parallel_loop3A_2405[%parallel_loop3A_2406], %parallel_loop3A_2319 {strides = array<i32>} : memref<16384xf32, #tpu.memory_space<vmem>>, vector<16xf32>,
          %parallel_loop3A_2408 = arith.constant 80 : i32
          %parallel_loop3A_2409 = arith.addi %parallel_loop3A_2333, %parallel_loop3A_2408 : i32
          %parallel_loop3A_2410 = arith.index_cast %parallel_loop3A_2409 : i32 to index
          %parallel_loop3A_2411 = tpu.vector_load %arg8[%parallel_loop3A_2410] {strides = array<i32>} : memref<32768xf32, #tpu.memory_space<vmem>>, vector<16xf32>,
          %parallel_loop3A_2412 = arith.constant 96 : i32
          %parallel_loop3A_2413 = arith.addi %parallel_loop3A_2331, %parallel_loop3A_2412 : i32
          %parallel_loop3A_2414 = arith.index_cast %parallel_loop3A_2413 : i32 to index
          %parallel_loop3A_2415 = tpu.vector_load %arg7[%parallel_loop3A_2414] {strides = array<i32>} : memref<32768xf32, #tpu.memory_space<vmem>>, vector<16xf32>,
          %parallel_loop3A_2416 = arith.constant 96 : i32
          %parallel_loop3A_2417 = arith.addi %parallel_loop3A_2329, %parallel_loop3A_2416 : i32
          %parallel_loop3A_2418 = tpu.memref_slice %run_scoped3A_10[%mul3A_254] : memref<32768xf32, #tpu.memory_space<vmem>> -> memref<16384xf32, #tpu.memory_space<vmem>>
          %parallel_loop3A_2419 = arith.index_cast %parallel_loop3A_2417 : i32 to index
          %parallel_loop3A_2420 = tpu.vector_load %parallel_loop3A_2418[%parallel_loop3A_2419] {strides = array<i32>} : memref<16384xf32, #tpu.memory_space<vmem>>, vector<16xf32>,
          tpu.vector_store %parallel_loop3A_2418[%parallel_loop3A_2419], %parallel_loop3A_2323 {strides = array<i32>} : memref<16384xf32, #tpu.memory_space<vmem>>, vector<16xf32>,
          %parallel_loop3A_2421 = arith.constant 96 : i32
          %parallel_loop3A_2422 = arith.addi %parallel_loop3A_2333, %parallel_loop3A_2421 : i32
          %parallel_loop3A_2423 = arith.index_cast %parallel_loop3A_2422 : i32 to index
          %parallel_loop3A_2424 = tpu.vector_load %arg8[%parallel_loop3A_2423] {strides = array<i32>} : memref<32768xf32, #tpu.memory_space<vmem>>, vector<16xf32>,
          %parallel_loop3A_2425 = arith.constant 112 : i32
          %parallel_loop3A_2426 = arith.addi %parallel_loop3A_2331, %parallel_loop3A_2425 : i32
          %parallel_loop3A_2427 = arith.index_cast %parallel_loop3A_2426 : i32 to index
          %parallel_loop3A_2428 = tpu.vector_load %arg7[%parallel_loop3A_2427] {strides = array<i32>} : memref<32768xf32, #tpu.memory_space<vmem>>, vector<16xf32>,
          %parallel_loop3A_2429 = arith.constant 112 : i32
          %parallel_loop3A_2430 = arith.addi %parallel_loop3A_2329, %parallel_loop3A_2429 : i32
          %parallel_loop3A_2431 = tpu.memref_slice %run_scoped3A_10[%mul3A_254] : memref<32768xf32, #tpu.memory_space<vmem>> -> memref<16384xf32, #tpu.memory_space<vmem>>
          %parallel_loop3A_2432 = arith.index_cast %parallel_loop3A_2430 : i32 to index
          %parallel_loop3A_2433 = tpu.vector_load %parallel_loop3A_2431[%parallel_loop3A_2432] {strides = array<i32>} : memref<16384xf32, #tpu.memory_space<vmem>>, vector<16xf32>,
          tpu.vector_store %parallel_loop3A_2431[%parallel_loop3A_2432], %parallel_loop3A_2327 {strides = array<i32>} : memref<16384xf32, #tpu.memory_space<vmem>>, vector<16xf32>,
          %parallel_loop3A_2434 = arith.constant 112 : i32
          %parallel_loop3A_2435 = arith.addi %parallel_loop3A_2333, %parallel_loop3A_2434 : i32
          %parallel_loop3A_2436 = arith.index_cast %parallel_loop3A_2435 : i32 to index
          %parallel_loop3A_2437 = tpu.vector_load %arg8[%parallel_loop3A_2436] {strides = array<i32>} : memref<32768xf32, #tpu.memory_space<vmem>>, vector<16xf32>,
          %parallel_loop3A_2438 = arith.addf %parallel_loop3A_2337, %parallel_loop3A_2346 : vector<16xf32>
          %parallel_loop3A_2439 = arith.constant 0.000000e+00 : f32
          %parallel_loop3A_2440 = vector.broadcast %parallel_loop3A_2439 : f32 to vector<16xf32>
          %parallel_loop3A_2441 = arith.maximumf %parallel_loop3A_2438, %parallel_loop3A_2440 : vector<16xf32>
          %parallel_loop3A_2442 = arith.addf %parallel_loop3A_2350, %parallel_loop3A_2359 : vector<16xf32>
          %parallel_loop3A_2443 = arith.constant 0.000000e+00 : f32
          %parallel_loop3A_2444 = vector.broadcast %parallel_loop3A_2443 : f32 to vector<16xf32>
          %parallel_loop3A_2445 = arith.maximumf %parallel_loop3A_2442, %parallel_loop3A_2444 : vector<16xf32>
          %parallel_loop3A_2446 = arith.addf %parallel_loop3A_2363, %parallel_loop3A_2372 : vector<16xf32>
          %parallel_loop3A_2447 = arith.constant 0.000000e+00 : f32
          %parallel_loop3A_2448 = vector.broadcast %parallel_loop3A_2447 : f32 to vector<16xf32>
          %parallel_loop3A_2449 = arith.maximumf %parallel_loop3A_2446, %parallel_loop3A_2448 : vector<16xf32>
          %parallel_loop3A_2450 = arith.addf %parallel_loop3A_2376, %parallel_loop3A_2385 : vector<16xf32>
          %parallel_loop3A_2451 = arith.constant 0.000000e+00 : f32
          %parallel_loop3A_2452 = vector.broadcast %parallel_loop3A_2451 : f32 to vector<16xf32>
          %parallel_loop3A_2453 = arith.maximumf %parallel_loop3A_2450, %parallel_loop3A_2452 : vector<16xf32>
          %parallel_loop3A_2454 = arith.addf %parallel_loop3A_2389, %parallel_loop3A_2398 : vector<16xf32>
          %parallel_loop3A_2455 = arith.constant 0.000000e+00 : f32
          %parallel_loop3A_2456 = vector.broadcast %parallel_loop3A_2455 : f32 to vector<16xf32>
          %parallel_loop3A_2457 = arith.maximumf %parallel_loop3A_2454, %parallel_loop3A_2456 : vector<16xf32>
          %parallel_loop3A_2458 = arith.addf %parallel_loop3A_2402, %parallel_loop3A_2411 : vector<16xf32>
          %parallel_loop3A_2459 = arith.constant 0.000000e+00 : f32
          %parallel_loop3A_2460 = vector.broadcast %parallel_loop3A_2459 : f32 to vector<16xf32>
          %parallel_loop3A_2461 = arith.maximumf %parallel_loop3A_2458, %parallel_loop3A_2460 : vector<16xf32>
          %parallel_loop3A_2462 = arith.addf %parallel_loop3A_2415, %parallel_loop3A_2424 : vector<16xf32>
          %parallel_loop3A_2463 = arith.constant 0.000000e+00 : f32
          %parallel_loop3A_2464 = vector.broadcast %parallel_loop3A_2463 : f32 to vector<16xf32>
          %parallel_loop3A_2465 = arith.maximumf %parallel_loop3A_2462, %parallel_loop3A_2464 : vector<16xf32>
          %parallel_loop3A_2466 = arith.addf %parallel_loop3A_2428, %parallel_loop3A_2437 : vector<16xf32>
          %parallel_loop3A_2467 = arith.constant 0.000000e+00 : f32
          %parallel_loop3A_2468 = vector.broadcast %parallel_loop3A_2467 : f32 to vector<16xf32>
          %parallel_loop3A_2469 = arith.maximumf %parallel_loop3A_2466, %parallel_loop3A_2468 : vector<16xf32>
          %parallel_loop3A_2470 = arith.constant 1792 : i32
          %parallel_loop3A_2471 = arith.addi %parallel_loop3A_381, %parallel_loop3A_2470 : i32
          %parallel_loop3A_2472 = vector.extract_strided_slice %parallel_loop3A_367 {offsets = [15], sizes = [1], strides = [1]} : vector<16xi32> to vector<1xi32>
          %parallel_loop3A_2473 = vector.extract %parallel_loop3A_2472[0] : i32 from vector<1xi32>
          %parallel_loop3A_2474 = vector.extract_strided_slice %parallel_loop3A_377 {offsets = [15], sizes = [1], strides = [1]} : vector<16xi32> to vector<1xi32>
          %parallel_loop3A_2475 = vector.extract %parallel_loop3A_2474[0] : i32 from vector<1xi32>
          %parallel_loop3A_2476 = arith.constant 0 : i32
          %parallel_loop3A_2477 = arith.addi %parallel_loop3A_2473, %parallel_loop3A_2476 : i32
          %parallel_loop3A_2478 = arith.index_cast %parallel_loop3A_2477 : i32 to index
          %parallel_loop3A_2479 = tpu.vector_load %arg7[%parallel_loop3A_2478] {strides = array<i32>} : memref<32768xf32, #tpu.memory_space<vmem>>, vector<16xf32>,
          %parallel_loop3A_2480 = arith.constant 0 : i32
          %parallel_loop3A_2481 = arith.addi %parallel_loop3A_2471, %parallel_loop3A_2480 : i32
          %parallel_loop3A_2482 = tpu.memref_slice %run_scoped3A_10[%mul3A_254] : memref<32768xf32, #tpu.memory_space<vmem>> -> memref<16384xf32, #tpu.memory_space<vmem>>
          %parallel_loop3A_2483 = arith.index_cast %parallel_loop3A_2481 : i32 to index
          %parallel_loop3A_2484 = tpu.vector_load %parallel_loop3A_2482[%parallel_loop3A_2483] {strides = array<i32>} : memref<16384xf32, #tpu.memory_space<vmem>>, vector<16xf32>,
          tpu.vector_store %parallel_loop3A_2482[%parallel_loop3A_2483], %parallel_loop3A_2441 {strides = array<i32>} : memref<16384xf32, #tpu.memory_space<vmem>>, vector<16xf32>,
          %parallel_loop3A_2485 = arith.constant 0 : i32
          %parallel_loop3A_2486 = arith.addi %parallel_loop3A_2475, %parallel_loop3A_2485 : i32
          %parallel_loop3A_2487 = arith.index_cast %parallel_loop3A_2486 : i32 to index
          %parallel_loop3A_2488 = tpu.vector_load %arg8[%parallel_loop3A_2487] {strides = array<i32>} : memref<32768xf32, #tpu.memory_space<vmem>>, vector<16xf32>,
          %parallel_loop3A_2489 = arith.constant 16 : i32
          %parallel_loop3A_2490 = arith.addi %parallel_loop3A_2473, %parallel_loop3A_2489 : i32
          %parallel_loop3A_2491 = arith.index_cast %parallel_loop3A_2490 : i32 to index
          %parallel_loop3A_2492 = tpu.vector_load %arg7[%parallel_loop3A_2491] {strides = array<i32>} : memref<32768xf32, #tpu.memory_space<vmem>>, vector<16xf32>,
          %parallel_loop3A_2493 = arith.constant 16 : i32
          %parallel_loop3A_2494 = arith.addi %parallel_loop3A_2471, %parallel_loop3A_2493 : i32
          %parallel_loop3A_2495 = tpu.memref_slice %run_scoped3A_10[%mul3A_254] : memref<32768xf32, #tpu.memory_space<vmem>> -> memref<16384xf32, #tpu.memory_space<vmem>>
          %parallel_loop3A_2496 = arith.index_cast %parallel_loop3A_2494 : i32 to index
          %parallel_loop3A_2497 = tpu.vector_load %parallel_loop3A_2495[%parallel_loop3A_2496] {strides = array<i32>} : memref<16384xf32, #tpu.memory_space<vmem>>, vector<16xf32>,
          tpu.vector_store %parallel_loop3A_2495[%parallel_loop3A_2496], %parallel_loop3A_2445 {strides = array<i32>} : memref<16384xf32, #tpu.memory_space<vmem>>, vector<16xf32>,
          %parallel_loop3A_2498 = arith.constant 16 : i32
          %parallel_loop3A_2499 = arith.addi %parallel_loop3A_2475, %parallel_loop3A_2498 : i32
          %parallel_loop3A_2500 = arith.index_cast %parallel_loop3A_2499 : i32 to index
          %parallel_loop3A_2501 = tpu.vector_load %arg8[%parallel_loop3A_2500] {strides = array<i32>} : memref<32768xf32, #tpu.memory_space<vmem>>, vector<16xf32>,
          %parallel_loop3A_2502 = arith.constant 32 : i32
          %parallel_loop3A_2503 = arith.addi %parallel_loop3A_2473, %parallel_loop3A_2502 : i32
          %parallel_loop3A_2504 = arith.index_cast %parallel_loop3A_2503 : i32 to index
          %parallel_loop3A_2505 = tpu.vector_load %arg7[%parallel_loop3A_2504] {strides = array<i32>} : memref<32768xf32, #tpu.memory_space<vmem>>, vector<16xf32>,
          %parallel_loop3A_2506 = arith.constant 32 : i32
          %parallel_loop3A_2507 = arith.addi %parallel_loop3A_2471, %parallel_loop3A_2506 : i32
          %parallel_loop3A_2508 = tpu.memref_slice %run_scoped3A_10[%mul3A_254] : memref<32768xf32, #tpu.memory_space<vmem>> -> memref<16384xf32, #tpu.memory_space<vmem>>
          %parallel_loop3A_2509 = arith.index_cast %parallel_loop3A_2507 : i32 to index
          %parallel_loop3A_2510 = tpu.vector_load %parallel_loop3A_2508[%parallel_loop3A_2509] {strides = array<i32>} : memref<16384xf32, #tpu.memory_space<vmem>>, vector<16xf32>,
          tpu.vector_store %parallel_loop3A_2508[%parallel_loop3A_2509], %parallel_loop3A_2449 {strides = array<i32>} : memref<16384xf32, #tpu.memory_space<vmem>>, vector<16xf32>,
          %parallel_loop3A_2511 = arith.constant 32 : i32
          %parallel_loop3A_2512 = arith.addi %parallel_loop3A_2475, %parallel_loop3A_2511 : i32
          %parallel_loop3A_2513 = arith.index_cast %parallel_loop3A_2512 : i32 to index
          %parallel_loop3A_2514 = tpu.vector_load %arg8[%parallel_loop3A_2513] {strides = array<i32>} : memref<32768xf32, #tpu.memory_space<vmem>>, vector<16xf32>,
          %parallel_loop3A_2515 = arith.constant 48 : i32
          %parallel_loop3A_2516 = arith.addi %parallel_loop3A_2473, %parallel_loop3A_2515 : i32
          %parallel_loop3A_2517 = arith.index_cast %parallel_loop3A_2516 : i32 to index
          %parallel_loop3A_2518 = tpu.vector_load %arg7[%parallel_loop3A_2517] {strides = array<i32>} : memref<32768xf32, #tpu.memory_space<vmem>>, vector<16xf32>,
          %parallel_loop3A_2519 = arith.constant 48 : i32
          %parallel_loop3A_2520 = arith.addi %parallel_loop3A_2471, %parallel_loop3A_2519 : i32
          %parallel_loop3A_2521 = tpu.memref_slice %run_scoped3A_10[%mul3A_254] : memref<32768xf32, #tpu.memory_space<vmem>> -> memref<16384xf32, #tpu.memory_space<vmem>>
          %parallel_loop3A_2522 = arith.index_cast %parallel_loop3A_2520 : i32 to index
          %parallel_loop3A_2523 = tpu.vector_load %parallel_loop3A_2521[%parallel_loop3A_2522] {strides = array<i32>} : memref<16384xf32, #tpu.memory_space<vmem>>, vector<16xf32>,
          tpu.vector_store %parallel_loop3A_2521[%parallel_loop3A_2522], %parallel_loop3A_2453 {strides = array<i32>} : memref<16384xf32, #tpu.memory_space<vmem>>, vector<16xf32>,
          %parallel_loop3A_2524 = arith.constant 48 : i32
          %parallel_loop3A_2525 = arith.addi %parallel_loop3A_2475, %parallel_loop3A_2524 : i32
          %parallel_loop3A_2526 = arith.index_cast %parallel_loop3A_2525 : i32 to index
          %parallel_loop3A_2527 = tpu.vector_load %arg8[%parallel_loop3A_2526] {strides = array<i32>} : memref<32768xf32, #tpu.memory_space<vmem>>, vector<16xf32>,
          %parallel_loop3A_2528 = arith.constant 64 : i32
          %parallel_loop3A_2529 = arith.addi %parallel_loop3A_2473, %parallel_loop3A_2528 : i32
          %parallel_loop3A_2530 = arith.index_cast %parallel_loop3A_2529 : i32 to index
          %parallel_loop3A_2531 = tpu.vector_load %arg7[%parallel_loop3A_2530] {strides = array<i32>} : memref<32768xf32, #tpu.memory_space<vmem>>, vector<16xf32>,
          %parallel_loop3A_2532 = arith.constant 64 : i32
          %parallel_loop3A_2533 = arith.addi %parallel_loop3A_2471, %parallel_loop3A_2532 : i32
          %parallel_loop3A_2534 = tpu.memref_slice %run_scoped3A_10[%mul3A_254] : memref<32768xf32, #tpu.memory_space<vmem>> -> memref<16384xf32, #tpu.memory_space<vmem>>
          %parallel_loop3A_2535 = arith.index_cast %parallel_loop3A_2533 : i32 to index
          %parallel_loop3A_2536 = tpu.vector_load %parallel_loop3A_2534[%parallel_loop3A_2535] {strides = array<i32>} : memref<16384xf32, #tpu.memory_space<vmem>>, vector<16xf32>,
          tpu.vector_store %parallel_loop3A_2534[%parallel_loop3A_2535], %parallel_loop3A_2457 {strides = array<i32>} : memref<16384xf32, #tpu.memory_space<vmem>>, vector<16xf32>,
          %parallel_loop3A_2537 = arith.constant 64 : i32
          %parallel_loop3A_2538 = arith.addi %parallel_loop3A_2475, %parallel_loop3A_2537 : i32
          %parallel_loop3A_2539 = arith.index_cast %parallel_loop3A_2538 : i32 to index
          %parallel_loop3A_2540 = tpu.vector_load %arg8[%parallel_loop3A_2539] {strides = array<i32>} : memref<32768xf32, #tpu.memory_space<vmem>>, vector<16xf32>,
          %parallel_loop3A_2541 = arith.constant 80 : i32
          %parallel_loop3A_2542 = arith.addi %parallel_loop3A_2473, %parallel_loop3A_2541 : i32
          %parallel_loop3A_2543 = arith.index_cast %parallel_loop3A_2542 : i32 to index
          %parallel_loop3A_2544 = tpu.vector_load %arg7[%parallel_loop3A_2543] {strides = array<i32>} : memref<32768xf32, #tpu.memory_space<vmem>>, vector<16xf32>,
          %parallel_loop3A_2545 = arith.constant 80 : i32
          %parallel_loop3A_2546 = arith.addi %parallel_loop3A_2471, %parallel_loop3A_2545 : i32
          %parallel_loop3A_2547 = tpu.memref_slice %run_scoped3A_10[%mul3A_254] : memref<32768xf32, #tpu.memory_space<vmem>> -> memref<16384xf32, #tpu.memory_space<vmem>>
          %parallel_loop3A_2548 = arith.index_cast %parallel_loop3A_2546 : i32 to index
          %parallel_loop3A_2549 = tpu.vector_load %parallel_loop3A_2547[%parallel_loop3A_2548] {strides = array<i32>} : memref<16384xf32, #tpu.memory_space<vmem>>, vector<16xf32>,
          tpu.vector_store %parallel_loop3A_2547[%parallel_loop3A_2548], %parallel_loop3A_2461 {strides = array<i32>} : memref<16384xf32, #tpu.memory_space<vmem>>, vector<16xf32>,
          %parallel_loop3A_2550 = arith.constant 80 : i32
          %parallel_loop3A_2551 = arith.addi %parallel_loop3A_2475, %parallel_loop3A_2550 : i32
          %parallel_loop3A_2552 = arith.index_cast %parallel_loop3A_2551 : i32 to index
          %parallel_loop3A_2553 = tpu.vector_load %arg8[%parallel_loop3A_2552] {strides = array<i32>} : memref<32768xf32, #tpu.memory_space<vmem>>, vector<16xf32>,
          %parallel_loop3A_2554 = arith.constant 96 : i32
          %parallel_loop3A_2555 = arith.addi %parallel_loop3A_2473, %parallel_loop3A_2554 : i32
          %parallel_loop3A_2556 = arith.index_cast %parallel_loop3A_2555 : i32 to index
          %parallel_loop3A_2557 = tpu.vector_load %arg7[%parallel_loop3A_2556] {strides = array<i32>} : memref<32768xf32, #tpu.memory_space<vmem>>, vector<16xf32>,
          %parallel_loop3A_2558 = arith.constant 96 : i32
          %parallel_loop3A_2559 = arith.addi %parallel_loop3A_2471, %parallel_loop3A_2558 : i32
          %parallel_loop3A_2560 = tpu.memref_slice %run_scoped3A_10[%mul3A_254] : memref<32768xf32, #tpu.memory_space<vmem>> -> memref<16384xf32, #tpu.memory_space<vmem>>
          %parallel_loop3A_2561 = arith.index_cast %parallel_loop3A_2559 : i32 to index
          %parallel_loop3A_2562 = tpu.vector_load %parallel_loop3A_2560[%parallel_loop3A_2561] {strides = array<i32>} : memref<16384xf32, #tpu.memory_space<vmem>>, vector<16xf32>,
          tpu.vector_store %parallel_loop3A_2560[%parallel_loop3A_2561], %parallel_loop3A_2465 {strides = array<i32>} : memref<16384xf32, #tpu.memory_space<vmem>>, vector<16xf32>,
          %parallel_loop3A_2563 = arith.constant 96 : i32
          %parallel_loop3A_2564 = arith.addi %parallel_loop3A_2475, %parallel_loop3A_2563 : i32
          %parallel_loop3A_2565 = arith.index_cast %parallel_loop3A_2564 : i32 to index
          %parallel_loop3A_2566 = tpu.vector_load %arg8[%parallel_loop3A_2565] {strides = array<i32>} : memref<32768xf32, #tpu.memory_space<vmem>>, vector<16xf32>,
          %parallel_loop3A_2567 = arith.constant 112 : i32
          %parallel_loop3A_2568 = arith.addi %parallel_loop3A_2473, %parallel_loop3A_2567 : i32
          %parallel_loop3A_2569 = arith.index_cast %parallel_loop3A_2568 : i32 to index
          %parallel_loop3A_2570 = tpu.vector_load %arg7[%parallel_loop3A_2569] {strides = array<i32>} : memref<32768xf32, #tpu.memory_space<vmem>>, vector<16xf32>,
          %parallel_loop3A_2571 = arith.constant 112 : i32
          %parallel_loop3A_2572 = arith.addi %parallel_loop3A_2471, %parallel_loop3A_2571 : i32
          %parallel_loop3A_2573 = tpu.memref_slice %run_scoped3A_10[%mul3A_254] : memref<32768xf32, #tpu.memory_space<vmem>> -> memref<16384xf32, #tpu.memory_space<vmem>>
          %parallel_loop3A_2574 = arith.index_cast %parallel_loop3A_2572 : i32 to index
          %parallel_loop3A_2575 = tpu.vector_load %parallel_loop3A_2573[%parallel_loop3A_2574] {strides = array<i32>} : memref<16384xf32, #tpu.memory_space<vmem>>, vector<16xf32>,
          tpu.vector_store %parallel_loop3A_2573[%parallel_loop3A_2574], %parallel_loop3A_2469 {strides = array<i32>} : memref<16384xf32, #tpu.memory_space<vmem>>, vector<16xf32>,
          %parallel_loop3A_2576 = arith.constant 112 : i32
          %parallel_loop3A_2577 = arith.addi %parallel_loop3A_2475, %parallel_loop3A_2576 : i32
          %parallel_loop3A_2578 = arith.index_cast %parallel_loop3A_2577 : i32 to index
          %parallel_loop3A_2579 = tpu.vector_load %arg8[%parallel_loop3A_2578] {strides = array<i32>} : memref<32768xf32, #tpu.memory_space<vmem>>, vector<16xf32>,
          %parallel_loop3A_2580 = arith.addf %parallel_loop3A_2479, %parallel_loop3A_2488 : vector<16xf32>
          %parallel_loop3A_2581 = arith.constant 0.000000e+00 : f32
          %parallel_loop3A_2582 = vector.broadcast %parallel_loop3A_2581 : f32 to vector<16xf32>
          %parallel_loop3A_2583 = arith.maximumf %parallel_loop3A_2580, %parallel_loop3A_2582 : vector<16xf32>
          %parallel_loop3A_2584 = arith.addf %parallel_loop3A_2492, %parallel_loop3A_2501 : vector<16xf32>
          %parallel_loop3A_2585 = arith.constant 0.000000e+00 : f32
          %parallel_loop3A_2586 = vector.broadcast %parallel_loop3A_2585 : f32 to vector<16xf32>
          %parallel_loop3A_2587 = arith.maximumf %parallel_loop3A_2584, %parallel_loop3A_2586 : vector<16xf32>
          %parallel_loop3A_2588 = arith.addf %parallel_loop3A_2505, %parallel_loop3A_2514 : vector<16xf32>
          %parallel_loop3A_2589 = arith.constant 0.000000e+00 : f32
          %parallel_loop3A_2590 = vector.broadcast %parallel_loop3A_2589 : f32 to vector<16xf32>
          %parallel_loop3A_2591 = arith.maximumf %parallel_loop3A_2588, %parallel_loop3A_2590 : vector<16xf32>
          %parallel_loop3A_2592 = arith.addf %parallel_loop3A_2518, %parallel_loop3A_2527 : vector<16xf32>
          %parallel_loop3A_2593 = arith.constant 0.000000e+00 : f32
          %parallel_loop3A_2594 = vector.broadcast %parallel_loop3A_2593 : f32 to vector<16xf32>
          %parallel_loop3A_2595 = arith.maximumf %parallel_loop3A_2592, %parallel_loop3A_2594 : vector<16xf32>
          %parallel_loop3A_2596 = arith.addf %parallel_loop3A_2531, %parallel_loop3A_2540 : vector<16xf32>
          %parallel_loop3A_2597 = arith.constant 0.000000e+00 : f32
          %parallel_loop3A_2598 = vector.broadcast %parallel_loop3A_2597 : f32 to vector<16xf32>
          %parallel_loop3A_2599 = arith.maximumf %parallel_loop3A_2596, %parallel_loop3A_2598 : vector<16xf32>
          %parallel_loop3A_2600 = arith.addf %parallel_loop3A_2544, %parallel_loop3A_2553 : vector<16xf32>
          %parallel_loop3A_2601 = arith.constant 0.000000e+00 : f32
          %parallel_loop3A_2602 = vector.broadcast %parallel_loop3A_2601 : f32 to vector<16xf32>
          %parallel_loop3A_2603 = arith.maximumf %parallel_loop3A_2600, %parallel_loop3A_2602 : vector<16xf32>
          %parallel_loop3A_2604 = arith.addf %parallel_loop3A_2557, %parallel_loop3A_2566 : vector<16xf32>
          %parallel_loop3A_2605 = arith.constant 0.000000e+00 : f32
          %parallel_loop3A_2606 = vector.broadcast %parallel_loop3A_2605 : f32 to vector<16xf32>
          %parallel_loop3A_2607 = arith.maximumf %parallel_loop3A_2604, %parallel_loop3A_2606 : vector<16xf32>
          %parallel_loop3A_2608 = arith.addf %parallel_loop3A_2570, %parallel_loop3A_2579 : vector<16xf32>
          %parallel_loop3A_2609 = arith.constant 0.000000e+00 : f32
          %parallel_loop3A_2610 = vector.broadcast %parallel_loop3A_2609 : f32 to vector<16xf32>
          %parallel_loop3A_2611 = arith.maximumf %parallel_loop3A_2608, %parallel_loop3A_2610 : vector<16xf32>
          %parallel_loop3A_2612 = arith.constant 1920 : i32
          %parallel_loop3A_2613 = arith.addi %parallel_loop3A_381, %parallel_loop3A_2612 : i32
          %parallel_loop3A_2614 = arith.constant 0 : i32
          %parallel_loop3A_2615 = arith.addi %parallel_loop3A_2613, %parallel_loop3A_2614 : i32
          %parallel_loop3A_2616 = tpu.memref_slice %run_scoped3A_10[%mul3A_254] : memref<32768xf32, #tpu.memory_space<vmem>> -> memref<16384xf32, #tpu.memory_space<vmem>>
          %parallel_loop3A_2617 = arith.index_cast %parallel_loop3A_2615 : i32 to index
          %parallel_loop3A_2618 = tpu.vector_load %parallel_loop3A_2616[%parallel_loop3A_2617] {strides = array<i32>} : memref<16384xf32, #tpu.memory_space<vmem>>, vector<16xf32>,
          tpu.vector_store %parallel_loop3A_2616[%parallel_loop3A_2617], %parallel_loop3A_2583 {strides = array<i32>} : memref<16384xf32, #tpu.memory_space<vmem>>, vector<16xf32>,
          %parallel_loop3A_2619 = arith.constant 16 : i32
          %parallel_loop3A_2620 = arith.addi %parallel_loop3A_2613, %parallel_loop3A_2619 : i32
          %parallel_loop3A_2621 = tpu.memref_slice %run_scoped3A_10[%mul3A_254] : memref<32768xf32, #tpu.memory_space<vmem>> -> memref<16384xf32, #tpu.memory_space<vmem>>
          %parallel_loop3A_2622 = arith.index_cast %parallel_loop3A_2620 : i32 to index
          %parallel_loop3A_2623 = tpu.vector_load %parallel_loop3A_2621[%parallel_loop3A_2622] {strides = array<i32>} : memref<16384xf32, #tpu.memory_space<vmem>>, vector<16xf32>,
          tpu.vector_store %parallel_loop3A_2621[%parallel_loop3A_2622], %parallel_loop3A_2587 {strides = array<i32>} : memref<16384xf32, #tpu.memory_space<vmem>>, vector<16xf32>,
          %parallel_loop3A_2624 = arith.constant 32 : i32
          %parallel_loop3A_2625 = arith.addi %parallel_loop3A_2613, %parallel_loop3A_2624 : i32
          %parallel_loop3A_2626 = tpu.memref_slice %run_scoped3A_10[%mul3A_254] : memref<32768xf32, #tpu.memory_space<vmem>> -> memref<16384xf32, #tpu.memory_space<vmem>>
          %parallel_loop3A_2627 = arith.index_cast %parallel_loop3A_2625 : i32 to index
          %parallel_loop3A_2628 = tpu.vector_load %parallel_loop3A_2626[%parallel_loop3A_2627] {strides = array<i32>} : memref<16384xf32, #tpu.memory_space<vmem>>, vector<16xf32>,
          tpu.vector_store %parallel_loop3A_2626[%parallel_loop3A_2627], %parallel_loop3A_2591 {strides = array<i32>} : memref<16384xf32, #tpu.memory_space<vmem>>, vector<16xf32>,
          %parallel_loop3A_2629 = arith.constant 48 : i32
          %parallel_loop3A_2630 = arith.addi %parallel_loop3A_2613, %parallel_loop3A_2629 : i32
          %parallel_loop3A_2631 = tpu.memref_slice %run_scoped3A_10[%mul3A_254] : memref<32768xf32, #tpu.memory_space<vmem>> -> memref<16384xf32, #tpu.memory_space<vmem>>
          %parallel_loop3A_2632 = arith.index_cast %parallel_loop3A_2630 : i32 to index
          %parallel_loop3A_2633 = tpu.vector_load %parallel_loop3A_2631[%parallel_loop3A_2632] {strides = array<i32>} : memref<16384xf32, #tpu.memory_space<vmem>>, vector<16xf32>,
          tpu.vector_store %parallel_loop3A_2631[%parallel_loop3A_2632], %parallel_loop3A_2595 {strides = array<i32>} : memref<16384xf32, #tpu.memory_space<vmem>>, vector<16xf32>,
          %parallel_loop3A_2634 = arith.constant 64 : i32
          %parallel_loop3A_2635 = arith.addi %parallel_loop3A_2613, %parallel_loop3A_2634 : i32
          %parallel_loop3A_2636 = tpu.memref_slice %run_scoped3A_10[%mul3A_254] : memref<32768xf32, #tpu.memory_space<vmem>> -> memref<16384xf32, #tpu.memory_space<vmem>>
          %parallel_loop3A_2637 = arith.index_cast %parallel_loop3A_2635 : i32 to index
          %parallel_loop3A_2638 = tpu.vector_load %parallel_loop3A_2636[%parallel_loop3A_2637] {strides = array<i32>} : memref<16384xf32, #tpu.memory_space<vmem>>, vector<16xf32>,
          tpu.vector_store %parallel_loop3A_2636[%parallel_loop3A_2637], %parallel_loop3A_2599 {strides = array<i32>} : memref<16384xf32, #tpu.memory_space<vmem>>, vector<16xf32>,
          %parallel_loop3A_2639 = arith.constant 80 : i32
          %parallel_loop3A_2640 = arith.addi %parallel_loop3A_2613, %parallel_loop3A_2639 : i32
          %parallel_loop3A_2641 = tpu.memref_slice %run_scoped3A_10[%mul3A_254] : memref<32768xf32, #tpu.memory_space<vmem>> -> memref<16384xf32, #tpu.memory_space<vmem>>
          %parallel_loop3A_2642 = arith.index_cast %parallel_loop3A_2640 : i32 to index
          %parallel_loop3A_2643 = tpu.vector_load %parallel_loop3A_2641[%parallel_loop3A_2642] {strides = array<i32>} : memref<16384xf32, #tpu.memory_space<vmem>>, vector<16xf32>,
          tpu.vector_store %parallel_loop3A_2641[%parallel_loop3A_2642], %parallel_loop3A_2603 {strides = array<i32>} : memref<16384xf32, #tpu.memory_space<vmem>>, vector<16xf32>,
          %parallel_loop3A_2644 = arith.constant 96 : i32
          %parallel_loop3A_2645 = arith.addi %parallel_loop3A_2613, %parallel_loop3A_2644 : i32
          %parallel_loop3A_2646 = tpu.memref_slice %run_scoped3A_10[%mul3A_254] : memref<32768xf32, #tpu.memory_space<vmem>> -> memref<16384xf32, #tpu.memory_space<vmem>>
          %parallel_loop3A_2647 = arith.index_cast %parallel_loop3A_2645 : i32 to index
          %parallel_loop3A_2648 = tpu.vector_load %parallel_loop3A_2646[%parallel_loop3A_2647] {strides = array<i32>} : memref<16384xf32, #tpu.memory_space<vmem>>, vector<16xf32>,
          tpu.vector_store %parallel_loop3A_2646[%parallel_loop3A_2647], %parallel_loop3A_2607 {strides = array<i32>} : memref<16384xf32, #tpu.memory_space<vmem>>, vector<16xf32>,
          %parallel_loop3A_2649 = arith.constant 112 : i32
          %parallel_loop3A_2650 = arith.addi %parallel_loop3A_2613, %parallel_loop3A_2649 : i32
          %parallel_loop3A_2651 = tpu.memref_slice %run_scoped3A_10[%mul3A_254] : memref<32768xf32, #tpu.memory_space<vmem>> -> memref<16384xf32, #tpu.memory_space<vmem>>
          %parallel_loop3A_2652 = arith.index_cast %parallel_loop3A_2650 : i32 to index
          %parallel_loop3A_2653 = tpu.vector_load %parallel_loop3A_2651[%parallel_loop3A_2652] {strides = array<i32>} : memref<16384xf32, #tpu.memory_space<vmem>>, vector<16xf32>,
          tpu.vector_store %parallel_loop3A_2651[%parallel_loop3A_2652], %parallel_loop3A_2611 {strides = array<i32>} : memref<16384xf32, #tpu.memory_space<vmem>>, vector<16xf32>,
        } {sc.loop_unroll_factor = 1 : i64, sc.parallel_access}
        "tpu.trace_stop"() : () -> ()
        %ne3A_257 = arith.cmpi ne, %add3A_157, %add3A_175 : i32
        %or3A_258 = arith.constant false
        %or3A_259 = arith.ori %or3A_258, %ne3A_257 : i1
        %or3A_260 = arith.constant false
        %or3A_261 = arith.ori %or3A_259, %or3A_260 : i1
        %or3A_262 = arith.ori %or3A_261, %eq3A_156 : i1
        %convert_element_type3A_263 = arith.extui %or3A_262 : i1 to i32
        %cond3A_264 = arith.constant 0 : i32
        %cond3A_265 = arith.cmpi ne, %convert_element_type3A_263, %cond3A_264 : i32
        scf.if %cond3A_265 {
        } else {
        }
        %and3A_266 = arith.constant false
        %and3A_267 = arith.andi %or3A_262, %and3A_266 : i1
        %ne3A_268 = arith.cmpi ne, %add3A_157, %add3A_175 : i32
        %or3A_269 = arith.constant false
        %or3A_270 = arith.ori %or3A_269, %ne3A_268 : i1
        %or3A_271 = arith.constant false
        %or3A_272 = arith.ori %or3A_270, %or3A_271 : i1
        %or3A_273 = arith.ori %or3A_272, %eq3A_156 : i1
        %convert_element_type3A_274 = arith.extui %or3A_273 : i1 to i32
        %cond3A_275 = arith.constant 0 : i32
        %cond3A_276 = arith.cmpi ne, %convert_element_type3A_274, %cond3A_275 : i32
        scf.if %cond3A_276 {
        } else {
        }
        %and3A_277 = arith.constant false
        %and3A_278 = arith.andi %or3A_273, %and3A_277 : i1
        %ne3A_279 = arith.cmpi ne, %add3A_157, %add3A_175 : i32
        %or3A_280 = arith.constant false
        %or3A_281 = arith.ori %or3A_280, %ne3A_279 : i1
        %or3A_282 = arith.ori %or3A_281, %eq3A_156 : i1
        %convert_element_type3A_283 = arith.extui %or3A_282 : i1 to i32
        %cond3A_284 = arith.constant 0 : i32
        %cond3A_285 = arith.cmpi ne, %convert_element_type3A_283, %cond3A_284 : i32
        scf.if %cond3A_285 {
          "tpu.trace_start"() <{level = 10 : i32, message = "ep_copy_out"}> : () -> ()
          %rem3A_357 = arith.constant 2 : i32
          %rem3A_358 = arith.remui %scan3A_150, %rem3A_357 : i32
          %mul3A_359 = arith.constant 16384 : i32
          %mul3A_360 = arith.muli %mul3A_359, %add3A_157 : i32
          %mul3A_361 = arith.constant 16384 : i32
          %mul3A_362 = arith.muli %rem3A_358, %mul3A_361 : i32
          %add3A_363 = arith.constant 0 : i32
          %add3A_364 = arith.addi %mul3A_362, %add3A_363 : i32
          %dma_start3A_365 = tpu.memref_slice %run_scoped3A_10[%add3A_364] : memref<32768xf32, #tpu.memory_space<vmem>> -> memref<16384xf32, #tpu.memory_space<vmem>>
          %dma_start3A_366 = tpu.memref_slice %arg6[%mul3A_360] : memref<26214400xf32, #tpu.memory_space<hbm>> -> memref<16384xf32, #tpu.memory_space<hbm>>
          %dma_start3A_367 = tpu.memref_slice %run_scoped3A_11[%rem3A_358] : memref<2x!tpu.dma_semaphore, #tpu.memory_space<semaphore_mem>> -> memref<1x!tpu.dma_semaphore, #tpu.memory_space<semaphore_mem>>
          %dma_start3A_368 = tpu.memref_squeeze %dma_start3A_367 : memref<1x!tpu.dma_semaphore, #tpu.memory_space<semaphore_mem>> -> memref<!tpu.dma_semaphore, #tpu.memory_space<semaphore_mem>>
          %dma_start3A_369 = tpu.memref_slice %arg6[%mul3A_360] : memref<26214400xf32, #tpu.memory_space<hbm>> -> memref<16384xf32, #tpu.memory_space<hbm>>
          %dma_start3A_370 = tpu.memref_slice %run_scoped3A_10[%add3A_364] : memref<32768xf32, #tpu.memory_space<vmem>> -> memref<16384xf32, #tpu.memory_space<vmem>>
          tpu.enqueue_dma source(%dma_start3A_370 : memref<16384xf32, #tpu.memory_space<vmem>>) target(%dma_start3A_369 : memref<16384xf32, #tpu.memory_space<hbm>>) target_semaphore(%dma_start3A_368 : memref<!tpu.dma_semaphore, #tpu.memory_space<semaphore_mem>>)
          "tpu.trace_stop"() : () -> ()
        } else {
        }
        %and3A_286 = arith.constant true
        %and3A_287 = arith.andi %or3A_282, %and3A_286 : i1
        %add3A_288 = arith.constant 1 : i32
        %add3A_289 = arith.addi %scan3A_150, %add3A_288 : i32
        %select_n3A_290 = arith.select %and3A_287, %add3A_289, %scan3A_150 : i32
        %ne3A_291 = arith.cmpi ne, %add3A_157, %add3A_166 : i32
        %or3A_292 = arith.constant false
        %or3A_293 = arith.ori %or3A_292, %ne3A_291 : i1
        %or3A_294 = arith.constant false
        %or3A_295 = arith.ori %or3A_293, %or3A_294 : i1
        %not3A_296 = arith.constant true
        %not3A_297 = arith.xori %eq3A_154, %not3A_296 : i1
        %and3A_298 = arith.andi %or3A_295, %not3A_297 : i1
        %convert_element_type3A_299 = arith.extui %and3A_298 : i1 to i32
        %cond3A_300 = arith.constant 0 : i32
        %cond3A_301 = arith.cmpi ne, %convert_element_type3A_299, %cond3A_300 : i32
        scf.if %cond3A_301 {
        } else {
        }
        %and3A_302 = arith.constant false
        %and3A_303 = arith.andi %and3A_298, %and3A_302 : i1
        %ne3A_304 = arith.cmpi ne, %add3A_157, %add3A_166 : i32
        %or3A_305 = arith.constant false
        %or3A_306 = arith.ori %or3A_305, %ne3A_304 : i1
        %or3A_307 = arith.constant false
        %or3A_308 = arith.ori %or3A_306, %or3A_307 : i1
        %not3A_309 = arith.constant true
        %not3A_310 = arith.xori %eq3A_154, %not3A_309 : i1
        %and3A_311 = arith.andi %or3A_308, %not3A_310 : i1
        %convert_element_type3A_312 = arith.extui %and3A_311 : i1 to i32
        %cond3A_313 = arith.constant 0 : i32
        %cond3A_314 = arith.cmpi ne, %convert_element_type3A_312, %cond3A_313 : i32
        scf.if %cond3A_314 {
        } else {
        }
        %and3A_315 = arith.constant false
        %and3A_316 = arith.andi %and3A_311, %and3A_315 : i1
        %ne3A_317 = arith.cmpi ne, %add3A_157, %add3A_166 : i32
        %or3A_318 = arith.constant false
        %or3A_319 = arith.ori %or3A_318, %ne3A_317 : i1
        %not3A_320 = arith.constant true
        %not3A_321 = arith.xori %eq3A_154, %not3A_320 : i1
        %and3A_322 = arith.andi %or3A_319, %not3A_321 : i1
        %convert_element_type3A_323 = arith.extui %and3A_322 : i1 to i32
        %cond3A_324 = arith.constant 0 : i32
        %cond3A_325 = arith.cmpi ne, %convert_element_type3A_323, %cond3A_324 : i32
        scf.if %cond3A_325 {
          "tpu.trace_start"() <{level = 10 : i32, message = "ep_wait_out"}> : () -> ()
          %rem3A_357 = arith.constant 2 : i32
          %rem3A_358 = arith.remui %scan3A_151, %rem3A_357 : i32
          %mul3A_359 = arith.constant 16384 : i32
          %mul3A_360 = arith.muli %mul3A_359, %add3A_166 : i32
          %mul3A_361 = arith.constant 16384 : i32
          %mul3A_362 = arith.muli %rem3A_358, %mul3A_361 : i32
          %add3A_363 = arith.constant 0 : i32
          %add3A_364 = arith.addi %mul3A_362, %add3A_363 : i32
          %dma_wait3A_365 = tpu.memref_slice %run_scoped3A_10[%add3A_364] : memref<32768xf32, #tpu.memory_space<vmem>> -> memref<16384xf32, #tpu.memory_space<vmem>>
          %dma_wait3A_366 = tpu.memref_slice %arg6[%mul3A_360] : memref<26214400xf32, #tpu.memory_space<hbm>> -> memref<16384xf32, #tpu.memory_space<hbm>>
          %dma_wait3A_367 = tpu.memref_slice %run_scoped3A_11[%rem3A_358] : memref<2x!tpu.dma_semaphore, #tpu.memory_space<semaphore_mem>> -> memref<1x!tpu.dma_semaphore, #tpu.memory_space<semaphore_mem>>
          %dma_wait3A_368 = tpu.memref_squeeze %dma_wait3A_367 : memref<1x!tpu.dma_semaphore, #tpu.memory_space<semaphore_mem>> -> memref<!tpu.dma_semaphore, #tpu.memory_space<semaphore_mem>>
          %dma_wait3A_369 = tpu.memref_slice %arg6[%mul3A_360] : memref<26214400xf32, #tpu.memory_space<hbm>> -> memref<16384xf32, #tpu.memory_space<hbm>>
          %dma_wait3A_370 = tpu.memref_slice %run_scoped3A_10[%add3A_364] : memref<32768xf32, #tpu.memory_space<vmem>> -> memref<16384xf32, #tpu.memory_space<vmem>>
          tpu.wait_dma2 semaphore(%dma_wait3A_368 : memref<!tpu.dma_semaphore, #tpu.memory_space<semaphore_mem>>) src(%dma_wait3A_370 : memref<16384xf32, #tpu.memory_space<vmem>>) dst(%dma_wait3A_369 : memref<16384xf32, #tpu.memory_space<hbm>>)
          "tpu.trace_stop"() : () -> ()
        } else {
        }
        %and3A_326 = arith.constant true
        %and3A_327 = arith.andi %and3A_322, %and3A_326 : i1
        %add3A_328 = arith.constant 1 : i32
        %add3A_329 = arith.addi %scan3A_151, %add3A_328 : i32
        %select_n3A_330 = arith.select %and3A_327, %add3A_329, %scan3A_151 : i32
        %ne3A_331 = arith.cmpi ne, %add3A_157, %add3A_175 : i32
        %or3A_332 = arith.constant false
        %or3A_333 = arith.ori %or3A_332, %ne3A_331 : i1
        %or3A_334 = arith.constant false
        %or3A_335 = arith.ori %or3A_333, %or3A_334 : i1
        %or3A_336 = arith.ori %or3A_335, %eq3A_156 : i1
        %add3A_337 = arith.constant 1 : i32
        %add3A_338 = arith.addi %scan3A_147, %add3A_337 : i32
        %select_n3A_339 = arith.select %or3A_336, %add3A_338, %scan3A_147 : i32
        %ne3A_340 = arith.cmpi ne, %add3A_157, %add3A_175 : i32
        %or3A_341 = arith.constant false
        %or3A_342 = arith.ori %or3A_341, %ne3A_340 : i1
        %or3A_343 = arith.constant false
        %or3A_344 = arith.ori %or3A_342, %or3A_343 : i1
        %or3A_345 = arith.ori %or3A_344, %eq3A_156 : i1
        %add3A_346 = arith.constant 1 : i32
        %add3A_347 = arith.addi %scan3A_149, %add3A_346 : i32
        %select_n3A_348 = arith.select %or3A_345, %add3A_347, %scan3A_149 : i32
        %add3A_349 = arith.constant 1 : i32
        %add3A_350 = arith.addi %scan3A_152, %add3A_349 : i32
        %select_n3A_351 = arith.constant true
        %select_n3A_352 = arith.select %select_n3A_351, %add3A_350, %scan3A_152 : i32
        %eq3A_353 = arith.constant 50 : i32
        %eq3A_354 = arith.cmpi eq, %select_n3A_352, %eq3A_353 : i32
        %select_n3A_355 = arith.constant 0 : i32
        %select_n3A_356 = arith.select %eq3A_354, %select_n3A_355, %select_n3A_352 : i32
        scf.yield %select_n3A_195, %select_n3A_339, %select_n3A_213, %select_n3A_348, %select_n3A_290, %select_n3A_330, %select_n3A_356 : i32, i32, i32, i32, i32, i32, i32
      }
      %scan3A_96 = arith.constant 50 : i32
      %sub3A = arith.constant 1 : i32
      %sub3A_97 = arith.subi %scan3A_95#6, %sub3A : i32
      %select_n3A_98 = arith.constant true
      %select_n3A_99 = arith.select %select_n3A_98, %sub3A_97, %scan3A_95#6 : i32
      %eq3A_100 = arith.constant -1 : i32
      %eq3A_101 = arith.cmpi eq, %select_n3A_99, %eq3A_100 : i32
      %select_n3A_102 = arith.constant 49 : i32
      %select_n3A_103 = arith.select %eq3A_101, %select_n3A_102, %select_n3A_99 : i32
      %add3A_104 = arith.addi %select_n3A_103, %mul3A_6 : i32
      %sub3A_105 = arith.constant 1 : i32
      %sub3A_106 = arith.subi %select_n3A_103, %sub3A_105 : i32
      %select_n3A_107 = arith.constant true
      %select_n3A_108 = arith.select %select_n3A_107, %sub3A_106, %select_n3A_103 : i32
      %eq3A_109 = arith.constant -1 : i32
      %eq3A_110 = arith.cmpi eq, %select_n3A_108, %eq3A_109 : i32
      %select_n3A_111 = arith.constant 49 : i32
      %select_n3A_112 = arith.select %eq3A_110, %select_n3A_111, %select_n3A_108 : i32
      %add3A_113 = arith.addi %select_n3A_112, %mul3A_6 : i32
      %add3A_114 = arith.constant 1 : i32
      %add3A_115 = arith.addi %select_n3A_103, %add3A_114 : i32
      %select_n3A_116 = arith.constant true
      %select_n3A_117 = arith.select %select_n3A_116, %add3A_115, %select_n3A_103 : i32
      %eq3A_118 = arith.constant 50 : i32
      %eq3A_119 = arith.cmpi eq, %select_n3A_117, %eq3A_118 : i32
      %select_n3A_120 = arith.constant 0 : i32
      %select_n3A_121 = arith.select %eq3A_119, %select_n3A_120, %select_n3A_117 : i32
      %add3A_122 = arith.addi %select_n3A_121, %mul3A_6 : i32
      %add3A_123 = arith.constant 1 : i32
      %add3A_124 = arith.addi %select_n3A_121, %add3A_123 : i32
      %select_n3A_125 = arith.constant true
      %select_n3A_126 = arith.select %select_n3A_125, %add3A_124, %select_n3A_121 : i32
      %eq3A_127 = arith.constant 50 : i32
      %eq3A_128 = arith.cmpi eq, %select_n3A_126, %eq3A_127 : i32
      %select_n3A_129 = arith.constant 0 : i32
      %select_n3A_130 = arith.select %eq3A_128, %select_n3A_129, %select_n3A_126 : i32
      %add3A_131 = arith.addi %select_n3A_130, %mul3A_6 : i32
      "tpu.trace_start"() <{level = 10 : i32, message = "ep_finalize"}> : () -> ()
      %rem3A_132 = arith.constant 2 : i32
      %rem3A_133 = arith.remui %scan3A_95#5, %rem3A_132 : i32
      %mul3A_134 = arith.constant 16384 : i32
      %mul3A_135 = arith.muli %mul3A_134, %add3A_104 : i32
      %mul3A_136 = arith.constant 16384 : i32
      %mul3A_137 = arith.muli %rem3A_133, %mul3A_136 : i32
      %add3A_138 = arith.constant 0 : i32
      %add3A_139 = arith.addi %mul3A_137, %add3A_138 : i32
      %dma_wait3A = tpu.memref_slice %run_scoped3A_10[%add3A_139] : memref<32768xf32, #tpu.memory_space<vmem>> -> memref<16384xf32, #tpu.memory_space<vmem>>
      %dma_wait3A_140 = tpu.memref_slice %arg6[%mul3A_135] : memref<26214400xf32, #tpu.memory_space<hbm>> -> memref<16384xf32, #tpu.memory_space<hbm>>
      %dma_wait3A_141 = tpu.memref_slice %run_scoped3A_11[%rem3A_133] : memref<2x!tpu.dma_semaphore, #tpu.memory_space<semaphore_mem>> -> memref<1x!tpu.dma_semaphore, #tpu.memory_space<semaphore_mem>>
      %dma_wait3A_142 = tpu.memref_squeeze %dma_wait3A_141 : memref<1x!tpu.dma_semaphore, #tpu.memory_space<semaphore_mem>> -> memref<!tpu.dma_semaphore, #tpu.memory_space<semaphore_mem>>
      %dma_wait3A_143 = tpu.memref_slice %arg6[%mul3A_135] : memref<26214400xf32, #tpu.memory_space<hbm>> -> memref<16384xf32, #tpu.memory_space<hbm>>
      %dma_wait3A_144 = tpu.memref_slice %run_scoped3A_10[%add3A_139] : memref<32768xf32, #tpu.memory_space<vmem>> -> memref<16384xf32, #tpu.memory_space<vmem>>
      tpu.wait_dma2 semaphore(%dma_wait3A_142 : memref<!tpu.dma_semaphore, #tpu.memory_space<semaphore_mem>>) src(%dma_wait3A_144 : memref<16384xf32, #tpu.memory_space<vmem>>) dst(%dma_wait3A_143 : memref<16384xf32, #tpu.memory_space<hbm>>)
      "tpu.trace_stop"() : () -> ()
      tpu.yield
    }) : () -> ()
    return
  }
}

module attributes {stable_mosaic.version = 14 : i64} {
  func.func @body(%arg0: memref<1600x128xf32, #tpu.memory_space<vmem>>, %arg1: memref<1600x128xf32, #tpu.memory_space<vmem>>, %arg2: memref<256x128xf32, #tpu.memory_space<vmem>>, %arg3: memref<256x128xf32, #tpu.memory_space<vmem>>, %arg4: memref<1x128xf32, #tpu.memory_space<vmem>>, %arg5: memref<128x128xf32, #tpu.memory_space<vmem>>, %arg6: memref<1x128xf32, #tpu.memory_space<vmem>>, %arg7: memref<256x128xf32, #tpu.memory_space<vmem>>, %arg8: memref<256x128xf32, #tpu.memory_space<vmem>>, %arg9: memref<1600x128xi32, #tpu.memory_space<vmem>>, %arg10: memref<1600x128xi32, #tpu.memory_space<vmem>>) attributes {dimension_semantics = [], scalar_prefetch = 0 : i64, scratch_operands = 0 : i64, tpu.core_type = #tpu.core_type<tc>} {
    %get3A = arith.constant 0 : index
    %get3A_0 = arith.constant 0 : index
    %get3A_1 = vector.load %arg5[%get3A, %get3A_0] : memref<128x128xf32, #tpu.memory_space<vmem>>, vector<128x128xf32>
    %get3A_2 = arith.constant 0 : index
    %get3A_3 = arith.constant 0 : index
    %get3A_4 = vector.load %arg2[%get3A_2, %get3A_3] : memref<256x128xf32, #tpu.memory_space<vmem>>, vector<256x128xf32>
    %dot_general3A = arith.constant dense<0.000000e+00> : vector<256x128xf32>
    %dot_general3A_5 = tpu.matmul %get3A_4, %get3A_1, %dot_general3A {dimension_numbers = #tpu.dot_dimension_numbers<[1], [1], [0], [0], [0, 0, 1, 0], [], []>, transpose_lhs_hint = false} : vector<256x128xf32>, vector<128x128xf32>, vector<256x128xf32> -> vector<256x128xf32>
    %get3A_6 = arith.constant 0 : index
    %get3A_7 = arith.constant 0 : index
    %get3A_8 = vector.load %arg6[%get3A_6, %get3A_7] : memref<1x128xf32, #tpu.memory_space<vmem>>, vector<1x128xf32>
    %add3A = vector.broadcast %get3A_8 : vector<1x128xf32> to vector<256x128xf32>
    %add3A_9 = arith.addf %dot_general3A_5, %add3A : vector<256x128xf32>
    %swap3A = arith.constant 0 : index
    %swap3A_10 = arith.constant 0 : index
    %swap3A_11 = vector.load %arg7[%swap3A, %swap3A_10] : memref<256x128xf32, #tpu.memory_space<vmem>>, vector<256x128xf32>
    tpu.vector_store %arg7[%swap3A, %swap3A_10], %add3A_9 {strides = array<i32>} : memref<256x128xf32, #tpu.memory_space<vmem>>, vector<256x128xf32>,
    %get3A_12 = arith.constant 0 : index
    %get3A_13 = arith.constant 0 : index
    %get3A_14 = vector.load %arg3[%get3A_12, %get3A_13] : memref<256x128xf32, #tpu.memory_space<vmem>>, vector<256x128xf32>
    %get3A_15 = arith.constant 0 : index
    %get3A_16 = arith.constant 0 : index
    %get3A_17 = vector.load %arg4[%get3A_15, %get3A_16] : memref<1x128xf32, #tpu.memory_space<vmem>>, vector<1x128xf32>
    %sub3A = vector.broadcast %get3A_17 : vector<1x128xf32> to vector<256x128xf32>
    %sub3A_18 = arith.subf %get3A_14, %sub3A : vector<256x128xf32>
    %dot_general3A_19 = arith.constant dense<0.000000e+00> : vector<256x128xf32>
    %dot_general3A_20 = tpu.matmul %sub3A_18, %get3A_1, %dot_general3A_19 {dimension_numbers = #tpu.dot_dimension_numbers<[1], [1], [0], [0], [0, 0, 1, 0], [], []>, transpose_lhs_hint = false} : vector<256x128xf32>, vector<128x128xf32>, vector<256x128xf32> -> vector<256x128xf32>
    %swap3A_21 = arith.constant 0 : index
    %swap3A_22 = arith.constant 0 : index
    %swap3A_23 = vector.load %arg8[%swap3A_21, %swap3A_22] : memref<256x128xf32, #tpu.memory_space<vmem>>, vector<256x128xf32>
    tpu.vector_store %arg8[%swap3A_21, %swap3A_22], %dot_general3A_20 {strides = array<i32>} : memref<256x128xf32, #tpu.memory_space<vmem>>, vector<256x128xf32>,
    %get3A_24 = arith.constant 0 : index
    %get3A_25 = arith.constant 0 : index
    %get3A_26 = vector.load %arg0[%get3A_24, %get3A_25] : memref<1600x128xf32, #tpu.memory_space<vmem>>, vector<1600x128xf32>
    %mul3A = arith.constant 2.550000e+02 : f32
    %mul3A_27 = vector.broadcast %mul3A : f32 to vector<1600x128xf32>
    %mul3A_28 = arith.mulf %get3A_26, %mul3A_27 : vector<1600x128xf32>
    %convert_element_type3A = arith.fptosi %mul3A_28 : vector<1600x128xf32> to vector<1600x128xi32>
    %mul3A_29 = arith.constant 128 : i32
    %mul3A_30 = vector.broadcast %mul3A_29 : i32 to vector<1600x128xi32>
    %mul3A_31 = arith.muli %convert_element_type3A, %mul3A_30 : vector<1600x128xi32>
    %swap3A_32 = arith.constant 0 : index
    %swap3A_33 = arith.constant 0 : index
    %swap3A_34 = vector.load %arg9[%swap3A_32, %swap3A_33] : memref<1600x128xi32, #tpu.memory_space<vmem>>, vector<1600x128xi32>
    tpu.vector_store %arg9[%swap3A_32, %swap3A_33], %mul3A_31 {strides = array<i32>} : memref<1600x128xi32, #tpu.memory_space<vmem>>, vector<1600x128xi32>,
    %get3A_35 = arith.constant 0 : index
    %get3A_36 = arith.constant 0 : index
    %get3A_37 = vector.load %arg1[%get3A_35, %get3A_36] : memref<1600x128xf32, #tpu.memory_space<vmem>>, vector<1600x128xf32>
    %mul3A_38 = arith.constant 2.550000e+02 : f32
    %mul3A_39 = vector.broadcast %mul3A_38 : f32 to vector<1600x128xf32>
    %mul3A_40 = arith.mulf %get3A_37, %mul3A_39 : vector<1600x128xf32>
    %convert_element_type3A_41 = arith.fptosi %mul3A_40 : vector<1600x128xf32> to vector<1600x128xi32>
    %mul3A_42 = arith.constant 128 : i32
    %mul3A_43 = vector.broadcast %mul3A_42 : i32 to vector<1600x128xi32>
    %mul3A_44 = arith.muli %convert_element_type3A_41, %mul3A_43 : vector<1600x128xi32>
    %swap3A_45 = arith.constant 0 : index
    %swap3A_46 = arith.constant 0 : index
    %swap3A_47 = vector.load %arg10[%swap3A_45, %swap3A_46] : memref<1600x128xi32, #tpu.memory_space<vmem>>, vector<1600x128xi32>
    tpu.vector_store %arg10[%swap3A_45, %swap3A_46], %mul3A_44 {strides = array<i32>} : memref<1600x128xi32, #tpu.memory_space<vmem>>, vector<1600x128xi32>,
    return
  }
}

</mosaic_0001>

<sc_bundles>
// kernel: kernel.4.cloned.1.call-start
scs
__scs_entry_jumppad:
0x0: {  	(pc) =	sbr.rel $0x88, $3  }
0x1: {  	(tag) =	ssettag $0x0;
	lr =	simm.s32 $0x1  }
0x2: {  	[smem:$0x3F9C] =	sst lr;
	_ =	strace $0xD0000000  }
0x3: {  	_ = 	snop  }
0x4: {  	_ = 	snop  }
0x5: {  	_ = 	snop  }
0x6: {  	_ = 	snop  }
0x7: {  	_ = 	snop  }
__scs_overlays_trampoline_lowered:
0x8: {  	[smem:$0x3FAB] =	sst s0  }
0x9: {  	[smem:$0x3FAC] =	sst s1  }
0xa: {  	[smem:$0x3FAD] =	sst s2  }
0xb: {  	[smem:$0x3FAE] =	sst s3  }
0xc: {  	[smem:$0x3FAF] =	sst s4  }
0xd: {  	[smem:$0x3FB0] =	sst s5  }
0xe: {  	[smem:$0x3FB1] =	sst s6  }
0xf: {  	[smem:$0x3FB2] =	sst s7  }
0x10: {  	[smem:$0x3FB3] =	sst s8  }
0x11: {  	[smem:$0x3FB4] =	sst s9;
	s0 =	simm.s32 @!p0 $0x0  }
0x12: {  	s1 =	sld [smem:$0x3F9A];
	s0 =	simm.s32 @p0 $0x1  }
0x13: {  	[smem:$0x3FB5] =	sst s0;
	s0 =	simm.s32 @!p1 $0x0  }
0x14: {  	s2 =	sld [smem:$0x3F99];
	s0 =	simm.s32 @p1 $0x1  }
0x15: {  	[smem:$0x3FB6] =	sst s0;
	s0 =	simm.s32 @!p2 $0x0  }
0x16: {  	s3 =	sld [smem:$0x3FDB];
	s0 =	simm.s32 @p2 $0x1  }
0x17: {  	s4 =	simm.s32 $0x1BF5;
	[smem:$0x3FB8] =	sst s0  }
0x18: {  	s0 =	sld [smem:$0x3F9B];
	_ =	swait.ge [sflag:s4], $0x0  }
0x19: {  	s7 =	sld [smem:$0x3F9C]  }
0x1a: {  	s8 =	sadd.s32 $0xFFFFE003, lr  }
0x1b: {  	s9 =	sadd.s32 $0xFFFFFEF7, lr;
	s5 =	simm.s32 $0xFFFFFFFF;
	p2 =	slt.u32 s8, $0xFFFFF086  }
0x1c: {  	p1 =	slt.u32 s9, $0xF7A;
	s5 =	simm.s32 @!p2 $0x0  }
0x1d: {  	s5 =	simm.s32 @p1 $0x1;
	p0 =	seq.s32 s7, s2  }
0x1e: {  	s7 =	smul.u32 @!p0 $0xF7A, s2;
	p2 =	seq.s32 @!p0 s5, $0x0  }
0x1f: {  	s9 =	smul.u32 $0xF7A, s1;
	s8 =	simm.s32 @!p0 $0x1BF5;
	p2 =	por !p2, p0  }
0x20: {  	[sflag:s8] =	ssyncset.s32 @!p0 $0xFFFFF086;
	s6 =	sadd.s32 @!p0 s3, s7;
	s7 =	simm.s32 @!p0 $0x108  }
0x21: {  	s3 =	sadd.s32 s3, s9;
	s6 =	sadd.s32 @!p0 $0x88, s6;
	s7 =	simm.s32 @p2 $0x1082  }
0x22: {  	[simem:s7], [sflag:s8] =	dma.local @!p0 [hbm:s6], $0xF7A  }
0x23: {  	s9 =	sor.u32 $0xD0000000, s2;
	s6 =	simm.s32 $0x108;
	_ =	swait.ge @!p0 [sflag:s8], $0x0  }
0x24: {  	s3 =	sadd.s32 $0x88, s3;
	s6 =	simm.s32 @!p1 $0x1082;
	[sflag:s4] =	ssyncset.s32 $0xFFFFF086  }
0x25: {  	[simem:s6], [sflag:s4] =	dma.local [hbm:s3], $0xF7A  }
0x26: {  	[smem:$0x3F9C] =	sst s1;
	(tag) =	ssettag s2;
	_ =	strace s9  }
0x27: {  	s1 =	sld [smem:$0x3FAC]  }
0x28: {  	s2 =	sld [smem:$0x3FAD]  }
0x29: {  	s4 =	sld [smem:$0x3FAF]  }
0x2a: {  	p0 =	seq.s32 s5, $0x0;
	s5 =	sld [smem:$0x3FB0]  }
0x2b: {  	s6 =	sld [smem:$0x3FB1]  }
0x2c: {  	s7 =	sld [smem:$0x3FB2]  }
0x2d: {  	s3 =	simm.s32 $0x108;
	s8 =	sld [smem:$0x3FB3]  }
0x2e: {  	s3 =	simm.s32 @!p0 $0x1082;
	s9 =	sld [smem:$0x3FB4]  }
0x2f: {  	lr =	sadd.s32 s0, s3;
	s0 =	sld [smem:$0x3FAB]  }
0x30: {  	s3 =	sld [smem:$0x3FAE]  }
0x31: {  	[smem:$0x3FB7] =	sst s10  }
0x32: {  	s10 =	sld [smem:$0x3FB5];
	_ =	sdelay $0x3  }
0x33: {  	p0 =	seq.s32 s10, $0x1;
	s10 =	sld [smem:$0x3FB7];
	_ =	sdelay $0x3  }
0x34: {  	[smem:$0x3FB7] =	sst s10  }
0x35: {  	s10 =	sld [smem:$0x3FB6];
	_ =	sdelay $0x3  }
0x36: {  	p1 =	seq.s32 s10, $0x1;
	s10 =	sld [smem:$0x3FB7];
	_ =	sdelay $0x3  }
0x37: {  	[smem:$0x3FB7] =	sst s10  }
0x38: {  	s10 =	sld [smem:$0x3FB8]  }
0x39: {  	_ = 	snop;
	(pc) =	sbr.ind lr, $3  }
0x3a: {  	_ = 	snop  }
0x3b: {  	_ = 	snop  }
0x3c: {  	p2 =	seq.s32 s10, $0x1;
	s10 =	sld [smem:$0x3FB7]  }
0x3d: {  	_ =	shalt  }
0x3e: {  	_ =	shalt  }
0x3f: {  	_ =	shalt  }
0x40: {  	_ =	shalt  }
0x41: {  	_ =	shalt  }
0x42: {  	_ =	shalt  }
0x43: {  	_ =	shalt  }
0x44: {  	_ =	shalt  }
0x45: {  	_ =	shalt  }
0x46: {  	_ =	shalt  }
0x47: {  	_ =	shalt  }
0x48: {  	_ =	shalt  }
0x49: {  	_ =	shalt  }
0x4a: {  	_ =	shalt  }
0x4b: {  	_ =	shalt  }
0x4c: {  	_ =	shalt  }
0x4d: {  	_ =	shalt  }
0x4e: {  	_ =	shalt  }
0x4f: {  	_ =	shalt  }
0x50: {  	_ =	shalt  }
0x51: {  	_ =	shalt  }
0x52: {  	_ =	shalt  }
0x53: {  	_ =	shalt  }
0x54: {  	_ =	shalt  }
0x55: {  	_ =	shalt  }
0x56: {  	_ =	shalt  }
0x57: {  	_ =	shalt  }
0x58: {  	_ =	shalt  }
0x59: {  	_ =	shalt  }
0x5a: {  	_ =	shalt  }
0x5b: {  	_ =	shalt  }
0x5c: {  	_ =	shalt  }
0x5d: {  	_ =	shalt  }
0x5e: {  	_ =	shalt  }
0x5f: {  	_ =	shalt  }
0x60: {  	_ =	shalt  }
0x61: {  	_ =	shalt  }
0x62: {  	_ =	shalt  }
0x63: {  	_ =	shalt  }
0x64: {  	_ =	shalt  }
0x65: {  	_ =	shalt  }
0x66: {  	_ =	shalt  }
0x67: {  	_ =	shalt  }
0x68: {  	_ =	shalt  }
0x69: {  	_ =	shalt  }
0x6a: {  	_ =	shalt  }
0x6b: {  	_ =	shalt  }
0x6c: {  	_ =	shalt  }
0x6d: {  	_ =	shalt  }
0x6e: {  	_ =	shalt  }
0x6f: {  	_ =	shalt  }
0x70: {  	_ =	shalt  }
0x71: {  	_ =	shalt  }
0x72: {  	_ =	shalt  }
0x73: {  	_ =	shalt  }
0x74: {  	_ =	shalt  }
0x75: {  	_ =	shalt  }
0x76: {  	_ =	shalt  }
0x77: {  	_ =	shalt  }
0x78: {  	_ =	shalt  }
0x79: {  	_ =	shalt  }
0x7a: {  	_ =	shalt  }
0x7b: {  	_ =	shalt  }
0x7c: {  	_ =	shalt  }
0x7d: {  	_ =	shalt  }
0x7e: {  	_ =	shalt  }
0x7f: {  	_ =	shalt  }
0x80: {  	_ =	shalt  }
0x81: {  	_ =	shalt  }
0x82: {  	_ =	shalt  }
0x83: {  	_ =	shalt  }
0x84: {  	_ =	shalt  }
0x85: {  	_ =	shalt  }
0x86: {  	_ =	shalt  }
0x87: {  	_ =	shalt  }
.Lfunc_end0:
.L_simem_size_0:
called_computation_lowered:
.L_overlay_start_0:
0x88: {  	s2 =	sld [smem:$0x3FD9]  }
0x89: {  	s3 =	sld [smem:$0x3FFE];
	_ =	sdelay $0x1  }
0x8a: {  	s1 =	srdreg.scid  }
0x8b: {  	s0 =	sand.u32 $0x1, s1  }
0x8c: {  	s17 =	sshll.u32 s0, $0xA;
	s2 =	sadd.s32 s3, s2  }
0x8d: {  	s2 =	sadd.s32 s2, s17  }
0x8e: {  	[smem:$0x3FC3] =	sst s2  }
0x8f: {  	_ = 	snop  }
0x90: {  	s2 =	sld [smem:$0x3FD0];
	(tm) =	ssettm $0x1  }
0x91: {  	s18 =	sld [smem:$0x3FFB];
	_ =	sdelay $0x3  }
0x92: {  	_ =	strace s18  }
0x93: {  	s3 =	sld [smem:$0x3FFC];
	_ =	sdelay $0x3  }
0x94: {  	_ =	strace s3  }
0x95: {  	s3 =	sld [smem:$0x3FFD];
	_ =	sdelay $0x3  }
0x96: {  	_ =	strace s3  }
0x97: {  	_ =	strace $0x8FFFFFFF  }
0x98: {  	s19 =	sld [smem:$0x3FDB];
	_ =	sdelay $0x1  }
0x99: {  	s4 =	simm.s32 $_scs_section_size  }
0x9a: {  	s5 =	simm.s32 $_size__tile_overlayer_lowered;
	s6 =	simm.s32 $_tile_overlayer_lowered  }
0x9b: {  	s22 =	simm.s32 $0x1BFF;
	s21 =	sshll.u32 s6, $0x1;
	s3 =	sadd.s32 s4, s19  }
0x9c: {  	s7 =	simm.s32 $0x0;
	s20 =	sshll.u32 s5, $0x1;
	s5 =	sadd.s32 s21, s3  }
0x9d: {  	[timem:s7], [sflag:s22] =	dma.local [hbm:s5], s20  }
0x9e: {  	_ =	swait.ge [sflag:s22], s20  }
0x9f: {  	s4 =	ssub.s32 $0x0, s20;
	[sflag:s22] =	ssyncset.done $0x0  }
0xa0: {  	[sflag:s22] =	ssyncadd.s32 s4;
	_ =	sdelay $0x1  }
0xa1: {  	s23 =	simm.s32 $0x1B8B  }
0xa2: {  	_ =	swait.ge [sflag:s23], $0x1  }
0xa3: {  	[sflag:s23] =	ssyncset.done $0x0  }
0xa4: {  	s25 =	simm.s32 $0x1B8E;
	s24 =	sld [smem:$0x3FFE];
	[sflag:s23] =	ssyncadd.s32 $0xFFFFFFFF  }
0xa5: {  	s26 =	simm.s32 $execute0_lowered;
	[smem:$0x3FD2] =	sst s25  }
0xa6: {  	s5 =	sshll.u32 s26, $0x1;
	_ =	strace $0x80000046;
	[dreg:$0x1] =	wrdreg $0xFFFFFFFF  }
0xa7: {  	s28 =	simm.s32 $_size_execute0_lowered;
	s3 =	sadd.s32 s3, s5;
	[dreg:$0x0] =	wrdreg $0x0  }
0xa8: {  	s5 =	sshll.u32 s28, $0x1;
	[dreg:$0x2] =	wrdreg s3  }
0xa9: {  	[dreg:$0x3] =	wrdreg s5  }
0xaa: {  	[dreg:$0x4] =	wrdreg $0xC0  }
0xab: {  	_ =	task [dreg:s7], $0x5FFFF  }
0xac: {  	[dreg:$0x1] =	wrdreg $0xFFFFFFFF  }
0xad: {  	[dreg:$0x0] =	wrdreg $0x60  }
0xae: {  	[dreg:$0x2] =	wrdreg s24  }
0xaf: {  	[dreg:$0x3] =	wrdreg s2  }
0xb0: {  	[dreg:$0x4] =	wrdreg $0x9  }
0xb1: {  	_ =	task.clear_ibuf [dreg:s7], $0x5FFFF;
	_ =	strace $0x90000046  }
0xb2: {  	s29 =	simm.s32 $0x9;
	_ =	strace $0x80000051  }
0xb3: {  	_ =	swait.ge [sflag:s29], $0x1  }
0xb4: {  	[sflag:s29] =	ssyncadd.s32 $0xFFFFFFFF  }
0xb5: {  	_ =	strace $0x90000051  }
0xb6: {  	_ =	sfence  }
0xb7: {  	s30 =	sld [smem:$0x0];
	_ =	sdelay $0x2  }
0xb8: {  	s31 =	sshll.u32 s1, $0xD;
	s1 =	sshrl.u32 s1, $0x2  }
0xb9: {  	s3 =	sand.u32 $0x4000, s31;
	s1 =	sadd.s32 s1, s30  }
0xba: {  	s0 =	sor.u32 s3, s0;
	s1 =	sshll.u32 s1, $0x11  }
0xbb: {  	s0 =	sor.u32 s1, s0  }
0xbc: {  	s0 =	sadd.s32 $0x8F2B, s0  }
0xbd: {  	[sflag:s0] =	ssyncadd.remote.s32 $0x1  }
0xbe: {  	_ =	sfence.sel $0xFFFF  }
0xbf: {  	[dreg:$0x0] =	wrdreg $0xFFFFFFFF;
	(pc) =	sbr.abs _section_cstart, $3  }
0xc0: {  	[dreg:$0x1] =	wrdreg $0xFFFFFFFF  }
0xc1: {  	_ =	task.clear_ibuf [dreg:s7], $0x2FFFF;
	_ =	strace $0x9FFFFFFF  }
0xc2: {  	(tm) =	ssettm $0x7FFFFFFF  }
0xc3: {  	_ =	shalt  }
tec
execute0_lowered:
.L_overlay_start_1:
0x0: {  	(tag) =	ssettag $0x1  }
0x1: {  	s0 =	rddreg [dreg:$0x0]  }
0x2: {  	s1 =	rddreg [dreg:$0x1];
	s2 =	srdreg.scid  }
0x3: {  	s3 =	simm.s32 $0x0;
	s9 =	stileid.u32;
	s2 =	sand.u32 $0x1, s2  }
0x4: {  	s15 =	simm.s32 $0x1;
	s16 =	simm.s32 $0x6;
	s4 =	sshll.u32 s2, $0x4  }
0x5: {  	s17 =	simm.s32 $0x0;
	[smem:$0x7FF] =	sst s3;
	s8 =	sor.u32 s9, s4  }
0x6: {  	s5 =	sadd.s32 $0xEA00, s0;
	s6 =	sadd.s32 $0x1200, s0;
	s7 =	smul.u32 $0x1900, s8  }
0x7: {  	_ =	strace $0x80000047;
	s2 =	ssub.s32 $0x2, s2;
	s9 =	sshll.u32 s9, $0x8  }
0x8: {  	s4 =	sadd.s32 $0xDA00, s0;
	s9 =	sand.u32 $0x300, s9;
	s10 =	sand.u32 $0x3FC00, s7  }
0x9: {  	s30 =	sshrl.u32 s2, $0x1;
	s8 =	smul.u32 $0x32, s8;
	s9 =	sor.u32 s9, s10  }
0xa: {  	s7 =	sadd.s32 $0x7600, s0;
	s0 =	ssub.s32 s2, s30;
	s31 =	sshrl.u32 s9, $0x3  }
0xb: {  	s11 =	smax.u32 s0, $0x1;
	s9 =	sadd.s32 s6, s31;
	s10 =	sadd.s32 s7, s31  }
.LBB2_1:
0xc: {  	[tilespmem:s3], [sflag:$0x1] =	stream.linear.gather [hbm4b:s4+s3], $0x8000, $0x38;
	[tilespmem:$0x18200] =	vst v63  }
0xd: {  	_ =	swait.ge [sflag:s15], $0x8000  }
0xe: {  	[sflag:s15] =	ssyncset.done $0x0  }
0xf: {  	s0 =	simm.s32 $0x8000;
	[sflag:s15] =	ssyncadd.s32 $0xFFFF8000  }
0x10: {  	[tilespmem:s0], [sflag:$0x1] =	stream.linear.gather [hbm4b:s5+s3], $0x8000, $0x38;
	[tilespmem:$0x18200] =	vst v63  }
0x11: {  	_ =	swait.ge [sflag:s15], $0x8000  }
0x12: {  	s30 =	simm.s32 $0x10000;
	[sflag:s15] =	ssyncset.done $0x0  }
0x13: {  	s31 =	simm.s32 $0x10100;
	s26 =	simm.s32 $0x0;
	[sflag:s15] =	ssyncadd.s32 $0xFFFF8000  }
0x14: {  	s18 =	simm.s32 $0x0;
	s19 =	simm.s32 $0x0;
	_ =	strace $0x80000048  }
0x15: {  	[tilespmem:s30], [sflag:$0x1] =	stream.linear.gather [hbm4b:s9+s3], $0x80, $0x200038;
	[tilespmem:$0x18200] =	vst v63  }
0x16: {  	s20 =	simm.s32 $0x0;
	s21 =	simm.s32 $0x1;
	s22 =	simm.s32 $0x0  }
0x17: {  	[tilespmem:s31], [sflag:$0x3] =	stream.linear.gather [hbm4b:s10+s3], $0x80, $0x200038;
	[tilespmem:$0x18200] =	vst v63  }
0x18: {  	s23 =	simm.s32 $0x1;
	s24 =	simm.s32 $0x0;
	_ =	strace $0x90000048  }
.LBB2_2:
0x19: {  	s25 =	sadd.s32 $0x1, s26  }
0x1a: {  	p0 =	seq.s32 s25, $0x32  }
0x1b: {  	s25 =	simm.s32 @p0 $0x0;
	p0 =	seq.s32 s24, $0x31  }
0x1c: {  	p1 =	seq.s32 @!p0 s26, s25  }
0x1d: {  	p2 =	por p1, p0  }
0x1e: {  	s2 =	sadd.s32 @!p2 s8, s25  }
0x1f: {  	s12 =	sand.u32 @!p2 $0x1, s23;
	_ =	strace @!p2 $0x80000049;
	s2 =	sshll.u32 @!p2 s2, $0x4  }
0x20: {  	s29 =	simm.s32 @!p2 $0x0;
	s13 =	sshll.u32 @!p2 s12, $0x7;
	s2 =	sand.u32 @!p2 $0x1FFFFFF0, s2  }
0x21: {  	s12 =	sadd.s32 @!p2 $0x1, s12;
	s13 =	sor.u32 @!p2 $0x10000, s13;
	s28 =	sadd.s32 @!p2 s6, s2  }
0x22: {  	[tilespmem:s13], [sflag:s12] =	stream.linear.gather @!p2 [hbm4b:s28+s29], $0x80, $0x200038;
	[tilespmem:$0x18200] =	vst v63  }
0x23: {  	s12 =	sand.u32 @!p2 $0x1, s21  }
0x24: {  	s2 =	sadd.s32 @!p2 s7, s2;
	_ =	strace @!p2 $0x90000049;
	s13 =	sshll.u32 @!p2 s12, $0x7  }
0x25: {  	s12 =	sadd.s32 @!p2 $0x3, s12;
	_ =	strace @!p2 $0x8000004A;
	s13 =	sor.u32 @!p2 $0x10100, s13  }
0x26: {  	[tilespmem:s13], [sflag:s12] =	stream.linear.gather @!p2 [hbm4b:s2+s29], $0x80, $0x200038;
	[tilespmem:$0x18200] =	vst v63  }
0x27: {  	s14 =	sand.u32 $0x1, s22;
	_ =	strace @!p2 $0x9000004A  }
0x28: {  	s2 =	sadd.s32 $0x1, s14;
	_ =	strace $0x8000004B  }
0x29: {  	_ =	swait.ge [sflag:s2], $0x80  }
0x2a: {  	[sflag:s2] =	ssyncset.done $0x0  }
0x2b: {  	s12 =	sshll.u32 s22, $0x7;
	[sflag:s2] =	ssyncadd.s32 $0xFFFFFF80  }
0x2c: {  	s13 =	sand.u32 $0x1, s20;
	s2 =	sand.u32 $0x80, s12;
	_ =	strace $0x9000004B  }
0x2d: {  	s12 =	sadd.s32 $0x3, s13;
	s2 =	sor.u32 $0x10000, s2;
	_ =	strace $0x8000004C  }
0x2e: {  	v2 =	vmov s2;
	_ =	swait.ge [sflag:s12], $0x80  }
0x2f: {  	[sflag:s12] =	ssyncset.done $0x0  }
0x30: {  	s14 =	sshll.u32 s20, $0x7;
	[sflag:s12] =	ssyncadd.s32 $0xFFFFFF80  }
0x31: {  	s13 =	sand.u32 $0x80, s14;
	_ =	strace $0x9000004C  }
0x32: {  	s14 =	sor.u32 $0x10100, s13;
	s13 =	simm.s32 $0x0;
	_ =	strace $0x8000004D  }
0x33: {  	v1 =	vld.idx.msk [tilespmem:v2+s13+$0x0 ss:$0x1], $0xffff;
	_ =	sdelay $0x2  }
0x34: {  	v3 =	vmov s14;
	_ =	sdelay $0x1  }
0x35: {  	(v2sf) =	vpush v1, $0x1  }
0x36: {  	(v2sf) =	vpush v1, $0x0;
	_ =	sdelay $0x1  }
0x37: {  	v0 =	vld.idx.msk [tilespmem:v3+s13+$0x0 ss:$0x1], $0xffff;
	_ =	sdelay $0x4  }
0x38: {  	(v2sf) =	vpush v0, $0x0;
	_ =	sdelay $0x6  }
0x39: {  	s12 =	spop (v2sf)  }
0x3a: {  	v4 =	vld [tilespmem:s12+$0x0];
	s14 =	spop (v2sf)  }
0x3b: {  	v5 =	vld [tilespmem:s14+$0x70]  }
0x3c: {  	(v2sf) =	vpush v0, $0x1;
	v7 =	vld [tilespmem:s14+$0x60]  }
0x3d: {  	v9 =	vld [tilespmem:s14+$0x50]  }
0x3e: {  	v11 =	vld [tilespmem:s14+$0x0]  }
0x3f: {  	v13 =	vld [tilespmem:s14+$0x10]  }
0x40: {  	v15 =	vld [tilespmem:s14+$0x20]  }
0x41: {  	s30 =	spop (v2sf);
	v17 =	vld [tilespmem:s14+$0x30]  }
0x42: {  	v12 =	vld [tilespmem:s30+$0x8000]  }
0x43: {  	v18 =	vld [tilespmem:s14+$0x40]  }
0x44: {  	v14 =	vld [tilespmem:s30+$0x8010]  }
0x45: {  	v6 =	vld [tilespmem:s30+$0x8070]  }
0x46: {  	v16 =	vld [tilespmem:s30+$0x8020]  }
0x47: {  	s28 =	sand.u32 $0x1, s19;
	v8 =	vld [tilespmem:s30+$0x8060];
	v11 =	vadd.f32 v12, v11  }
0x48: {  	s2 =	sshll.u32 s28, $0xE;
	v12 =	vld [tilespmem:s30+$0x8030]  }
0x49: {  	s29 =	sor.u32 $0x10600, s2;
	(v2sf) =	vpush v1, $0x2;
	v10 =	vld [tilespmem:s30+$0x8050];
	v13 =	vadd.f32 v14, v13;
	v11 =	vmax.f32 v11, $0.0e+00  }
0x4a: {  	v19 =	vld [tilespmem:s30+$0x8040];
	[tilespmem:s29+$0xFFFFFC00] =	vst v11  }
0x4b: {  	v15 =	vadd.f32 v16, v15;
	v13 =	vmax.f32 v13, $0.0e+00;
	v14 =	vld [tilespmem:s12+$0x10];
	s13 =	spop (v2sf)  }
0x4c: {  	(v2sf) =	vpush v0, $0x2;
	v11 =	vld [tilespmem:s13+$0x8000];
	[tilespmem:s29+$0xFFFFFC10] =	vst v13  }
0x4d: {  	v15 =	vmax.f32 v15, $0.0e+00;
	v12 =	vadd.f32 v12, v17;
	v13 =	vld [tilespmem:s13+$0x8010]  }
0x4e: {  	v16 =	vld [tilespmem:s12+$0x20];
	[tilespmem:s29+$0xFFFFFC20] =	vst v15  }
0x4f: {  	v18 =	vadd.f32 v19, v18;
	v12 =	vmax.f32 v12, $0.0e+00;
	v15 =	vld [tilespmem:s13+$0x8020]  }
0x50: {  	v17 =	vld [tilespmem:s12+$0x30];
	[tilespmem:s29+$0xFFFFFC30] =	vst v12  }
0x51: {  	v9 =	vadd.f32 v10, v9;
	v18 =	vmax.f32 v18, $0.0e+00;
	v12 =	vld [tilespmem:s13+$0x8030]  }
0x52: {  	v19 =	vld [tilespmem:s12+$0x40];
	[tilespmem:s29+$0xFFFFFC40] =	vst v18  }
0x53: {  	v7 =	vadd.f32 v8, v7;
	v9 =	vmax.f32 v9, $0.0e+00;
	v10 =	vld [tilespmem:s13+$0x8040]  }
0x54: {  	v18 =	vld [tilespmem:s12+$0x50];
	[tilespmem:s29+$0xFFFFFC50] =	vst v9  }
0x55: {  	v5 =	vadd.f32 v6, v5;
	v7 =	vmax.f32 v7, $0.0e+00;
	v8 =	vld [tilespmem:s13+$0x8050]  }
0x56: {  	v9 =	vld [tilespmem:s12+$0x60];
	[tilespmem:s29+$0xFFFFFC60] =	vst v7  }
0x57: {  	v5 =	vmax.f32 v5, $0.0e+00;
	v4 =	vadd.f32 v11, v4;
	v6 =	vld [tilespmem:s13+$0x8060]  }
0x58: {  	s14 =	spop (v2sf);
	v7 =	vld [tilespmem:s12+$0x70];
	[tilespmem:s29+$0xFFFFFC70] =	vst v5  }
0x59: {  	(v2sf) =	vpush v1, $0x3;
	v13 =	vadd.f32 v13, v14;
	v5 =	vld [tilespmem:s14+$0x0];
	v4 =	vmax.f32 v4, $0.0e+00  }
0x5a: {  	v11 =	vld [tilespmem:s13+$0x8070];
	[tilespmem:s29+$0xFFFFFC80] =	vst v4  }
0x5b: {  	v15 =	vadd.f32 v15, v16;
	v13 =	vmax.f32 v13, $0.0e+00;
	v14 =	vld [tilespmem:s14+$0x10];
	s13 =	spop (v2sf)  }
0x5c: {  	(v2sf) =	vpush v0, $0x3;
	v4 =	vld [tilespmem:s13+$0x8000];
	[tilespmem:s29+$0xFFFFFC90] =	vst v13  }
0x5d: {  	v12 =	vadd.f32 v12, v17;
	v15 =	vmax.f32 v15, $0.0e+00;
	v13 =	vld [tilespmem:s13+$0x8010]  }
0x5e: {  	v16 =	vld [tilespmem:s14+$0x20];
	[tilespmem:s29+$0xFFFFFCA0] =	vst v15  }
0x5f: {  	v10 =	vadd.f32 v10, v19;
	v12 =	vmax.f32 v12, $0.0e+00;
	v15 =	vld [tilespmem:s13+$0x8020]  }
0x60: {  	v17 =	vld [tilespmem:s14+$0x30];
	[tilespmem:s29+$0xFFFFFCB0] =	vst v12  }
0x61: {  	v8 =	vadd.f32 v8, v18;
	v10 =	vmax.f32 v10, $0.0e+00;
	v12 =	vld [tilespmem:s13+$0x8030]  }
0x62: {  	v19 =	vld [tilespmem:s14+$0x40];
	[tilespmem:s29+$0xFFFFFCC0] =	vst v10  }
0x63: {  	v6 =	vadd.f32 v6, v9;
	v8 =	vmax.f32 v8, $0.0e+00;
	v10 =	vld [tilespmem:s13+$0x8040]  }
0x64: {  	v18 =	vld [tilespmem:s14+$0x50];
	[tilespmem:s29+$0xFFFFFCD0] =	vst v8  }
0x65: {  	v7 =	vadd.f32 v11, v7;
	v6 =	vmax.f32 v6, $0.0e+00;
	v8 =	vld [tilespmem:s13+$0x8050]  }
0x66: {  	v9 =	vld [tilespmem:s14+$0x60];
	[tilespmem:s29+$0xFFFFFCE0] =	vst v6  }
0x67: {  	v7 =	vmax.f32 v7, $0.0e+00;
	v4 =	vadd.f32 v4, v5;
	v6 =	vld [tilespmem:s13+$0x8060]  }
0x68: {  	v11 =	vld [tilespmem:s14+$0x70];
	[tilespmem:s29+$0xFFFFFCF0] =	vst v7;
	s14 =	spop (v2sf)  }
0x69: {  	v13 =	vadd.f32 v13, v14;
	(v2sf) =	vpush v1, $0x4;
	v5 =	vld [tilespmem:s14+$0x0];
	v4 =	vmax.f32 v4, $0.0e+00  }
0x6a: {  	v7 =	vld [tilespmem:s13+$0x8070];
	[tilespmem:s29+$0xFFFFFD00] =	vst v4  }
0x6b: {  	v15 =	vadd.f32 v15, v16;
	v13 =	vmax.f32 v13, $0.0e+00;
	v14 =	vld [tilespmem:s14+$0x10];
	s13 =	spop (v2sf)  }
0x6c: {  	(v2sf) =	vpush v0, $0x4;
	v4 =	vld [tilespmem:s13+$0x8000];
	[tilespmem:s29+$0xFFFFFD10] =	vst v13  }
0x6d: {  	v12 =	vadd.f32 v12, v17;
	v15 =	vmax.f32 v15, $0.0e+00;
	v13 =	vld [tilespmem:s13+$0x8010]  }
0x6e: {  	v16 =	vld [tilespmem:s14+$0x20];
	[tilespmem:s29+$0xFFFFFD20] =	vst v15  }
0x6f: {  	v10 =	vadd.f32 v10, v19;
	v12 =	vmax.f32 v12, $0.0e+00;
	v15 =	vld [tilespmem:s13+$0x8020]  }
0x70: {  	v17 =	vld [tilespmem:s14+$0x30];
	[tilespmem:s29+$0xFFFFFD30] =	vst v12  }
0x71: {  	v8 =	vadd.f32 v8, v18;
	v10 =	vmax.f32 v10, $0.0e+00;
	v12 =	vld [tilespmem:s13+$0x8030]  }
0x72: {  	v19 =	vld [tilespmem:s14+$0x40];
	[tilespmem:s29+$0xFFFFFD40] =	vst v10  }
0x73: {  	v6 =	vadd.f32 v6, v9;
	v8 =	vmax.f32 v8, $0.0e+00;
	v10 =	vld [tilespmem:s13+$0x8040]  }
0x74: {  	v18 =	vld [tilespmem:s14+$0x50];
	[tilespmem:s29+$0xFFFFFD50] =	vst v8  }
0x75: {  	v7 =	vadd.f32 v7, v11;
	v6 =	vmax.f32 v6, $0.0e+00;
	v8 =	vld [tilespmem:s13+$0x8050]  }
0x76: {  	v9 =	vld [tilespmem:s14+$0x60];
	[tilespmem:s29+$0xFFFFFD60] =	vst v6  }
0x77: {  	v7 =	vmax.f32 v7, $0.0e+00;
	v4 =	vadd.f32 v4, v5;
	v6 =	vld [tilespmem:s13+$0x8060]  }
0x78: {  	v11 =	vld [tilespmem:s14+$0x70];
	[tilespmem:s29+$0xFFFFFD70] =	vst v7;
	s14 =	spop (v2sf)  }
0x79: {  	v13 =	vadd.f32 v13, v14;
	(v2sf) =	vpush v1, $0x5;
	v5 =	vld [tilespmem:s14+$0x0];
	v4 =	vmax.f32 v4, $0.0e+00  }
0x7a: {  	v7 =	vld [tilespmem:s13+$0x8070];
	[tilespmem:s29+$0xFFFFFD80] =	vst v4  }
0x7b: {  	v15 =	vadd.f32 v15, v16;
	v13 =	vmax.f32 v13, $0.0e+00;
	v14 =	vld [tilespmem:s14+$0x10];
	s30 =	spop (v2sf)  }
0x7c: {  	(v2sf) =	vpush v0, $0x5;
	v4 =	vld [tilespmem:s30+$0x8000];
	[tilespmem:s29+$0xFFFFFD90] =	vst v13  }
0x7d: {  	v12 =	vadd.f32 v12, v17;
	v15 =	vmax.f32 v15, $0.0e+00;
	v13 =	vld [tilespmem:s30+$0x8010]  }
0x7e: {  	v20 =	vld [tilespmem:s14+$0x20];
	[tilespmem:s29+$0xFFFFFDA0] =	vst v15  }
0x7f: {  	v10 =	vadd.f32 v10, v19;
	v12 =	vmax.f32 v12, $0.0e+00;
	v15 =	vld [tilespmem:s30+$0x8020]  }
0x80: {  	v17 =	vld [tilespmem:s14+$0x30];
	[tilespmem:s29+$0xFFFFFDB0] =	vst v12  }
0x81: {  	v8 =	vadd.f32 v8, v18;
	v10 =	vmax.f32 v10, $0.0e+00;
	v12 =	vld [tilespmem:s30+$0x8030]  }
0x82: {  	v19 =	vld [tilespmem:s14+$0x40];
	[tilespmem:s29+$0xFFFFFDC0] =	vst v10  }
0x83: {  	v6 =	vadd.f32 v6, v9;
	v8 =	vmax.f32 v8, $0.0e+00;
	v10 =	vld [tilespmem:s30+$0x8040]  }
0x84: {  	v18 =	vld [tilespmem:s14+$0x50];
	[tilespmem:s29+$0xFFFFFDD0] =	vst v8  }
0x85: {  	v7 =	vadd.f32 v7, v11;
	v6 =	vmax.f32 v6, $0.0e+00;
	v21 =	vld [tilespmem:s30+$0x8050]  }
0x86: {  	v22 =	vld [tilespmem:s14+$0x60];
	[tilespmem:s29+$0xFFFFFDE0] =	vst v6  }
0x87: {  	v6 =	vmax.f32 v7, $0.0e+00;
	v5 =	vadd.f32 v4, v5;
	v23 =	vld [tilespmem:s30+$0x8060]  }
0x88: {  	v7 =	vld [tilespmem:s14+$0x70];
	[tilespmem:s29+$0xFFFFFDF0] =	vst v6;
	s13 =	spop (v2sf)  }
0x89: {  	v6 =	vadd.f32 v13, v14;
	(v2sf) =	vpush v1, $0x6;
	v4 =	vld [tilespmem:s13+$0x0];
	v5 =	vmax.f32 v5, $0.0e+00  }
0x8a: {  	v16 =	vld [tilespmem:s30+$0x8070];
	[tilespmem:s29+$0xFFFFFE00] =	vst v5  }
0x8b: {  	v5 =	vmax.f32 v6, $0.0e+00;
	v6 =	vadd.f32 v15, v20;
	v9 =	vld [tilespmem:s13+$0x10];
	s12 =	spop (v2sf);
	(v2sf) =	vpush v0, $0x6  }
0x8c: {  	v14 =	vld [tilespmem:s12+$0x8000];
	[tilespmem:s29+$0xFFFFFE10] =	vst v5  }
0x8d: {  	v5 =	vmax.f32 v6, $0.0e+00;
	v6 =	vadd.f32 v12, v17;
	v15 =	vld [tilespmem:s12+$0x8010]  }
0x8e: {  	v8 =	vld [tilespmem:s13+$0x20];
	[tilespmem:s29+$0xFFFFFE20] =	vst v5  }
0x8f: {  	v10 =	vadd.f32 v10, v19;
	v12 =	vld [tilespmem:s12+$0x8020];
	v5 =	vmax.f32 v6, $0.0e+00  }
0x90: {  	v6 =	vld [tilespmem:s13+$0x30];
	[tilespmem:s29+$0xFFFFFE30] =	vst v5  }
0x91: {  	p1 =	por !p1, p0;
	s30 =	sadd.s32 @!p2 $0x1, s23;
	v10 =	vmax.f32 v10, $0.0e+00;
	v17 =	vadd.f32 v21, v18;
	v11 =	vld [tilespmem:s12+$0x8030]  }
0x92: {  	s0 =	smov.u32 s23;
	s23 =	smov.u32 @p1 s30;
	s30 =	simm.s32 $0x0;
	v5 =	vld [tilespmem:s13+$0x40];
	[tilespmem:s29+$0xFFFFFE40] =	vst v10  }
0x93: {  	s31 =	sadd.s32 s8, s26;
	s30 =	simm.s32 @p1 $0x1;
	s23 =	smov.u32 @p0 s0;
	v18 =	vmax.f32 v17, $0.0e+00;
	v17 =	vadd.f32 v23, v22;
	v13 =	vld [tilespmem:s12+$0x8040]  }
0x94: {  	s0 =	sor.u32 $0x10200, s2;
	s2 =	simm.s32 $0x40;
	s30 =	simm.s32 @p0 $0x0;
	v10 =	vld [tilespmem:s13+$0x50];
	[tilespmem:s29+$0xFFFFFE50] =	vst v18  }
.LBB2_3:
0x95: {  	p1 =	sne.s32 s2, $0x1C0;
	v17 =	vmax.f32 v17, $0.0e+00;
	v7 =	vadd.f32 v16, v7;
	v16 =	vld [tilespmem:s12+$0x8050]  }
0x96: {  	v18 =	vld [tilespmem:s13+$0x60];
	[tilespmem:s29+$0xFFFFFE60] =	vst v17  }
0x97: {  	v4 =	vadd.f32 v14, v4;
	v7 =	vmax.f32 v7, $0.0e+00;
	v17 =	vld [tilespmem:s12+$0x8060]  }
0x98: {  	v14 =	vld [tilespmem:s13+$0x70];
	[tilespmem:s29+$0xFFFFFE70] =	vst v7;
	s13 =	spop (v2sf)  }
0x99: {  	v4 =	vmax.f32 v4, $0.0e+00;
	v7 =	vadd.f32 v15, v9;
	v9 =	vld [tilespmem:s13+$0x0];
	(v2sf) =	vpush v1, $0x7  }
0x9a: {  	v15 =	vld [tilespmem:s12+$0x8070];
	[tilespmem:s29+$0xFFFFFE80] =	vst v4;
	s12 =	spop (v2sf)  }
0x9b: {  	v4 =	vmax.f32 v7, $0.0e+00;
	v7 =	vadd.f32 v12, v8;
	v8 =	vld [tilespmem:s12+$0x8000];
	(v2sf) =	vpush v0, $0x7  }
0x9c: {  	v12 =	vld [tilespmem:s13+$0x10];
	[tilespmem:s29+$0xFFFFFE90] =	vst v4  }
0x9d: {  	v6 =	vadd.f32 v11, v6;
	v4 =	vmax.f32 v7, $0.0e+00;
	v7 =	vld [tilespmem:s12+$0x8010]  }
0x9e: {  	v11 =	vld [tilespmem:s13+$0x20];
	[tilespmem:s29+$0xFFFFFEA0] =	vst v4  }
0x9f: {  	v5 =	vadd.f32 v13, v5;
	v4 =	vmax.f32 v6, $0.0e+00;
	v6 =	vld [tilespmem:s12+$0x8020]  }
0xa0: {  	v13 =	vld [tilespmem:s13+$0x30];
	[tilespmem:s29+$0xFFFFFEB0] =	vst v4  }
0xa1: {  	v4 =	vmax.f32 v5, $0.0e+00;
	v5 =	vadd.f32 v16, v10;
	v10 =	vld [tilespmem:s12+$0x8030]  }
0xa2: {  	v16 =	vld [tilespmem:s13+$0x40];
	[tilespmem:s29+$0xFFFFFEC0] =	vst v4  }
0xa3: {  	v4 =	vmax.f32 v5, $0.0e+00;
	v5 =	vadd.f32 v17, v18;
	v17 =	vld [tilespmem:s12+$0x8040]  }
0xa4: {  	v18 =	vld [tilespmem:s13+$0x50];
	[tilespmem:s29+$0xFFFFFED0] =	vst v4  }
0xa5: {  	v4 =	vmax.f32 v5, $0.0e+00;
	v5 =	vadd.f32 v15, v14;
	v14 =	vld [tilespmem:s12+$0x8050]  }
0xa6: {  	v15 =	vld [tilespmem:s13+$0x60];
	[tilespmem:s29+$0xFFFFFEE0] =	vst v4  }
0xa7: {  	v8 =	vadd.f32 v8, v9;
	v4 =	vmax.f32 v5, $0.0e+00;
	v5 =	vld [tilespmem:s12+$0x8060]  }
0xa8: {  	v9 =	vld [tilespmem:s13+$0x70];
	[tilespmem:s29+$0xFFFFFEF0] =	vst v4;
	s13 =	spop (v2sf)  }
0xa9: {  	v7 =	vadd.f32 v7, v12;
	v4 =	vmax.f32 v8, $0.0e+00;
	v8 =	vld [tilespmem:s13+$0x0];
	(v2sf) =	vpush v1, $0x8  }
0xaa: {  	v12 =	vld [tilespmem:s12+$0x8070];
	[tilespmem:s29+$0xFFFFFF00] =	vst v4;
	s12 =	spop (v2sf)  }
0xab: {  	v6 =	vadd.f32 v6, v11;
	v4 =	vmax.f32 v7, $0.0e+00;
	v7 =	vld [tilespmem:s12+$0x8000];
	(v2sf) =	vpush v0, $0x8  }
0xac: {  	v11 =	vld [tilespmem:s13+$0x10];
	[tilespmem:s29+$0xFFFFFF10] =	vst v4  }
0xad: {  	v4 =	vmax.f32 v6, $0.0e+00;
	v6 =	vadd.f32 v10, v13;
	v10 =	vld [tilespmem:s12+$0x8010]  }
0xae: {  	v13 =	vld [tilespmem:s13+$0x20];
	[tilespmem:s29+$0xFFFFFF20] =	vst v4  }
0xaf: {  	v4 =	vmax.f32 v6, $0.0e+00;
	v6 =	vadd.f32 v17, v16;
	v16 =	vld [tilespmem:s12+$0x8020]  }
0xb0: {  	v17 =	vld [tilespmem:s13+$0x30];
	[tilespmem:s29+$0xFFFFFF30] =	vst v4  }
0xb1: {  	v4 =	vmax.f32 v6, $0.0e+00;
	v6 =	vadd.f32 v14, v18;
	v14 =	vld [tilespmem:s12+$0x8030]  }
0xb2: {  	v18 =	vld [tilespmem:s13+$0x40];
	[tilespmem:s29+$0xFFFFFF40] =	vst v4  }
0xb3: {  	v5 =	vadd.f32 v5, v15;
	v4 =	vmax.f32 v6, $0.0e+00;
	v6 =	vld [tilespmem:s12+$0x8040]  }
0xb4: {  	v15 =	vld [tilespmem:s13+$0x50];
	[tilespmem:s29+$0xFFFFFF50] =	vst v4  }
0xb5: {  	v4 =	vmax.f32 v5, $0.0e+00;
	v5 =	vadd.f32 v12, v9;
	v9 =	vld [tilespmem:s12+$0x8050]  }
0xb6: {  	v12 =	vld [tilespmem:s13+$0x60];
	[tilespmem:s29+$0xFFFFFF60] =	vst v4  }
0xb7: {  	v7 =	vadd.f32 v7, v8;
	v4 =	vmax.f32 v5, $0.0e+00;
	v5 =	vld [tilespmem:s12+$0x8060]  }
0xb8: {  	v8 =	vld [tilespmem:s13+$0x70];
	[tilespmem:s29+$0xFFFFFF70] =	vst v4;
	s13 =	spop (v2sf)  }
0xb9: {  	v4 =	vmax.f32 v7, $0.0e+00;
	v7 =	vadd.f32 v10, v11;
	v10 =	vld [tilespmem:s13+$0x0];
	(v2sf) =	vpush v1, $0x9  }
0xba: {  	v11 =	vld [tilespmem:s12+$0x8070];
	[tilespmem:s29+$0xFFFFFF80] =	vst v4;
	s12 =	spop (v2sf)  }
0xbb: {  	v4 =	vmax.f32 v7, $0.0e+00;
	v7 =	vadd.f32 v16, v13;
	v13 =	vld [tilespmem:s12+$0x8000];
	(v2sf) =	vpush v0, $0x9  }
0xbc: {  	v16 =	vld [tilespmem:s13+$0x10];
	[tilespmem:s29+$0xFFFFFF90] =	vst v4  }
0xbd: {  	v4 =	vmax.f32 v7, $0.0e+00;
	v7 =	vadd.f32 v14, v17;
	v14 =	vld [tilespmem:s12+$0x8010]  }
0xbe: {  	v17 =	vld [tilespmem:s13+$0x20];
	[tilespmem:s29+$0xFFFFFFA0] =	vst v4  }
0xbf: {  	v6 =	vadd.f32 v6, v18;
	v4 =	vmax.f32 v7, $0.0e+00;
	v7 =	vld [tilespmem:s12+$0x8020]  }
0xc0: {  	v18 =	vld [tilespmem:s13+$0x30];
	[tilespmem:s29+$0xFFFFFFB0] =	vst v4  }
0xc1: {  	v4 =	vmax.f32 v6, $0.0e+00;
	v6 =	vadd.f32 v9, v15;
	v9 =	vld [tilespmem:s12+$0x8030]  }
0xc2: {  	v15 =	vld [tilespmem:s13+$0x40];
	[tilespmem:s29+$0xFFFFFFC0] =	vst v4  }
0xc3: {  	v5 =	vadd.f32 v5, v12;
	v4 =	vmax.f32 v6, $0.0e+00;
	v6 =	vld [tilespmem:s12+$0x8040]  }
0xc4: {  	v12 =	vld [tilespmem:s13+$0x50];
	[tilespmem:s29+$0xFFFFFFD0] =	vst v4  }
0xc5: {  	v4 =	vmax.f32 v5, $0.0e+00;
	v5 =	vadd.f32 v11, v8;
	v8 =	vld [tilespmem:s12+$0x8050]  }
0xc6: {  	v11 =	vld [tilespmem:s13+$0x60];
	[tilespmem:s29+$0xFFFFFFE0] =	vst v4  }
0xc7: {  	v10 =	vadd.f32 v13, v10;
	v4 =	vmax.f32 v5, $0.0e+00;
	v5 =	vld [tilespmem:s12+$0x8060]  }
0xc8: {  	v13 =	vld [tilespmem:s13+$0x70];
	[tilespmem:s29+$0xFFFFFFF0] =	vst v4;
	s13 =	spop (v2sf)  }
0xc9: {  	v4 =	vmax.f32 v10, $0.0e+00;
	v10 =	vadd.f32 v14, v16;
	v14 =	vld [tilespmem:s13+$0x0];
	(v2sf) =	vpush v1, $0xA  }
0xca: {  	v16 =	vld [tilespmem:s12+$0x8070];
	[tilespmem:s29+$0x0] =	vst v4;
	s12 =	spop (v2sf)  }
0xcb: {  	v7 =	vadd.f32 v7, v17;
	v4 =	vmax.f32 v10, $0.0e+00;
	v10 =	vld [tilespmem:s12+$0x8000];
	(v2sf) =	vpush v0, $0xA  }
0xcc: {  	v17 =	vld [tilespmem:s13+$0x10];
	[tilespmem:s29+$0x10] =	vst v4  }
0xcd: {  	v4 =	vmax.f32 v7, $0.0e+00;
	v7 =	vadd.f32 v9, v18;
	v9 =	vld [tilespmem:s12+$0x8010]  }
0xce: {  	v18 =	vld [tilespmem:s13+$0x20];
	[tilespmem:s29+$0x20] =	vst v4  }
0xcf: {  	v6 =	vadd.f32 v6, v15;
	v4 =	vmax.f32 v7, $0.0e+00;
	v7 =	vld [tilespmem:s12+$0x8020]  }
0xd0: {  	v15 =	vld [tilespmem:s13+$0x30];
	[tilespmem:s29+$0x30] =	vst v4  }
0xd1: {  	v4 =	vmax.f32 v6, $0.0e+00;
	v6 =	vadd.f32 v8, v12;
	v8 =	vld [tilespmem:s12+$0x8030]  }
0xd2: {  	v12 =	vld [tilespmem:s13+$0x40];
	[tilespmem:s29+$0x40] =	vst v4  }
0xd3: {  	v5 =	vadd.f32 v5, v11;
	v4 =	vmax.f32 v6, $0.0e+00;
	v6 =	vld [tilespmem:s12+$0x8040]  }
0xd4: {  	v11 =	vld [tilespmem:s13+$0x50];
	[tilespmem:s29+$0x50] =	vst v4  }
0xd5: {  	v4 =	vmax.f32 v5, $0.0e+00;
	v5 =	vadd.f32 v16, v13;
	v13 =	vld [tilespmem:s12+$0x8050]  }
0xd6: {  	v16 =	vld [tilespmem:s13+$0x60];
	[tilespmem:s29+$0x60] =	vst v4  }
0xd7: {  	v10 =	vadd.f32 v10, v14;
	v4 =	vmax.f32 v5, $0.0e+00;
	v5 =	vld [tilespmem:s12+$0x8060]  }
0xd8: {  	v14 =	vld [tilespmem:s13+$0x70];
	[tilespmem:s29+$0x70] =	vst v4;
	s13 =	spop (v2sf)  }
0xd9: {  	v9 =	vadd.f32 v9, v17;
	v4 =	vmax.f32 v10, $0.0e+00;
	v10 =	vld [tilespmem:s13+$0x0];
	(v2sf) =	vpush v1, $0xB  }
0xda: {  	v17 =	vld [tilespmem:s12+$0x8070];
	[tilespmem:s29+$0x80] =	vst v4;
	s12 =	spop (v2sf)  }
0xdb: {  	v7 =	vadd.f32 v7, v18;
	v4 =	vmax.f32 v9, $0.0e+00;
	v9 =	vld [tilespmem:s12+$0x8000];
	(v2sf) =	vpush v0, $0xB  }
0xdc: {  	v18 =	vld [tilespmem:s13+$0x10];
	[tilespmem:s29+$0x90] =	vst v4  }
0xdd: {  	v4 =	vmax.f32 v7, $0.0e+00;
	v7 =	vadd.f32 v8, v15;
	v8 =	vld [tilespmem:s12+$0x8010]  }
0xde: {  	v15 =	vld [tilespmem:s13+$0x20];
	[tilespmem:s29+$0xA0] =	vst v4  }
0xdf: {  	v6 =	vadd.f32 v6, v12;
	v4 =	vmax.f32 v7, $0.0e+00;
	v7 =	vld [tilespmem:s12+$0x8020]  }
0xe0: {  	v12 =	vld [tilespmem:s13+$0x30];
	[tilespmem:s29+$0xB0] =	vst v4  }
0xe1: {  	v4 =	vmax.f32 v6, $0.0e+00;
	v6 =	vadd.f32 v13, v11;
	v11 =	vld [tilespmem:s12+$0x8030]  }
0xe2: {  	v13 =	vld [tilespmem:s13+$0x40];
	[tilespmem:s29+$0xC0] =	vst v4  }
0xe3: {  	v5 =	vadd.f32 v5, v16;
	v4 =	vmax.f32 v6, $0.0e+00;
	v6 =	vld [tilespmem:s12+$0x8040]  }
0xe4: {  	v16 =	vld [tilespmem:s13+$0x50];
	[tilespmem:s29+$0xD0] =	vst v4  }
0xe5: {  	v4 =	vmax.f32 v5, $0.0e+00;
	v5 =	vadd.f32 v17, v14;
	v14 =	vld [tilespmem:s12+$0x8050]  }
0xe6: {  	v17 =	vld [tilespmem:s13+$0x60];
	[tilespmem:s29+$0xE0] =	vst v4  }
0xe7: {  	v9 =	vadd.f32 v9, v10;
	v4 =	vmax.f32 v5, $0.0e+00;
	v5 =	vld [tilespmem:s12+$0x8060]  }
0xe8: {  	v10 =	vld [tilespmem:s13+$0x70];
	[tilespmem:s29+$0xF0] =	vst v4;
	s13 =	spop (v2sf)  }
0xe9: {  	v8 =	vadd.f32 v8, v18;
	v4 =	vmax.f32 v9, $0.0e+00;
	v9 =	vld [tilespmem:s13+$0x0];
	(v2sf) =	vpush v1, $0xC  }
0xea: {  	v18 =	vld [tilespmem:s12+$0x8070];
	[tilespmem:s29+$0x100] =	vst v4;
	s12 =	spop (v2sf)  }
0xeb: {  	v7 =	vadd.f32 v7, v15;
	v4 =	vmax.f32 v8, $0.0e+00;
	v8 =	vld [tilespmem:s12+$0x8000];
	(v2sf) =	vpush v0, $0xC  }
0xec: {  	v15 =	vld [tilespmem:s13+$0x10];
	[tilespmem:s29+$0x110] =	vst v4  }
0xed: {  	v4 =	vmax.f32 v7, $0.0e+00;
	v7 =	vadd.f32 v11, v12;
	v11 =	vld [tilespmem:s12+$0x8010]  }
0xee: {  	v12 =	vld [tilespmem:s13+$0x20];
	[tilespmem:s29+$0x120] =	vst v4  }
0xef: {  	v6 =	vadd.f32 v6, v13;
	v4 =	vmax.f32 v7, $0.0e+00;
	v7 =	vld [tilespmem:s12+$0x8020]  }
0xf0: {  	v13 =	vld [tilespmem:s13+$0x30];
	[tilespmem:s29+$0x130] =	vst v4  }
0xf1: {  	v4 =	vmax.f32 v6, $0.0e+00;
	v6 =	vadd.f32 v14, v16;
	v14 =	vld [tilespmem:s12+$0x8030]  }
0xf2: {  	v16 =	vld [tilespmem:s13+$0x40];
	[tilespmem:s29+$0x140] =	vst v4  }
0xf3: {  	v5 =	vadd.f32 v5, v17;
	v4 =	vmax.f32 v6, $0.0e+00;
	v6 =	vld [tilespmem:s12+$0x8040]  }
0xf4: {  	v17 =	vld [tilespmem:s13+$0x50];
	[tilespmem:s29+$0x150] =	vst v4  }
0xf5: {  	v4 =	vmax.f32 v5, $0.0e+00;
	v5 =	vadd.f32 v18, v10;
	v10 =	vld [tilespmem:s12+$0x8050]  }
0xf6: {  	v18 =	vld [tilespmem:s13+$0x60];
	[tilespmem:s29+$0x160] =	vst v4  }
0xf7: {  	v8 =	vadd.f32 v8, v9;
	v4 =	vmax.f32 v5, $0.0e+00;
	v5 =	vld [tilespmem:s12+$0x8060]  }
0xf8: {  	v9 =	vld [tilespmem:s13+$0x70];
	[tilespmem:s29+$0x170] =	vst v4;
	s13 =	spop (v2sf)  }
0xf9: {  	v4 =	vmax.f32 v8, $0.0e+00;
	v8 =	vadd.f32 v11, v15;
	v11 =	vld [tilespmem:s13+$0x0];
	(v2sf) =	vpush v1, $0xD  }
0xfa: {  	v15 =	vld [tilespmem:s12+$0x8070];
	[tilespmem:s29+$0x180] =	vst v4;
	s12 =	spop (v2sf)  }
0xfb: {  	v7 =	vadd.f32 v7, v12;
	v4 =	vmax.f32 v8, $0.0e+00;
	v8 =	vld [tilespmem:s12+$0x8000];
	(v2sf) =	vpush v0, $0xD  }
0xfc: {  	v12 =	vld [tilespmem:s13+$0x10];
	[tilespmem:s29+$0x190] =	vst v4  }
0xfd: {  	v4 =	vmax.f32 v7, $0.0e+00;
	v7 =	vadd.f32 v14, v13;
	v13 =	vld [tilespmem:s12+$0x8010]  }
0xfe: {  	v14 =	vld [tilespmem:s13+$0x20];
	[tilespmem:s29+$0x1A0] =	vst v4  }
0xff: {  	v6 =	vadd.f32 v6, v16;
	v4 =	vmax.f32 v7, $0.0e+00;
	v7 =	vld [tilespmem:s12+$0x8020]  }
0x100: {  	v16 =	vld [tilespmem:s13+$0x30];
	[tilespmem:s29+$0x1B0] =	vst v4  }
0x101: {  	v4 =	vmax.f32 v6, $0.0e+00;
	v6 =	vadd.f32 v10, v17;
	v10 =	vld [tilespmem:s12+$0x8030]  }
0x102: {  	v17 =	vld [tilespmem:s13+$0x40];
	[tilespmem:s29+$0x1C0] =	vst v4  }
0x103: {  	v5 =	vadd.f32 v5, v18;
	v4 =	vmax.f32 v6, $0.0e+00;
	v6 =	vld [tilespmem:s12+$0x8040]  }
0x104: {  	v18 =	vld [tilespmem:s13+$0x50];
	[tilespmem:s29+$0x1D0] =	vst v4  }
0x105: {  	v4 =	vmax.f32 v5, $0.0e+00;
	v5 =	vadd.f32 v15, v9;
	v9 =	vld [tilespmem:s12+$0x8050]  }
0x106: {  	v15 =	vld [tilespmem:s13+$0x60];
	[tilespmem:s29+$0x1E0] =	vst v4  }
0x107: {  	v8 =	vadd.f32 v8, v11;
	v4 =	vmax.f32 v5, $0.0e+00;
	v5 =	vld [tilespmem:s12+$0x8060]  }
0x108: {  	v11 =	vld [tilespmem:s13+$0x70];
	[tilespmem:s29+$0x1F0] =	vst v4;
	s13 =	spop (v2sf)  }
0x109: {  	v4 =	vmax.f32 v8, $0.0e+00;
	v8 =	vadd.f32 v13, v12;
	v12 =	vld [tilespmem:s13+$0x0];
	(v2sf) =	vpush v1, $0xE  }
0x10a: {  	v13 =	vld [tilespmem:s12+$0x8070];
	[tilespmem:s29+$0x200] =	vst v4;
	s12 =	spop (v2sf)  }
0x10b: {  	v7 =	vadd.f32 v7, v14;
	v4 =	vmax.f32 v8, $0.0e+00;
	v8 =	vld [tilespmem:s12+$0x8000];
	(v2sf) =	vpush v0, $0xE  }
0x10c: {  	v14 =	vld [tilespmem:s13+$0x10];
	[tilespmem:s29+$0x210] =	vst v4  }
0x10d: {  	v4 =	vmax.f32 v7, $0.0e+00;
	v7 =	vadd.f32 v10, v16;
	v10 =	vld [tilespmem:s12+$0x8010]  }
0x10e: {  	v16 =	vld [tilespmem:s13+$0x20];
	[tilespmem:s29+$0x220] =	vst v4  }
0x10f: {  	v6 =	vadd.f32 v6, v17;
	v4 =	vmax.f32 v7, $0.0e+00;
	v7 =	vld [tilespmem:s12+$0x8020]  }
0x110: {  	v17 =	vld [tilespmem:s13+$0x30];
	[tilespmem:s29+$0x230] =	vst v4  }
0x111: {  	v4 =	vmax.f32 v6, $0.0e+00;
	v6 =	vadd.f32 v9, v18;
	v9 =	vld [tilespmem:s12+$0x8030]  }
0x112: {  	v18 =	vld [tilespmem:s13+$0x40];
	[tilespmem:s29+$0x240] =	vst v4  }
0x113: {  	v5 =	vadd.f32 v5, v15;
	v4 =	vmax.f32 v6, $0.0e+00;
	v6 =	vld [tilespmem:s12+$0x8040]  }
0x114: {  	v15 =	vld [tilespmem:s13+$0x50];
	[tilespmem:s29+$0x250] =	vst v4  }
0x115: {  	v4 =	vmax.f32 v5, $0.0e+00;
	v5 =	vadd.f32 v13, v11;
	v11 =	vld [tilespmem:s12+$0x8050]  }
0x116: {  	v13 =	vld [tilespmem:s13+$0x60];
	[tilespmem:s29+$0x260] =	vst v4  }
0x117: {  	v8 =	vadd.f32 v8, v12;
	v4 =	vmax.f32 v5, $0.0e+00;
	v5 =	vld [tilespmem:s12+$0x8060]  }
0x118: {  	v12 =	vld [tilespmem:s13+$0x70];
	[tilespmem:s29+$0x270] =	vst v4;
	s13 =	spop (v2sf)  }
0x119: {  	v4 =	vmax.f32 v8, $0.0e+00;
	v8 =	vadd.f32 v10, v14;
	v10 =	vld [tilespmem:s13+$0x0];
	(v2sf) =	vpush v1, $0xF  }
0x11a: {  	v1 =	vld [tilespmem:s12+$0x8070];
	[tilespmem:s29+$0x280] =	vst v4;
	s12 =	spop (v2sf)  }
0x11b: {  	v7 =	vadd.f32 v7, v16;
	v4 =	vmax.f32 v8, $0.0e+00;
	v8 =	vld [tilespmem:s12+$0x8000];
	(v2sf) =	vpush v0, $0xF  }
0x11c: {  	v0 =	vld [tilespmem:s13+$0x10];
	[tilespmem:s29+$0x290] =	vst v4  }
0x11d: {  	v4 =	vmax.f32 v7, $0.0e+00;
	v7 =	vadd.f32 v9, v17;
	v9 =	vld [tilespmem:s12+$0x8010]  }
0x11e: {  	v14 =	vld [tilespmem:s13+$0x20];
	[tilespmem:s29+$0x2A0] =	vst v4  }
0x11f: {  	v6 =	vadd.f32 v6, v18;
	v4 =	vmax.f32 v7, $0.0e+00;
	v7 =	vld [tilespmem:s12+$0x8020]  }
0x120: {  	v16 =	vld [tilespmem:s13+$0x30];
	[tilespmem:s29+$0x2B0] =	vst v4  }
0x121: {  	v4 =	vmax.f32 v6, $0.0e+00;
	v6 =	vadd.f32 v11, v15;
	v11 =	vld [tilespmem:s12+$0x8030]  }
0x122: {  	v15 =	vld [tilespmem:s13+$0x40];
	[tilespmem:s29+$0x2C0] =	vst v4  }
0x123: {  	v5 =	vadd.f32 v5, v13;
	v4 =	vmax.f32 v6, $0.0e+00;
	v6 =	vld [tilespmem:s12+$0x8040]  }
0x124: {  	v13 =	vld [tilespmem:s13+$0x50];
	[tilespmem:s29+$0x2D0] =	vst v4  }
0x125: {  	v1 =	vadd.f32 v1, v12;
	v4 =	vmax.f32 v5, $0.0e+00;
	v5 =	vld [tilespmem:s12+$0x8050]  }
0x126: {  	v12 =	vld [tilespmem:s13+$0x60];
	[tilespmem:s29+$0x2E0] =	vst v4  }
0x127: {  	v8 =	vadd.f32 v8, v10;
	v1 =	vmax.f32 v1, $0.0e+00;
	v4 =	vld [tilespmem:s12+$0x8060]  }
0x128: {  	v10 =	vld [tilespmem:s13+$0x70];
	[tilespmem:s29+$0x2F0] =	vst v1;
	s13 =	spop (v2sf)  }
0x129: {  	v0 =	vadd.f32 v9, v0;
	v1 =	vmax.f32 v8, $0.0e+00;
	v8 =	vld [tilespmem:s13+$0x0]  }
0x12a: {  	v9 =	vld [tilespmem:s12+$0x8070];
	[tilespmem:s29+$0x300] =	vst v1;
	s12 =	spop (v2sf)  }
0x12b: {  	v0 =	vmax.f32 v0, $0.0e+00;
	v1 =	vadd.f32 v7, v14;
	v7 =	vld [tilespmem:s12+$0x8000]  }
0x12c: {  	v14 =	vld [tilespmem:s13+$0x10];
	[tilespmem:s29+$0x310] =	vst v0  }
0x12d: {  	v0 =	vmax.f32 v1, $0.0e+00;
	v1 =	vadd.f32 v11, v16;
	v11 =	vld [tilespmem:s12+$0x8010]  }
0x12e: {  	v16 =	vld [tilespmem:s13+$0x20];
	[tilespmem:s29+$0x320] =	vst v0  }
0x12f: {  	v0 =	vmax.f32 v1, $0.0e+00;
	v1 =	vadd.f32 v6, v15;
	v6 =	vld [tilespmem:s12+$0x8020]  }
0x130: {  	v15 =	vld [tilespmem:s13+$0x30];
	[tilespmem:s29+$0x330] =	vst v0;
	v0 =	vadd.f32 v7, v8  }
0x131: {  	v5 =	vadd.f32 v5, v13;
	v1 =	vmax.f32 v1, $0.0e+00;
	v7 =	vld [tilespmem:s12+$0x8030]  }
0x132: {  	v8 =	vld [tilespmem:s13+$0x40];
	[tilespmem:s29+$0x340] =	vst v1;
	v13 =	vmax.f32 v0, $0.0e+00;
	v0 =	vadd.f32 v11, v14  }
0x133: {  	v4 =	vadd.f32 v4, v12;
	v1 =	vmax.f32 v5, $0.0e+00;
	v5 =	vld [tilespmem:s12+$0x8040]  }
0x134: {  	v11 =	vld [tilespmem:s13+$0x50];
	[tilespmem:s29+$0x350] =	vst v1;
	v12 =	vmax.f32 v0, $0.0e+00;
	v0 =	vadd.f32 v6, v16  }
0x135: {  	v1 =	vmax.f32 v4, $0.0e+00;
	v4 =	vadd.f32 v9, v10;
	v6 =	vld [tilespmem:s12+$0x8050]  }
0x136: {  	v9 =	vld [tilespmem:s13+$0x60];
	[tilespmem:s29+$0x360] =	vst v1;
	v0 =	vmax.f32 v0, $0.0e+00;
	v1 =	vadd.f32 v7, v15  }
0x137: {  	v4 =	vmax.f32 v4, $0.0e+00;
	v7 =	vld [tilespmem:s12+$0x8060]  }
0x138: {  	v10 =	vld [tilespmem:s13+$0x70];
	[tilespmem:s29+$0x370] =	vst v4;
	v1 =	vmax.f32 v1, $0.0e+00;
	v4 =	vadd.f32 v5, v8  }
0x139: {  	s13 =	sshra.s32 s2, $0x2;
	v5 =	vld [tilespmem:s12+$0x8070];
	[tilespmem:s29+$0x3B0] =	vst v1  }
0x13a: {  	v1 =	vld.idx.msk [tilespmem:v2+s13+$0x0 ss:$0x1], $0xffff;
	v4 =	vmax.f32 v4, $0.0e+00;
	v6 =	vadd.f32 v6, v11;
	[tilespmem:s29+$0x3A0] =	vst v0  }
0x13b: {  	[tilespmem:s29+$0x3C0] =	vst v4  }
0x13c: {  	v0 =	vld.idx.msk [tilespmem:v3+s13+$0x0 ss:$0x1], $0xffff;
	v4 =	vmax.f32 v6, $0.0e+00;
	v6 =	vadd.f32 v7, v9;
	[tilespmem:s29+$0x390] =	vst v12  }
0x13d: {  	[tilespmem:s29+$0x3D0] =	vst v4  }
0x13e: {  	v4 =	vmax.f32 v6, $0.0e+00;
	v5 =	vadd.f32 v5, v10;
	[tilespmem:s29+$0x380] =	vst v13  }
0x13f: {  	[tilespmem:s29+$0x3E0] =	vst v4  }
0x140: {  	(v2sf) =	vpush v1, $0x1;
	v4 =	vmax.f32 v5, $0.0e+00  }
0x141: {  	(v2sf) =	vpush v1, $0x0;
	[tilespmem:s29+$0x3F0] =	vst v4  }
0x142: {  	(v2sf) =	vpush v0, $0x0;
	_ =	sdelay $0xc  }
0x143: {  	s12 =	spop (v2sf)  }
0x144: {  	v4 =	vld [tilespmem:s12+$0x0];
	s13 =	spop (v2sf)  }
0x145: {  	v5 =	vld [tilespmem:s13+$0x70];
	s14 =	spop (v2sf);
	(v2sf) =	vpush v0, $0x1  }
0x146: {  	v6 =	vld [tilespmem:s14+$0x8070]  }
0x147: {  	v7 =	vld [tilespmem:s13+$0x60]  }
0x148: {  	v8 =	vld [tilespmem:s14+$0x8060]  }
0x149: {  	v9 =	vld [tilespmem:s13+$0x50]  }
0x14a: {  	v10 =	vld [tilespmem:s14+$0x8050]  }
0x14b: {  	v11 =	vld [tilespmem:s13+$0x0]  }
0x14c: {  	v12 =	vld [tilespmem:s14+$0x8000]  }
0x14d: {  	v13 =	vld [tilespmem:s13+$0x10]  }
0x14e: {  	v14 =	vld [tilespmem:s14+$0x8010]  }
0x14f: {  	v15 =	vld [tilespmem:s13+$0x20]  }
0x150: {  	v16 =	vld [tilespmem:s14+$0x8020]  }
0x151: {  	v17 =	vld [tilespmem:s13+$0x30];
	v11 =	vadd.f32 v12, v11  }
0x152: {  	v12 =	vld [tilespmem:s14+$0x8030]  }
0x153: {  	s29 =	sadd.s32 $0x800, s29;
	v18 =	vld [tilespmem:s13+$0x40];
	v11 =	vmax.f32 v11, $0.0e+00;
	v13 =	vadd.f32 v14, v13;
	(v2sf) =	vpush v1, $0x2  }
0x154: {  	v14 =	vld [tilespmem:s14+$0x8040];
	[tilespmem:s29+$0xFFFFFC00] =	vst v11;
	s13 =	spop (v2sf)  }
0x155: {  	v11 =	vmax.f32 v13, $0.0e+00;
	v13 =	vadd.f32 v16, v15;
	v15 =	vld [tilespmem:s13+$0x8000];
	(v2sf) =	vpush v0, $0x2  }
0x156: {  	v16 =	vld [tilespmem:s12+$0x10];
	[tilespmem:s29+$0xFFFFFC10] =	vst v11  }
0x157: {  	v11 =	vmax.f32 v13, $0.0e+00;
	v12 =	vadd.f32 v12, v17;
	v13 =	vld [tilespmem:s13+$0x8010]  }
0x158: {  	v17 =	vld [tilespmem:s12+$0x20];
	[tilespmem:s29+$0xFFFFFC20] =	vst v11  }
0x159: {  	v11 =	vmax.f32 v12, $0.0e+00;
	v12 =	vadd.f32 v14, v18;
	v14 =	vld [tilespmem:s13+$0x8020]  }
0x15a: {  	v18 =	vld [tilespmem:s12+$0x30];
	[tilespmem:s29+$0xFFFFFC30] =	vst v11  }
0x15b: {  	v9 =	vadd.f32 v10, v9;
	v11 =	vmax.f32 v12, $0.0e+00;
	v10 =	vld [tilespmem:s13+$0x8030]  }
0x15c: {  	v12 =	vld [tilespmem:s12+$0x40];
	[tilespmem:s29+$0xFFFFFC40] =	vst v11  }
0x15d: {  	v7 =	vadd.f32 v8, v7;
	v9 =	vmax.f32 v9, $0.0e+00;
	v8 =	vld [tilespmem:s13+$0x8040]  }
0x15e: {  	v11 =	vld [tilespmem:s12+$0x50];
	[tilespmem:s29+$0xFFFFFC50] =	vst v9  }
0x15f: {  	v5 =	vadd.f32 v6, v5;
	v7 =	vmax.f32 v7, $0.0e+00;
	v6 =	vld [tilespmem:s13+$0x8050]  }
0x160: {  	v9 =	vld [tilespmem:s12+$0x60];
	[tilespmem:s29+$0xFFFFFC60] =	vst v7  }
0x161: {  	v5 =	vmax.f32 v5, $0.0e+00;
	v4 =	vadd.f32 v15, v4;
	v7 =	vld [tilespmem:s13+$0x8060]  }
0x162: {  	v15 =	vld [tilespmem:s12+$0x70];
	[tilespmem:s29+$0xFFFFFC70] =	vst v5;
	s12 =	spop (v2sf)  }
0x163: {  	v4 =	vmax.f32 v4, $0.0e+00;
	v5 =	vadd.f32 v13, v16;
	v13 =	vld [tilespmem:s12+$0x0];
	(v2sf) =	vpush v1, $0x3  }
0x164: {  	v16 =	vld [tilespmem:s13+$0x8070];
	[tilespmem:s29+$0xFFFFFC80] =	vst v4;
	s13 =	spop (v2sf)  }
0x165: {  	v4 =	vmax.f32 v5, $0.0e+00;
	v5 =	vadd.f32 v14, v17;
	v14 =	vld [tilespmem:s13+$0x8000];
	(v2sf) =	vpush v0, $0x3  }
0x166: {  	v17 =	vld [tilespmem:s12+$0x10];
	[tilespmem:s29+$0xFFFFFC90] =	vst v4  }
0x167: {  	v4 =	vmax.f32 v5, $0.0e+00;
	v5 =	vadd.f32 v10, v18;
	v10 =	vld [tilespmem:s13+$0x8010]  }
0x168: {  	v18 =	vld [tilespmem:s12+$0x20];
	[tilespmem:s29+$0xFFFFFCA0] =	vst v4  }
0x169: {  	v4 =	vmax.f32 v5, $0.0e+00;
	v5 =	vadd.f32 v8, v12;
	v8 =	vld [tilespmem:s13+$0x8020]  }
0x16a: {  	v12 =	vld [tilespmem:s12+$0x30];
	[tilespmem:s29+$0xFFFFFCB0] =	vst v4  }
0x16b: {  	v4 =	vmax.f32 v5, $0.0e+00;
	v5 =	vadd.f32 v6, v11;
	v6 =	vld [tilespmem:s13+$0x8030]  }
0x16c: {  	v11 =	vld [tilespmem:s12+$0x40];
	[tilespmem:s29+$0xFFFFFCC0] =	vst v4  }
0x16d: {  	v4 =	vmax.f32 v5, $0.0e+00;
	v5 =	vadd.f32 v7, v9;
	v7 =	vld [tilespmem:s13+$0x8040]  }
0x16e: {  	v9 =	vld [tilespmem:s12+$0x50];
	[tilespmem:s29+$0xFFFFFCD0] =	vst v4  }
0x16f: {  	v4 =	vmax.f32 v5, $0.0e+00;
	v5 =	vadd.f32 v16, v15;
	v15 =	vld [tilespmem:s13+$0x8050]  }
0x170: {  	v16 =	vld [tilespmem:s12+$0x60];
	[tilespmem:s29+$0xFFFFFCE0] =	vst v4  }
0x171: {  	v13 =	vadd.f32 v14, v13;
	v4 =	vmax.f32 v5, $0.0e+00;
	v5 =	vld [tilespmem:s13+$0x8060]  }
0x172: {  	v14 =	vld [tilespmem:s12+$0x70];
	[tilespmem:s29+$0xFFFFFCF0] =	vst v4;
	s12 =	spop (v2sf)  }
0x173: {  	v10 =	vadd.f32 v10, v17;
	v4 =	vmax.f32 v13, $0.0e+00;
	v13 =	vld [tilespmem:s12+$0x0];
	(v2sf) =	vpush v1, $0x4  }
0x174: {  	v17 =	vld [tilespmem:s13+$0x8070];
	[tilespmem:s29+$0xFFFFFD00] =	vst v4;
	s13 =	spop (v2sf)  }
0x175: {  	v8 =	vadd.f32 v8, v18;
	v4 =	vmax.f32 v10, $0.0e+00;
	v10 =	vld [tilespmem:s13+$0x8000];
	(v2sf) =	vpush v0, $0x4  }
0x176: {  	v18 =	vld [tilespmem:s12+$0x10];
	[tilespmem:s29+$0xFFFFFD10] =	vst v4  }
0x177: {  	v6 =	vadd.f32 v6, v12;
	v4 =	vmax.f32 v8, $0.0e+00;
	v8 =	vld [tilespmem:s13+$0x8010]  }
0x178: {  	v12 =	vld [tilespmem:s12+$0x20];
	[tilespmem:s29+$0xFFFFFD20] =	vst v4  }
0x179: {  	v4 =	vmax.f32 v6, $0.0e+00;
	v6 =	vadd.f32 v7, v11;
	v7 =	vld [tilespmem:s13+$0x8020]  }
0x17a: {  	v11 =	vld [tilespmem:s12+$0x30];
	[tilespmem:s29+$0xFFFFFD30] =	vst v4  }
0x17b: {  	v4 =	vmax.f32 v6, $0.0e+00;
	v6 =	vadd.f32 v15, v9;
	v9 =	vld [tilespmem:s13+$0x8030]  }
0x17c: {  	v15 =	vld [tilespmem:s12+$0x40];
	[tilespmem:s29+$0xFFFFFD40] =	vst v4  }
0x17d: {  	v5 =	vadd.f32 v5, v16;
	v4 =	vmax.f32 v6, $0.0e+00;
	v6 =	vld [tilespmem:s13+$0x8040]  }
0x17e: {  	v16 =	vld [tilespmem:s12+$0x50];
	[tilespmem:s29+$0xFFFFFD50] =	vst v4  }
0x17f: {  	v4 =	vmax.f32 v5, $0.0e+00;
	v5 =	vadd.f32 v17, v14;
	v14 =	vld [tilespmem:s13+$0x8050]  }
0x180: {  	v17 =	vld [tilespmem:s12+$0x60];
	[tilespmem:s29+$0xFFFFFD60] =	vst v4  }
0x181: {  	v10 =	vadd.f32 v10, v13;
	v4 =	vmax.f32 v5, $0.0e+00;
	v5 =	vld [tilespmem:s13+$0x8060]  }
0x182: {  	v13 =	vld [tilespmem:s12+$0x70];
	[tilespmem:s29+$0xFFFFFD70] =	vst v4;
	s12 =	spop (v2sf)  }
0x183: {  	v8 =	vadd.f32 v8, v18;
	v4 =	vmax.f32 v10, $0.0e+00;
	v10 =	vld [tilespmem:s12+$0x0];
	(v2sf) =	vpush v1, $0x5  }
0x184: {  	v18 =	vld [tilespmem:s13+$0x8070];
	[tilespmem:s29+$0xFFFFFD80] =	vst v4;
	s14 =	spop (v2sf)  }
0x185: {  	v7 =	vadd.f32 v7, v12;
	v4 =	vmax.f32 v8, $0.0e+00;
	v8 =	vld [tilespmem:s14+$0x8000];
	(v2sf) =	vpush v0, $0x5  }
0x186: {  	v12 =	vld [tilespmem:s12+$0x10];
	[tilespmem:s29+$0xFFFFFD90] =	vst v4  }
0x187: {  	v4 =	vmax.f32 v7, $0.0e+00;
	v7 =	vadd.f32 v9, v11;
	v9 =	vld [tilespmem:s14+$0x8010]  }
0x188: {  	v11 =	vld [tilespmem:s12+$0x20];
	[tilespmem:s29+$0xFFFFFDA0] =	vst v4  }
0x189: {  	v6 =	vadd.f32 v6, v15;
	v4 =	vmax.f32 v7, $0.0e+00;
	v15 =	vld [tilespmem:s14+$0x8020]  }
0x18a: {  	v19 =	vld [tilespmem:s12+$0x30];
	[tilespmem:s29+$0xFFFFFDB0] =	vst v4  }
0x18b: {  	v4 =	vmax.f32 v6, $0.0e+00;
	v6 =	vadd.f32 v14, v16;
	v20 =	vld [tilespmem:s14+$0x8030]  }
0x18c: {  	v21 =	vld [tilespmem:s12+$0x40];
	[tilespmem:s29+$0xFFFFFDC0] =	vst v4  }
0x18d: {  	v5 =	vadd.f32 v5, v17;
	v4 =	vmax.f32 v6, $0.0e+00;
	v6 =	vld [tilespmem:s14+$0x8040]  }
0x18e: {  	v17 =	vld [tilespmem:s12+$0x50];
	[tilespmem:s29+$0xFFFFFDD0] =	vst v4  }
0x18f: {  	v4 =	vmax.f32 v5, $0.0e+00;
	v5 =	vadd.f32 v18, v13;
	v13 =	vld [tilespmem:s14+$0x8050]  }
0x190: {  	v18 =	vld [tilespmem:s12+$0x60];
	[tilespmem:s29+$0xFFFFFDE0] =	vst v4  }
0x191: {  	v4 =	vmax.f32 v5, $0.0e+00;
	v5 =	vadd.f32 v8, v10;
	v22 =	vld [tilespmem:s14+$0x8060]  }
0x192: {  	v7 =	vld [tilespmem:s12+$0x70];
	[tilespmem:s29+$0xFFFFFDF0] =	vst v4;
	s13 =	spop (v2sf)  }
0x193: {  	v8 =	vadd.f32 v9, v12;
	v5 =	vmax.f32 v5, $0.0e+00;
	v4 =	vld [tilespmem:s13+$0x0];
	(v2sf) =	vpush v1, $0x6  }
0x194: {  	v16 =	vld [tilespmem:s14+$0x8070];
	[tilespmem:s29+$0xFFFFFE00] =	vst v5;
	s12 =	spop (v2sf)  }
0x195: {  	v5 =	vmax.f32 v8, $0.0e+00;
	v8 =	vadd.f32 v15, v11;
	v14 =	vld [tilespmem:s12+$0x8000];
	(v2sf) =	vpush v0, $0x6  }
0x196: {  	v9 =	vld [tilespmem:s13+$0x10];
	[tilespmem:s29+$0xFFFFFE10] =	vst v5  }
0x197: {  	v10 =	vadd.f32 v20, v19;
	v5 =	vmax.f32 v8, $0.0e+00;
	v15 =	vld [tilespmem:s12+$0x8010]  }
0x198: {  	v8 =	vld [tilespmem:s13+$0x20];
	[tilespmem:s29+$0xFFFFFE20] =	vst v5  }
0x199: {  	v5 =	vmax.f32 v10, $0.0e+00;
	v10 =	vadd.f32 v6, v21;
	v12 =	vld [tilespmem:s12+$0x8020]  }
.Ltmp0:
0x19a: {  	v6 =	vld [tilespmem:s13+$0x30];
	[tilespmem:s29+$0xFFFFFE30] =	vst v5;
	(pc) =	sbr.rel @p1 .LBB2_3-.Ltmp0, $4  }
0x19b: {  	v13 =	vadd.f32 v13, v17;
	v10 =	vmax.f32 v10, $0.0e+00;
	v11 =	vld [tilespmem:s12+$0x8030]  }
0x19c: {  	v5 =	vld [tilespmem:s13+$0x40];
	[tilespmem:s29+$0xFFFFFE40] =	vst v10  }
0x19d: {  	v19 =	vmax.f32 v13, $0.0e+00;
	v17 =	vadd.f32 v22, v18;
	v13 =	vld [tilespmem:s12+$0x8040]  }
0x19e: {  	s2 =	sadd.s32 $0x40, s2;
	v10 =	vld [tilespmem:s13+$0x50];
	[tilespmem:s29+$0xFFFFFE50] =	vst v19  }
0x19f: {  	v2 =	vld [tilespmem:s12+$0x8050];
	v3 =	vmax.f32 v17, $0.0e+00;
	v7 =	vadd.f32 v16, v7  }
0x1a0: {  	v58 =	vld [tilespmem:s13+$0x60];
	[tilespmem:s29+$0xFFFFFE60] =	vst v3  }
0x1a1: {  	v4 =	vadd.f32 v14, v4;
	v3 =	vld [tilespmem:s12+$0x8060];
	v7 =	vmax.f32 v7, $0.0e+00  }
0x1a2: {  	v59 =	vld [tilespmem:s13+$0x70];
	[tilespmem:s29+$0xFFFFFE70] =	vst v7;
	s2 =	spop (v2sf)  }
0x1a3: {  	v9 =	vadd.f32 v15, v9;
	v4 =	vmax.f32 v4, $0.0e+00;
	v7 =	vld [tilespmem:s2+$0x0]  }
0x1a4: {  	(v2sf) =	vpush v1, $0x7;
	v60 =	vld [tilespmem:s12+$0x8070];
	[tilespmem:s29+$0xFFFFFE80] =	vst v4  }
0x1a5: {  	v8 =	vadd.f32 v12, v8;
	v9 =	vmax.f32 v9, $0.0e+00;
	s14 =	spop (v2sf);
	v61 =	vld [tilespmem:s2+$0x10]  }
0x1a6: {  	(v2sf) =	vpush v0, $0x7;
	v4 =	vld [tilespmem:s14+$0x8000];
	[tilespmem:s29+$0xFFFFFE90] =	vst v9  }
0x1a7: {  	v6 =	vadd.f32 v11, v6;
	v8 =	vmax.f32 v8, $0.0e+00;
	v9 =	vld [tilespmem:s14+$0x8010]  }
0x1a8: {  	v62 =	vld [tilespmem:s2+$0x20];
	[tilespmem:s29+$0xFFFFFEA0] =	vst v8  }
0x1a9: {  	v6 =	vmax.f32 v6, $0.0e+00;
	v5 =	vadd.f32 v13, v5;
	v8 =	vld [tilespmem:s14+$0x8020]  }
0x1aa: {  	v63 =	vld [tilespmem:s2+$0x30];
	[tilespmem:s29+$0xFFFFFEB0] =	vst v6  }
0x1ab: {  	v5 =	vmax.f32 v5, $0.0e+00;
	v2 =	vadd.f32 v2, v10;
	v6 =	vld [tilespmem:s14+$0x8030]  }
0x1ac: {  	v20 =	vld [tilespmem:s2+$0x40];
	[tilespmem:s29+$0xFFFFFEC0] =	vst v5  }
0x1ad: {  	v2 =	vmax.f32 v2, $0.0e+00;
	v3 =	vadd.f32 v3, v58;
	v5 =	vld [tilespmem:s14+$0x8040]  }
0x1ae: {  	v21 =	vld [tilespmem:s2+$0x50];
	[tilespmem:s29+$0xFFFFFED0] =	vst v2  }
0x1af: {  	v3 =	vmax.f32 v3, $0.0e+00;
	v14 =	vadd.f32 v60, v59;
	v2 =	vld [tilespmem:s14+$0x8050]  }
0x1b0: {  	v22 =	vld [tilespmem:s2+$0x60];
	[tilespmem:s29+$0xFFFFFEE0] =	vst v3  }
0x1b1: {  	v14 =	vmax.f32 v14, $0.0e+00;
	v4 =	vadd.f32 v4, v7;
	v3 =	vld [tilespmem:s14+$0x8060]  }
0x1b2: {  	v23 =	vld [tilespmem:s2+$0x70];
	[tilespmem:s29+$0xFFFFFEF0] =	vst v14  }
0x1b3: {  	v9 =	vadd.f32 v9, v61;
	v4 =	vmax.f32 v4, $0.0e+00;
	v14 =	vld [tilespmem:s14+$0x8070];
	s13 =	spop (v2sf)  }
0x1b4: {  	(v2sf) =	vpush v1, $0x8;
	v24 =	vld [tilespmem:s13+$0x0];
	[tilespmem:s29+$0xFFFFFF00] =	vst v4  }
0x1b5: {  	v8 =	vadd.f32 v8, v62;
	v9 =	vmax.f32 v9, $0.0e+00;
	s14 =	spop (v2sf);
	v25 =	vld [tilespmem:s13+$0x10]  }
0x1b6: {  	(v2sf) =	vpush v0, $0x8;
	v4 =	vld [tilespmem:s14+$0x8000];
	[tilespmem:s29+$0xFFFFFF10] =	vst v9  }
0x1b7: {  	v6 =	vadd.f32 v6, v63;
	v8 =	vmax.f32 v8, $0.0e+00;
	v9 =	vld [tilespmem:s14+$0x8010]  }
0x1b8: {  	v26 =	vld [tilespmem:s13+$0x20];
	[tilespmem:s29+$0xFFFFFF20] =	vst v8  }
0x1b9: {  	v5 =	vadd.f32 v5, v20;
	v6 =	vmax.f32 v6, $0.0e+00;
	v8 =	vld [tilespmem:s14+$0x8020]  }
0x1ba: {  	v27 =	vld [tilespmem:s13+$0x30];
	[tilespmem:s29+$0xFFFFFF30] =	vst v6  }
0x1bb: {  	v2 =	vadd.f32 v2, v21;
	v5 =	vmax.f32 v5, $0.0e+00;
	v6 =	vld [tilespmem:s14+$0x8030]  }
0x1bc: {  	v28 =	vld [tilespmem:s13+$0x40];
	[tilespmem:s29+$0xFFFFFF40] =	vst v5  }
0x1bd: {  	v3 =	vadd.f32 v3, v22;
	v2 =	vmax.f32 v2, $0.0e+00;
	v5 =	vld [tilespmem:s14+$0x8040]  }
0x1be: {  	v29 =	vld [tilespmem:s13+$0x50];
	[tilespmem:s29+$0xFFFFFF50] =	vst v2  }
0x1bf: {  	v14 =	vadd.f32 v14, v23;
	v3 =	vmax.f32 v3, $0.0e+00;
	v2 =	vld [tilespmem:s14+$0x8050]  }
0x1c0: {  	v30 =	vld [tilespmem:s13+$0x60];
	[tilespmem:s29+$0xFFFFFF60] =	vst v3  }
0x1c1: {  	v14 =	vmax.f32 v14, $0.0e+00;
	v4 =	vadd.f32 v4, v24;
	v3 =	vld [tilespmem:s14+$0x8060]  }
0x1c2: {  	v31 =	vld [tilespmem:s13+$0x70];
	[tilespmem:s29+$0xFFFFFF70] =	vst v14  }
0x1c3: {  	v9 =	vadd.f32 v9, v25;
	v4 =	vmax.f32 v4, $0.0e+00;
	v14 =	vld [tilespmem:s14+$0x8070];
	s13 =	spop (v2sf)  }
0x1c4: {  	(v2sf) =	vpush v1, $0x9;
	v32 =	vld [tilespmem:s13+$0x0];
	[tilespmem:s29+$0xFFFFFF80] =	vst v4  }
0x1c5: {  	v8 =	vadd.f32 v8, v26;
	v9 =	vmax.f32 v9, $0.0e+00;
	s14 =	spop (v2sf);
	v33 =	vld [tilespmem:s13+$0x10]  }
0x1c6: {  	(v2sf) =	vpush v0, $0x9;
	v4 =	vld [tilespmem:s14+$0x8000];
	[tilespmem:s29+$0xFFFFFF90] =	vst v9  }
0x1c7: {  	v6 =	vadd.f32 v6, v27;
	v8 =	vmax.f32 v8, $0.0e+00;
	v9 =	vld [tilespmem:s14+$0x8010]  }
0x1c8: {  	v34 =	vld [tilespmem:s13+$0x20];
	[tilespmem:s29+$0xFFFFFFA0] =	vst v8  }
0x1c9: {  	v5 =	vadd.f32 v5, v28;
	v6 =	vmax.f32 v6, $0.0e+00;
	v8 =	vld [tilespmem:s14+$0x8020]  }
0x1ca: {  	v35 =	vld [tilespmem:s13+$0x30];
	[tilespmem:s29+$0xFFFFFFB0] =	vst v6  }
0x1cb: {  	v2 =	vadd.f32 v2, v29;
	v5 =	vmax.f32 v5, $0.0e+00;
	v6 =	vld [tilespmem:s14+$0x8030]  }
0x1cc: {  	v36 =	vld [tilespmem:s13+$0x40];
	[tilespmem:s29+$0xFFFFFFC0] =	vst v5  }
0x1cd: {  	v3 =	vadd.f32 v3, v30;
	v2 =	vmax.f32 v2, $0.0e+00;
	v5 =	vld [tilespmem:s14+$0x8040]  }
0x1ce: {  	v37 =	vld [tilespmem:s13+$0x50];
	[tilespmem:s29+$0xFFFFFFD0] =	vst v2  }
0x1cf: {  	v14 =	vadd.f32 v14, v31;
	v3 =	vmax.f32 v3, $0.0e+00;
	v2 =	vld [tilespmem:s14+$0x8050]  }
0x1d0: {  	v38 =	vld [tilespmem:s13+$0x60];
	[tilespmem:s29+$0xFFFFFFE0] =	vst v3  }
0x1d1: {  	v14 =	vmax.f32 v14, $0.0e+00;
	v4 =	vadd.f32 v4, v32;
	v3 =	vld [tilespmem:s14+$0x8060]  }
0x1d2: {  	v39 =	vld [tilespmem:s13+$0x70];
	[tilespmem:s29+$0xFFFFFFF0] =	vst v14  }
0x1d3: {  	v9 =	vadd.f32 v9, v33;
	v4 =	vmax.f32 v4, $0.0e+00;
	v14 =	vld [tilespmem:s14+$0x8070];
	s13 =	spop (v2sf)  }
0x1d4: {  	(v2sf) =	vpush v1, $0xA;
	v40 =	vld [tilespmem:s13+$0x0];
	[tilespmem:s29+$0x0] =	vst v4  }
0x1d5: {  	v8 =	vadd.f32 v8, v34;
	v9 =	vmax.f32 v9, $0.0e+00;
	s14 =	spop (v2sf);
	v41 =	vld [tilespmem:s13+$0x10]  }
0x1d6: {  	(v2sf) =	vpush v0, $0xA;
	v4 =	vld [tilespmem:s14+$0x8000];
	[tilespmem:s29+$0x10] =	vst v9  }
0x1d7: {  	v6 =	vadd.f32 v6, v35;
	v8 =	vmax.f32 v8, $0.0e+00;
	v9 =	vld [tilespmem:s14+$0x8010]  }
0x1d8: {  	v42 =	vld [tilespmem:s13+$0x20];
	[tilespmem:s29+$0x20] =	vst v8  }
0x1d9: {  	v5 =	vadd.f32 v5, v36;
	v6 =	vmax.f32 v6, $0.0e+00;
	v8 =	vld [tilespmem:s14+$0x8020]  }
0x1da: {  	v43 =	vld [tilespmem:s13+$0x30];
	[tilespmem:s29+$0x30] =	vst v6  }
0x1db: {  	v2 =	vadd.f32 v2, v37;
	v5 =	vmax.f32 v5, $0.0e+00;
	v6 =	vld [tilespmem:s14+$0x8030]  }
0x1dc: {  	v44 =	vld [tilespmem:s13+$0x40];
	[tilespmem:s29+$0x40] =	vst v5  }
0x1dd: {  	v3 =	vadd.f32 v3, v38;
	v2 =	vmax.f32 v2, $0.0e+00;
	v5 =	vld [tilespmem:s14+$0x8040]  }
0x1de: {  	v45 =	vld [tilespmem:s13+$0x50];
	[tilespmem:s29+$0x50] =	vst v2  }
0x1df: {  	v14 =	vadd.f32 v14, v39;
	v3 =	vmax.f32 v3, $0.0e+00;
	v2 =	vld [tilespmem:s14+$0x8050]  }
0x1e0: {  	v46 =	vld [tilespmem:s13+$0x60];
	[tilespmem:s29+$0x60] =	vst v3  }
0x1e1: {  	v14 =	vmax.f32 v14, $0.0e+00;
	v4 =	vadd.f32 v4, v40;
	v3 =	vld [tilespmem:s14+$0x8060]  }
0x1e2: {  	v47 =	vld [tilespmem:s13+$0x70];
	[tilespmem:s29+$0x70] =	vst v14  }
0x1e3: {  	v9 =	vadd.f32 v9, v41;
	v4 =	vmax.f32 v4, $0.0e+00;
	v14 =	vld [tilespmem:s14+$0x8070];
	s13 =	spop (v2sf)  }
0x1e4: {  	(v2sf) =	vpush v1, $0xB;
	v48 =	vld [tilespmem:s13+$0x0];
	[tilespmem:s29+$0x80] =	vst v4  }
0x1e5: {  	v8 =	vadd.f32 v8, v42;
	v9 =	vmax.f32 v9, $0.0e+00;
	s14 =	spop (v2sf);
	v49 =	vld [tilespmem:s13+$0x10]  }
0x1e6: {  	(v2sf) =	vpush v0, $0xB;
	v4 =	vld [tilespmem:s14+$0x8000];
	[tilespmem:s29+$0x90] =	vst v9  }
0x1e7: {  	v6 =	vadd.f32 v6, v43;
	v8 =	vmax.f32 v8, $0.0e+00;
	v9 =	vld [tilespmem:s14+$0x8010]  }
0x1e8: {  	v50 =	vld [tilespmem:s13+$0x20];
	[tilespmem:s29+$0xA0] =	vst v8  }
0x1e9: {  	v5 =	vadd.f32 v5, v44;
	v6 =	vmax.f32 v6, $0.0e+00;
	v8 =	vld [tilespmem:s14+$0x8020]  }
0x1ea: {  	v51 =	vld [tilespmem:s13+$0x30];
	[tilespmem:s29+$0xB0] =	vst v6  }
0x1eb: {  	v2 =	vadd.f32 v2, v45;
	v5 =	vmax.f32 v5, $0.0e+00;
	v6 =	vld [tilespmem:s14+$0x8030]  }
0x1ec: {  	v52 =	vld [tilespmem:s13+$0x40];
	[tilespmem:s29+$0xC0] =	vst v5  }
0x1ed: {  	v3 =	vadd.f32 v3, v46;
	v2 =	vmax.f32 v2, $0.0e+00;
	v5 =	vld [tilespmem:s14+$0x8040]  }
0x1ee: {  	v53 =	vld [tilespmem:s13+$0x50];
	[tilespmem:s29+$0xD0] =	vst v2  }
0x1ef: {  	v14 =	vadd.f32 v14, v47;
	v3 =	vmax.f32 v3, $0.0e+00;
	v2 =	vld [tilespmem:s14+$0x8050]  }
0x1f0: {  	v54 =	vld [tilespmem:s13+$0x60];
	[tilespmem:s29+$0xE0] =	vst v3  }
0x1f1: {  	v14 =	vmax.f32 v14, $0.0e+00;
	v4 =	vadd.f32 v4, v48;
	v3 =	vld [tilespmem:s14+$0x8060]  }
0x1f2: {  	v55 =	vld [tilespmem:s13+$0x70];
	[tilespmem:s29+$0xF0] =	vst v14  }
0x1f3: {  	v9 =	vadd.f32 v9, v49;
	v4 =	vmax.f32 v4, $0.0e+00;
	v14 =	vld [tilespmem:s14+$0x8070];
	s13 =	spop (v2sf)  }
0x1f4: {  	(v2sf) =	vpush v1, $0xC;
	v56 =	vld [tilespmem:s13+$0x0];
	[tilespmem:s29+$0x100] =	vst v4  }
0x1f5: {  	v8 =	vadd.f32 v8, v50;
	v9 =	vmax.f32 v9, $0.0e+00;
	s14 =	spop (v2sf);
	v57 =	vld [tilespmem:s13+$0x10]  }
0x1f6: {  	(v2sf) =	vpush v0, $0xC;
	v4 =	vld [tilespmem:s14+$0x8000];
	[tilespmem:s29+$0x110] =	vst v9  }
0x1f7: {  	v6 =	vadd.f32 v6, v51;
	v8 =	vmax.f32 v8, $0.0e+00;
	v9 =	vld [tilespmem:s14+$0x8010]  }
0x1f8: {  	v58 =	vld [tilespmem:s13+$0x20];
	[tilespmem:s29+$0x120] =	vst v8  }
0x1f9: {  	v5 =	vadd.f32 v5, v52;
	v6 =	vmax.f32 v6, $0.0e+00;
	v8 =	vld [tilespmem:s14+$0x8020]  }
0x1fa: {  	v59 =	vld [tilespmem:s13+$0x30];
	[tilespmem:s29+$0x130] =	vst v6  }
0x1fb: {  	v2 =	vadd.f32 v2, v53;
	v5 =	vmax.f32 v5, $0.0e+00;
	v6 =	vld [tilespmem:s14+$0x8030]  }
0x1fc: {  	v60 =	vld [tilespmem:s13+$0x40];
	[tilespmem:s29+$0x140] =	vst v5  }
0x1fd: {  	v3 =	vadd.f32 v3, v54;
	v2 =	vmax.f32 v2, $0.0e+00;
	v5 =	vld [tilespmem:s14+$0x8040]  }
0x1fe: {  	v61 =	vld [tilespmem:s13+$0x50];
	[tilespmem:s29+$0x150] =	vst v2  }
0x1ff: {  	v14 =	vadd.f32 v14, v55;
	v3 =	vmax.f32 v3, $0.0e+00;
	v2 =	vld [tilespmem:s14+$0x8050]  }
0x200: {  	v62 =	vld [tilespmem:s13+$0x60];
	[tilespmem:s29+$0x160] =	vst v3  }
0x201: {  	v14 =	vmax.f32 v14, $0.0e+00;
	v4 =	vadd.f32 v4, v56;
	v3 =	vld [tilespmem:s14+$0x8060]  }
0x202: {  	v63 =	vld [tilespmem:s13+$0x70];
	[tilespmem:s29+$0x170] =	vst v14  }
0x203: {  	v9 =	vadd.f32 v9, v57;
	v4 =	vmax.f32 v4, $0.0e+00;
	v14 =	vld [tilespmem:s14+$0x8070];
	s13 =	spop (v2sf)  }
0x204: {  	(v2sf) =	vpush v1, $0xD;
	v20 =	vld [tilespmem:s13+$0x0];
	[tilespmem:s29+$0x180] =	vst v4  }
0x205: {  	v8 =	vadd.f32 v8, v58;
	v9 =	vmax.f32 v9, $0.0e+00;
	s14 =	spop (v2sf);
	v21 =	vld [tilespmem:s13+$0x10]  }
0x206: {  	(v2sf) =	vpush v0, $0xD;
	v4 =	vld [tilespmem:s14+$0x8000];
	[tilespmem:s29+$0x190] =	vst v9  }
0x207: {  	v6 =	vadd.f32 v6, v59;
	v8 =	vmax.f32 v8, $0.0e+00;
	v9 =	vld [tilespmem:s14+$0x8010]  }
0x208: {  	v22 =	vld [tilespmem:s13+$0x20];
	[tilespmem:s29+$0x1A0] =	vst v8  }
0x209: {  	v5 =	vadd.f32 v5, v60;
	v6 =	vmax.f32 v6, $0.0e+00;
	v8 =	vld [tilespmem:s14+$0x8020]  }
0x20a: {  	v23 =	vld [tilespmem:s13+$0x30];
	[tilespmem:s29+$0x1B0] =	vst v6  }
0x20b: {  	v2 =	vadd.f32 v2, v61;
	v5 =	vmax.f32 v5, $0.0e+00;
	v6 =	vld [tilespmem:s14+$0x8030]  }
0x20c: {  	v24 =	vld [tilespmem:s13+$0x40];
	[tilespmem:s29+$0x1C0] =	vst v5  }
0x20d: {  	v3 =	vadd.f32 v3, v62;
	v2 =	vmax.f32 v2, $0.0e+00;
	v5 =	vld [tilespmem:s14+$0x8040]  }
0x20e: {  	v25 =	vld [tilespmem:s13+$0x50];
	[tilespmem:s29+$0x1D0] =	vst v2  }
0x20f: {  	v14 =	vadd.f32 v14, v63;
	v3 =	vmax.f32 v3, $0.0e+00;
	v2 =	vld [tilespmem:s14+$0x8050]  }
0x210: {  	v26 =	vld [tilespmem:s13+$0x60];
	[tilespmem:s29+$0x1E0] =	vst v3  }
0x211: {  	v14 =	vmax.f32 v14, $0.0e+00;
	v4 =	vadd.f32 v4, v20;
	v3 =	vld [tilespmem:s14+$0x8060]  }
0x212: {  	v27 =	vld [tilespmem:s13+$0x70];
	[tilespmem:s29+$0x1F0] =	vst v14  }
0x213: {  	v9 =	vadd.f32 v9, v21;
	v4 =	vmax.f32 v4, $0.0e+00;
	v14 =	vld [tilespmem:s14+$0x8070];
	s13 =	spop (v2sf)  }
0x214: {  	(v2sf) =	vpush v1, $0xE;
	v28 =	vld [tilespmem:s13+$0x0];
	[tilespmem:s29+$0x200] =	vst v4  }
0x215: {  	v8 =	vadd.f32 v8, v22;
	v9 =	vmax.f32 v9, $0.0e+00;
	s14 =	spop (v2sf);
	v29 =	vld [tilespmem:s13+$0x10]  }
0x216: {  	(v2sf) =	vpush v0, $0xE;
	v4 =	vld [tilespmem:s14+$0x8000];
	[tilespmem:s29+$0x210] =	vst v9  }
0x217: {  	v6 =	vadd.f32 v6, v23;
	v8 =	vmax.f32 v8, $0.0e+00;
	v9 =	vld [tilespmem:s14+$0x8010]  }
0x218: {  	v30 =	vld [tilespmem:s13+$0x20];
	[tilespmem:s29+$0x220] =	vst v8  }
0x219: {  	v5 =	vadd.f32 v5, v24;
	v6 =	vmax.f32 v6, $0.0e+00;
	v8 =	vld [tilespmem:s14+$0x8020]  }
0x21a: {  	v31 =	vld [tilespmem:s13+$0x30];
	[tilespmem:s29+$0x230] =	vst v6  }
0x21b: {  	v2 =	vadd.f32 v2, v25;
	v5 =	vmax.f32 v5, $0.0e+00;
	v6 =	vld [tilespmem:s14+$0x8030]  }
0x21c: {  	v32 =	vld [tilespmem:s13+$0x40];
	[tilespmem:s29+$0x240] =	vst v5  }
0x21d: {  	v3 =	vadd.f32 v3, v26;
	v2 =	vmax.f32 v2, $0.0e+00;
	v5 =	vld [tilespmem:s14+$0x8040]  }
0x21e: {  	v33 =	vld [tilespmem:s13+$0x50];
	[tilespmem:s29+$0x250] =	vst v2  }
0x21f: {  	v14 =	vadd.f32 v14, v27;
	v3 =	vmax.f32 v3, $0.0e+00;
	v2 =	vld [tilespmem:s14+$0x8050]  }
0x220: {  	v34 =	vld [tilespmem:s13+$0x60];
	[tilespmem:s29+$0x260] =	vst v3  }
0x221: {  	v14 =	vmax.f32 v14, $0.0e+00;
	v4 =	vadd.f32 v4, v28;
	v3 =	vld [tilespmem:s14+$0x8060]  }
0x222: {  	v35 =	vld [tilespmem:s13+$0x70];
	[tilespmem:s29+$0x270] =	vst v14  }
0x223: {  	v9 =	vadd.f32 v9, v29;
	v4 =	vmax.f32 v4, $0.0e+00;
	v14 =	vld [tilespmem:s14+$0x8070];
	s13 =	spop (v2sf)  }
0x224: {  	(v2sf) =	vpush v1, $0xF;
	v36 =	vld [tilespmem:s13+$0x0];
	[tilespmem:s29+$0x280] =	vst v4  }
0x225: {  	v8 =	vadd.f32 v8, v30;
	v9 =	vmax.f32 v9, $0.0e+00;
	s14 =	spop (v2sf);
	v37 =	vld [tilespmem:s13+$0x10]  }
0x226: {  	(v2sf) =	vpush v0, $0xF;
	v4 =	vld [tilespmem:s14+$0x8000];
	[tilespmem:s29+$0x290] =	vst v9  }
0x227: {  	v39 =	vadd.f32 v6, v31;
	v8 =	vmax.f32 v8, $0.0e+00;
	v9 =	vld [tilespmem:s14+$0x8010]  }
0x228: {  	v38 =	vld [tilespmem:s13+$0x20];
	[tilespmem:s29+$0x2A0] =	vst v8  }
0x229: {  	v41 =	vadd.f32 v5, v32;
	v1 =	vmax.f32 v39, $0.0e+00;
	v40 =	vld [tilespmem:s14+$0x8020]  }
0x22a: {  	v8 =	vld [tilespmem:s13+$0x30];
	[tilespmem:s29+$0x2B0] =	vst v1  }
0x22b: {  	v2 =	vadd.f32 v2, v33;
	v0 =	vmax.f32 v41, $0.0e+00;
	v1 =	vld [tilespmem:s14+$0x8030]  }
0x22c: {  	v42 =	vld [tilespmem:s13+$0x40];
	[tilespmem:s29+$0x2C0] =	vst v0  }
0x22d: {  	v3 =	vadd.f32 v3, v34;
	v2 =	vmax.f32 v2, $0.0e+00;
	v0 =	vld [tilespmem:s14+$0x8040]  }
0x22e: {  	v43 =	vld [tilespmem:s13+$0x50];
	[tilespmem:s29+$0x2D0] =	vst v2  }
0x22f: {  	v45 =	vadd.f32 v14, v35;
	v3 =	vmax.f32 v3, $0.0e+00;
	v2 =	vld [tilespmem:s14+$0x8050]  }
0x230: {  	v44 =	vld [tilespmem:s13+$0x60];
	[tilespmem:s29+$0x2E0] =	vst v3  }
0x231: {  	v13 =	vmax.f32 v45, $0.0e+00;
	v4 =	vadd.f32 v4, v36;
	v3 =	vld [tilespmem:s14+$0x8060]  }
0x232: {  	v46 =	vld [tilespmem:s13+$0x70];
	[tilespmem:s29+$0x2F0] =	vst v13  }
0x233: {  	v9 =	vadd.f32 v9, v37;
	v4 =	vmax.f32 v4, $0.0e+00;
	v13 =	vld [tilespmem:s14+$0x8070];
	s13 =	spop (v2sf)  }
0x234: {  	v47 =	vld [tilespmem:s13+$0x0];
	[tilespmem:s29+$0x300] =	vst v4  }
0x235: {  	v6 =	vadd.f32 v40, v38;
	v9 =	vmax.f32 v9, $0.0e+00;
	s14 =	spop (v2sf);
	v48 =	vld [tilespmem:s13+$0x10]  }
0x236: {  	v4 =	vld [tilespmem:s14+$0x8000];
	[tilespmem:s29+$0x310] =	vst v9  }
0x237: {  	v1 =	vadd.f32 v1, v8;
	v6 =	vmax.f32 v6, $0.0e+00;
	v9 =	vld [tilespmem:s14+$0x8010]  }
0x238: {  	v49 =	vld [tilespmem:s13+$0x20];
	[tilespmem:s29+$0x320] =	vst v6  }
0x239: {  	v0 =	vadd.f32 v0, v42;
	v1 =	vmax.f32 v1, $0.0e+00;
	v6 =	vld [tilespmem:s14+$0x8020]  }
0x23a: {  	v50 =	vld [tilespmem:s13+$0x30];
	[tilespmem:s29+$0x330] =	vst v1  }
0x23b: {  	v2 =	vadd.f32 v2, v43;
	v0 =	vmax.f32 v0, $0.0e+00;
	v1 =	vld [tilespmem:s14+$0x8030]  }
0x23c: {  	v51 =	vld [tilespmem:s13+$0x40];
	[tilespmem:s29+$0x340] =	vst v0  }
0x23d: {  	v3 =	vadd.f32 v3, v44;
	v2 =	vmax.f32 v2, $0.0e+00;
	v0 =	vld [tilespmem:s14+$0x8040]  }
0x23e: {  	v52 =	vld [tilespmem:s13+$0x50];
	[tilespmem:s29+$0x350] =	vst v2  }
0x23f: {  	v13 =	vadd.f32 v13, v46;
	v3 =	vmax.f32 v3, $0.0e+00;
	v2 =	vld [tilespmem:s14+$0x8050]  }
0x240: {  	v53 =	vld [tilespmem:s13+$0x60];
	[tilespmem:s29+$0x360] =	vst v3  }
0x241: {  	v54 =	vmax.f32 v13, $0.0e+00;
	v3 =	vld [tilespmem:s14+$0x8060];
	v57 =	vadd.f32 v9, v48  }
0x242: {  	v55 =	vld [tilespmem:s13+$0x70];
	[tilespmem:s29+$0x370] =	vst v54;
	v6 =	vadd.f32 v6, v49  }
0x243: {  	v56 =	vld [tilespmem:s14+$0x8070];
	v1 =	vadd.f32 v1, v50;
	v60 =	vmax.f32 v57, $0.0e+00  }
0x244: {  	v59 =	vadd.f32 v4, v47;
	v6 =	vmax.f32 v6, $0.0e+00;
	[tilespmem:s29+$0x390] =	vst v60  }
0x245: {  	v0 =	vadd.f32 v0, v51;
	v1 =	vmax.f32 v1, $0.0e+00;
	[tilespmem:s29+$0x3A0] =	vst v6  }
0x246: {  	v58 =	vadd.f32 v2, v52;
	v2 =	vmax.f32 v59, $0.0e+00;
	[tilespmem:s29+$0x3B0] =	vst v1  }
0x247: {  	v0 =	vmax.f32 v0, $0.0e+00;
	v62 =	vadd.f32 v3, v53;
	[tilespmem:s29+$0x380] =	vst v2  }
0x248: {  	[tilespmem:s29+$0x3C0] =	vst v0;
	v61 =	vmax.f32 v58, $0.0e+00;
	v63 =	vadd.f32 v56, v55  }
0x249: {  	p1 =	sne.s32 s26, s25;
	[tilespmem:s29+$0x3D0] =	vst v61;
	v1 =	vmax.f32 v62, $0.0e+00  }
0x24a: {  	p0 =	por p0, p1;
	[tilespmem:s29+$0x3E0] =	vst v1;
	v0 =	vmax.f32 v63, $0.0e+00  }
0x24b: {  	p1 =	seq.s32 s24, $0x0;
	s2 =	sshll.u32 @p0 s31, $0xB;
	[tilespmem:s29+$0x3F0] =	vst v0  }
0x24c: {  	s12 =	sadd.s32 @p0 $0x5, s28;
	s2 =	sand.u32 @p0 $0x1FFFF800, s2;
	_ =	strace $0x9000004D  }
0x24d: {  	s2 =	sadd.s32 @p0 s1, s2;
	s13 =	simm.s32 @p0 $0x0;
	_ =	strace @p0 $0x8000004E  }
0x24e: {  	[hbm4b:s2+s13] =	stream.linear.scatter @p0 [tilespmem:s0], [sflag:s12], $0x4000, $0x200038;
	[tilespmem:$0x18200] =	vst v63  }
0x24f: {  	s0 =	sand.u32 @!p1 $0x1, s18;
	_ =	strace @p0 $0x9000004E  }
0x250: {  	s0 =	sadd.s32 @!p1 $0x5, s0;
	_ =	strace @!p1 $0x8000004F  }
0x251: {  	s2 =	simm.s32 $0x1;
	_ =	swait.ge @!p1 [sflag:s0], $0x4000  }
0x252: {  	s2 =	simm.s32 @!p0 $0x0;
	p0 =	sne.s32 s24, $0x0;
	[sflag:s0] =	ssyncset.done @!p1 $0x0  }
0x253: {  	s24 =	sadd.s32 $0x1, s24;
	[sflag:s0] =	ssyncadd.s32 @!p1 $0xFFFFC000;
	s0 =	simm.s32 $0x1  }
0x254: {  	s0 =	simm.s32 @!p0 $0x0;
	p0 =	sne.s32 s24, $0x32  }
.Ltmp1:
0x255: {  	_ = 	snop;
	(pc) =	sbr.rel @p0 .LBB2_2-.Ltmp1, $4  }
0x256: {  	_ = 	snop  }
0x257: {  	s21 =	sadd.s32 s21, s30  }
0x258: {  	s26 =	smov.u32 s25;
	s19 =	sadd.s32 s2, s19;
	s22 =	sadd.s32 s2, s22  }
0x259: {  	s20 =	sadd.s32 s2, s20;
	_ =	strace @!p1 $0x9000004F;
	s18 =	sadd.s32 s0, s18  }
0x25a: {  	s17 =	sadd.s32 $0x1, s17  }
0x25b: {  	p0 =	sne.s32 s17, s11  }
.Ltmp2:
0x25c: {  	_ =	strace $0x80000050;
	(pc) =	sbr.rel @p0 .LBB2_1-.Ltmp2, $4  }
0x25d: {  	_ =	swait.ge [sflag:s16], $0x4000  }
0x25e: {  	[sflag:s16] =	ssyncset.done $0x0  }
0x25f: {  	[sflag:s16] =	ssyncadd.s32 $0xFFFFC000  }
0x260: {  	_ =	strace $0x90000050  }
0x261: {  	_ =	sfence.sel $0x180000  }
0x262: {  	[bflag:$0x0] =	sbarrier.arrive $0xFFFF  }
0x263: {  	_ =	strace $0x90000047  }
0x264: {  	s0 =	stileid.u32;
	[bflag:$0x2] =	sbarrier.arrive $0xFFFF  }
0x265: {  	p0 =	sne.s32 s0, $0x0;
	s0 =	rddreg [dreg:$0x2]  }
0x266: {  	s0 =	sadd.s32 @!p0 $0x100000, s0  }
0x267: {  	[sflag:s0] =	ssyncadd.tile.s32 @!p0 $0x1;
	_ =	shalt  }
.Lfunc_end2:
_tile_overlayer_lowered:
.L_overlay_start_2:
0x268: {  	(tag) =	ssettag $0x2  }
0x269: {  	s0 =	rddreg [dreg:$0x0];
	s2 =	stileid.u32  }
0x26a: {  	s1 =	rddreg [dreg:$0x1];
	p0 =	sne.s32 s2, $0x0  }
0x26b: {  	s3 =	rddreg [dreg:$0x2];
	[bflag:$0x3] =	sbarrier.arrive $0xFFFF;
	s2 =	simm.s32 @!p0 $0x1C01  }
0x26c: {  	[timem:s3], [sflag:s2] =	dma.local @!p0 [hbm:s0], s1  }
0x26d: {  	s0 =	simm.s32 @!p0 $0x1  }
0x26e: {  	_ =	swait.ge @!p0 [sflag:s0], s1  }
0x26f: {  	s1 =	ssub.s32 @!p0 $0x0, s1;
	[sflag:s0] =	ssyncset.done @!p0 $0x0  }
0x270: {  	[sflag:s0] =	ssyncadd.s32 @!p0 s1  }
0x271: {  	[bflag:$0x3] =	sbarrier.arrive $0xFFFF  }
0x272: {  	_ =	shalt  }

</sc_bundles>
